<compile_context>
chip_gen: v7x
topology: tpu7x:2x2x1
jax: 0.10.2.dev20260603
libtpu: 0.0.44.dev20260713+nightly
codegen_flags: <defaults>
</compile_context>

<pallas_src>
import functools

import jax
import jax.numpy as jnp
from jax import lax
from jax.experimental import pallas as pl
from jax.experimental.pallas import tpu as pltpu
from jax.experimental.pallas import tpu_sc as plsc

N = 10000
E = 320000
D = 128
H = 640
B = 128
OUT_DIM = 64

NC = 2
NS = 16
NW = NC * NS
EPW = E // NW
CHUNK = 125
NCHUNK = EPW // CHUNK
NPAD = 10240
RPT = NPAD // NS
RB = 1000
NRB = N // RB
SLOPE = 0.01


def _lrelu(x):
    return jnp.where(x >= 0, x, SLOPE * x)


def _deg_body(dst1_h, dst2_h, deg_h, idx_v, ones_v, zero_v, deg_sh, dsem):
    cid = lax.axis_index("c")
    sid = lax.axis_index("s")
    wid = cid * NS + sid
    onerow = jnp.where(lax.iota(jnp.int32, 16) == 0,
                       jnp.full((16,), 1.0, jnp.float32),
                       jnp.zeros((16,), jnp.float32))
    zrow = jnp.zeros((16,), jnp.float32)

    def init_ones(i, carry):
        ones_v[i, :] = onerow
        return carry

    def init_zero(i, carry):
        zero_v[i, :] = zrow
        return carry

    lax.fori_loop(0, CHUNK, init_ones, 0)
    lax.fori_loop(0, 64, init_zero, 0)

    def zero_acc():
        for k in range(RPT // 64):
            pltpu.sync_copy(zero_v, deg_sh.at[pl.ds(sid * RPT + k * 64, 64)])

    zero_acc()
    plsc.subcore_barrier()

    for ch in range(2):
        dst_h = dst1_h if ch == 0 else dst2_h
        pltpu.sync_copy(dst_h.at[pl.ds(wid * NCHUNK, NCHUNK)], idx_v)

        def chunk_fire(j, carry):
            pltpu.async_copy(ones_v, deg_sh.at[idx_v.at[j]], dsem, add=True)
            return carry

        def chunk_drain(j, carry):
            pltpu.make_async_copy(ones_v, deg_sh.at[idx_v.at[j]],
                                  dsem).wait()
            return carry

        lax.fori_loop(0, NCHUNK, chunk_fire, 0)
        lax.fori_loop(0, NCHUNK, chunk_drain, 0)
        plsc.subcore_barrier()
        pltpu.sync_copy(deg_sh.at[pl.ds(sid * RPT, RPT)],
                        deg_h.at[ch, cid, pl.ds(sid * RPT, RPT)])
        plsc.subcore_barrier()
        if ch == 0:
            zero_acc()
            plsc.subcore_barrier()


def _scatter_body(src1_h, dst1_h, src2_h, dst2_h, y1_h, y2_h, part_h,
                  sidx_v, didx_v, rows0_v, rows1_v, zero_v, acc_sh,
                  sem0, sem1):
    cid = lax.axis_index("c")
    sid = lax.axis_index("s")
    wid = cid * NS + sid
    zrow = jnp.zeros((16,), jnp.float32)

    def zero_rows(i, carry):
        for jc in range(D // 16):
            zero_v[i, pl.ds(jc * 16, 16)] = zrow
        return carry

    lax.fori_loop(0, 16, zero_rows, 0)

    def zero_acc():
        for k in range(RPT // 16):
            pltpu.sync_copy(zero_v, acc_sh.at[pl.ds(sid * RPT + k * 16, 16)])

    zero_acc()
    plsc.subcore_barrier()

    for ch in range(2):
        src_h = src1_h if ch == 0 else src2_h
        dst_h = dst1_h if ch == 0 else dst2_h
        y_h = y1_h if ch == 0 else y2_h
        for half in range(2):
            hbase = wid * NCHUNK + half * (NCHUNK // 2)
            pltpu.sync_copy(src_h.at[pl.ds(hbase, NCHUNK // 2)], sidx_v)
            pltpu.sync_copy(dst_h.at[pl.ds(hbase, NCHUNK // 2)], didx_v)

            npair = NCHUNK // 4
            pltpu.async_copy(y_h.at[sidx_v.at[0]], rows0_v, sem0)
            pltpu.async_copy(y_h.at[sidx_v.at[1]], rows1_v, sem1)

            def pair_body(k, carry):
                j0 = 2 * k
                pltpu.make_async_copy(
                    y_h.at[sidx_v.at[j0]], rows0_v, sem0).wait()
                pltpu.sync_copy(rows0_v, acc_sh.at[didx_v.at[j0]], add=True)
                pltpu.async_copy(y_h.at[sidx_v.at[j0 + 2]], rows0_v, sem0)
                pltpu.make_async_copy(
                    y_h.at[sidx_v.at[j0 + 1]], rows1_v, sem1).wait()
                pltpu.sync_copy(
                    rows1_v, acc_sh.at[didx_v.at[j0 + 1]], add=True)
                pltpu.async_copy(y_h.at[sidx_v.at[j0 + 3]], rows1_v, sem1)
                return carry

            lax.fori_loop(0, npair - 1, pair_body, 0)
            jlast = NCHUNK // 2 - 2
            pltpu.make_async_copy(
                y_h.at[sidx_v.at[jlast]], rows0_v, sem0).wait()
            pltpu.sync_copy(rows0_v, acc_sh.at[didx_v.at[jlast]], add=True)
            pltpu.make_async_copy(
                y_h.at[sidx_v.at[jlast + 1]], rows1_v, sem1).wait()
            pltpu.sync_copy(
                rows1_v, acc_sh.at[didx_v.at[jlast + 1]], add=True)
        plsc.subcore_barrier()
        pltpu.sync_copy(acc_sh.at[pl.ds(sid * RPT, RPT)],
                        part_h.at[ch, cid, pl.ds(sid * RPT, RPT)])
        plsc.subcore_barrier()
        if ch == 0:
            zero_acc()
            plsc.subcore_barrier()


def _y_body(x1_ref, x2_ref, dp_ref, y1_ref, y2_ref):
    dp = dp_ref[...]
    for ch in range(2):
        deg = dp[ch, 0, :, 0:1] + dp[ch, 1, :, 0:1] + 1.0
        dinv = lax.rsqrt(deg)
        x = (x1_ref if ch == 0 else x2_ref)[...]
        (y1_ref if ch == 0 else y2_ref)[...] = x * dinv


def _main_body(part_ref, y1_ref, y2_ref, dp_ref, bf_ref, W_ref, b_ref,
               fcW_ref, fcb_ref, f1W_ref, f1b_ref, f2W_ref, f2b_ref,
               oW_ref, ob_ref, out_ref, pooled_sc, cnt_sc):
    r = pl.program_id(0)

    @pl.when(r == 0)
    def _init():
        pooled_sc[...] = jnp.zeros_like(pooled_sc)
        cnt_sc[...] = jnp.zeros_like(cnt_sc)

    iota_g = lax.broadcasted_iota(jnp.int32, (RB, B), 1).astype(jnp.float32)
    ones_col = jnp.ones((RB, 8), jnp.float32)
    dp = dp_ref[...]
    for ch in range(2):
        yv = (y1_ref if ch == 0 else y2_ref)[...]
        deg = dp[ch, 0, :, 0:1] + dp[ch, 1, :, 0:1] + 1.0
        dinv = lax.rsqrt(deg)
        agg = dinv * (part_ref[ch, 0] + part_ref[ch, 1] + yv)
        h = jnp.dot(agg, W_ref[ch], preferred_element_type=jnp.float32)
        z = _lrelu(h + b_ref[ch])
        oh = jnp.where(bf_ref[ch] == iota_g, 1.0, 0.0)
        pooled_sc[ch] += lax.dot_general(
            oh, z, (((0,), (0,)), ((), ())), preferred_element_type=jnp.float32)
        cnt_sc[ch] += lax.dot_general(
            oh, ones_col, (((0,), (0,)), ((), ())),
            preferred_element_type=jnp.float32)

    @pl.when(r == NRB - 1)
    def _final():
        feats = []
        for ch in range(2):
            cnt = jnp.maximum(cnt_sc[ch, :, 0:1], 1.0)
            mean = pooled_sc[ch] / cnt
            t = jnp.dot(mean, fcW_ref[ch],
                        preferred_element_type=jnp.float32) + fcb_ref[ch]
            feats.append(_lrelu(t))
        xc = jnp.concatenate(feats, axis=1)
        u = _lrelu(jnp.dot(xc, f1W_ref[...],
                           preferred_element_type=jnp.float32) + f1b_ref[...])
        v = _lrelu(jnp.dot(u, f2W_ref[...],
                           preferred_element_type=jnp.float32) + f2b_ref[...])
        out_ref[...] = jnp.dot(v, oW_ref[...],
                               preferred_element_type=jnp.float32) + ob_ref[...]


def _sc_mesh():
    return plsc.VectorSubcoreMesh(core_axis_name="c", subcore_axis_name="s",
                                  num_cores=NC, num_subcores=NS)


def _deg_call(dst1, dst2):
    f = pl.kernel(
        _deg_body,
        out_type=jax.ShapeDtypeStruct((2, NC, NPAD, 16), jnp.float32),
        mesh=_sc_mesh(),
        scratch_types=[
            pltpu.VMEM((NCHUNK, CHUNK), jnp.int32),
            pltpu.VMEM((CHUNK, 16), jnp.float32),
            pltpu.VMEM((64, 16), jnp.float32),
            pltpu.VMEM_SHARED((NPAD, 16), jnp.float32),
            pltpu.SemaphoreType.DMA,
        ],
    )
    return f(dst1, dst2)


def _scatter_call(src1, dst1, src2, dst2, y1, y2):
    f = pl.kernel(
        _scatter_body,
        out_type=jax.ShapeDtypeStruct((2, NC, NPAD, D), jnp.float32),
        mesh=_sc_mesh(),
        scratch_types=[
            pltpu.VMEM((NCHUNK // 2, CHUNK), jnp.int32),
            pltpu.VMEM((NCHUNK // 2, CHUNK), jnp.int32),
            pltpu.VMEM((CHUNK, D), jnp.float32),
            pltpu.VMEM((CHUNK, D), jnp.float32),
            pltpu.VMEM((16, D), jnp.float32),
            pltpu.VMEM_SHARED((NPAD, D), jnp.float32),
            pltpu.SemaphoreType.DMA,
            pltpu.SemaphoreType.DMA,
        ],
    )
    return f(src1, dst1, src2, dst2, y1, y2)


def _y_call(x1, x2, dparts):
    return pl.pallas_call(
        _y_body,
        grid=(NRB,),
        in_specs=[
            pl.BlockSpec((RB, D), lambda r: (r, 0)),
            pl.BlockSpec((RB, D), lambda r: (r, 0)),
            pl.BlockSpec((2, NC, RB, 16), lambda r: (0, 0, r, 0)),
        ],
        out_specs=[
            pl.BlockSpec((RB, D), lambda r: (r, 0)),
            pl.BlockSpec((RB, D), lambda r: (r, 0)),
        ],
        out_shape=[
            jax.ShapeDtypeStruct((N, D), jnp.float32),
            jax.ShapeDtypeStruct((N, D), jnp.float32),
        ],
    )(x1, x2, dparts)


def _main_call(parts, y1, y2, dparts, bf, W_st, b_st, fcW_st, fcb_st,
               f1W, f1b, f2W, f2b, oW, ob):
    const2 = lambda r: (0, 0)
    const3 = lambda r: (0, 0, 0)
    return pl.pallas_call(
        _main_body,
        grid=(NRB,),
        in_specs=[
            pl.BlockSpec((2, NC, RB, D), lambda r: (0, 0, r, 0)),
            pl.BlockSpec((RB, D), lambda r: (r, 0)),
            pl.BlockSpec((RB, D), lambda r: (r, 0)),
            pl.BlockSpec((2, NC, RB, 16), lambda r: (0, 0, r, 0)),
            pl.BlockSpec((2, RB, 1), lambda r: (0, r, 0)),
            pl.BlockSpec((2, D, H), const3),
            pl.BlockSpec((2, 1, H), const3),
            pl.BlockSpec((2, H, OUT_DIM), const3),
            pl.BlockSpec((2, 1, OUT_DIM), const3),
            pl.BlockSpec((2 * OUT_DIM, OUT_DIM), const2),
            pl.BlockSpec((1, OUT_DIM), const2),
            pl.BlockSpec((OUT_DIM, 16), const2),
            pl.BlockSpec((1, 16), const2),
            pl.BlockSpec((16, 1), const2),
            pl.BlockSpec((1, 1), const2),
        ],
        out_specs=pl.BlockSpec((B, 1), const2),
        out_shape=jax.ShapeDtypeStruct((B, 1), jnp.float32),
        scratch_shapes=[
            pltpu.VMEM((2, B, H), jnp.float32),
            pltpu.VMEM((2, B, 8), jnp.float32),
        ],
    )(parts, y1, y2, dparts, bf, W_st, b_st, fcW_st, fcb_st,
      f1W, f1b, f2W, f2b, oW, ob)


def kernel(ch1_x, ch1_edge_index, ch1_batch, ch2_x, ch2_edge_index, ch2_batch,
           conv1_W, conv1_b, ch1_fc1_W, ch1_fc1_b,
           conv2_W, conv2_b, ch2_fc1_W, ch2_fc1_b,
           fc1_W, fc1_b, fc2_W, fc2_b, out_W, out_b):
    src1 = ch1_edge_index[0].reshape(E // CHUNK, CHUNK)
    dst1 = ch1_edge_index[1].reshape(E // CHUNK, CHUNK)
    src2 = ch2_edge_index[0].reshape(E // CHUNK, CHUNK)
    dst2 = ch2_edge_index[1].reshape(E // CHUNK, CHUNK)
    bf = jnp.stack([ch1_batch, ch2_batch]).astype(jnp.float32).reshape(2, N, 1)
    W_st = jnp.stack([conv1_W, conv2_W])
    b_st = jnp.stack([conv1_b, conv2_b]).reshape(2, 1, H)
    fcW_st = jnp.stack([ch1_fc1_W, ch2_fc1_W])
    fcb_st = jnp.stack([ch1_fc1_b, ch2_fc1_b]).reshape(2, 1, OUT_DIM)

    dparts = _deg_call(dst1, dst2)
    y1, y2 = _y_call(ch1_x, ch2_x, dparts)
    parts = _scatter_call(src1, dst1, src2, dst2, y1, y2)
    return _main_call(parts, y1, y2, dparts, bf, W_st, b_st, fcW_st, fcb_st,
                      fc1_W, fc1_b.reshape(1, OUT_DIM),
                      fc2_W, fc2_b.reshape(1, 16),
                      out_W, out_b.reshape(1, 1))

# --- scband reference (transcript-rebuilt; emitter-appended) ---
"""Pipeline reference for scband-jha-gcn-1898375544917 (READ-ONLY COPY).

The authoritative reference and input builder live on the scoring server;
editing this copy changes nothing except your own understanding.
"""

import jax, jax.numpy as jnp
import numpy as np

N = 10000
E = 320000
D = 128
H = D * 5  # 640
B = 128
OUT_DIM = 64
N_OUTPUT = 1


def _glorot(key, shape):
    fan_in, fan_out = shape[0], shape[1]
    lim = np.sqrt(6.0 / (fan_in + fan_out))
    return jax.random.uniform(key, shape, jnp.float32, -lim, lim)


def setup_inputs(seed: int = 0):
    key = jax.random.key(seed)
    ks = jax.random.split(key, 24)
    inp = {}
    inp['ch1_x'] = jax.random.normal(ks[0], (N, D), jnp.float32)
    inp['ch1_edge_index'] = jax.random.randint(ks[1], (2, E), 0, N, jnp.int32)
    inp['ch1_batch'] = jnp.sort(jax.random.randint(ks[2], (N,), 0, B, jnp.int32))
    inp['ch2_x'] = jax.random.normal(ks[3], (N, D), jnp.float32)
    inp['ch2_edge_index'] = jax.random.randint(ks[4], (2, E), 0, N, jnp.int32)
    inp['ch2_batch'] = jnp.sort(jax.random.randint(ks[5], (N,), 0, B, jnp.int32))
    # parameters (Linear stored as [in, out])
    inp['conv1_W'] = _glorot(ks[6], (D, H)); inp['conv1_b'] = jnp.zeros((H,), jnp.float32)
    inp['ch1_fc1_W'] = _glorot(ks[7], (H, OUT_DIM)); inp['ch1_fc1_b'] = jnp.zeros((OUT_DIM,), jnp.float32)
    inp['conv2_W'] = _glorot(ks[8], (D, H)); inp['conv2_b'] = jnp.zeros((H,), jnp.float32)
    inp['ch2_fc1_W'] = _glorot(ks[9], (H, OUT_DIM)); inp['ch2_fc1_b'] = jnp.zeros((OUT_DIM,), jnp.float32)
    inp['fc1_W'] = _glorot(ks[10], (2 * OUT_DIM, OUT_DIM)); inp['fc1_b'] = jnp.zeros((OUT_DIM,), jnp.float32)
    inp['fc2_W'] = _glorot(ks[11], (OUT_DIM, 16)); inp['fc2_b'] = jnp.zeros((16,), jnp.float32)
    inp['out_W'] = _glorot(ks[12], (16, N_OUTPUT)); inp['out_b'] = jnp.zeros((N_OUTPUT,), jnp.float32)
    return inp


def _gcn_conv(x, edge_index, W, b):
    # GCNConv: add self-loops, symmetric deg^-1/2 normalization, scatter-add aggregate
    n = x.shape[0]
    loop = jnp.arange(n, dtype=edge_index.dtype)
    src = jnp.concatenate([edge_index[0], loop])
    dst = jnp.concatenate([edge_index[1], loop])
    deg = jax.ops.segment_sum(jnp.ones(src.shape[0], jnp.float32), dst, num_segments=n)
    dinv = jnp.where(deg > 0, jax.lax.rsqrt(jnp.maximum(deg, 1e-12)), 0.0)
    norm = dinv[src] * dinv[dst]
    h = x @ W
    msg = h[src] * norm[:, None]
    agg = jax.ops.segment_sum(msg, dst, num_segments=n)
    return agg + b


def _global_mean_pool(x, batch, num_graphs):
    s = jax.ops.segment_sum(x, batch, num_segments=num_graphs)
    cnt = jax.ops.segment_sum(jnp.ones(x.shape[0], jnp.float32), batch, num_segments=num_graphs)
    return s / jnp.maximum(cnt, 1.0)[:, None]


def reference(ch1_x, ch1_edge_index, ch1_batch, ch2_x, ch2_edge_index, ch2_batch,
              conv1_W, conv1_b, ch1_fc1_W, ch1_fc1_b,
              conv2_W, conv2_b, ch2_fc1_W, ch2_fc1_b,
              fc1_W, fc1_b, fc2_W, fc2_b, out_W, out_b):
    lrelu = jax.nn.leaky_relu  # default negative_slope=0.01 matches F.leaky_relu
    # channel 1
    x = _gcn_conv(ch1_x, ch1_edge_index, conv1_W, conv1_b)
    x = lrelu(x)
    x = _global_mean_pool(x, ch1_batch, B)
    x = lrelu(x @ ch1_fc1_W + ch1_fc1_b)
    # dropout is identity in eval mode
    # channel 2
    xt = _gcn_conv(ch2_x, ch2_edge_index, conv2_W, conv2_b)
    xt = lrelu(xt)
    xt = _global_mean_pool(xt, ch2_batch, B)
    xt = lrelu(xt @ ch2_fc1_W + ch2_fc1_b)
    # head
    xc = jnp.concatenate([x, xt], axis=1)
    xc = lrelu(xc @ fc1_W + fc1_b)
    xc = lrelu(xc @ fc2_W + fc2_b)
    out = xc @ out_W + out_b
    return out

if __name__ == "__main__":
    import jax
    _d = setup_inputs()
    print(jax.jit(kernel)(*tuple(_d.values())))

</pallas_src>

<mosaic_0001>
#map = affine_map<(d0, d1) -> (0, 0)>
#map1 = affine_map<(d0, d1) -> (0, 0, 0, 0)>
module attributes {stable_mosaic.version = 14 : i64} {
  func.func @_deg_body(%arg0: i32, %arg1: i32, %arg2: memref<2560x125xi32, #tpu.memory_space<hbm>>, %arg3: memref<2560x125xi32, #tpu.memory_space<hbm>>, %arg4: memref<2x2x10240x16xf32, #tpu.memory_space<hbm>>, %arg5: memref<80x125xi32, #tpu.memory_space<vmem>>, %arg6: memref<125x16xf32, #tpu.memory_space<vmem>>, %arg7: memref<64x16xf32, #tpu.memory_space<vmem>>, %arg8: memref<10240x16xf32, #tpu.memory_space<vmem_shared>>, %arg9: memref<!tpu.dma_semaphore, #tpu.memory_space<semaphore_mem>>) attributes {dimension_semantics = [#tpu.dimension_semantics<core_parallel>, #tpu.dimension_semantics<subcore_parallel>], iteration_bounds = array<i64: 2, 16>, scalar_prefetch = 0 : i64, scratch_operands = 5 : i64, tpu.core_type = #tpu.core_type<sc_vector_subcore>, window_params = [{transform_indices = #map}, {transform_indices = #map}, {transform_indices = #map1}]} {
    %mul3A = arith.constant 16 : i32
    %mul3A_0 = arith.muli %arg0, %mul3A : i32
    %add3A = arith.addi %mul3A_0, %arg1 : i32
    %iota3A = tpu.iota {dimensions = array<i32: 0>} : vector<16xi32>
    %eq3A = arith.constant 0 : i32
    %eq3A_1 = vector.broadcast %eq3A : i32 to vector<16xi32>
    %eq3A_2 = arith.cmpi eq, %iota3A, %eq3A_1 : vector<16xi32>
    %broadcast_in_dim3A = arith.constant 1.000000e+00 : f32
    %broadcast_in_dim3A_3 = vector.broadcast %broadcast_in_dim3A : f32 to vector<16xf32>
    %broadcast_in_dim3A_4 = arith.constant 0.000000e+00 : f32
    %broadcast_in_dim3A_5 = vector.broadcast %broadcast_in_dim3A_4 : f32 to vector<16xf32>
    %select_n3A = arith.select %eq3A_2, %broadcast_in_dim3A_3, %broadcast_in_dim3A_5 : vector<16xi1>, vector<16xf32>
    %broadcast_in_dim3A_6 = arith.constant 0.000000e+00 : f32
    %broadcast_in_dim3A_7 = vector.broadcast %broadcast_in_dim3A_6 : f32 to vector<16xf32>
    %scan3A = arith.constant 0 : i32
    %scan3A_8 = arith.constant 0 : i32
    %scan3A_9 = arith.constant 125 : i32
    %scan3A_10 = arith.addi %scan3A_8, %scan3A_9 : i32
    %scan3A_11 = arith.constant 1 : i32
    scf.for %scan3A_141 = %scan3A_8 to %scan3A_10 step %scan3A_11  : i32 {
      %swap3A = arith.index_cast %scan3A_141 : i32 to index
      %swap3A_142 = arith.constant 0 : index
      %swap3A_143 = tpu.vector_load %arg6[%swap3A, %swap3A_142] {strides = array<i32>} : memref<125x16xf32, #tpu.memory_space<vmem>>, vector<1x16xf32>,
      %swap3A_144 = vector.shape_cast %swap3A_143 : vector<1x16xf32> to vector<16xf32>
      %swap3A_145 = vector.shape_cast %select_n3A : vector<16xf32> to vector<1x16xf32>
      tpu.vector_store %arg6[%swap3A, %swap3A_142], %swap3A_145 {strides = array<i32>} : memref<125x16xf32, #tpu.memory_space<vmem>>, vector<1x16xf32>,
    }
    %scan3A_12 = arith.constant 125 : i32
    %scan3A_13 = arith.constant 0 : i32
    %scan3A_14 = arith.constant 0 : i32
    %scan3A_15 = arith.constant 64 : i32
    %scan3A_16 = arith.addi %scan3A_14, %scan3A_15 : i32
    %scan3A_17 = arith.constant 1 : i32
    scf.for %scan3A_141 = %scan3A_14 to %scan3A_16 step %scan3A_17  : i32 {
      %swap3A = arith.index_cast %scan3A_141 : i32 to index
      %swap3A_142 = arith.constant 0 : index
      %swap3A_143 = tpu.vector_load %arg7[%swap3A, %swap3A_142] {strides = array<i32>} : memref<64x16xf32, #tpu.memory_space<vmem>>, vector<1x16xf32>,
      %swap3A_144 = vector.shape_cast %swap3A_143 : vector<1x16xf32> to vector<16xf32>
      %swap3A_145 = vector.shape_cast %broadcast_in_dim3A_7 : vector<16xf32> to vector<1x16xf32>
      tpu.vector_store %arg7[%swap3A, %swap3A_142], %swap3A_145 {strides = array<i32>} : memref<64x16xf32, #tpu.memory_space<vmem>>, vector<1x16xf32>,
    }
    %scan3A_18 = arith.constant 64 : i32
    %mul3A_19 = arith.constant 640 : i32
    %mul3A_20 = arith.muli %arg1, %mul3A_19 : i32
    %add3A_21 = arith.constant 0 : i32
    %add3A_22 = arith.addi %mul3A_20, %add3A_21 : i32
    "tpu.region"() ({
      %run_scoped3A_141 = tpu.sem_alloc : memref<!tpu.dma_semaphore, #tpu.memory_space<semaphore_mem>>
      %dma_start3A = arith.constant 0 : i32
      %dma_start3A_142 = tpu.memref_slice %arg8[%add3A_22, %dma_start3A] : memref<10240x16xf32, #tpu.memory_space<vmem_shared>> -> memref<64x16xf32, #tpu.memory_space<vmem_shared>>
      %dma_start3A_143 = arith.constant 0 : i32
      %dma_start3A_144 = tpu.memref_slice %arg8[%add3A_22, %dma_start3A_143] : memref<10240x16xf32, #tpu.memory_space<vmem_shared>> -> memref<64x16xf32, #tpu.memory_space<vmem_shared>>
      tpu.enqueue_dma source(%arg7 : memref<64x16xf32, #tpu.memory_space<vmem>>) target(%dma_start3A_144 : memref<64x16xf32, #tpu.memory_space<vmem_shared>>) target_semaphore(%run_scoped3A_141 : memref<!tpu.dma_semaphore, #tpu.memory_space<semaphore_mem>>)
      %dma_wait3A = arith.constant 0 : i32
      %dma_wait3A_145 = tpu.memref_slice %arg8[%add3A_22, %dma_wait3A] : memref<10240x16xf32, #tpu.memory_space<vmem_shared>> -> memref<64x16xf32, #tpu.memory_space<vmem_shared>>
      %dma_wait3A_146 = arith.constant 0 : i32
      %dma_wait3A_147 = tpu.memref_slice %arg8[%add3A_22, %dma_wait3A_146] : memref<10240x16xf32, #tpu.memory_space<vmem_shared>> -> memref<64x16xf32, #tpu.memory_space<vmem_shared>>
      tpu.wait_dma2 semaphore(%run_scoped3A_141 : memref<!tpu.dma_semaphore, #tpu.memory_space<semaphore_mem>>) src(%arg7 : memref<64x16xf32, #tpu.memory_space<vmem>>) dst(%dma_wait3A_147 : memref<64x16xf32, #tpu.memory_space<vmem_shared>>)
      tpu.yield
    }) : () -> ()
    %mul3A_23 = arith.constant 640 : i32
    %mul3A_24 = arith.muli %arg1, %mul3A_23 : i32
    %add3A_25 = arith.constant 64 : i32
    %add3A_26 = arith.addi %mul3A_24, %add3A_25 : i32
    "tpu.region"() ({
      %run_scoped3A_141 = tpu.sem_alloc : memref<!tpu.dma_semaphore, #tpu.memory_space<semaphore_mem>>
      %dma_start3A = arith.constant 0 : i32
      %dma_start3A_142 = tpu.memref_slice %arg8[%add3A_26, %dma_start3A] : memref<10240x16xf32, #tpu.memory_space<vmem_shared>> -> memref<64x16xf32, #tpu.memory_space<vmem_shared>>
      %dma_start3A_143 = arith.constant 0 : i32
      %dma_start3A_144 = tpu.memref_slice %arg8[%add3A_26, %dma_start3A_143] : memref<10240x16xf32, #tpu.memory_space<vmem_shared>> -> memref<64x16xf32, #tpu.memory_space<vmem_shared>>
      tpu.enqueue_dma source(%arg7 : memref<64x16xf32, #tpu.memory_space<vmem>>) target(%dma_start3A_144 : memref<64x16xf32, #tpu.memory_space<vmem_shared>>) target_semaphore(%run_scoped3A_141 : memref<!tpu.dma_semaphore, #tpu.memory_space<semaphore_mem>>)
      %dma_wait3A = arith.constant 0 : i32
      %dma_wait3A_145 = tpu.memref_slice %arg8[%add3A_26, %dma_wait3A] : memref<10240x16xf32, #tpu.memory_space<vmem_shared>> -> memref<64x16xf32, #tpu.memory_space<vmem_shared>>
      %dma_wait3A_146 = arith.constant 0 : i32
      %dma_wait3A_147 = tpu.memref_slice %arg8[%add3A_26, %dma_wait3A_146] : memref<10240x16xf32, #tpu.memory_space<vmem_shared>> -> memref<64x16xf32, #tpu.memory_space<vmem_shared>>
      tpu.wait_dma2 semaphore(%run_scoped3A_141 : memref<!tpu.dma_semaphore, #tpu.memory_space<semaphore_mem>>) src(%arg7 : memref<64x16xf32, #tpu.memory_space<vmem>>) dst(%dma_wait3A_147 : memref<64x16xf32, #tpu.memory_space<vmem_shared>>)
      tpu.yield
    }) : () -> ()
    %mul3A_27 = arith.constant 640 : i32
    %mul3A_28 = arith.muli %arg1, %mul3A_27 : i32
    %add3A_29 = arith.constant 128 : i32
    %add3A_30 = arith.addi %mul3A_28, %add3A_29 : i32
    "tpu.region"() ({
      %run_scoped3A_141 = tpu.sem_alloc : memref<!tpu.dma_semaphore, #tpu.memory_space<semaphore_mem>>
      %dma_start3A = arith.constant 0 : i32
      %dma_start3A_142 = tpu.memref_slice %arg8[%add3A_30, %dma_start3A] : memref<10240x16xf32, #tpu.memory_space<vmem_shared>> -> memref<64x16xf32, #tpu.memory_space<vmem_shared>>
      %dma_start3A_143 = arith.constant 0 : i32
      %dma_start3A_144 = tpu.memref_slice %arg8[%add3A_30, %dma_start3A_143] : memref<10240x16xf32, #tpu.memory_space<vmem_shared>> -> memref<64x16xf32, #tpu.memory_space<vmem_shared>>
      tpu.enqueue_dma source(%arg7 : memref<64x16xf32, #tpu.memory_space<vmem>>) target(%dma_start3A_144 : memref<64x16xf32, #tpu.memory_space<vmem_shared>>) target_semaphore(%run_scoped3A_141 : memref<!tpu.dma_semaphore, #tpu.memory_space<semaphore_mem>>)
      %dma_wait3A = arith.constant 0 : i32
      %dma_wait3A_145 = tpu.memref_slice %arg8[%add3A_30, %dma_wait3A] : memref<10240x16xf32, #tpu.memory_space<vmem_shared>> -> memref<64x16xf32, #tpu.memory_space<vmem_shared>>
      %dma_wait3A_146 = arith.constant 0 : i32
      %dma_wait3A_147 = tpu.memref_slice %arg8[%add3A_30, %dma_wait3A_146] : memref<10240x16xf32, #tpu.memory_space<vmem_shared>> -> memref<64x16xf32, #tpu.memory_space<vmem_shared>>
      tpu.wait_dma2 semaphore(%run_scoped3A_141 : memref<!tpu.dma_semaphore, #tpu.memory_space<semaphore_mem>>) src(%arg7 : memref<64x16xf32, #tpu.memory_space<vmem>>) dst(%dma_wait3A_147 : memref<64x16xf32, #tpu.memory_space<vmem_shared>>)
      tpu.yield
    }) : () -> ()
    %mul3A_31 = arith.constant 640 : i32
    %mul3A_32 = arith.muli %arg1, %mul3A_31 : i32
    %add3A_33 = arith.constant 192 : i32
    %add3A_34 = arith.addi %mul3A_32, %add3A_33 : i32
    "tpu.region"() ({
      %run_scoped3A_141 = tpu.sem_alloc : memref<!tpu.dma_semaphore, #tpu.memory_space<semaphore_mem>>
      %dma_start3A = arith.constant 0 : i32
      %dma_start3A_142 = tpu.memref_slice %arg8[%add3A_34, %dma_start3A] : memref<10240x16xf32, #tpu.memory_space<vmem_shared>> -> memref<64x16xf32, #tpu.memory_space<vmem_shared>>
      %dma_start3A_143 = arith.constant 0 : i32
      %dma_start3A_144 = tpu.memref_slice %arg8[%add3A_34, %dma_start3A_143] : memref<10240x16xf32, #tpu.memory_space<vmem_shared>> -> memref<64x16xf32, #tpu.memory_space<vmem_shared>>
      tpu.enqueue_dma source(%arg7 : memref<64x16xf32, #tpu.memory_space<vmem>>) target(%dma_start3A_144 : memref<64x16xf32, #tpu.memory_space<vmem_shared>>) target_semaphore(%run_scoped3A_141 : memref<!tpu.dma_semaphore, #tpu.memory_space<semaphore_mem>>)
      %dma_wait3A = arith.constant 0 : i32
      %dma_wait3A_145 = tpu.memref_slice %arg8[%add3A_34, %dma_wait3A] : memref<10240x16xf32, #tpu.memory_space<vmem_shared>> -> memref<64x16xf32, #tpu.memory_space<vmem_shared>>
      %dma_wait3A_146 = arith.constant 0 : i32
      %dma_wait3A_147 = tpu.memref_slice %arg8[%add3A_34, %dma_wait3A_146] : memref<10240x16xf32, #tpu.memory_space<vmem_shared>> -> memref<64x16xf32, #tpu.memory_space<vmem_shared>>
      tpu.wait_dma2 semaphore(%run_scoped3A_141 : memref<!tpu.dma_semaphore, #tpu.memory_space<semaphore_mem>>) src(%arg7 : memref<64x16xf32, #tpu.memory_space<vmem>>) dst(%dma_wait3A_147 : memref<64x16xf32, #tpu.memory_space<vmem_shared>>)
      tpu.yield
    }) : () -> ()
    %mul3A_35 = arith.constant 640 : i32
    %mul3A_36 = arith.muli %arg1, %mul3A_35 : i32
    %add3A_37 = arith.constant 256 : i32
    %add3A_38 = arith.addi %mul3A_36, %add3A_37 : i32
    "tpu.region"() ({
      %run_scoped3A_141 = tpu.sem_alloc : memref<!tpu.dma_semaphore, #tpu.memory_space<semaphore_mem>>
      %dma_start3A = arith.constant 0 : i32
      %dma_start3A_142 = tpu.memref_slice %arg8[%add3A_38, %dma_start3A] : memref<10240x16xf32, #tpu.memory_space<vmem_shared>> -> memref<64x16xf32, #tpu.memory_space<vmem_shared>>
      %dma_start3A_143 = arith.constant 0 : i32
      %dma_start3A_144 = tpu.memref_slice %arg8[%add3A_38, %dma_start3A_143] : memref<10240x16xf32, #tpu.memory_space<vmem_shared>> -> memref<64x16xf32, #tpu.memory_space<vmem_shared>>
      tpu.enqueue_dma source(%arg7 : memref<64x16xf32, #tpu.memory_space<vmem>>) target(%dma_start3A_144 : memref<64x16xf32, #tpu.memory_space<vmem_shared>>) target_semaphore(%run_scoped3A_141 : memref<!tpu.dma_semaphore, #tpu.memory_space<semaphore_mem>>)
      %dma_wait3A = arith.constant 0 : i32
      %dma_wait3A_145 = tpu.memref_slice %arg8[%add3A_38, %dma_wait3A] : memref<10240x16xf32, #tpu.memory_space<vmem_shared>> -> memref<64x16xf32, #tpu.memory_space<vmem_shared>>
      %dma_wait3A_146 = arith.constant 0 : i32
      %dma_wait3A_147 = tpu.memref_slice %arg8[%add3A_38, %dma_wait3A_146] : memref<10240x16xf32, #tpu.memory_space<vmem_shared>> -> memref<64x16xf32, #tpu.memory_space<vmem_shared>>
      tpu.wait_dma2 semaphore(%run_scoped3A_141 : memref<!tpu.dma_semaphore, #tpu.memory_space<semaphore_mem>>) src(%arg7 : memref<64x16xf32, #tpu.memory_space<vmem>>) dst(%dma_wait3A_147 : memref<64x16xf32, #tpu.memory_space<vmem_shared>>)
      tpu.yield
    }) : () -> ()
    %mul3A_39 = arith.constant 640 : i32
    %mul3A_40 = arith.muli %arg1, %mul3A_39 : i32
    %add3A_41 = arith.constant 320 : i32
    %add3A_42 = arith.addi %mul3A_40, %add3A_41 : i32
    "tpu.region"() ({
      %run_scoped3A_141 = tpu.sem_alloc : memref<!tpu.dma_semaphore, #tpu.memory_space<semaphore_mem>>
      %dma_start3A = arith.constant 0 : i32
      %dma_start3A_142 = tpu.memref_slice %arg8[%add3A_42, %dma_start3A] : memref<10240x16xf32, #tpu.memory_space<vmem_shared>> -> memref<64x16xf32, #tpu.memory_space<vmem_shared>>
      %dma_start3A_143 = arith.constant 0 : i32
      %dma_start3A_144 = tpu.memref_slice %arg8[%add3A_42, %dma_start3A_143] : memref<10240x16xf32, #tpu.memory_space<vmem_shared>> -> memref<64x16xf32, #tpu.memory_space<vmem_shared>>
      tpu.enqueue_dma source(%arg7 : memref<64x16xf32, #tpu.memory_space<vmem>>) target(%dma_start3A_144 : memref<64x16xf32, #tpu.memory_space<vmem_shared>>) target_semaphore(%run_scoped3A_141 : memref<!tpu.dma_semaphore, #tpu.memory_space<semaphore_mem>>)
      %dma_wait3A = arith.constant 0 : i32
      %dma_wait3A_145 = tpu.memref_slice %arg8[%add3A_42, %dma_wait3A] : memref<10240x16xf32, #tpu.memory_space<vmem_shared>> -> memref<64x16xf32, #tpu.memory_space<vmem_shared>>
      %dma_wait3A_146 = arith.constant 0 : i32
      %dma_wait3A_147 = tpu.memref_slice %arg8[%add3A_42, %dma_wait3A_146] : memref<10240x16xf32, #tpu.memory_space<vmem_shared>> -> memref<64x16xf32, #tpu.memory_space<vmem_shared>>
      tpu.wait_dma2 semaphore(%run_scoped3A_141 : memref<!tpu.dma_semaphore, #tpu.memory_space<semaphore_mem>>) src(%arg7 : memref<64x16xf32, #tpu.memory_space<vmem>>) dst(%dma_wait3A_147 : memref<64x16xf32, #tpu.memory_space<vmem_shared>>)
      tpu.yield
    }) : () -> ()
    %mul3A_43 = arith.constant 640 : i32
    %mul3A_44 = arith.muli %arg1, %mul3A_43 : i32
    %add3A_45 = arith.constant 384 : i32
    %add3A_46 = arith.addi %mul3A_44, %add3A_45 : i32
    "tpu.region"() ({
      %run_scoped3A_141 = tpu.sem_alloc : memref<!tpu.dma_semaphore, #tpu.memory_space<semaphore_mem>>
      %dma_start3A = arith.constant 0 : i32
      %dma_start3A_142 = tpu.memref_slice %arg8[%add3A_46, %dma_start3A] : memref<10240x16xf32, #tpu.memory_space<vmem_shared>> -> memref<64x16xf32, #tpu.memory_space<vmem_shared>>
      %dma_start3A_143 = arith.constant 0 : i32
      %dma_start3A_144 = tpu.memref_slice %arg8[%add3A_46, %dma_start3A_143] : memref<10240x16xf32, #tpu.memory_space<vmem_shared>> -> memref<64x16xf32, #tpu.memory_space<vmem_shared>>
      tpu.enqueue_dma source(%arg7 : memref<64x16xf32, #tpu.memory_space<vmem>>) target(%dma_start3A_144 : memref<64x16xf32, #tpu.memory_space<vmem_shared>>) target_semaphore(%run_scoped3A_141 : memref<!tpu.dma_semaphore, #tpu.memory_space<semaphore_mem>>)
      %dma_wait3A = arith.constant 0 : i32
      %dma_wait3A_145 = tpu.memref_slice %arg8[%add3A_46, %dma_wait3A] : memref<10240x16xf32, #tpu.memory_space<vmem_shared>> -> memref<64x16xf32, #tpu.memory_space<vmem_shared>>
      %dma_wait3A_146 = arith.constant 0 : i32
      %dma_wait3A_147 = tpu.memref_slice %arg8[%add3A_46, %dma_wait3A_146] : memref<10240x16xf32, #tpu.memory_space<vmem_shared>> -> memref<64x16xf32, #tpu.memory_space<vmem_shared>>
      tpu.wait_dma2 semaphore(%run_scoped3A_141 : memref<!tpu.dma_semaphore, #tpu.memory_space<semaphore_mem>>) src(%arg7 : memref<64x16xf32, #tpu.memory_space<vmem>>) dst(%dma_wait3A_147 : memref<64x16xf32, #tpu.memory_space<vmem_shared>>)
      tpu.yield
    }) : () -> ()
    %mul3A_47 = arith.constant 640 : i32
    %mul3A_48 = arith.muli %arg1, %mul3A_47 : i32
    %add3A_49 = arith.constant 448 : i32
    %add3A_50 = arith.addi %mul3A_48, %add3A_49 : i32
    "tpu.region"() ({
      %run_scoped3A_141 = tpu.sem_alloc : memref<!tpu.dma_semaphore, #tpu.memory_space<semaphore_mem>>
      %dma_start3A = arith.constant 0 : i32
      %dma_start3A_142 = tpu.memref_slice %arg8[%add3A_50, %dma_start3A] : memref<10240x16xf32, #tpu.memory_space<vmem_shared>> -> memref<64x16xf32, #tpu.memory_space<vmem_shared>>
      %dma_start3A_143 = arith.constant 0 : i32
      %dma_start3A_144 = tpu.memref_slice %arg8[%add3A_50, %dma_start3A_143] : memref<10240x16xf32, #tpu.memory_space<vmem_shared>> -> memref<64x16xf32, #tpu.memory_space<vmem_shared>>
      tpu.enqueue_dma source(%arg7 : memref<64x16xf32, #tpu.memory_space<vmem>>) target(%dma_start3A_144 : memref<64x16xf32, #tpu.memory_space<vmem_shared>>) target_semaphore(%run_scoped3A_141 : memref<!tpu.dma_semaphore, #tpu.memory_space<semaphore_mem>>)
      %dma_wait3A = arith.constant 0 : i32
      %dma_wait3A_145 = tpu.memref_slice %arg8[%add3A_50, %dma_wait3A] : memref<10240x16xf32, #tpu.memory_space<vmem_shared>> -> memref<64x16xf32, #tpu.memory_space<vmem_shared>>
      %dma_wait3A_146 = arith.constant 0 : i32
      %dma_wait3A_147 = tpu.memref_slice %arg8[%add3A_50, %dma_wait3A_146] : memref<10240x16xf32, #tpu.memory_space<vmem_shared>> -> memref<64x16xf32, #tpu.memory_space<vmem_shared>>
      tpu.wait_dma2 semaphore(%run_scoped3A_141 : memref<!tpu.dma_semaphore, #tpu.memory_space<semaphore_mem>>) src(%arg7 : memref<64x16xf32, #tpu.memory_space<vmem>>) dst(%dma_wait3A_147 : memref<64x16xf32, #tpu.memory_space<vmem_shared>>)
      tpu.yield
    }) : () -> ()
    %mul3A_51 = arith.constant 640 : i32
    %mul3A_52 = arith.muli %arg1, %mul3A_51 : i32
    %add3A_53 = arith.constant 512 : i32
    %add3A_54 = arith.addi %mul3A_52, %add3A_53 : i32
    "tpu.region"() ({
      %run_scoped3A_141 = tpu.sem_alloc : memref<!tpu.dma_semaphore, #tpu.memory_space<semaphore_mem>>
      %dma_start3A = arith.constant 0 : i32
      %dma_start3A_142 = tpu.memref_slice %arg8[%add3A_54, %dma_start3A] : memref<10240x16xf32, #tpu.memory_space<vmem_shared>> -> memref<64x16xf32, #tpu.memory_space<vmem_shared>>
      %dma_start3A_143 = arith.constant 0 : i32
      %dma_start3A_144 = tpu.memref_slice %arg8[%add3A_54, %dma_start3A_143] : memref<10240x16xf32, #tpu.memory_space<vmem_shared>> -> memref<64x16xf32, #tpu.memory_space<vmem_shared>>
      tpu.enqueue_dma source(%arg7 : memref<64x16xf32, #tpu.memory_space<vmem>>) target(%dma_start3A_144 : memref<64x16xf32, #tpu.memory_space<vmem_shared>>) target_semaphore(%run_scoped3A_141 : memref<!tpu.dma_semaphore, #tpu.memory_space<semaphore_mem>>)
      %dma_wait3A = arith.constant 0 : i32
      %dma_wait3A_145 = tpu.memref_slice %arg8[%add3A_54, %dma_wait3A] : memref<10240x16xf32, #tpu.memory_space<vmem_shared>> -> memref<64x16xf32, #tpu.memory_space<vmem_shared>>
      %dma_wait3A_146 = arith.constant 0 : i32
      %dma_wait3A_147 = tpu.memref_slice %arg8[%add3A_54, %dma_wait3A_146] : memref<10240x16xf32, #tpu.memory_space<vmem_shared>> -> memref<64x16xf32, #tpu.memory_space<vmem_shared>>
      tpu.wait_dma2 semaphore(%run_scoped3A_141 : memref<!tpu.dma_semaphore, #tpu.memory_space<semaphore_mem>>) src(%arg7 : memref<64x16xf32, #tpu.memory_space<vmem>>) dst(%dma_wait3A_147 : memref<64x16xf32, #tpu.memory_space<vmem_shared>>)
      tpu.yield
    }) : () -> ()
    %mul3A_55 = arith.constant 640 : i32
    %mul3A_56 = arith.muli %arg1, %mul3A_55 : i32
    %add3A_57 = arith.constant 576 : i32
    %add3A_58 = arith.addi %mul3A_56, %add3A_57 : i32
    "tpu.region"() ({
      %run_scoped3A_141 = tpu.sem_alloc : memref<!tpu.dma_semaphore, #tpu.memory_space<semaphore_mem>>
      %dma_start3A = arith.constant 0 : i32
      %dma_start3A_142 = tpu.memref_slice %arg8[%add3A_58, %dma_start3A] : memref<10240x16xf32, #tpu.memory_space<vmem_shared>> -> memref<64x16xf32, #tpu.memory_space<vmem_shared>>
      %dma_start3A_143 = arith.constant 0 : i32
      %dma_start3A_144 = tpu.memref_slice %arg8[%add3A_58, %dma_start3A_143] : memref<10240x16xf32, #tpu.memory_space<vmem_shared>> -> memref<64x16xf32, #tpu.memory_space<vmem_shared>>
      tpu.enqueue_dma source(%arg7 : memref<64x16xf32, #tpu.memory_space<vmem>>) target(%dma_start3A_144 : memref<64x16xf32, #tpu.memory_space<vmem_shared>>) target_semaphore(%run_scoped3A_141 : memref<!tpu.dma_semaphore, #tpu.memory_space<semaphore_mem>>)
      %dma_wait3A = arith.constant 0 : i32
      %dma_wait3A_145 = tpu.memref_slice %arg8[%add3A_58, %dma_wait3A] : memref<10240x16xf32, #tpu.memory_space<vmem_shared>> -> memref<64x16xf32, #tpu.memory_space<vmem_shared>>
      %dma_wait3A_146 = arith.constant 0 : i32
      %dma_wait3A_147 = tpu.memref_slice %arg8[%add3A_58, %dma_wait3A_146] : memref<10240x16xf32, #tpu.memory_space<vmem_shared>> -> memref<64x16xf32, #tpu.memory_space<vmem_shared>>
      tpu.wait_dma2 semaphore(%run_scoped3A_141 : memref<!tpu.dma_semaphore, #tpu.memory_space<semaphore_mem>>) src(%arg7 : memref<64x16xf32, #tpu.memory_space<vmem>>) dst(%dma_wait3A_147 : memref<64x16xf32, #tpu.memory_space<vmem_shared>>)
      tpu.yield
    }) : () -> ()
    %barrier3A = arith.constant 0 : index
    tpu.barrier barrier_id(%barrier3A)
    %mul3A_59 = arith.constant 80 : i32
    %mul3A_60 = arith.muli %add3A, %mul3A_59 : i32
    "tpu.region"() ({
      %run_scoped3A_141 = tpu.sem_alloc : memref<!tpu.dma_semaphore, #tpu.memory_space<semaphore_mem>>
      %dma_start3A = arith.constant 0 : i32
      %dma_start3A_142 = tpu.memref_slice %arg2[%mul3A_60, %dma_start3A] : memref<2560x125xi32, #tpu.memory_space<hbm>> -> memref<80x125xi32, #tpu.memory_space<hbm>>
      %dma_start3A_143 = arith.constant 0 : i32
      %dma_start3A_144 = tpu.memref_slice %arg2[%mul3A_60, %dma_start3A_143] : memref<2560x125xi32, #tpu.memory_space<hbm>> -> memref<80x125xi32, #tpu.memory_space<hbm>>
      tpu.enqueue_dma source(%dma_start3A_144 : memref<80x125xi32, #tpu.memory_space<hbm>>) target(%arg5 : memref<80x125xi32, #tpu.memory_space<vmem>>) target_semaphore(%run_scoped3A_141 : memref<!tpu.dma_semaphore, #tpu.memory_space<semaphore_mem>>)
      %dma_wait3A = arith.constant 0 : i32
      %dma_wait3A_145 = tpu.memref_slice %arg2[%mul3A_60, %dma_wait3A] : memref<2560x125xi32, #tpu.memory_space<hbm>> -> memref<80x125xi32, #tpu.memory_space<hbm>>
      %dma_wait3A_146 = arith.constant 0 : i32
      %dma_wait3A_147 = tpu.memref_slice %arg2[%mul3A_60, %dma_wait3A_146] : memref<2560x125xi32, #tpu.memory_space<hbm>> -> memref<80x125xi32, #tpu.memory_space<hbm>>
      tpu.wait_dma2 semaphore(%run_scoped3A_141 : memref<!tpu.dma_semaphore, #tpu.memory_space<semaphore_mem>>) src(%dma_wait3A_147 : memref<80x125xi32, #tpu.memory_space<hbm>>) dst(%arg5 : memref<80x125xi32, #tpu.memory_space<vmem>>)
      tpu.yield
    }) : () -> ()
    %scan3A_61 = arith.constant 0 : i32
    %scan3A_62 = arith.constant 0 : i32
    %scan3A_63 = arith.constant 80 : i32
    %scan3A_64 = arith.addi %scan3A_62, %scan3A_63 : i32
    %scan3A_65 = arith.constant 1 : i32
    scf.for %scan3A_141 = %scan3A_62 to %scan3A_64 step %scan3A_65  : i32 {
      %dma_start3A = arith.constant 0 : i32
      %dma_start3A_142 = tpu.memref_slice %arg5[%scan3A_141, %dma_start3A] : memref<80x125xi32, #tpu.memory_space<vmem>> -> memref<1x125xi32, #tpu.memory_space<vmem>>
      %dma_start3A_143 = tpu.memref_squeeze %dma_start3A_142 : memref<1x125xi32, #tpu.memory_space<vmem>> -> memref<125xi32, #tpu.memory_space<vmem>>
      %dma_start3A_144 = arith.constant 0 : i32
      %dma_start3A_145 = arith.constant 0 : i32
      %dma_start3A_146 = tpu.memref_slice %arg8[%dma_start3A_144, %dma_start3A_145] : memref<10240x16xf32, #tpu.memory_space<vmem_shared>> -> memref<10240x16xf32, #tpu.memory_space<vmem_shared>>
      tpu.enqueue_indirect_dma source(%arg6 : memref<125x16xf32, #tpu.memory_space<vmem>>) target(%dma_start3A_146 : memref<10240x16xf32, #tpu.memory_space<vmem_shared>>) offsets(%dma_start3A_143 : memref<125xi32, #tpu.memory_space<vmem>>) semaphore(%arg9 : memref<!tpu.dma_semaphore, #tpu.memory_space<semaphore_mem>>) {add = true}
    }
    %scan3A_66 = arith.constant 80 : i32
    %scan3A_67 = arith.constant 0 : i32
    %scan3A_68 = arith.constant 0 : i32
    %scan3A_69 = arith.constant 80 : i32
    %scan3A_70 = arith.addi %scan3A_68, %scan3A_69 : i32
    %scan3A_71 = arith.constant 1 : i32
    scf.for %scan3A_141 = %scan3A_68 to %scan3A_70 step %scan3A_71  : i32 {
      %dma_wait3A = arith.constant 0 : i32
      %dma_wait3A_142 = tpu.memref_slice %arg5[%scan3A_141, %dma_wait3A] : memref<80x125xi32, #tpu.memory_space<vmem>> -> memref<1x125xi32, #tpu.memory_space<vmem>>
      %dma_wait3A_143 = tpu.memref_squeeze %dma_wait3A_142 : memref<1x125xi32, #tpu.memory_space<vmem>> -> memref<125xi32, #tpu.memory_space<vmem>>
      %dma_wait3A_144 = arith.constant 0 : i32
      %dma_wait3A_145 = arith.constant 0 : i32
      %dma_wait3A_146 = tpu.memref_slice %arg8[%dma_wait3A_144, %dma_wait3A_145] : memref<10240x16xf32, #tpu.memory_space<vmem_shared>> -> memref<10240x16xf32, #tpu.memory_space<vmem_shared>>
      tpu.wait_indirect_dma semaphore(%arg9 : memref<!tpu.dma_semaphore, #tpu.memory_space<semaphore_mem>>) src(%arg6 : memref<125x16xf32, #tpu.memory_space<vmem>>) dst(%dma_wait3A_146 : memref<10240x16xf32, #tpu.memory_space<vmem_shared>>)
    }
    %scan3A_72 = arith.constant 80 : i32
    %barrier3A_73 = arith.constant 0 : index
    tpu.barrier barrier_id(%barrier3A_73)
    %mul3A_74 = arith.constant 640 : i32
    %mul3A_75 = arith.muli %arg1, %mul3A_74 : i32
    %mul3A_76 = arith.constant 640 : i32
    %mul3A_77 = arith.muli %arg1, %mul3A_76 : i32
    %run_scoped3A = arith.constant 0 : i32
    "tpu.region"() ({
      %run_scoped3A_141 = tpu.sem_alloc : memref<!tpu.dma_semaphore, #tpu.memory_space<semaphore_mem>>
      %dma_start3A = arith.constant 0 : i32
      %dma_start3A_142 = tpu.memref_slice %arg4[%run_scoped3A, %arg0, %mul3A_77, %dma_start3A] : memref<2x2x10240x16xf32, #tpu.memory_space<hbm>> -> memref<1x1x640x16xf32, #tpu.memory_space<hbm>>
      %dma_start3A_143 = tpu.memref_squeeze %dma_start3A_142 : memref<1x1x640x16xf32, #tpu.memory_space<hbm>> -> memref<640x16xf32, #tpu.memory_space<hbm>>
      %dma_start3A_144 = arith.constant 0 : i32
      %dma_start3A_145 = tpu.memref_slice %arg8[%mul3A_75, %dma_start3A_144] : memref<10240x16xf32, #tpu.memory_space<vmem_shared>> -> memref<640x16xf32, #tpu.memory_space<vmem_shared>>
      tpu.enqueue_dma source(%dma_start3A_145 : memref<640x16xf32, #tpu.memory_space<vmem_shared>>) target(%dma_start3A_143 : memref<640x16xf32, #tpu.memory_space<hbm>>) target_semaphore(%run_scoped3A_141 : memref<!tpu.dma_semaphore, #tpu.memory_space<semaphore_mem>>)
      %dma_wait3A = arith.constant 0 : i32
      %dma_wait3A_146 = tpu.memref_slice %arg4[%run_scoped3A, %arg0, %mul3A_77, %dma_wait3A] : memref<2x2x10240x16xf32, #tpu.memory_space<hbm>> -> memref<1x1x640x16xf32, #tpu.memory_space<hbm>>
      %dma_wait3A_147 = tpu.memref_squeeze %dma_wait3A_146 : memref<1x1x640x16xf32, #tpu.memory_space<hbm>> -> memref<640x16xf32, #tpu.memory_space<hbm>>
      %dma_wait3A_148 = arith.constant 0 : i32
      %dma_wait3A_149 = tpu.memref_slice %arg8[%mul3A_75, %dma_wait3A_148] : memref<10240x16xf32, #tpu.memory_space<vmem_shared>> -> memref<640x16xf32, #tpu.memory_space<vmem_shared>>
      tpu.wait_dma2 semaphore(%run_scoped3A_141 : memref<!tpu.dma_semaphore, #tpu.memory_space<semaphore_mem>>) src(%dma_wait3A_149 : memref<640x16xf32, #tpu.memory_space<vmem_shared>>) dst(%dma_wait3A_147 : memref<640x16xf32, #tpu.memory_space<hbm>>)
      tpu.yield
    }) : () -> ()
    %barrier3A_78 = arith.constant 0 : index
    tpu.barrier barrier_id(%barrier3A_78)
    %mul3A_79 = arith.constant 640 : i32
    %mul3A_80 = arith.muli %arg1, %mul3A_79 : i32
    %add3A_81 = arith.constant 0 : i32
    %add3A_82 = arith.addi %mul3A_80, %add3A_81 : i32
    "tpu.region"() ({
      %run_scoped3A_141 = tpu.sem_alloc : memref<!tpu.dma_semaphore, #tpu.memory_space<semaphore_mem>>
      %dma_start3A = arith.constant 0 : i32
      %dma_start3A_142 = tpu.memref_slice %arg8[%add3A_82, %dma_start3A] : memref<10240x16xf32, #tpu.memory_space<vmem_shared>> -> memref<64x16xf32, #tpu.memory_space<vmem_shared>>
      %dma_start3A_143 = arith.constant 0 : i32
      %dma_start3A_144 = tpu.memref_slice %arg8[%add3A_82, %dma_start3A_143] : memref<10240x16xf32, #tpu.memory_space<vmem_shared>> -> memref<64x16xf32, #tpu.memory_space<vmem_shared>>
      tpu.enqueue_dma source(%arg7 : memref<64x16xf32, #tpu.memory_space<vmem>>) target(%dma_start3A_144 : memref<64x16xf32, #tpu.memory_space<vmem_shared>>) target_semaphore(%run_scoped3A_141 : memref<!tpu.dma_semaphore, #tpu.memory_space<semaphore_mem>>)
      %dma_wait3A = arith.constant 0 : i32
      %dma_wait3A_145 = tpu.memref_slice %arg8[%add3A_82, %dma_wait3A] : memref<10240x16xf32, #tpu.memory_space<vmem_shared>> -> memref<64x16xf32, #tpu.memory_space<vmem_shared>>
      %dma_wait3A_146 = arith.constant 0 : i32
      %dma_wait3A_147 = tpu.memref_slice %arg8[%add3A_82, %dma_wait3A_146] : memref<10240x16xf32, #tpu.memory_space<vmem_shared>> -> memref<64x16xf32, #tpu.memory_space<vmem_shared>>
      tpu.wait_dma2 semaphore(%run_scoped3A_141 : memref<!tpu.dma_semaphore, #tpu.memory_space<semaphore_mem>>) src(%arg7 : memref<64x16xf32, #tpu.memory_space<vmem>>) dst(%dma_wait3A_147 : memref<64x16xf32, #tpu.memory_space<vmem_shared>>)
      tpu.yield
    }) : () -> ()
    %mul3A_83 = arith.constant 640 : i32
    %mul3A_84 = arith.muli %arg1, %mul3A_83 : i32
    %add3A_85 = arith.constant 64 : i32
    %add3A_86 = arith.addi %mul3A_84, %add3A_85 : i32
    "tpu.region"() ({
      %run_scoped3A_141 = tpu.sem_alloc : memref<!tpu.dma_semaphore, #tpu.memory_space<semaphore_mem>>
      %dma_start3A = arith.constant 0 : i32
      %dma_start3A_142 = tpu.memref_slice %arg8[%add3A_86, %dma_start3A] : memref<10240x16xf32, #tpu.memory_space<vmem_shared>> -> memref<64x16xf32, #tpu.memory_space<vmem_shared>>
      %dma_start3A_143 = arith.constant 0 : i32
      %dma_start3A_144 = tpu.memref_slice %arg8[%add3A_86, %dma_start3A_143] : memref<10240x16xf32, #tpu.memory_space<vmem_shared>> -> memref<64x16xf32, #tpu.memory_space<vmem_shared>>
      tpu.enqueue_dma source(%arg7 : memref<64x16xf32, #tpu.memory_space<vmem>>) target(%dma_start3A_144 : memref<64x16xf32, #tpu.memory_space<vmem_shared>>) target_semaphore(%run_scoped3A_141 : memref<!tpu.dma_semaphore, #tpu.memory_space<semaphore_mem>>)
      %dma_wait3A = arith.constant 0 : i32
      %dma_wait3A_145 = tpu.memref_slice %arg8[%add3A_86, %dma_wait3A] : memref<10240x16xf32, #tpu.memory_space<vmem_shared>> -> memref<64x16xf32, #tpu.memory_space<vmem_shared>>
      %dma_wait3A_146 = arith.constant 0 : i32
      %dma_wait3A_147 = tpu.memref_slice %arg8[%add3A_86, %dma_wait3A_146] : memref<10240x16xf32, #tpu.memory_space<vmem_shared>> -> memref<64x16xf32, #tpu.memory_space<vmem_shared>>
      tpu.wait_dma2 semaphore(%run_scoped3A_141 : memref<!tpu.dma_semaphore, #tpu.memory_space<semaphore_mem>>) src(%arg7 : memref<64x16xf32, #tpu.memory_space<vmem>>) dst(%dma_wait3A_147 : memref<64x16xf32, #tpu.memory_space<vmem_shared>>)
      tpu.yield
    }) : () -> ()
    %mul3A_87 = arith.constant 640 : i32
    %mul3A_88 = arith.muli %arg1, %mul3A_87 : i32
    %add3A_89 = arith.constant 128 : i32
    %add3A_90 = arith.addi %mul3A_88, %add3A_89 : i32
    "tpu.region"() ({
      %run_scoped3A_141 = tpu.sem_alloc : memref<!tpu.dma_semaphore, #tpu.memory_space<semaphore_mem>>
      %dma_start3A = arith.constant 0 : i32
      %dma_start3A_142 = tpu.memref_slice %arg8[%add3A_90, %dma_start3A] : memref<10240x16xf32, #tpu.memory_space<vmem_shared>> -> memref<64x16xf32, #tpu.memory_space<vmem_shared>>
      %dma_start3A_143 = arith.constant 0 : i32
      %dma_start3A_144 = tpu.memref_slice %arg8[%add3A_90, %dma_start3A_143] : memref<10240x16xf32, #tpu.memory_space<vmem_shared>> -> memref<64x16xf32, #tpu.memory_space<vmem_shared>>
      tpu.enqueue_dma source(%arg7 : memref<64x16xf32, #tpu.memory_space<vmem>>) target(%dma_start3A_144 : memref<64x16xf32, #tpu.memory_space<vmem_shared>>) target_semaphore(%run_scoped3A_141 : memref<!tpu.dma_semaphore, #tpu.memory_space<semaphore_mem>>)
      %dma_wait3A = arith.constant 0 : i32
      %dma_wait3A_145 = tpu.memref_slice %arg8[%add3A_90, %dma_wait3A] : memref<10240x16xf32, #tpu.memory_space<vmem_shared>> -> memref<64x16xf32, #tpu.memory_space<vmem_shared>>
      %dma_wait3A_146 = arith.constant 0 : i32
      %dma_wait3A_147 = tpu.memref_slice %arg8[%add3A_90, %dma_wait3A_146] : memref<10240x16xf32, #tpu.memory_space<vmem_shared>> -> memref<64x16xf32, #tpu.memory_space<vmem_shared>>
      tpu.wait_dma2 semaphore(%run_scoped3A_141 : memref<!tpu.dma_semaphore, #tpu.memory_space<semaphore_mem>>) src(%arg7 : memref<64x16xf32, #tpu.memory_space<vmem>>) dst(%dma_wait3A_147 : memref<64x16xf32, #tpu.memory_space<vmem_shared>>)
      tpu.yield
    }) : () -> ()
    %mul3A_91 = arith.constant 640 : i32
    %mul3A_92 = arith.muli %arg1, %mul3A_91 : i32
    %add3A_93 = arith.constant 192 : i32
    %add3A_94 = arith.addi %mul3A_92, %add3A_93 : i32
    "tpu.region"() ({
      %run_scoped3A_141 = tpu.sem_alloc : memref<!tpu.dma_semaphore, #tpu.memory_space<semaphore_mem>>
      %dma_start3A = arith.constant 0 : i32
      %dma_start3A_142 = tpu.memref_slice %arg8[%add3A_94, %dma_start3A] : memref<10240x16xf32, #tpu.memory_space<vmem_shared>> -> memref<64x16xf32, #tpu.memory_space<vmem_shared>>
      %dma_start3A_143 = arith.constant 0 : i32
      %dma_start3A_144 = tpu.memref_slice %arg8[%add3A_94, %dma_start3A_143] : memref<10240x16xf32, #tpu.memory_space<vmem_shared>> -> memref<64x16xf32, #tpu.memory_space<vmem_shared>>
      tpu.enqueue_dma source(%arg7 : memref<64x16xf32, #tpu.memory_space<vmem>>) target(%dma_start3A_144 : memref<64x16xf32, #tpu.memory_space<vmem_shared>>) target_semaphore(%run_scoped3A_141 : memref<!tpu.dma_semaphore, #tpu.memory_space<semaphore_mem>>)
      %dma_wait3A = arith.constant 0 : i32
      %dma_wait3A_145 = tpu.memref_slice %arg8[%add3A_94, %dma_wait3A] : memref<10240x16xf32, #tpu.memory_space<vmem_shared>> -> memref<64x16xf32, #tpu.memory_space<vmem_shared>>
      %dma_wait3A_146 = arith.constant 0 : i32
      %dma_wait3A_147 = tpu.memref_slice %arg8[%add3A_94, %dma_wait3A_146] : memref<10240x16xf32, #tpu.memory_space<vmem_shared>> -> memref<64x16xf32, #tpu.memory_space<vmem_shared>>
      tpu.wait_dma2 semaphore(%run_scoped3A_141 : memref<!tpu.dma_semaphore, #tpu.memory_space<semaphore_mem>>) src(%arg7 : memref<64x16xf32, #tpu.memory_space<vmem>>) dst(%dma_wait3A_147 : memref<64x16xf32, #tpu.memory_space<vmem_shared>>)
      tpu.yield
    }) : () -> ()
    %mul3A_95 = arith.constant 640 : i32
    %mul3A_96 = arith.muli %arg1, %mul3A_95 : i32
    %add3A_97 = arith.constant 256 : i32
    %add3A_98 = arith.addi %mul3A_96, %add3A_97 : i32
    "tpu.region"() ({
      %run_scoped3A_141 = tpu.sem_alloc : memref<!tpu.dma_semaphore, #tpu.memory_space<semaphore_mem>>
      %dma_start3A = arith.constant 0 : i32
      %dma_start3A_142 = tpu.memref_slice %arg8[%add3A_98, %dma_start3A] : memref<10240x16xf32, #tpu.memory_space<vmem_shared>> -> memref<64x16xf32, #tpu.memory_space<vmem_shared>>
      %dma_start3A_143 = arith.constant 0 : i32
      %dma_start3A_144 = tpu.memref_slice %arg8[%add3A_98, %dma_start3A_143] : memref<10240x16xf32, #tpu.memory_space<vmem_shared>> -> memref<64x16xf32, #tpu.memory_space<vmem_shared>>
      tpu.enqueue_dma source(%arg7 : memref<64x16xf32, #tpu.memory_space<vmem>>) target(%dma_start3A_144 : memref<64x16xf32, #tpu.memory_space<vmem_shared>>) target_semaphore(%run_scoped3A_141 : memref<!tpu.dma_semaphore, #tpu.memory_space<semaphore_mem>>)
      %dma_wait3A = arith.constant 0 : i32
      %dma_wait3A_145 = tpu.memref_slice %arg8[%add3A_98, %dma_wait3A] : memref<10240x16xf32, #tpu.memory_space<vmem_shared>> -> memref<64x16xf32, #tpu.memory_space<vmem_shared>>
      %dma_wait3A_146 = arith.constant 0 : i32
      %dma_wait3A_147 = tpu.memref_slice %arg8[%add3A_98, %dma_wait3A_146] : memref<10240x16xf32, #tpu.memory_space<vmem_shared>> -> memref<64x16xf32, #tpu.memory_space<vmem_shared>>
      tpu.wait_dma2 semaphore(%run_scoped3A_141 : memref<!tpu.dma_semaphore, #tpu.memory_space<semaphore_mem>>) src(%arg7 : memref<64x16xf32, #tpu.memory_space<vmem>>) dst(%dma_wait3A_147 : memref<64x16xf32, #tpu.memory_space<vmem_shared>>)
      tpu.yield
    }) : () -> ()
    %mul3A_99 = arith.constant 640 : i32
    %mul3A_100 = arith.muli %arg1, %mul3A_99 : i32
    %add3A_101 = arith.constant 320 : i32
    %add3A_102 = arith.addi %mul3A_100, %add3A_101 : i32
    "tpu.region"() ({
      %run_scoped3A_141 = tpu.sem_alloc : memref<!tpu.dma_semaphore, #tpu.memory_space<semaphore_mem>>
      %dma_start3A = arith.constant 0 : i32
      %dma_start3A_142 = tpu.memref_slice %arg8[%add3A_102, %dma_start3A] : memref<10240x16xf32, #tpu.memory_space<vmem_shared>> -> memref<64x16xf32, #tpu.memory_space<vmem_shared>>
      %dma_start3A_143 = arith.constant 0 : i32
      %dma_start3A_144 = tpu.memref_slice %arg8[%add3A_102, %dma_start3A_143] : memref<10240x16xf32, #tpu.memory_space<vmem_shared>> -> memref<64x16xf32, #tpu.memory_space<vmem_shared>>
      tpu.enqueue_dma source(%arg7 : memref<64x16xf32, #tpu.memory_space<vmem>>) target(%dma_start3A_144 : memref<64x16xf32, #tpu.memory_space<vmem_shared>>) target_semaphore(%run_scoped3A_141 : memref<!tpu.dma_semaphore, #tpu.memory_space<semaphore_mem>>)
      %dma_wait3A = arith.constant 0 : i32
      %dma_wait3A_145 = tpu.memref_slice %arg8[%add3A_102, %dma_wait3A] : memref<10240x16xf32, #tpu.memory_space<vmem_shared>> -> memref<64x16xf32, #tpu.memory_space<vmem_shared>>
      %dma_wait3A_146 = arith.constant 0 : i32
      %dma_wait3A_147 = tpu.memref_slice %arg8[%add3A_102, %dma_wait3A_146] : memref<10240x16xf32, #tpu.memory_space<vmem_shared>> -> memref<64x16xf32, #tpu.memory_space<vmem_shared>>
      tpu.wait_dma2 semaphore(%run_scoped3A_141 : memref<!tpu.dma_semaphore, #tpu.memory_space<semaphore_mem>>) src(%arg7 : memref<64x16xf32, #tpu.memory_space<vmem>>) dst(%dma_wait3A_147 : memref<64x16xf32, #tpu.memory_space<vmem_shared>>)
      tpu.yield
    }) : () -> ()
    %mul3A_103 = arith.constant 640 : i32
    %mul3A_104 = arith.muli %arg1, %mul3A_103 : i32
    %add3A_105 = arith.constant 384 : i32
    %add3A_106 = arith.addi %mul3A_104, %add3A_105 : i32
    "tpu.region"() ({
      %run_scoped3A_141 = tpu.sem_alloc : memref<!tpu.dma_semaphore, #tpu.memory_space<semaphore_mem>>
      %dma_start3A = arith.constant 0 : i32
      %dma_start3A_142 = tpu.memref_slice %arg8[%add3A_106, %dma_start3A] : memref<10240x16xf32, #tpu.memory_space<vmem_shared>> -> memref<64x16xf32, #tpu.memory_space<vmem_shared>>
      %dma_start3A_143 = arith.constant 0 : i32
      %dma_start3A_144 = tpu.memref_slice %arg8[%add3A_106, %dma_start3A_143] : memref<10240x16xf32, #tpu.memory_space<vmem_shared>> -> memref<64x16xf32, #tpu.memory_space<vmem_shared>>
      tpu.enqueue_dma source(%arg7 : memref<64x16xf32, #tpu.memory_space<vmem>>) target(%dma_start3A_144 : memref<64x16xf32, #tpu.memory_space<vmem_shared>>) target_semaphore(%run_scoped3A_141 : memref<!tpu.dma_semaphore, #tpu.memory_space<semaphore_mem>>)
      %dma_wait3A = arith.constant 0 : i32
      %dma_wait3A_145 = tpu.memref_slice %arg8[%add3A_106, %dma_wait3A] : memref<10240x16xf32, #tpu.memory_space<vmem_shared>> -> memref<64x16xf32, #tpu.memory_space<vmem_shared>>
      %dma_wait3A_146 = arith.constant 0 : i32
      %dma_wait3A_147 = tpu.memref_slice %arg8[%add3A_106, %dma_wait3A_146] : memref<10240x16xf32, #tpu.memory_space<vmem_shared>> -> memref<64x16xf32, #tpu.memory_space<vmem_shared>>
      tpu.wait_dma2 semaphore(%run_scoped3A_141 : memref<!tpu.dma_semaphore, #tpu.memory_space<semaphore_mem>>) src(%arg7 : memref<64x16xf32, #tpu.memory_space<vmem>>) dst(%dma_wait3A_147 : memref<64x16xf32, #tpu.memory_space<vmem_shared>>)
      tpu.yield
    }) : () -> ()
    %mul3A_107 = arith.constant 640 : i32
    %mul3A_108 = arith.muli %arg1, %mul3A_107 : i32
    %add3A_109 = arith.constant 448 : i32
    %add3A_110 = arith.addi %mul3A_108, %add3A_109 : i32
    "tpu.region"() ({
      %run_scoped3A_141 = tpu.sem_alloc : memref<!tpu.dma_semaphore, #tpu.memory_space<semaphore_mem>>
      %dma_start3A = arith.constant 0 : i32
      %dma_start3A_142 = tpu.memref_slice %arg8[%add3A_110, %dma_start3A] : memref<10240x16xf32, #tpu.memory_space<vmem_shared>> -> memref<64x16xf32, #tpu.memory_space<vmem_shared>>
      %dma_start3A_143 = arith.constant 0 : i32
      %dma_start3A_144 = tpu.memref_slice %arg8[%add3A_110, %dma_start3A_143] : memref<10240x16xf32, #tpu.memory_space<vmem_shared>> -> memref<64x16xf32, #tpu.memory_space<vmem_shared>>
      tpu.enqueue_dma source(%arg7 : memref<64x16xf32, #tpu.memory_space<vmem>>) target(%dma_start3A_144 : memref<64x16xf32, #tpu.memory_space<vmem_shared>>) target_semaphore(%run_scoped3A_141 : memref<!tpu.dma_semaphore, #tpu.memory_space<semaphore_mem>>)
      %dma_wait3A = arith.constant 0 : i32
      %dma_wait3A_145 = tpu.memref_slice %arg8[%add3A_110, %dma_wait3A] : memref<10240x16xf32, #tpu.memory_space<vmem_shared>> -> memref<64x16xf32, #tpu.memory_space<vmem_shared>>
      %dma_wait3A_146 = arith.constant 0 : i32
      %dma_wait3A_147 = tpu.memref_slice %arg8[%add3A_110, %dma_wait3A_146] : memref<10240x16xf32, #tpu.memory_space<vmem_shared>> -> memref<64x16xf32, #tpu.memory_space<vmem_shared>>
      tpu.wait_dma2 semaphore(%run_scoped3A_141 : memref<!tpu.dma_semaphore, #tpu.memory_space<semaphore_mem>>) src(%arg7 : memref<64x16xf32, #tpu.memory_space<vmem>>) dst(%dma_wait3A_147 : memref<64x16xf32, #tpu.memory_space<vmem_shared>>)
      tpu.yield
    }) : () -> ()
    %mul3A_111 = arith.constant 640 : i32
    %mul3A_112 = arith.muli %arg1, %mul3A_111 : i32
    %add3A_113 = arith.constant 512 : i32
    %add3A_114 = arith.addi %mul3A_112, %add3A_113 : i32
    "tpu.region"() ({
      %run_scoped3A_141 = tpu.sem_alloc : memref<!tpu.dma_semaphore, #tpu.memory_space<semaphore_mem>>
      %dma_start3A = arith.constant 0 : i32
      %dma_start3A_142 = tpu.memref_slice %arg8[%add3A_114, %dma_start3A] : memref<10240x16xf32, #tpu.memory_space<vmem_shared>> -> memref<64x16xf32, #tpu.memory_space<vmem_shared>>
      %dma_start3A_143 = arith.constant 0 : i32
      %dma_start3A_144 = tpu.memref_slice %arg8[%add3A_114, %dma_start3A_143] : memref<10240x16xf32, #tpu.memory_space<vmem_shared>> -> memref<64x16xf32, #tpu.memory_space<vmem_shared>>
      tpu.enqueue_dma source(%arg7 : memref<64x16xf32, #tpu.memory_space<vmem>>) target(%dma_start3A_144 : memref<64x16xf32, #tpu.memory_space<vmem_shared>>) target_semaphore(%run_scoped3A_141 : memref<!tpu.dma_semaphore, #tpu.memory_space<semaphore_mem>>)
      %dma_wait3A = arith.constant 0 : i32
      %dma_wait3A_145 = tpu.memref_slice %arg8[%add3A_114, %dma_wait3A] : memref<10240x16xf32, #tpu.memory_space<vmem_shared>> -> memref<64x16xf32, #tpu.memory_space<vmem_shared>>
      %dma_wait3A_146 = arith.constant 0 : i32
      %dma_wait3A_147 = tpu.memref_slice %arg8[%add3A_114, %dma_wait3A_146] : memref<10240x16xf32, #tpu.memory_space<vmem_shared>> -> memref<64x16xf32, #tpu.memory_space<vmem_shared>>
      tpu.wait_dma2 semaphore(%run_scoped3A_141 : memref<!tpu.dma_semaphore, #tpu.memory_space<semaphore_mem>>) src(%arg7 : memref<64x16xf32, #tpu.memory_space<vmem>>) dst(%dma_wait3A_147 : memref<64x16xf32, #tpu.memory_space<vmem_shared>>)
      tpu.yield
    }) : () -> ()
    %mul3A_115 = arith.constant 640 : i32
    %mul3A_116 = arith.muli %arg1, %mul3A_115 : i32
    %add3A_117 = arith.constant 576 : i32
    %add3A_118 = arith.addi %mul3A_116, %add3A_117 : i32
    "tpu.region"() ({
      %run_scoped3A_141 = tpu.sem_alloc : memref<!tpu.dma_semaphore, #tpu.memory_space<semaphore_mem>>
      %dma_start3A = arith.constant 0 : i32
      %dma_start3A_142 = tpu.memref_slice %arg8[%add3A_118, %dma_start3A] : memref<10240x16xf32, #tpu.memory_space<vmem_shared>> -> memref<64x16xf32, #tpu.memory_space<vmem_shared>>
      %dma_start3A_143 = arith.constant 0 : i32
      %dma_start3A_144 = tpu.memref_slice %arg8[%add3A_118, %dma_start3A_143] : memref<10240x16xf32, #tpu.memory_space<vmem_shared>> -> memref<64x16xf32, #tpu.memory_space<vmem_shared>>
      tpu.enqueue_dma source(%arg7 : memref<64x16xf32, #tpu.memory_space<vmem>>) target(%dma_start3A_144 : memref<64x16xf32, #tpu.memory_space<vmem_shared>>) target_semaphore(%run_scoped3A_141 : memref<!tpu.dma_semaphore, #tpu.memory_space<semaphore_mem>>)
      %dma_wait3A = arith.constant 0 : i32
      %dma_wait3A_145 = tpu.memref_slice %arg8[%add3A_118, %dma_wait3A] : memref<10240x16xf32, #tpu.memory_space<vmem_shared>> -> memref<64x16xf32, #tpu.memory_space<vmem_shared>>
      %dma_wait3A_146 = arith.constant 0 : i32
      %dma_wait3A_147 = tpu.memref_slice %arg8[%add3A_118, %dma_wait3A_146] : memref<10240x16xf32, #tpu.memory_space<vmem_shared>> -> memref<64x16xf32, #tpu.memory_space<vmem_shared>>
      tpu.wait_dma2 semaphore(%run_scoped3A_141 : memref<!tpu.dma_semaphore, #tpu.memory_space<semaphore_mem>>) src(%arg7 : memref<64x16xf32, #tpu.memory_space<vmem>>) dst(%dma_wait3A_147 : memref<64x16xf32, #tpu.memory_space<vmem_shared>>)
      tpu.yield
    }) : () -> ()
    %barrier3A_119 = arith.constant 0 : index
    tpu.barrier barrier_id(%barrier3A_119)
    %mul3A_120 = arith.constant 80 : i32
    %mul3A_121 = arith.muli %add3A, %mul3A_120 : i32
    "tpu.region"() ({
      %run_scoped3A_141 = tpu.sem_alloc : memref<!tpu.dma_semaphore, #tpu.memory_space<semaphore_mem>>
      %dma_start3A = arith.constant 0 : i32
      %dma_start3A_142 = tpu.memref_slice %arg3[%mul3A_121, %dma_start3A] : memref<2560x125xi32, #tpu.memory_space<hbm>> -> memref<80x125xi32, #tpu.memory_space<hbm>>
      %dma_start3A_143 = arith.constant 0 : i32
      %dma_start3A_144 = tpu.memref_slice %arg3[%mul3A_121, %dma_start3A_143] : memref<2560x125xi32, #tpu.memory_space<hbm>> -> memref<80x125xi32, #tpu.memory_space<hbm>>
      tpu.enqueue_dma source(%dma_start3A_144 : memref<80x125xi32, #tpu.memory_space<hbm>>) target(%arg5 : memref<80x125xi32, #tpu.memory_space<vmem>>) target_semaphore(%run_scoped3A_141 : memref<!tpu.dma_semaphore, #tpu.memory_space<semaphore_mem>>)
      %dma_wait3A = arith.constant 0 : i32
      %dma_wait3A_145 = tpu.memref_slice %arg3[%mul3A_121, %dma_wait3A] : memref<2560x125xi32, #tpu.memory_space<hbm>> -> memref<80x125xi32, #tpu.memory_space<hbm>>
      %dma_wait3A_146 = arith.constant 0 : i32
      %dma_wait3A_147 = tpu.memref_slice %arg3[%mul3A_121, %dma_wait3A_146] : memref<2560x125xi32, #tpu.memory_space<hbm>> -> memref<80x125xi32, #tpu.memory_space<hbm>>
      tpu.wait_dma2 semaphore(%run_scoped3A_141 : memref<!tpu.dma_semaphore, #tpu.memory_space<semaphore_mem>>) src(%dma_wait3A_147 : memref<80x125xi32, #tpu.memory_space<hbm>>) dst(%arg5 : memref<80x125xi32, #tpu.memory_space<vmem>>)
      tpu.yield
    }) : () -> ()
    %scan3A_122 = arith.constant 0 : i32
    %scan3A_123 = arith.constant 0 : i32
    %scan3A_124 = arith.constant 80 : i32
    %scan3A_125 = arith.addi %scan3A_123, %scan3A_124 : i32
    %scan3A_126 = arith.constant 1 : i32
    scf.for %scan3A_141 = %scan3A_123 to %scan3A_125 step %scan3A_126  : i32 {
      %dma_start3A = arith.constant 0 : i32
      %dma_start3A_142 = tpu.memref_slice %arg5[%scan3A_141, %dma_start3A] : memref<80x125xi32, #tpu.memory_space<vmem>> -> memref<1x125xi32, #tpu.memory_space<vmem>>
      %dma_start3A_143 = tpu.memref_squeeze %dma_start3A_142 : memref<1x125xi32, #tpu.memory_space<vmem>> -> memref<125xi32, #tpu.memory_space<vmem>>
      %dma_start3A_144 = arith.constant 0 : i32
      %dma_start3A_145 = arith.constant 0 : i32
      %dma_start3A_146 = tpu.memref_slice %arg8[%dma_start3A_144, %dma_start3A_145] : memref<10240x16xf32, #tpu.memory_space<vmem_shared>> -> memref<10240x16xf32, #tpu.memory_space<vmem_shared>>
      tpu.enqueue_indirect_dma source(%arg6 : memref<125x16xf32, #tpu.memory_space<vmem>>) target(%dma_start3A_146 : memref<10240x16xf32, #tpu.memory_space<vmem_shared>>) offsets(%dma_start3A_143 : memref<125xi32, #tpu.memory_space<vmem>>) semaphore(%arg9 : memref<!tpu.dma_semaphore, #tpu.memory_space<semaphore_mem>>) {add = true}
    }
    %scan3A_127 = arith.constant 80 : i32
    %scan3A_128 = arith.constant 0 : i32
    %scan3A_129 = arith.constant 0 : i32
    %scan3A_130 = arith.constant 80 : i32
    %scan3A_131 = arith.addi %scan3A_129, %scan3A_130 : i32
    %scan3A_132 = arith.constant 1 : i32
    scf.for %scan3A_141 = %scan3A_129 to %scan3A_131 step %scan3A_132  : i32 {
      %dma_wait3A = arith.constant 0 : i32
      %dma_wait3A_142 = tpu.memref_slice %arg5[%scan3A_141, %dma_wait3A] : memref<80x125xi32, #tpu.memory_space<vmem>> -> memref<1x125xi32, #tpu.memory_space<vmem>>
      %dma_wait3A_143 = tpu.memref_squeeze %dma_wait3A_142 : memref<1x125xi32, #tpu.memory_space<vmem>> -> memref<125xi32, #tpu.memory_space<vmem>>
      %dma_wait3A_144 = arith.constant 0 : i32
      %dma_wait3A_145 = arith.constant 0 : i32
      %dma_wait3A_146 = tpu.memref_slice %arg8[%dma_wait3A_144, %dma_wait3A_145] : memref<10240x16xf32, #tpu.memory_space<vmem_shared>> -> memref<10240x16xf32, #tpu.memory_space<vmem_shared>>
      tpu.wait_indirect_dma semaphore(%arg9 : memref<!tpu.dma_semaphore, #tpu.memory_space<semaphore_mem>>) src(%arg6 : memref<125x16xf32, #tpu.memory_space<vmem>>) dst(%dma_wait3A_146 : memref<10240x16xf32, #tpu.memory_space<vmem_shared>>)
    }
    %scan3A_133 = arith.constant 80 : i32
    %barrier3A_134 = arith.constant 0 : index
    tpu.barrier barrier_id(%barrier3A_134)
    %mul3A_135 = arith.constant 640 : i32
    %mul3A_136 = arith.muli %arg1, %mul3A_135 : i32
    %mul3A_137 = arith.constant 640 : i32
    %mul3A_138 = arith.muli %arg1, %mul3A_137 : i32
    %run_scoped3A_139 = arith.constant 1 : i32
    "tpu.region"() ({
      %run_scoped3A_141 = tpu.sem_alloc : memref<!tpu.dma_semaphore, #tpu.memory_space<semaphore_mem>>
      %dma_start3A = arith.constant 0 : i32
      %dma_start3A_142 = tpu.memref_slice %arg4[%run_scoped3A_139, %arg0, %mul3A_138, %dma_start3A] : memref<2x2x10240x16xf32, #tpu.memory_space<hbm>> -> memref<1x1x640x16xf32, #tpu.memory_space<hbm>>
      %dma_start3A_143 = tpu.memref_squeeze %dma_start3A_142 : memref<1x1x640x16xf32, #tpu.memory_space<hbm>> -> memref<640x16xf32, #tpu.memory_space<hbm>>
      %dma_start3A_144 = arith.constant 0 : i32
      %dma_start3A_145 = tpu.memref_slice %arg8[%mul3A_136, %dma_start3A_144] : memref<10240x16xf32, #tpu.memory_space<vmem_shared>> -> memref<640x16xf32, #tpu.memory_space<vmem_shared>>
      tpu.enqueue_dma source(%dma_start3A_145 : memref<640x16xf32, #tpu.memory_space<vmem_shared>>) target(%dma_start3A_143 : memref<640x16xf32, #tpu.memory_space<hbm>>) target_semaphore(%run_scoped3A_141 : memref<!tpu.dma_semaphore, #tpu.memory_space<semaphore_mem>>)
      %dma_wait3A = arith.constant 0 : i32
      %dma_wait3A_146 = tpu.memref_slice %arg4[%run_scoped3A_139, %arg0, %mul3A_138, %dma_wait3A] : memref<2x2x10240x16xf32, #tpu.memory_space<hbm>> -> memref<1x1x640x16xf32, #tpu.memory_space<hbm>>
      %dma_wait3A_147 = tpu.memref_squeeze %dma_wait3A_146 : memref<1x1x640x16xf32, #tpu.memory_space<hbm>> -> memref<640x16xf32, #tpu.memory_space<hbm>>
      %dma_wait3A_148 = arith.constant 0 : i32
      %dma_wait3A_149 = tpu.memref_slice %arg8[%mul3A_136, %dma_wait3A_148] : memref<10240x16xf32, #tpu.memory_space<vmem_shared>> -> memref<640x16xf32, #tpu.memory_space<vmem_shared>>
      tpu.wait_dma2 semaphore(%run_scoped3A_141 : memref<!tpu.dma_semaphore, #tpu.memory_space<semaphore_mem>>) src(%dma_wait3A_149 : memref<640x16xf32, #tpu.memory_space<vmem_shared>>) dst(%dma_wait3A_147 : memref<640x16xf32, #tpu.memory_space<hbm>>)
      tpu.yield
    }) : () -> ()
    %barrier3A_140 = arith.constant 0 : index
    tpu.barrier barrier_id(%barrier3A_140)
    return
  }
}

#map = affine_map<(d0, d1) -> (0, 0)>
#map1 = affine_map<(d0, d1) -> (0, 0, 0, 0)>
module attributes {stable_mosaic.version = 14 : i64} {
  func.func @_scatter_body(%arg0: i32, %arg1: i32, %arg2: memref<2560x125xi32, #tpu.memory_space<hbm>>, %arg3: memref<2560x125xi32, #tpu.memory_space<hbm>>, %arg4: memref<2560x125xi32, #tpu.memory_space<hbm>>, %arg5: memref<2560x125xi32, #tpu.memory_space<hbm>>, %arg6: memref<10000x128xf32, #tpu.memory_space<hbm>>, %arg7: memref<10000x128xf32, #tpu.memory_space<hbm>>, %arg8: memref<2x2x10240x128xf32, #tpu.memory_space<hbm>>, %arg9: memref<40x125xi32, #tpu.memory_space<vmem>>, %arg10: memref<40x125xi32, #tpu.memory_space<vmem>>, %arg11: memref<125x128xf32, #tpu.memory_space<vmem>>, %arg12: memref<125x128xf32, #tpu.memory_space<vmem>>, %arg13: memref<16x128xf32, #tpu.memory_space<vmem>>, %arg14: memref<10240x128xf32, #tpu.memory_space<vmem_shared>>, %arg15: memref<!tpu.dma_semaphore, #tpu.memory_space<semaphore_mem>>, %arg16: memref<!tpu.dma_semaphore, #tpu.memory_space<semaphore_mem>>) attributes {dimension_semantics = [#tpu.dimension_semantics<core_parallel>, #tpu.dimension_semantics<subcore_parallel>], iteration_bounds = array<i64: 2, 16>, scalar_prefetch = 0 : i64, scratch_operands = 8 : i64, tpu.core_type = #tpu.core_type<sc_vector_subcore>, window_params = [{transform_indices = #map}, {transform_indices = #map}, {transform_indices = #map}, {transform_indices = #map}, {transform_indices = #map}, {transform_indices = #map}, {transform_indices = #map1}]} {
    %mul3A = arith.constant 16 : i32
    %mul3A_0 = arith.muli %arg0, %mul3A : i32
    %add3A = arith.addi %mul3A_0, %arg1 : i32
    %broadcast_in_dim3A = arith.constant 0.000000e+00 : f32
    %broadcast_in_dim3A_1 = vector.broadcast %broadcast_in_dim3A : f32 to vector<16xf32>
    %scan3A = arith.constant 0 : i32
    %scan3A_2 = arith.constant 0 : i32
    %scan3A_3 = arith.constant 16 : i32
    %scan3A_4 = arith.addi %scan3A_2, %scan3A_3 : i32
    %scan3A_5 = arith.constant 1 : i32
    scf.for %scan3A_499 = %scan3A_2 to %scan3A_4 step %scan3A_5  : i32 {
      %swap3A = arith.index_cast %scan3A_499 : i32 to index
      %swap3A_500 = arith.constant 0 : index
      %swap3A_501 = tpu.vector_load %arg13[%swap3A, %swap3A_500] {strides = array<i32>} : memref<16x128xf32, #tpu.memory_space<vmem>>, vector<1x16xf32>,
      %swap3A_502 = vector.shape_cast %swap3A_501 : vector<1x16xf32> to vector<16xf32>
      %swap3A_503 = vector.shape_cast %broadcast_in_dim3A_1 : vector<16xf32> to vector<1x16xf32>
      tpu.vector_store %arg13[%swap3A, %swap3A_500], %swap3A_503 {strides = array<i32>} : memref<16x128xf32, #tpu.memory_space<vmem>>, vector<1x16xf32>,
      %swap3A_504 = arith.index_cast %scan3A_499 : i32 to index
      %swap3A_505 = arith.constant 16 : index
      %swap3A_506 = tpu.vector_load %arg13[%swap3A_504, %swap3A_505] {strides = array<i32>} : memref<16x128xf32, #tpu.memory_space<vmem>>, vector<1x16xf32>,
      %swap3A_507 = vector.shape_cast %swap3A_506 : vector<1x16xf32> to vector<16xf32>
      %swap3A_508 = vector.shape_cast %broadcast_in_dim3A_1 : vector<16xf32> to vector<1x16xf32>
      tpu.vector_store %arg13[%swap3A_504, %swap3A_505], %swap3A_508 {strides = array<i32>} : memref<16x128xf32, #tpu.memory_space<vmem>>, vector<1x16xf32>,
      %swap3A_509 = arith.index_cast %scan3A_499 : i32 to index
      %swap3A_510 = arith.constant 32 : index
      %swap3A_511 = tpu.vector_load %arg13[%swap3A_509, %swap3A_510] {strides = array<i32>} : memref<16x128xf32, #tpu.memory_space<vmem>>, vector<1x16xf32>,
      %swap3A_512 = vector.shape_cast %swap3A_511 : vector<1x16xf32> to vector<16xf32>
      %swap3A_513 = vector.shape_cast %broadcast_in_dim3A_1 : vector<16xf32> to vector<1x16xf32>
      tpu.vector_store %arg13[%swap3A_509, %swap3A_510], %swap3A_513 {strides = array<i32>} : memref<16x128xf32, #tpu.memory_space<vmem>>, vector<1x16xf32>,
      %swap3A_514 = arith.index_cast %scan3A_499 : i32 to index
      %swap3A_515 = arith.constant 48 : index
      %swap3A_516 = tpu.vector_load %arg13[%swap3A_514, %swap3A_515] {strides = array<i32>} : memref<16x128xf32, #tpu.memory_space<vmem>>, vector<1x16xf32>,
      %swap3A_517 = vector.shape_cast %swap3A_516 : vector<1x16xf32> to vector<16xf32>
      %swap3A_518 = vector.shape_cast %broadcast_in_dim3A_1 : vector<16xf32> to vector<1x16xf32>
      tpu.vector_store %arg13[%swap3A_514, %swap3A_515], %swap3A_518 {strides = array<i32>} : memref<16x128xf32, #tpu.memory_space<vmem>>, vector<1x16xf32>,
      %swap3A_519 = arith.index_cast %scan3A_499 : i32 to index
      %swap3A_520 = arith.constant 64 : index
      %swap3A_521 = tpu.vector_load %arg13[%swap3A_519, %swap3A_520] {strides = array<i32>} : memref<16x128xf32, #tpu.memory_space<vmem>>, vector<1x16xf32>,
      %swap3A_522 = vector.shape_cast %swap3A_521 : vector<1x16xf32> to vector<16xf32>
      %swap3A_523 = vector.shape_cast %broadcast_in_dim3A_1 : vector<16xf32> to vector<1x16xf32>
      tpu.vector_store %arg13[%swap3A_519, %swap3A_520], %swap3A_523 {strides = array<i32>} : memref<16x128xf32, #tpu.memory_space<vmem>>, vector<1x16xf32>,
      %swap3A_524 = arith.index_cast %scan3A_499 : i32 to index
      %swap3A_525 = arith.constant 80 : index
      %swap3A_526 = tpu.vector_load %arg13[%swap3A_524, %swap3A_525] {strides = array<i32>} : memref<16x128xf32, #tpu.memory_space<vmem>>, vector<1x16xf32>,
      %swap3A_527 = vector.shape_cast %swap3A_526 : vector<1x16xf32> to vector<16xf32>
      %swap3A_528 = vector.shape_cast %broadcast_in_dim3A_1 : vector<16xf32> to vector<1x16xf32>
      tpu.vector_store %arg13[%swap3A_524, %swap3A_525], %swap3A_528 {strides = array<i32>} : memref<16x128xf32, #tpu.memory_space<vmem>>, vector<1x16xf32>,
      %swap3A_529 = arith.index_cast %scan3A_499 : i32 to index
      %swap3A_530 = arith.constant 96 : index
      %swap3A_531 = tpu.vector_load %arg13[%swap3A_529, %swap3A_530] {strides = array<i32>} : memref<16x128xf32, #tpu.memory_space<vmem>>, vector<1x16xf32>,
      %swap3A_532 = vector.shape_cast %swap3A_531 : vector<1x16xf32> to vector<16xf32>
      %swap3A_533 = vector.shape_cast %broadcast_in_dim3A_1 : vector<16xf32> to vector<1x16xf32>
      tpu.vector_store %arg13[%swap3A_529, %swap3A_530], %swap3A_533 {strides = array<i32>} : memref<16x128xf32, #tpu.memory_space<vmem>>, vector<1x16xf32>,
      %swap3A_534 = arith.index_cast %scan3A_499 : i32 to index
      %swap3A_535 = arith.constant 112 : index
      %swap3A_536 = tpu.vector_load %arg13[%swap3A_534, %swap3A_535] {strides = array<i32>} : memref<16x128xf32, #tpu.memory_space<vmem>>, vector<1x16xf32>,
      %swap3A_537 = vector.shape_cast %swap3A_536 : vector<1x16xf32> to vector<16xf32>
      %swap3A_538 = vector.shape_cast %broadcast_in_dim3A_1 : vector<16xf32> to vector<1x16xf32>
      tpu.vector_store %arg13[%swap3A_534, %swap3A_535], %swap3A_538 {strides = array<i32>} : memref<16x128xf32, #tpu.memory_space<vmem>>, vector<1x16xf32>,
    }
    %scan3A_6 = arith.constant 16 : i32
    %mul3A_7 = arith.constant 640 : i32
    %mul3A_8 = arith.muli %arg1, %mul3A_7 : i32
    %add3A_9 = arith.constant 0 : i32
    %add3A_10 = arith.addi %mul3A_8, %add3A_9 : i32
    "tpu.region"() ({
      %run_scoped3A_499 = tpu.sem_alloc : memref<!tpu.dma_semaphore, #tpu.memory_space<semaphore_mem>>
      %dma_start3A_500 = arith.constant 0 : i32
      %dma_start3A_501 = tpu.memref_slice %arg14[%add3A_10, %dma_start3A_500] : memref<10240x128xf32, #tpu.memory_space<vmem_shared>> -> memref<16x128xf32, #tpu.memory_space<vmem_shared>>
      %dma_start3A_502 = arith.constant 0 : i32
      %dma_start3A_503 = tpu.memref_slice %arg14[%add3A_10, %dma_start3A_502] : memref<10240x128xf32, #tpu.memory_space<vmem_shared>> -> memref<16x128xf32, #tpu.memory_space<vmem_shared>>
      tpu.enqueue_dma source(%arg13 : memref<16x128xf32, #tpu.memory_space<vmem>>) target(%dma_start3A_503 : memref<16x128xf32, #tpu.memory_space<vmem_shared>>) target_semaphore(%run_scoped3A_499 : memref<!tpu.dma_semaphore, #tpu.memory_space<semaphore_mem>>)
      %dma_wait3A_504 = arith.constant 0 : i32
      %dma_wait3A_505 = tpu.memref_slice %arg14[%add3A_10, %dma_wait3A_504] : memref<10240x128xf32, #tpu.memory_space<vmem_shared>> -> memref<16x128xf32, #tpu.memory_space<vmem_shared>>
      %dma_wait3A_506 = arith.constant 0 : i32
      %dma_wait3A_507 = tpu.memref_slice %arg14[%add3A_10, %dma_wait3A_506] : memref<10240x128xf32, #tpu.memory_space<vmem_shared>> -> memref<16x128xf32, #tpu.memory_space<vmem_shared>>
      tpu.wait_dma2 semaphore(%run_scoped3A_499 : memref<!tpu.dma_semaphore, #tpu.memory_space<semaphore_mem>>) src(%arg13 : memref<16x128xf32, #tpu.memory_space<vmem>>) dst(%dma_wait3A_507 : memref<16x128xf32, #tpu.memory_space<vmem_shared>>)
      tpu.yield
    }) : () -> ()
    %mul3A_11 = arith.constant 640 : i32
    %mul3A_12 = arith.muli %arg1, %mul3A_11 : i32
    %add3A_13 = arith.constant 16 : i32
    %add3A_14 = arith.addi %mul3A_12, %add3A_13 : i32
    "tpu.region"() ({
      %run_scoped3A_499 = tpu.sem_alloc : memref<!tpu.dma_semaphore, #tpu.memory_space<semaphore_mem>>
      %dma_start3A_500 = arith.constant 0 : i32
      %dma_start3A_501 = tpu.memref_slice %arg14[%add3A_14, %dma_start3A_500] : memref<10240x128xf32, #tpu.memory_space<vmem_shared>> -> memref<16x128xf32, #tpu.memory_space<vmem_shared>>
      %dma_start3A_502 = arith.constant 0 : i32
      %dma_start3A_503 = tpu.memref_slice %arg14[%add3A_14, %dma_start3A_502] : memref<10240x128xf32, #tpu.memory_space<vmem_shared>> -> memref<16x128xf32, #tpu.memory_space<vmem_shared>>
      tpu.enqueue_dma source(%arg13 : memref<16x128xf32, #tpu.memory_space<vmem>>) target(%dma_start3A_503 : memref<16x128xf32, #tpu.memory_space<vmem_shared>>) target_semaphore(%run_scoped3A_499 : memref<!tpu.dma_semaphore, #tpu.memory_space<semaphore_mem>>)
      %dma_wait3A_504 = arith.constant 0 : i32
      %dma_wait3A_505 = tpu.memref_slice %arg14[%add3A_14, %dma_wait3A_504] : memref<10240x128xf32, #tpu.memory_space<vmem_shared>> -> memref<16x128xf32, #tpu.memory_space<vmem_shared>>
      %dma_wait3A_506 = arith.constant 0 : i32
      %dma_wait3A_507 = tpu.memref_slice %arg14[%add3A_14, %dma_wait3A_506] : memref<10240x128xf32, #tpu.memory_space<vmem_shared>> -> memref<16x128xf32, #tpu.memory_space<vmem_shared>>
      tpu.wait_dma2 semaphore(%run_scoped3A_499 : memref<!tpu.dma_semaphore, #tpu.memory_space<semaphore_mem>>) src(%arg13 : memref<16x128xf32, #tpu.memory_space<vmem>>) dst(%dma_wait3A_507 : memref<16x128xf32, #tpu.memory_space<vmem_shared>>)
      tpu.yield
    }) : () -> ()
    %mul3A_15 = arith.constant 640 : i32
    %mul3A_16 = arith.muli %arg1, %mul3A_15 : i32
    %add3A_17 = arith.constant 32 : i32
    %add3A_18 = arith.addi %mul3A_16, %add3A_17 : i32
    "tpu.region"() ({
      %run_scoped3A_499 = tpu.sem_alloc : memref<!tpu.dma_semaphore, #tpu.memory_space<semaphore_mem>>
      %dma_start3A_500 = arith.constant 0 : i32
      %dma_start3A_501 = tpu.memref_slice %arg14[%add3A_18, %dma_start3A_500] : memref<10240x128xf32, #tpu.memory_space<vmem_shared>> -> memref<16x128xf32, #tpu.memory_space<vmem_shared>>
      %dma_start3A_502 = arith.constant 0 : i32
      %dma_start3A_503 = tpu.memref_slice %arg14[%add3A_18, %dma_start3A_502] : memref<10240x128xf32, #tpu.memory_space<vmem_shared>> -> memref<16x128xf32, #tpu.memory_space<vmem_shared>>
      tpu.enqueue_dma source(%arg13 : memref<16x128xf32, #tpu.memory_space<vmem>>) target(%dma_start3A_503 : memref<16x128xf32, #tpu.memory_space<vmem_shared>>) target_semaphore(%run_scoped3A_499 : memref<!tpu.dma_semaphore, #tpu.memory_space<semaphore_mem>>)
      %dma_wait3A_504 = arith.constant 0 : i32
      %dma_wait3A_505 = tpu.memref_slice %arg14[%add3A_18, %dma_wait3A_504] : memref<10240x128xf32, #tpu.memory_space<vmem_shared>> -> memref<16x128xf32, #tpu.memory_space<vmem_shared>>
      %dma_wait3A_506 = arith.constant 0 : i32
      %dma_wait3A_507 = tpu.memref_slice %arg14[%add3A_18, %dma_wait3A_506] : memref<10240x128xf32, #tpu.memory_space<vmem_shared>> -> memref<16x128xf32, #tpu.memory_space<vmem_shared>>
      tpu.wait_dma2 semaphore(%run_scoped3A_499 : memref<!tpu.dma_semaphore, #tpu.memory_space<semaphore_mem>>) src(%arg13 : memref<16x128xf32, #tpu.memory_space<vmem>>) dst(%dma_wait3A_507 : memref<16x128xf32, #tpu.memory_space<vmem_shared>>)
      tpu.yield
    }) : () -> ()
    %mul3A_19 = arith.constant 640 : i32
    %mul3A_20 = arith.muli %arg1, %mul3A_19 : i32
    %add3A_21 = arith.constant 48 : i32
    %add3A_22 = arith.addi %mul3A_20, %add3A_21 : i32
    "tpu.region"() ({
      %run_scoped3A_499 = tpu.sem_alloc : memref<!tpu.dma_semaphore, #tpu.memory_space<semaphore_mem>>
      %dma_start3A_500 = arith.constant 0 : i32
      %dma_start3A_501 = tpu.memref_slice %arg14[%add3A_22, %dma_start3A_500] : memref<10240x128xf32, #tpu.memory_space<vmem_shared>> -> memref<16x128xf32, #tpu.memory_space<vmem_shared>>
      %dma_start3A_502 = arith.constant 0 : i32
      %dma_start3A_503 = tpu.memref_slice %arg14[%add3A_22, %dma_start3A_502] : memref<10240x128xf32, #tpu.memory_space<vmem_shared>> -> memref<16x128xf32, #tpu.memory_space<vmem_shared>>
      tpu.enqueue_dma source(%arg13 : memref<16x128xf32, #tpu.memory_space<vmem>>) target(%dma_start3A_503 : memref<16x128xf32, #tpu.memory_space<vmem_shared>>) target_semaphore(%run_scoped3A_499 : memref<!tpu.dma_semaphore, #tpu.memory_space<semaphore_mem>>)
      %dma_wait3A_504 = arith.constant 0 : i32
      %dma_wait3A_505 = tpu.memref_slice %arg14[%add3A_22, %dma_wait3A_504] : memref<10240x128xf32, #tpu.memory_space<vmem_shared>> -> memref<16x128xf32, #tpu.memory_space<vmem_shared>>
      %dma_wait3A_506 = arith.constant 0 : i32
      %dma_wait3A_507 = tpu.memref_slice %arg14[%add3A_22, %dma_wait3A_506] : memref<10240x128xf32, #tpu.memory_space<vmem_shared>> -> memref<16x128xf32, #tpu.memory_space<vmem_shared>>
      tpu.wait_dma2 semaphore(%run_scoped3A_499 : memref<!tpu.dma_semaphore, #tpu.memory_space<semaphore_mem>>) src(%arg13 : memref<16x128xf32, #tpu.memory_space<vmem>>) dst(%dma_wait3A_507 : memref<16x128xf32, #tpu.memory_space<vmem_shared>>)
      tpu.yield
    }) : () -> ()
    %mul3A_23 = arith.constant 640 : i32
    %mul3A_24 = arith.muli %arg1, %mul3A_23 : i32
    %add3A_25 = arith.constant 64 : i32
    %add3A_26 = arith.addi %mul3A_24, %add3A_25 : i32
    "tpu.region"() ({
      %run_scoped3A_499 = tpu.sem_alloc : memref<!tpu.dma_semaphore, #tpu.memory_space<semaphore_mem>>
      %dma_start3A_500 = arith.constant 0 : i32
      %dma_start3A_501 = tpu.memref_slice %arg14[%add3A_26, %dma_start3A_500] : memref<10240x128xf32, #tpu.memory_space<vmem_shared>> -> memref<16x128xf32, #tpu.memory_space<vmem_shared>>
      %dma_start3A_502 = arith.constant 0 : i32
      %dma_start3A_503 = tpu.memref_slice %arg14[%add3A_26, %dma_start3A_502] : memref<10240x128xf32, #tpu.memory_space<vmem_shared>> -> memref<16x128xf32, #tpu.memory_space<vmem_shared>>
      tpu.enqueue_dma source(%arg13 : memref<16x128xf32, #tpu.memory_space<vmem>>) target(%dma_start3A_503 : memref<16x128xf32, #tpu.memory_space<vmem_shared>>) target_semaphore(%run_scoped3A_499 : memref<!tpu.dma_semaphore, #tpu.memory_space<semaphore_mem>>)
      %dma_wait3A_504 = arith.constant 0 : i32
      %dma_wait3A_505 = tpu.memref_slice %arg14[%add3A_26, %dma_wait3A_504] : memref<10240x128xf32, #tpu.memory_space<vmem_shared>> -> memref<16x128xf32, #tpu.memory_space<vmem_shared>>
      %dma_wait3A_506 = arith.constant 0 : i32
      %dma_wait3A_507 = tpu.memref_slice %arg14[%add3A_26, %dma_wait3A_506] : memref<10240x128xf32, #tpu.memory_space<vmem_shared>> -> memref<16x128xf32, #tpu.memory_space<vmem_shared>>
      tpu.wait_dma2 semaphore(%run_scoped3A_499 : memref<!tpu.dma_semaphore, #tpu.memory_space<semaphore_mem>>) src(%arg13 : memref<16x128xf32, #tpu.memory_space<vmem>>) dst(%dma_wait3A_507 : memref<16x128xf32, #tpu.memory_space<vmem_shared>>)
      tpu.yield
    }) : () -> ()
    %mul3A_27 = arith.constant 640 : i32
    %mul3A_28 = arith.muli %arg1, %mul3A_27 : i32
    %add3A_29 = arith.constant 80 : i32
    %add3A_30 = arith.addi %mul3A_28, %add3A_29 : i32
    "tpu.region"() ({
      %run_scoped3A_499 = tpu.sem_alloc : memref<!tpu.dma_semaphore, #tpu.memory_space<semaphore_mem>>
      %dma_start3A_500 = arith.constant 0 : i32
      %dma_start3A_501 = tpu.memref_slice %arg14[%add3A_30, %dma_start3A_500] : memref<10240x128xf32, #tpu.memory_space<vmem_shared>> -> memref<16x128xf32, #tpu.memory_space<vmem_shared>>
      %dma_start3A_502 = arith.constant 0 : i32
      %dma_start3A_503 = tpu.memref_slice %arg14[%add3A_30, %dma_start3A_502] : memref<10240x128xf32, #tpu.memory_space<vmem_shared>> -> memref<16x128xf32, #tpu.memory_space<vmem_shared>>
      tpu.enqueue_dma source(%arg13 : memref<16x128xf32, #tpu.memory_space<vmem>>) target(%dma_start3A_503 : memref<16x128xf32, #tpu.memory_space<vmem_shared>>) target_semaphore(%run_scoped3A_499 : memref<!tpu.dma_semaphore, #tpu.memory_space<semaphore_mem>>)
      %dma_wait3A_504 = arith.constant 0 : i32
      %dma_wait3A_505 = tpu.memref_slice %arg14[%add3A_30, %dma_wait3A_504] : memref<10240x128xf32, #tpu.memory_space<vmem_shared>> -> memref<16x128xf32, #tpu.memory_space<vmem_shared>>
      %dma_wait3A_506 = arith.constant 0 : i32
      %dma_wait3A_507 = tpu.memref_slice %arg14[%add3A_30, %dma_wait3A_506] : memref<10240x128xf32, #tpu.memory_space<vmem_shared>> -> memref<16x128xf32, #tpu.memory_space<vmem_shared>>
      tpu.wait_dma2 semaphore(%run_scoped3A_499 : memref<!tpu.dma_semaphore, #tpu.memory_space<semaphore_mem>>) src(%arg13 : memref<16x128xf32, #tpu.memory_space<vmem>>) dst(%dma_wait3A_507 : memref<16x128xf32, #tpu.memory_space<vmem_shared>>)
      tpu.yield
    }) : () -> ()
    %mul3A_31 = arith.constant 640 : i32
    %mul3A_32 = arith.muli %arg1, %mul3A_31 : i32
    %add3A_33 = arith.constant 96 : i32
    %add3A_34 = arith.addi %mul3A_32, %add3A_33 : i32
    "tpu.region"() ({
      %run_scoped3A_499 = tpu.sem_alloc : memref<!tpu.dma_semaphore, #tpu.memory_space<semaphore_mem>>
      %dma_start3A_500 = arith.constant 0 : i32
      %dma_start3A_501 = tpu.memref_slice %arg14[%add3A_34, %dma_start3A_500] : memref<10240x128xf32, #tpu.memory_space<vmem_shared>> -> memref<16x128xf32, #tpu.memory_space<vmem_shared>>
      %dma_start3A_502 = arith.constant 0 : i32
      %dma_start3A_503 = tpu.memref_slice %arg14[%add3A_34, %dma_start3A_502] : memref<10240x128xf32, #tpu.memory_space<vmem_shared>> -> memref<16x128xf32, #tpu.memory_space<vmem_shared>>
      tpu.enqueue_dma source(%arg13 : memref<16x128xf32, #tpu.memory_space<vmem>>) target(%dma_start3A_503 : memref<16x128xf32, #tpu.memory_space<vmem_shared>>) target_semaphore(%run_scoped3A_499 : memref<!tpu.dma_semaphore, #tpu.memory_space<semaphore_mem>>)
      %dma_wait3A_504 = arith.constant 0 : i32
      %dma_wait3A_505 = tpu.memref_slice %arg14[%add3A_34, %dma_wait3A_504] : memref<10240x128xf32, #tpu.memory_space<vmem_shared>> -> memref<16x128xf32, #tpu.memory_space<vmem_shared>>
      %dma_wait3A_506 = arith.constant 0 : i32
      %dma_wait3A_507 = tpu.memref_slice %arg14[%add3A_34, %dma_wait3A_506] : memref<10240x128xf32, #tpu.memory_space<vmem_shared>> -> memref<16x128xf32, #tpu.memory_space<vmem_shared>>
      tpu.wait_dma2 semaphore(%run_scoped3A_499 : memref<!tpu.dma_semaphore, #tpu.memory_space<semaphore_mem>>) src(%arg13 : memref<16x128xf32, #tpu.memory_space<vmem>>) dst(%dma_wait3A_507 : memref<16x128xf32, #tpu.memory_space<vmem_shared>>)
      tpu.yield
    }) : () -> ()
    %mul3A_35 = arith.constant 640 : i32
    %mul3A_36 = arith.muli %arg1, %mul3A_35 : i32
    %add3A_37 = arith.constant 112 : i32
    %add3A_38 = arith.addi %mul3A_36, %add3A_37 : i32
    "tpu.region"() ({
      %run_scoped3A_499 = tpu.sem_alloc : memref<!tpu.dma_semaphore, #tpu.memory_space<semaphore_mem>>
      %dma_start3A_500 = arith.constant 0 : i32
      %dma_start3A_501 = tpu.memref_slice %arg14[%add3A_38, %dma_start3A_500] : memref<10240x128xf32, #tpu.memory_space<vmem_shared>> -> memref<16x128xf32, #tpu.memory_space<vmem_shared>>
      %dma_start3A_502 = arith.constant 0 : i32
      %dma_start3A_503 = tpu.memref_slice %arg14[%add3A_38, %dma_start3A_502] : memref<10240x128xf32, #tpu.memory_space<vmem_shared>> -> memref<16x128xf32, #tpu.memory_space<vmem_shared>>
      tpu.enqueue_dma source(%arg13 : memref<16x128xf32, #tpu.memory_space<vmem>>) target(%dma_start3A_503 : memref<16x128xf32, #tpu.memory_space<vmem_shared>>) target_semaphore(%run_scoped3A_499 : memref<!tpu.dma_semaphore, #tpu.memory_space<semaphore_mem>>)
      %dma_wait3A_504 = arith.constant 0 : i32
      %dma_wait3A_505 = tpu.memref_slice %arg14[%add3A_38, %dma_wait3A_504] : memref<10240x128xf32, #tpu.memory_space<vmem_shared>> -> memref<16x128xf32, #tpu.memory_space<vmem_shared>>
      %dma_wait3A_506 = arith.constant 0 : i32
      %dma_wait3A_507 = tpu.memref_slice %arg14[%add3A_38, %dma_wait3A_506] : memref<10240x128xf32, #tpu.memory_space<vmem_shared>> -> memref<16x128xf32, #tpu.memory_space<vmem_shared>>
      tpu.wait_dma2 semaphore(%run_scoped3A_499 : memref<!tpu.dma_semaphore, #tpu.memory_space<semaphore_mem>>) src(%arg13 : memref<16x128xf32, #tpu.memory_space<vmem>>) dst(%dma_wait3A_507 : memref<16x128xf32, #tpu.memory_space<vmem_shared>>)
      tpu.yield
    }) : () -> ()
    %mul3A_39 = arith.constant 640 : i32
    %mul3A_40 = arith.muli %arg1, %mul3A_39 : i32
    %add3A_41 = arith.constant 128 : i32
    %add3A_42 = arith.addi %mul3A_40, %add3A_41 : i32
    "tpu.region"() ({
      %run_scoped3A_499 = tpu.sem_alloc : memref<!tpu.dma_semaphore, #tpu.memory_space<semaphore_mem>>
      %dma_start3A_500 = arith.constant 0 : i32
      %dma_start3A_501 = tpu.memref_slice %arg14[%add3A_42, %dma_start3A_500] : memref<10240x128xf32, #tpu.memory_space<vmem_shared>> -> memref<16x128xf32, #tpu.memory_space<vmem_shared>>
      %dma_start3A_502 = arith.constant 0 : i32
      %dma_start3A_503 = tpu.memref_slice %arg14[%add3A_42, %dma_start3A_502] : memref<10240x128xf32, #tpu.memory_space<vmem_shared>> -> memref<16x128xf32, #tpu.memory_space<vmem_shared>>
      tpu.enqueue_dma source(%arg13 : memref<16x128xf32, #tpu.memory_space<vmem>>) target(%dma_start3A_503 : memref<16x128xf32, #tpu.memory_space<vmem_shared>>) target_semaphore(%run_scoped3A_499 : memref<!tpu.dma_semaphore, #tpu.memory_space<semaphore_mem>>)
      %dma_wait3A_504 = arith.constant 0 : i32
      %dma_wait3A_505 = tpu.memref_slice %arg14[%add3A_42, %dma_wait3A_504] : memref<10240x128xf32, #tpu.memory_space<vmem_shared>> -> memref<16x128xf32, #tpu.memory_space<vmem_shared>>
      %dma_wait3A_506 = arith.constant 0 : i32
      %dma_wait3A_507 = tpu.memref_slice %arg14[%add3A_42, %dma_wait3A_506] : memref<10240x128xf32, #tpu.memory_space<vmem_shared>> -> memref<16x128xf32, #tpu.memory_space<vmem_shared>>
      tpu.wait_dma2 semaphore(%run_scoped3A_499 : memref<!tpu.dma_semaphore, #tpu.memory_space<semaphore_mem>>) src(%arg13 : memref<16x128xf32, #tpu.memory_space<vmem>>) dst(%dma_wait3A_507 : memref<16x128xf32, #tpu.memory_space<vmem_shared>>)
      tpu.yield
    }) : () -> ()
    %mul3A_43 = arith.constant 640 : i32
    %mul3A_44 = arith.muli %arg1, %mul3A_43 : i32
    %add3A_45 = arith.constant 144 : i32
    %add3A_46 = arith.addi %mul3A_44, %add3A_45 : i32
    "tpu.region"() ({
      %run_scoped3A_499 = tpu.sem_alloc : memref<!tpu.dma_semaphore, #tpu.memory_space<semaphore_mem>>
      %dma_start3A_500 = arith.constant 0 : i32
      %dma_start3A_501 = tpu.memref_slice %arg14[%add3A_46, %dma_start3A_500] : memref<10240x128xf32, #tpu.memory_space<vmem_shared>> -> memref<16x128xf32, #tpu.memory_space<vmem_shared>>
      %dma_start3A_502 = arith.constant 0 : i32
      %dma_start3A_503 = tpu.memref_slice %arg14[%add3A_46, %dma_start3A_502] : memref<10240x128xf32, #tpu.memory_space<vmem_shared>> -> memref<16x128xf32, #tpu.memory_space<vmem_shared>>
      tpu.enqueue_dma source(%arg13 : memref<16x128xf32, #tpu.memory_space<vmem>>) target(%dma_start3A_503 : memref<16x128xf32, #tpu.memory_space<vmem_shared>>) target_semaphore(%run_scoped3A_499 : memref<!tpu.dma_semaphore, #tpu.memory_space<semaphore_mem>>)
      %dma_wait3A_504 = arith.constant 0 : i32
      %dma_wait3A_505 = tpu.memref_slice %arg14[%add3A_46, %dma_wait3A_504] : memref<10240x128xf32, #tpu.memory_space<vmem_shared>> -> memref<16x128xf32, #tpu.memory_space<vmem_shared>>
      %dma_wait3A_506 = arith.constant 0 : i32
      %dma_wait3A_507 = tpu.memref_slice %arg14[%add3A_46, %dma_wait3A_506] : memref<10240x128xf32, #tpu.memory_space<vmem_shared>> -> memref<16x128xf32, #tpu.memory_space<vmem_shared>>
      tpu.wait_dma2 semaphore(%run_scoped3A_499 : memref<!tpu.dma_semaphore, #tpu.memory_space<semaphore_mem>>) src(%arg13 : memref<16x128xf32, #tpu.memory_space<vmem>>) dst(%dma_wait3A_507 : memref<16x128xf32, #tpu.memory_space<vmem_shared>>)
      tpu.yield
    }) : () -> ()
    %mul3A_47 = arith.constant 640 : i32
    %mul3A_48 = arith.muli %arg1, %mul3A_47 : i32
    %add3A_49 = arith.constant 160 : i32
    %add3A_50 = arith.addi %mul3A_48, %add3A_49 : i32
    "tpu.region"() ({
      %run_scoped3A_499 = tpu.sem_alloc : memref<!tpu.dma_semaphore, #tpu.memory_space<semaphore_mem>>
      %dma_start3A_500 = arith.constant 0 : i32
      %dma_start3A_501 = tpu.memref_slice %arg14[%add3A_50, %dma_start3A_500] : memref<10240x128xf32, #tpu.memory_space<vmem_shared>> -> memref<16x128xf32, #tpu.memory_space<vmem_shared>>
      %dma_start3A_502 = arith.constant 0 : i32
      %dma_start3A_503 = tpu.memref_slice %arg14[%add3A_50, %dma_start3A_502] : memref<10240x128xf32, #tpu.memory_space<vmem_shared>> -> memref<16x128xf32, #tpu.memory_space<vmem_shared>>
      tpu.enqueue_dma source(%arg13 : memref<16x128xf32, #tpu.memory_space<vmem>>) target(%dma_start3A_503 : memref<16x128xf32, #tpu.memory_space<vmem_shared>>) target_semaphore(%run_scoped3A_499 : memref<!tpu.dma_semaphore, #tpu.memory_space<semaphore_mem>>)
      %dma_wait3A_504 = arith.constant 0 : i32
      %dma_wait3A_505 = tpu.memref_slice %arg14[%add3A_50, %dma_wait3A_504] : memref<10240x128xf32, #tpu.memory_space<vmem_shared>> -> memref<16x128xf32, #tpu.memory_space<vmem_shared>>
      %dma_wait3A_506 = arith.constant 0 : i32
      %dma_wait3A_507 = tpu.memref_slice %arg14[%add3A_50, %dma_wait3A_506] : memref<10240x128xf32, #tpu.memory_space<vmem_shared>> -> memref<16x128xf32, #tpu.memory_space<vmem_shared>>
      tpu.wait_dma2 semaphore(%run_scoped3A_499 : memref<!tpu.dma_semaphore, #tpu.memory_space<semaphore_mem>>) src(%arg13 : memref<16x128xf32, #tpu.memory_space<vmem>>) dst(%dma_wait3A_507 : memref<16x128xf32, #tpu.memory_space<vmem_shared>>)
      tpu.yield
    }) : () -> ()
    %mul3A_51 = arith.constant 640 : i32
    %mul3A_52 = arith.muli %arg1, %mul3A_51 : i32
    %add3A_53 = arith.constant 176 : i32
    %add3A_54 = arith.addi %mul3A_52, %add3A_53 : i32
    "tpu.region"() ({
      %run_scoped3A_499 = tpu.sem_alloc : memref<!tpu.dma_semaphore, #tpu.memory_space<semaphore_mem>>
      %dma_start3A_500 = arith.constant 0 : i32
      %dma_start3A_501 = tpu.memref_slice %arg14[%add3A_54, %dma_start3A_500] : memref<10240x128xf32, #tpu.memory_space<vmem_shared>> -> memref<16x128xf32, #tpu.memory_space<vmem_shared>>
      %dma_start3A_502 = arith.constant 0 : i32
      %dma_start3A_503 = tpu.memref_slice %arg14[%add3A_54, %dma_start3A_502] : memref<10240x128xf32, #tpu.memory_space<vmem_shared>> -> memref<16x128xf32, #tpu.memory_space<vmem_shared>>
      tpu.enqueue_dma source(%arg13 : memref<16x128xf32, #tpu.memory_space<vmem>>) target(%dma_start3A_503 : memref<16x128xf32, #tpu.memory_space<vmem_shared>>) target_semaphore(%run_scoped3A_499 : memref<!tpu.dma_semaphore, #tpu.memory_space<semaphore_mem>>)
      %dma_wait3A_504 = arith.constant 0 : i32
      %dma_wait3A_505 = tpu.memref_slice %arg14[%add3A_54, %dma_wait3A_504] : memref<10240x128xf32, #tpu.memory_space<vmem_shared>> -> memref<16x128xf32, #tpu.memory_space<vmem_shared>>
      %dma_wait3A_506 = arith.constant 0 : i32
      %dma_wait3A_507 = tpu.memref_slice %arg14[%add3A_54, %dma_wait3A_506] : memref<10240x128xf32, #tpu.memory_space<vmem_shared>> -> memref<16x128xf32, #tpu.memory_space<vmem_shared>>
      tpu.wait_dma2 semaphore(%run_scoped3A_499 : memref<!tpu.dma_semaphore, #tpu.memory_space<semaphore_mem>>) src(%arg13 : memref<16x128xf32, #tpu.memory_space<vmem>>) dst(%dma_wait3A_507 : memref<16x128xf32, #tpu.memory_space<vmem_shared>>)
      tpu.yield
    }) : () -> ()
    %mul3A_55 = arith.constant 640 : i32
    %mul3A_56 = arith.muli %arg1, %mul3A_55 : i32
    %add3A_57 = arith.constant 192 : i32
    %add3A_58 = arith.addi %mul3A_56, %add3A_57 : i32
    "tpu.region"() ({
      %run_scoped3A_499 = tpu.sem_alloc : memref<!tpu.dma_semaphore, #tpu.memory_space<semaphore_mem>>
      %dma_start3A_500 = arith.constant 0 : i32
      %dma_start3A_501 = tpu.memref_slice %arg14[%add3A_58, %dma_start3A_500] : memref<10240x128xf32, #tpu.memory_space<vmem_shared>> -> memref<16x128xf32, #tpu.memory_space<vmem_shared>>
      %dma_start3A_502 = arith.constant 0 : i32
      %dma_start3A_503 = tpu.memref_slice %arg14[%add3A_58, %dma_start3A_502] : memref<10240x128xf32, #tpu.memory_space<vmem_shared>> -> memref<16x128xf32, #tpu.memory_space<vmem_shared>>
      tpu.enqueue_dma source(%arg13 : memref<16x128xf32, #tpu.memory_space<vmem>>) target(%dma_start3A_503 : memref<16x128xf32, #tpu.memory_space<vmem_shared>>) target_semaphore(%run_scoped3A_499 : memref<!tpu.dma_semaphore, #tpu.memory_space<semaphore_mem>>)
      %dma_wait3A_504 = arith.constant 0 : i32
      %dma_wait3A_505 = tpu.memref_slice %arg14[%add3A_58, %dma_wait3A_504] : memref<10240x128xf32, #tpu.memory_space<vmem_shared>> -> memref<16x128xf32, #tpu.memory_space<vmem_shared>>
      %dma_wait3A_506 = arith.constant 0 : i32
      %dma_wait3A_507 = tpu.memref_slice %arg14[%add3A_58, %dma_wait3A_506] : memref<10240x128xf32, #tpu.memory_space<vmem_shared>> -> memref<16x128xf32, #tpu.memory_space<vmem_shared>>
      tpu.wait_dma2 semaphore(%run_scoped3A_499 : memref<!tpu.dma_semaphore, #tpu.memory_space<semaphore_mem>>) src(%arg13 : memref<16x128xf32, #tpu.memory_space<vmem>>) dst(%dma_wait3A_507 : memref<16x128xf32, #tpu.memory_space<vmem_shared>>)
      tpu.yield
    }) : () -> ()
    %mul3A_59 = arith.constant 640 : i32
    %mul3A_60 = arith.muli %arg1, %mul3A_59 : i32
    %add3A_61 = arith.constant 208 : i32
    %add3A_62 = arith.addi %mul3A_60, %add3A_61 : i32
    "tpu.region"() ({
      %run_scoped3A_499 = tpu.sem_alloc : memref<!tpu.dma_semaphore, #tpu.memory_space<semaphore_mem>>
      %dma_start3A_500 = arith.constant 0 : i32
      %dma_start3A_501 = tpu.memref_slice %arg14[%add3A_62, %dma_start3A_500] : memref<10240x128xf32, #tpu.memory_space<vmem_shared>> -> memref<16x128xf32, #tpu.memory_space<vmem_shared>>
      %dma_start3A_502 = arith.constant 0 : i32
      %dma_start3A_503 = tpu.memref_slice %arg14[%add3A_62, %dma_start3A_502] : memref<10240x128xf32, #tpu.memory_space<vmem_shared>> -> memref<16x128xf32, #tpu.memory_space<vmem_shared>>
      tpu.enqueue_dma source(%arg13 : memref<16x128xf32, #tpu.memory_space<vmem>>) target(%dma_start3A_503 : memref<16x128xf32, #tpu.memory_space<vmem_shared>>) target_semaphore(%run_scoped3A_499 : memref<!tpu.dma_semaphore, #tpu.memory_space<semaphore_mem>>)
      %dma_wait3A_504 = arith.constant 0 : i32
      %dma_wait3A_505 = tpu.memref_slice %arg14[%add3A_62, %dma_wait3A_504] : memref<10240x128xf32, #tpu.memory_space<vmem_shared>> -> memref<16x128xf32, #tpu.memory_space<vmem_shared>>
      %dma_wait3A_506 = arith.constant 0 : i32
      %dma_wait3A_507 = tpu.memref_slice %arg14[%add3A_62, %dma_wait3A_506] : memref<10240x128xf32, #tpu.memory_space<vmem_shared>> -> memref<16x128xf32, #tpu.memory_space<vmem_shared>>
      tpu.wait_dma2 semaphore(%run_scoped3A_499 : memref<!tpu.dma_semaphore, #tpu.memory_space<semaphore_mem>>) src(%arg13 : memref<16x128xf32, #tpu.memory_space<vmem>>) dst(%dma_wait3A_507 : memref<16x128xf32, #tpu.memory_space<vmem_shared>>)
      tpu.yield
    }) : () -> ()
    %mul3A_63 = arith.constant 640 : i32
    %mul3A_64 = arith.muli %arg1, %mul3A_63 : i32
    %add3A_65 = arith.constant 224 : i32
    %add3A_66 = arith.addi %mul3A_64, %add3A_65 : i32
    "tpu.region"() ({
      %run_scoped3A_499 = tpu.sem_alloc : memref<!tpu.dma_semaphore, #tpu.memory_space<semaphore_mem>>
      %dma_start3A_500 = arith.constant 0 : i32
      %dma_start3A_501 = tpu.memref_slice %arg14[%add3A_66, %dma_start3A_500] : memref<10240x128xf32, #tpu.memory_space<vmem_shared>> -> memref<16x128xf32, #tpu.memory_space<vmem_shared>>
      %dma_start3A_502 = arith.constant 0 : i32
      %dma_start3A_503 = tpu.memref_slice %arg14[%add3A_66, %dma_start3A_502] : memref<10240x128xf32, #tpu.memory_space<vmem_shared>> -> memref<16x128xf32, #tpu.memory_space<vmem_shared>>
      tpu.enqueue_dma source(%arg13 : memref<16x128xf32, #tpu.memory_space<vmem>>) target(%dma_start3A_503 : memref<16x128xf32, #tpu.memory_space<vmem_shared>>) target_semaphore(%run_scoped3A_499 : memref<!tpu.dma_semaphore, #tpu.memory_space<semaphore_mem>>)
      %dma_wait3A_504 = arith.constant 0 : i32
      %dma_wait3A_505 = tpu.memref_slice %arg14[%add3A_66, %dma_wait3A_504] : memref<10240x128xf32, #tpu.memory_space<vmem_shared>> -> memref<16x128xf32, #tpu.memory_space<vmem_shared>>
      %dma_wait3A_506 = arith.constant 0 : i32
      %dma_wait3A_507 = tpu.memref_slice %arg14[%add3A_66, %dma_wait3A_506] : memref<10240x128xf32, #tpu.memory_space<vmem_shared>> -> memref<16x128xf32, #tpu.memory_space<vmem_shared>>
      tpu.wait_dma2 semaphore(%run_scoped3A_499 : memref<!tpu.dma_semaphore, #tpu.memory_space<semaphore_mem>>) src(%arg13 : memref<16x128xf32, #tpu.memory_space<vmem>>) dst(%dma_wait3A_507 : memref<16x128xf32, #tpu.memory_space<vmem_shared>>)
      tpu.yield
    }) : () -> ()
    %mul3A_67 = arith.constant 640 : i32
    %mul3A_68 = arith.muli %arg1, %mul3A_67 : i32
    %add3A_69 = arith.constant 240 : i32
    %add3A_70 = arith.addi %mul3A_68, %add3A_69 : i32
    "tpu.region"() ({
      %run_scoped3A_499 = tpu.sem_alloc : memref<!tpu.dma_semaphore, #tpu.memory_space<semaphore_mem>>
      %dma_start3A_500 = arith.constant 0 : i32
      %dma_start3A_501 = tpu.memref_slice %arg14[%add3A_70, %dma_start3A_500] : memref<10240x128xf32, #tpu.memory_space<vmem_shared>> -> memref<16x128xf32, #tpu.memory_space<vmem_shared>>
      %dma_start3A_502 = arith.constant 0 : i32
      %dma_start3A_503 = tpu.memref_slice %arg14[%add3A_70, %dma_start3A_502] : memref<10240x128xf32, #tpu.memory_space<vmem_shared>> -> memref<16x128xf32, #tpu.memory_space<vmem_shared>>
      tpu.enqueue_dma source(%arg13 : memref<16x128xf32, #tpu.memory_space<vmem>>) target(%dma_start3A_503 : memref<16x128xf32, #tpu.memory_space<vmem_shared>>) target_semaphore(%run_scoped3A_499 : memref<!tpu.dma_semaphore, #tpu.memory_space<semaphore_mem>>)
      %dma_wait3A_504 = arith.constant 0 : i32
      %dma_wait3A_505 = tpu.memref_slice %arg14[%add3A_70, %dma_wait3A_504] : memref<10240x128xf32, #tpu.memory_space<vmem_shared>> -> memref<16x128xf32, #tpu.memory_space<vmem_shared>>
      %dma_wait3A_506 = arith.constant 0 : i32
      %dma_wait3A_507 = tpu.memref_slice %arg14[%add3A_70, %dma_wait3A_506] : memref<10240x128xf32, #tpu.memory_space<vmem_shared>> -> memref<16x128xf32, #tpu.memory_space<vmem_shared>>
      tpu.wait_dma2 semaphore(%run_scoped3A_499 : memref<!tpu.dma_semaphore, #tpu.memory_space<semaphore_mem>>) src(%arg13 : memref<16x128xf32, #tpu.memory_space<vmem>>) dst(%dma_wait3A_507 : memref<16x128xf32, #tpu.memory_space<vmem_shared>>)
      tpu.yield
    }) : () -> ()
    %mul3A_71 = arith.constant 640 : i32
    %mul3A_72 = arith.muli %arg1, %mul3A_71 : i32
    %add3A_73 = arith.constant 256 : i32
    %add3A_74 = arith.addi %mul3A_72, %add3A_73 : i32
    "tpu.region"() ({
      %run_scoped3A_499 = tpu.sem_alloc : memref<!tpu.dma_semaphore, #tpu.memory_space<semaphore_mem>>
      %dma_start3A_500 = arith.constant 0 : i32
      %dma_start3A_501 = tpu.memref_slice %arg14[%add3A_74, %dma_start3A_500] : memref<10240x128xf32, #tpu.memory_space<vmem_shared>> -> memref<16x128xf32, #tpu.memory_space<vmem_shared>>
      %dma_start3A_502 = arith.constant 0 : i32
      %dma_start3A_503 = tpu.memref_slice %arg14[%add3A_74, %dma_start3A_502] : memref<10240x128xf32, #tpu.memory_space<vmem_shared>> -> memref<16x128xf32, #tpu.memory_space<vmem_shared>>
      tpu.enqueue_dma source(%arg13 : memref<16x128xf32, #tpu.memory_space<vmem>>) target(%dma_start3A_503 : memref<16x128xf32, #tpu.memory_space<vmem_shared>>) target_semaphore(%run_scoped3A_499 : memref<!tpu.dma_semaphore, #tpu.memory_space<semaphore_mem>>)
      %dma_wait3A_504 = arith.constant 0 : i32
      %dma_wait3A_505 = tpu.memref_slice %arg14[%add3A_74, %dma_wait3A_504] : memref<10240x128xf32, #tpu.memory_space<vmem_shared>> -> memref<16x128xf32, #tpu.memory_space<vmem_shared>>
      %dma_wait3A_506 = arith.constant 0 : i32
      %dma_wait3A_507 = tpu.memref_slice %arg14[%add3A_74, %dma_wait3A_506] : memref<10240x128xf32, #tpu.memory_space<vmem_shared>> -> memref<16x128xf32, #tpu.memory_space<vmem_shared>>
      tpu.wait_dma2 semaphore(%run_scoped3A_499 : memref<!tpu.dma_semaphore, #tpu.memory_space<semaphore_mem>>) src(%arg13 : memref<16x128xf32, #tpu.memory_space<vmem>>) dst(%dma_wait3A_507 : memref<16x128xf32, #tpu.memory_space<vmem_shared>>)
      tpu.yield
    }) : () -> ()
    %mul3A_75 = arith.constant 640 : i32
    %mul3A_76 = arith.muli %arg1, %mul3A_75 : i32
    %add3A_77 = arith.constant 272 : i32
    %add3A_78 = arith.addi %mul3A_76, %add3A_77 : i32
    "tpu.region"() ({
      %run_scoped3A_499 = tpu.sem_alloc : memref<!tpu.dma_semaphore, #tpu.memory_space<semaphore_mem>>
      %dma_start3A_500 = arith.constant 0 : i32
      %dma_start3A_501 = tpu.memref_slice %arg14[%add3A_78, %dma_start3A_500] : memref<10240x128xf32, #tpu.memory_space<vmem_shared>> -> memref<16x128xf32, #tpu.memory_space<vmem_shared>>
      %dma_start3A_502 = arith.constant 0 : i32
      %dma_start3A_503 = tpu.memref_slice %arg14[%add3A_78, %dma_start3A_502] : memref<10240x128xf32, #tpu.memory_space<vmem_shared>> -> memref<16x128xf32, #tpu.memory_space<vmem_shared>>
      tpu.enqueue_dma source(%arg13 : memref<16x128xf32, #tpu.memory_space<vmem>>) target(%dma_start3A_503 : memref<16x128xf32, #tpu.memory_space<vmem_shared>>) target_semaphore(%run_scoped3A_499 : memref<!tpu.dma_semaphore, #tpu.memory_space<semaphore_mem>>)
      %dma_wait3A_504 = arith.constant 0 : i32
      %dma_wait3A_505 = tpu.memref_slice %arg14[%add3A_78, %dma_wait3A_504] : memref<10240x128xf32, #tpu.memory_space<vmem_shared>> -> memref<16x128xf32, #tpu.memory_space<vmem_shared>>
      %dma_wait3A_506 = arith.constant 0 : i32
      %dma_wait3A_507 = tpu.memref_slice %arg14[%add3A_78, %dma_wait3A_506] : memref<10240x128xf32, #tpu.memory_space<vmem_shared>> -> memref<16x128xf32, #tpu.memory_space<vmem_shared>>
      tpu.wait_dma2 semaphore(%run_scoped3A_499 : memref<!tpu.dma_semaphore, #tpu.memory_space<semaphore_mem>>) src(%arg13 : memref<16x128xf32, #tpu.memory_space<vmem>>) dst(%dma_wait3A_507 : memref<16x128xf32, #tpu.memory_space<vmem_shared>>)
      tpu.yield
    }) : () -> ()
    %mul3A_79 = arith.constant 640 : i32
    %mul3A_80 = arith.muli %arg1, %mul3A_79 : i32
    %add3A_81 = arith.constant 288 : i32
    %add3A_82 = arith.addi %mul3A_80, %add3A_81 : i32
    "tpu.region"() ({
      %run_scoped3A_499 = tpu.sem_alloc : memref<!tpu.dma_semaphore, #tpu.memory_space<semaphore_mem>>
      %dma_start3A_500 = arith.constant 0 : i32
      %dma_start3A_501 = tpu.memref_slice %arg14[%add3A_82, %dma_start3A_500] : memref<10240x128xf32, #tpu.memory_space<vmem_shared>> -> memref<16x128xf32, #tpu.memory_space<vmem_shared>>
      %dma_start3A_502 = arith.constant 0 : i32
      %dma_start3A_503 = tpu.memref_slice %arg14[%add3A_82, %dma_start3A_502] : memref<10240x128xf32, #tpu.memory_space<vmem_shared>> -> memref<16x128xf32, #tpu.memory_space<vmem_shared>>
      tpu.enqueue_dma source(%arg13 : memref<16x128xf32, #tpu.memory_space<vmem>>) target(%dma_start3A_503 : memref<16x128xf32, #tpu.memory_space<vmem_shared>>) target_semaphore(%run_scoped3A_499 : memref<!tpu.dma_semaphore, #tpu.memory_space<semaphore_mem>>)
      %dma_wait3A_504 = arith.constant 0 : i32
      %dma_wait3A_505 = tpu.memref_slice %arg14[%add3A_82, %dma_wait3A_504] : memref<10240x128xf32, #tpu.memory_space<vmem_shared>> -> memref<16x128xf32, #tpu.memory_space<vmem_shared>>
      %dma_wait3A_506 = arith.constant 0 : i32
      %dma_wait3A_507 = tpu.memref_slice %arg14[%add3A_82, %dma_wait3A_506] : memref<10240x128xf32, #tpu.memory_space<vmem_shared>> -> memref<16x128xf32, #tpu.memory_space<vmem_shared>>
      tpu.wait_dma2 semaphore(%run_scoped3A_499 : memref<!tpu.dma_semaphore, #tpu.memory_space<semaphore_mem>>) src(%arg13 : memref<16x128xf32, #tpu.memory_space<vmem>>) dst(%dma_wait3A_507 : memref<16x128xf32, #tpu.memory_space<vmem_shared>>)
      tpu.yield
    }) : () -> ()
    %mul3A_83 = arith.constant 640 : i32
    %mul3A_84 = arith.muli %arg1, %mul3A_83 : i32
    %add3A_85 = arith.constant 304 : i32
    %add3A_86 = arith.addi %mul3A_84, %add3A_85 : i32
    "tpu.region"() ({
      %run_scoped3A_499 = tpu.sem_alloc : memref<!tpu.dma_semaphore, #tpu.memory_space<semaphore_mem>>
      %dma_start3A_500 = arith.constant 0 : i32
      %dma_start3A_501 = tpu.memref_slice %arg14[%add3A_86, %dma_start3A_500] : memref<10240x128xf32, #tpu.memory_space<vmem_shared>> -> memref<16x128xf32, #tpu.memory_space<vmem_shared>>
      %dma_start3A_502 = arith.constant 0 : i32
      %dma_start3A_503 = tpu.memref_slice %arg14[%add3A_86, %dma_start3A_502] : memref<10240x128xf32, #tpu.memory_space<vmem_shared>> -> memref<16x128xf32, #tpu.memory_space<vmem_shared>>
      tpu.enqueue_dma source(%arg13 : memref<16x128xf32, #tpu.memory_space<vmem>>) target(%dma_start3A_503 : memref<16x128xf32, #tpu.memory_space<vmem_shared>>) target_semaphore(%run_scoped3A_499 : memref<!tpu.dma_semaphore, #tpu.memory_space<semaphore_mem>>)
      %dma_wait3A_504 = arith.constant 0 : i32
      %dma_wait3A_505 = tpu.memref_slice %arg14[%add3A_86, %dma_wait3A_504] : memref<10240x128xf32, #tpu.memory_space<vmem_shared>> -> memref<16x128xf32, #tpu.memory_space<vmem_shared>>
      %dma_wait3A_506 = arith.constant 0 : i32
      %dma_wait3A_507 = tpu.memref_slice %arg14[%add3A_86, %dma_wait3A_506] : memref<10240x128xf32, #tpu.memory_space<vmem_shared>> -> memref<16x128xf32, #tpu.memory_space<vmem_shared>>
      tpu.wait_dma2 semaphore(%run_scoped3A_499 : memref<!tpu.dma_semaphore, #tpu.memory_space<semaphore_mem>>) src(%arg13 : memref<16x128xf32, #tpu.memory_space<vmem>>) dst(%dma_wait3A_507 : memref<16x128xf32, #tpu.memory_space<vmem_shared>>)
      tpu.yield
    }) : () -> ()
    %mul3A_87 = arith.constant 640 : i32
    %mul3A_88 = arith.muli %arg1, %mul3A_87 : i32
    %add3A_89 = arith.constant 320 : i32
    %add3A_90 = arith.addi %mul3A_88, %add3A_89 : i32
    "tpu.region"() ({
      %run_scoped3A_499 = tpu.sem_alloc : memref<!tpu.dma_semaphore, #tpu.memory_space<semaphore_mem>>
      %dma_start3A_500 = arith.constant 0 : i32
      %dma_start3A_501 = tpu.memref_slice %arg14[%add3A_90, %dma_start3A_500] : memref<10240x128xf32, #tpu.memory_space<vmem_shared>> -> memref<16x128xf32, #tpu.memory_space<vmem_shared>>
      %dma_start3A_502 = arith.constant 0 : i32
      %dma_start3A_503 = tpu.memref_slice %arg14[%add3A_90, %dma_start3A_502] : memref<10240x128xf32, #tpu.memory_space<vmem_shared>> -> memref<16x128xf32, #tpu.memory_space<vmem_shared>>
      tpu.enqueue_dma source(%arg13 : memref<16x128xf32, #tpu.memory_space<vmem>>) target(%dma_start3A_503 : memref<16x128xf32, #tpu.memory_space<vmem_shared>>) target_semaphore(%run_scoped3A_499 : memref<!tpu.dma_semaphore, #tpu.memory_space<semaphore_mem>>)
      %dma_wait3A_504 = arith.constant 0 : i32
      %dma_wait3A_505 = tpu.memref_slice %arg14[%add3A_90, %dma_wait3A_504] : memref<10240x128xf32, #tpu.memory_space<vmem_shared>> -> memref<16x128xf32, #tpu.memory_space<vmem_shared>>
      %dma_wait3A_506 = arith.constant 0 : i32
      %dma_wait3A_507 = tpu.memref_slice %arg14[%add3A_90, %dma_wait3A_506] : memref<10240x128xf32, #tpu.memory_space<vmem_shared>> -> memref<16x128xf32, #tpu.memory_space<vmem_shared>>
      tpu.wait_dma2 semaphore(%run_scoped3A_499 : memref<!tpu.dma_semaphore, #tpu.memory_space<semaphore_mem>>) src(%arg13 : memref<16x128xf32, #tpu.memory_space<vmem>>) dst(%dma_wait3A_507 : memref<16x128xf32, #tpu.memory_space<vmem_shared>>)
      tpu.yield
    }) : () -> ()
    %mul3A_91 = arith.constant 640 : i32
    %mul3A_92 = arith.muli %arg1, %mul3A_91 : i32
    %add3A_93 = arith.constant 336 : i32
    %add3A_94 = arith.addi %mul3A_92, %add3A_93 : i32
    "tpu.region"() ({
      %run_scoped3A_499 = tpu.sem_alloc : memref<!tpu.dma_semaphore, #tpu.memory_space<semaphore_mem>>
      %dma_start3A_500 = arith.constant 0 : i32
      %dma_start3A_501 = tpu.memref_slice %arg14[%add3A_94, %dma_start3A_500] : memref<10240x128xf32, #tpu.memory_space<vmem_shared>> -> memref<16x128xf32, #tpu.memory_space<vmem_shared>>
      %dma_start3A_502 = arith.constant 0 : i32
      %dma_start3A_503 = tpu.memref_slice %arg14[%add3A_94, %dma_start3A_502] : memref<10240x128xf32, #tpu.memory_space<vmem_shared>> -> memref<16x128xf32, #tpu.memory_space<vmem_shared>>
      tpu.enqueue_dma source(%arg13 : memref<16x128xf32, #tpu.memory_space<vmem>>) target(%dma_start3A_503 : memref<16x128xf32, #tpu.memory_space<vmem_shared>>) target_semaphore(%run_scoped3A_499 : memref<!tpu.dma_semaphore, #tpu.memory_space<semaphore_mem>>)
      %dma_wait3A_504 = arith.constant 0 : i32
      %dma_wait3A_505 = tpu.memref_slice %arg14[%add3A_94, %dma_wait3A_504] : memref<10240x128xf32, #tpu.memory_space<vmem_shared>> -> memref<16x128xf32, #tpu.memory_space<vmem_shared>>
      %dma_wait3A_506 = arith.constant 0 : i32
      %dma_wait3A_507 = tpu.memref_slice %arg14[%add3A_94, %dma_wait3A_506] : memref<10240x128xf32, #tpu.memory_space<vmem_shared>> -> memref<16x128xf32, #tpu.memory_space<vmem_shared>>
      tpu.wait_dma2 semaphore(%run_scoped3A_499 : memref<!tpu.dma_semaphore, #tpu.memory_space<semaphore_mem>>) src(%arg13 : memref<16x128xf32, #tpu.memory_space<vmem>>) dst(%dma_wait3A_507 : memref<16x128xf32, #tpu.memory_space<vmem_shared>>)
      tpu.yield
    }) : () -> ()
    %mul3A_95 = arith.constant 640 : i32
    %mul3A_96 = arith.muli %arg1, %mul3A_95 : i32
    %add3A_97 = arith.constant 352 : i32
    %add3A_98 = arith.addi %mul3A_96, %add3A_97 : i32
    "tpu.region"() ({
      %run_scoped3A_499 = tpu.sem_alloc : memref<!tpu.dma_semaphore, #tpu.memory_space<semaphore_mem>>
      %dma_start3A_500 = arith.constant 0 : i32
      %dma_start3A_501 = tpu.memref_slice %arg14[%add3A_98, %dma_start3A_500] : memref<10240x128xf32, #tpu.memory_space<vmem_shared>> -> memref<16x128xf32, #tpu.memory_space<vmem_shared>>
      %dma_start3A_502 = arith.constant 0 : i32
      %dma_start3A_503 = tpu.memref_slice %arg14[%add3A_98, %dma_start3A_502] : memref<10240x128xf32, #tpu.memory_space<vmem_shared>> -> memref<16x128xf32, #tpu.memory_space<vmem_shared>>
      tpu.enqueue_dma source(%arg13 : memref<16x128xf32, #tpu.memory_space<vmem>>) target(%dma_start3A_503 : memref<16x128xf32, #tpu.memory_space<vmem_shared>>) target_semaphore(%run_scoped3A_499 : memref<!tpu.dma_semaphore, #tpu.memory_space<semaphore_mem>>)
      %dma_wait3A_504 = arith.constant 0 : i32
      %dma_wait3A_505 = tpu.memref_slice %arg14[%add3A_98, %dma_wait3A_504] : memref<10240x128xf32, #tpu.memory_space<vmem_shared>> -> memref<16x128xf32, #tpu.memory_space<vmem_shared>>
      %dma_wait3A_506 = arith.constant 0 : i32
      %dma_wait3A_507 = tpu.memref_slice %arg14[%add3A_98, %dma_wait3A_506] : memref<10240x128xf32, #tpu.memory_space<vmem_shared>> -> memref<16x128xf32, #tpu.memory_space<vmem_shared>>
      tpu.wait_dma2 semaphore(%run_scoped3A_499 : memref<!tpu.dma_semaphore, #tpu.memory_space<semaphore_mem>>) src(%arg13 : memref<16x128xf32, #tpu.memory_space<vmem>>) dst(%dma_wait3A_507 : memref<16x128xf32, #tpu.memory_space<vmem_shared>>)
      tpu.yield
    }) : () -> ()
    %mul3A_99 = arith.constant 640 : i32
    %mul3A_100 = arith.muli %arg1, %mul3A_99 : i32
    %add3A_101 = arith.constant 368 : i32
    %add3A_102 = arith.addi %mul3A_100, %add3A_101 : i32
    "tpu.region"() ({
      %run_scoped3A_499 = tpu.sem_alloc : memref<!tpu.dma_semaphore, #tpu.memory_space<semaphore_mem>>
      %dma_start3A_500 = arith.constant 0 : i32
      %dma_start3A_501 = tpu.memref_slice %arg14[%add3A_102, %dma_start3A_500] : memref<10240x128xf32, #tpu.memory_space<vmem_shared>> -> memref<16x128xf32, #tpu.memory_space<vmem_shared>>
      %dma_start3A_502 = arith.constant 0 : i32
      %dma_start3A_503 = tpu.memref_slice %arg14[%add3A_102, %dma_start3A_502] : memref<10240x128xf32, #tpu.memory_space<vmem_shared>> -> memref<16x128xf32, #tpu.memory_space<vmem_shared>>
      tpu.enqueue_dma source(%arg13 : memref<16x128xf32, #tpu.memory_space<vmem>>) target(%dma_start3A_503 : memref<16x128xf32, #tpu.memory_space<vmem_shared>>) target_semaphore(%run_scoped3A_499 : memref<!tpu.dma_semaphore, #tpu.memory_space<semaphore_mem>>)
      %dma_wait3A_504 = arith.constant 0 : i32
      %dma_wait3A_505 = tpu.memref_slice %arg14[%add3A_102, %dma_wait3A_504] : memref<10240x128xf32, #tpu.memory_space<vmem_shared>> -> memref<16x128xf32, #tpu.memory_space<vmem_shared>>
      %dma_wait3A_506 = arith.constant 0 : i32
      %dma_wait3A_507 = tpu.memref_slice %arg14[%add3A_102, %dma_wait3A_506] : memref<10240x128xf32, #tpu.memory_space<vmem_shared>> -> memref<16x128xf32, #tpu.memory_space<vmem_shared>>
      tpu.wait_dma2 semaphore(%run_scoped3A_499 : memref<!tpu.dma_semaphore, #tpu.memory_space<semaphore_mem>>) src(%arg13 : memref<16x128xf32, #tpu.memory_space<vmem>>) dst(%dma_wait3A_507 : memref<16x128xf32, #tpu.memory_space<vmem_shared>>)
      tpu.yield
    }) : () -> ()
    %mul3A_103 = arith.constant 640 : i32
    %mul3A_104 = arith.muli %arg1, %mul3A_103 : i32
    %add3A_105 = arith.constant 384 : i32
    %add3A_106 = arith.addi %mul3A_104, %add3A_105 : i32
    "tpu.region"() ({
      %run_scoped3A_499 = tpu.sem_alloc : memref<!tpu.dma_semaphore, #tpu.memory_space<semaphore_mem>>
      %dma_start3A_500 = arith.constant 0 : i32
      %dma_start3A_501 = tpu.memref_slice %arg14[%add3A_106, %dma_start3A_500] : memref<10240x128xf32, #tpu.memory_space<vmem_shared>> -> memref<16x128xf32, #tpu.memory_space<vmem_shared>>
      %dma_start3A_502 = arith.constant 0 : i32
      %dma_start3A_503 = tpu.memref_slice %arg14[%add3A_106, %dma_start3A_502] : memref<10240x128xf32, #tpu.memory_space<vmem_shared>> -> memref<16x128xf32, #tpu.memory_space<vmem_shared>>
      tpu.enqueue_dma source(%arg13 : memref<16x128xf32, #tpu.memory_space<vmem>>) target(%dma_start3A_503 : memref<16x128xf32, #tpu.memory_space<vmem_shared>>) target_semaphore(%run_scoped3A_499 : memref<!tpu.dma_semaphore, #tpu.memory_space<semaphore_mem>>)
      %dma_wait3A_504 = arith.constant 0 : i32
      %dma_wait3A_505 = tpu.memref_slice %arg14[%add3A_106, %dma_wait3A_504] : memref<10240x128xf32, #tpu.memory_space<vmem_shared>> -> memref<16x128xf32, #tpu.memory_space<vmem_shared>>
      %dma_wait3A_506 = arith.constant 0 : i32
      %dma_wait3A_507 = tpu.memref_slice %arg14[%add3A_106, %dma_wait3A_506] : memref<10240x128xf32, #tpu.memory_space<vmem_shared>> -> memref<16x128xf32, #tpu.memory_space<vmem_shared>>
      tpu.wait_dma2 semaphore(%run_scoped3A_499 : memref<!tpu.dma_semaphore, #tpu.memory_space<semaphore_mem>>) src(%arg13 : memref<16x128xf32, #tpu.memory_space<vmem>>) dst(%dma_wait3A_507 : memref<16x128xf32, #tpu.memory_space<vmem_shared>>)
      tpu.yield
    }) : () -> ()
    %mul3A_107 = arith.constant 640 : i32
    %mul3A_108 = arith.muli %arg1, %mul3A_107 : i32
    %add3A_109 = arith.constant 400 : i32
    %add3A_110 = arith.addi %mul3A_108, %add3A_109 : i32
    "tpu.region"() ({
      %run_scoped3A_499 = tpu.sem_alloc : memref<!tpu.dma_semaphore, #tpu.memory_space<semaphore_mem>>
      %dma_start3A_500 = arith.constant 0 : i32
      %dma_start3A_501 = tpu.memref_slice %arg14[%add3A_110, %dma_start3A_500] : memref<10240x128xf32, #tpu.memory_space<vmem_shared>> -> memref<16x128xf32, #tpu.memory_space<vmem_shared>>
      %dma_start3A_502 = arith.constant 0 : i32
      %dma_start3A_503 = tpu.memref_slice %arg14[%add3A_110, %dma_start3A_502] : memref<10240x128xf32, #tpu.memory_space<vmem_shared>> -> memref<16x128xf32, #tpu.memory_space<vmem_shared>>
      tpu.enqueue_dma source(%arg13 : memref<16x128xf32, #tpu.memory_space<vmem>>) target(%dma_start3A_503 : memref<16x128xf32, #tpu.memory_space<vmem_shared>>) target_semaphore(%run_scoped3A_499 : memref<!tpu.dma_semaphore, #tpu.memory_space<semaphore_mem>>)
      %dma_wait3A_504 = arith.constant 0 : i32
      %dma_wait3A_505 = tpu.memref_slice %arg14[%add3A_110, %dma_wait3A_504] : memref<10240x128xf32, #tpu.memory_space<vmem_shared>> -> memref<16x128xf32, #tpu.memory_space<vmem_shared>>
      %dma_wait3A_506 = arith.constant 0 : i32
      %dma_wait3A_507 = tpu.memref_slice %arg14[%add3A_110, %dma_wait3A_506] : memref<10240x128xf32, #tpu.memory_space<vmem_shared>> -> memref<16x128xf32, #tpu.memory_space<vmem_shared>>
      tpu.wait_dma2 semaphore(%run_scoped3A_499 : memref<!tpu.dma_semaphore, #tpu.memory_space<semaphore_mem>>) src(%arg13 : memref<16x128xf32, #tpu.memory_space<vmem>>) dst(%dma_wait3A_507 : memref<16x128xf32, #tpu.memory_space<vmem_shared>>)
      tpu.yield
    }) : () -> ()
    %mul3A_111 = arith.constant 640 : i32
    %mul3A_112 = arith.muli %arg1, %mul3A_111 : i32
    %add3A_113 = arith.constant 416 : i32
    %add3A_114 = arith.addi %mul3A_112, %add3A_113 : i32
    "tpu.region"() ({
      %run_scoped3A_499 = tpu.sem_alloc : memref<!tpu.dma_semaphore, #tpu.memory_space<semaphore_mem>>
      %dma_start3A_500 = arith.constant 0 : i32
      %dma_start3A_501 = tpu.memref_slice %arg14[%add3A_114, %dma_start3A_500] : memref<10240x128xf32, #tpu.memory_space<vmem_shared>> -> memref<16x128xf32, #tpu.memory_space<vmem_shared>>
      %dma_start3A_502 = arith.constant 0 : i32
      %dma_start3A_503 = tpu.memref_slice %arg14[%add3A_114, %dma_start3A_502] : memref<10240x128xf32, #tpu.memory_space<vmem_shared>> -> memref<16x128xf32, #tpu.memory_space<vmem_shared>>
      tpu.enqueue_dma source(%arg13 : memref<16x128xf32, #tpu.memory_space<vmem>>) target(%dma_start3A_503 : memref<16x128xf32, #tpu.memory_space<vmem_shared>>) target_semaphore(%run_scoped3A_499 : memref<!tpu.dma_semaphore, #tpu.memory_space<semaphore_mem>>)
      %dma_wait3A_504 = arith.constant 0 : i32
      %dma_wait3A_505 = tpu.memref_slice %arg14[%add3A_114, %dma_wait3A_504] : memref<10240x128xf32, #tpu.memory_space<vmem_shared>> -> memref<16x128xf32, #tpu.memory_space<vmem_shared>>
      %dma_wait3A_506 = arith.constant 0 : i32
      %dma_wait3A_507 = tpu.memref_slice %arg14[%add3A_114, %dma_wait3A_506] : memref<10240x128xf32, #tpu.memory_space<vmem_shared>> -> memref<16x128xf32, #tpu.memory_space<vmem_shared>>
      tpu.wait_dma2 semaphore(%run_scoped3A_499 : memref<!tpu.dma_semaphore, #tpu.memory_space<semaphore_mem>>) src(%arg13 : memref<16x128xf32, #tpu.memory_space<vmem>>) dst(%dma_wait3A_507 : memref<16x128xf32, #tpu.memory_space<vmem_shared>>)
      tpu.yield
    }) : () -> ()
    %mul3A_115 = arith.constant 640 : i32
    %mul3A_116 = arith.muli %arg1, %mul3A_115 : i32
    %add3A_117 = arith.constant 432 : i32
    %add3A_118 = arith.addi %mul3A_116, %add3A_117 : i32
    "tpu.region"() ({
      %run_scoped3A_499 = tpu.sem_alloc : memref<!tpu.dma_semaphore, #tpu.memory_space<semaphore_mem>>
      %dma_start3A_500 = arith.constant 0 : i32
      %dma_start3A_501 = tpu.memref_slice %arg14[%add3A_118, %dma_start3A_500] : memref<10240x128xf32, #tpu.memory_space<vmem_shared>> -> memref<16x128xf32, #tpu.memory_space<vmem_shared>>
      %dma_start3A_502 = arith.constant 0 : i32
      %dma_start3A_503 = tpu.memref_slice %arg14[%add3A_118, %dma_start3A_502] : memref<10240x128xf32, #tpu.memory_space<vmem_shared>> -> memref<16x128xf32, #tpu.memory_space<vmem_shared>>
      tpu.enqueue_dma source(%arg13 : memref<16x128xf32, #tpu.memory_space<vmem>>) target(%dma_start3A_503 : memref<16x128xf32, #tpu.memory_space<vmem_shared>>) target_semaphore(%run_scoped3A_499 : memref<!tpu.dma_semaphore, #tpu.memory_space<semaphore_mem>>)
      %dma_wait3A_504 = arith.constant 0 : i32
      %dma_wait3A_505 = tpu.memref_slice %arg14[%add3A_118, %dma_wait3A_504] : memref<10240x128xf32, #tpu.memory_space<vmem_shared>> -> memref<16x128xf32, #tpu.memory_space<vmem_shared>>
      %dma_wait3A_506 = arith.constant 0 : i32
      %dma_wait3A_507 = tpu.memref_slice %arg14[%add3A_118, %dma_wait3A_506] : memref<10240x128xf32, #tpu.memory_space<vmem_shared>> -> memref<16x128xf32, #tpu.memory_space<vmem_shared>>
      tpu.wait_dma2 semaphore(%run_scoped3A_499 : memref<!tpu.dma_semaphore, #tpu.memory_space<semaphore_mem>>) src(%arg13 : memref<16x128xf32, #tpu.memory_space<vmem>>) dst(%dma_wait3A_507 : memref<16x128xf32, #tpu.memory_space<vmem_shared>>)
      tpu.yield
    }) : () -> ()
    %mul3A_119 = arith.constant 640 : i32
    %mul3A_120 = arith.muli %arg1, %mul3A_119 : i32
    %add3A_121 = arith.constant 448 : i32
    %add3A_122 = arith.addi %mul3A_120, %add3A_121 : i32
    "tpu.region"() ({
      %run_scoped3A_499 = tpu.sem_alloc : memref<!tpu.dma_semaphore, #tpu.memory_space<semaphore_mem>>
      %dma_start3A_500 = arith.constant 0 : i32
      %dma_start3A_501 = tpu.memref_slice %arg14[%add3A_122, %dma_start3A_500] : memref<10240x128xf32, #tpu.memory_space<vmem_shared>> -> memref<16x128xf32, #tpu.memory_space<vmem_shared>>
      %dma_start3A_502 = arith.constant 0 : i32
      %dma_start3A_503 = tpu.memref_slice %arg14[%add3A_122, %dma_start3A_502] : memref<10240x128xf32, #tpu.memory_space<vmem_shared>> -> memref<16x128xf32, #tpu.memory_space<vmem_shared>>
      tpu.enqueue_dma source(%arg13 : memref<16x128xf32, #tpu.memory_space<vmem>>) target(%dma_start3A_503 : memref<16x128xf32, #tpu.memory_space<vmem_shared>>) target_semaphore(%run_scoped3A_499 : memref<!tpu.dma_semaphore, #tpu.memory_space<semaphore_mem>>)
      %dma_wait3A_504 = arith.constant 0 : i32
      %dma_wait3A_505 = tpu.memref_slice %arg14[%add3A_122, %dma_wait3A_504] : memref<10240x128xf32, #tpu.memory_space<vmem_shared>> -> memref<16x128xf32, #tpu.memory_space<vmem_shared>>
      %dma_wait3A_506 = arith.constant 0 : i32
      %dma_wait3A_507 = tpu.memref_slice %arg14[%add3A_122, %dma_wait3A_506] : memref<10240x128xf32, #tpu.memory_space<vmem_shared>> -> memref<16x128xf32, #tpu.memory_space<vmem_shared>>
      tpu.wait_dma2 semaphore(%run_scoped3A_499 : memref<!tpu.dma_semaphore, #tpu.memory_space<semaphore_mem>>) src(%arg13 : memref<16x128xf32, #tpu.memory_space<vmem>>) dst(%dma_wait3A_507 : memref<16x128xf32, #tpu.memory_space<vmem_shared>>)
      tpu.yield
    }) : () -> ()
    %mul3A_123 = arith.constant 640 : i32
    %mul3A_124 = arith.muli %arg1, %mul3A_123 : i32
    %add3A_125 = arith.constant 464 : i32
    %add3A_126 = arith.addi %mul3A_124, %add3A_125 : i32
    "tpu.region"() ({
      %run_scoped3A_499 = tpu.sem_alloc : memref<!tpu.dma_semaphore, #tpu.memory_space<semaphore_mem>>
      %dma_start3A_500 = arith.constant 0 : i32
      %dma_start3A_501 = tpu.memref_slice %arg14[%add3A_126, %dma_start3A_500] : memref<10240x128xf32, #tpu.memory_space<vmem_shared>> -> memref<16x128xf32, #tpu.memory_space<vmem_shared>>
      %dma_start3A_502 = arith.constant 0 : i32
      %dma_start3A_503 = tpu.memref_slice %arg14[%add3A_126, %dma_start3A_502] : memref<10240x128xf32, #tpu.memory_space<vmem_shared>> -> memref<16x128xf32, #tpu.memory_space<vmem_shared>>
      tpu.enqueue_dma source(%arg13 : memref<16x128xf32, #tpu.memory_space<vmem>>) target(%dma_start3A_503 : memref<16x128xf32, #tpu.memory_space<vmem_shared>>) target_semaphore(%run_scoped3A_499 : memref<!tpu.dma_semaphore, #tpu.memory_space<semaphore_mem>>)
      %dma_wait3A_504 = arith.constant 0 : i32
      %dma_wait3A_505 = tpu.memref_slice %arg14[%add3A_126, %dma_wait3A_504] : memref<10240x128xf32, #tpu.memory_space<vmem_shared>> -> memref<16x128xf32, #tpu.memory_space<vmem_shared>>
      %dma_wait3A_506 = arith.constant 0 : i32
      %dma_wait3A_507 = tpu.memref_slice %arg14[%add3A_126, %dma_wait3A_506] : memref<10240x128xf32, #tpu.memory_space<vmem_shared>> -> memref<16x128xf32, #tpu.memory_space<vmem_shared>>
      tpu.wait_dma2 semaphore(%run_scoped3A_499 : memref<!tpu.dma_semaphore, #tpu.memory_space<semaphore_mem>>) src(%arg13 : memref<16x128xf32, #tpu.memory_space<vmem>>) dst(%dma_wait3A_507 : memref<16x128xf32, #tpu.memory_space<vmem_shared>>)
      tpu.yield
    }) : () -> ()
    %mul3A_127 = arith.constant 640 : i32
    %mul3A_128 = arith.muli %arg1, %mul3A_127 : i32
    %add3A_129 = arith.constant 480 : i32
    %add3A_130 = arith.addi %mul3A_128, %add3A_129 : i32
    "tpu.region"() ({
      %run_scoped3A_499 = tpu.sem_alloc : memref<!tpu.dma_semaphore, #tpu.memory_space<semaphore_mem>>
      %dma_start3A_500 = arith.constant 0 : i32
      %dma_start3A_501 = tpu.memref_slice %arg14[%add3A_130, %dma_start3A_500] : memref<10240x128xf32, #tpu.memory_space<vmem_shared>> -> memref<16x128xf32, #tpu.memory_space<vmem_shared>>
      %dma_start3A_502 = arith.constant 0 : i32
      %dma_start3A_503 = tpu.memref_slice %arg14[%add3A_130, %dma_start3A_502] : memref<10240x128xf32, #tpu.memory_space<vmem_shared>> -> memref<16x128xf32, #tpu.memory_space<vmem_shared>>
      tpu.enqueue_dma source(%arg13 : memref<16x128xf32, #tpu.memory_space<vmem>>) target(%dma_start3A_503 : memref<16x128xf32, #tpu.memory_space<vmem_shared>>) target_semaphore(%run_scoped3A_499 : memref<!tpu.dma_semaphore, #tpu.memory_space<semaphore_mem>>)
      %dma_wait3A_504 = arith.constant 0 : i32
      %dma_wait3A_505 = tpu.memref_slice %arg14[%add3A_130, %dma_wait3A_504] : memref<10240x128xf32, #tpu.memory_space<vmem_shared>> -> memref<16x128xf32, #tpu.memory_space<vmem_shared>>
      %dma_wait3A_506 = arith.constant 0 : i32
      %dma_wait3A_507 = tpu.memref_slice %arg14[%add3A_130, %dma_wait3A_506] : memref<10240x128xf32, #tpu.memory_space<vmem_shared>> -> memref<16x128xf32, #tpu.memory_space<vmem_shared>>
      tpu.wait_dma2 semaphore(%run_scoped3A_499 : memref<!tpu.dma_semaphore, #tpu.memory_space<semaphore_mem>>) src(%arg13 : memref<16x128xf32, #tpu.memory_space<vmem>>) dst(%dma_wait3A_507 : memref<16x128xf32, #tpu.memory_space<vmem_shared>>)
      tpu.yield
    }) : () -> ()
    %mul3A_131 = arith.constant 640 : i32
    %mul3A_132 = arith.muli %arg1, %mul3A_131 : i32
    %add3A_133 = arith.constant 496 : i32
    %add3A_134 = arith.addi %mul3A_132, %add3A_133 : i32
    "tpu.region"() ({
      %run_scoped3A_499 = tpu.sem_alloc : memref<!tpu.dma_semaphore, #tpu.memory_space<semaphore_mem>>
      %dma_start3A_500 = arith.constant 0 : i32
      %dma_start3A_501 = tpu.memref_slice %arg14[%add3A_134, %dma_start3A_500] : memref<10240x128xf32, #tpu.memory_space<vmem_shared>> -> memref<16x128xf32, #tpu.memory_space<vmem_shared>>
      %dma_start3A_502 = arith.constant 0 : i32
      %dma_start3A_503 = tpu.memref_slice %arg14[%add3A_134, %dma_start3A_502] : memref<10240x128xf32, #tpu.memory_space<vmem_shared>> -> memref<16x128xf32, #tpu.memory_space<vmem_shared>>
      tpu.enqueue_dma source(%arg13 : memref<16x128xf32, #tpu.memory_space<vmem>>) target(%dma_start3A_503 : memref<16x128xf32, #tpu.memory_space<vmem_shared>>) target_semaphore(%run_scoped3A_499 : memref<!tpu.dma_semaphore, #tpu.memory_space<semaphore_mem>>)
      %dma_wait3A_504 = arith.constant 0 : i32
      %dma_wait3A_505 = tpu.memref_slice %arg14[%add3A_134, %dma_wait3A_504] : memref<10240x128xf32, #tpu.memory_space<vmem_shared>> -> memref<16x128xf32, #tpu.memory_space<vmem_shared>>
      %dma_wait3A_506 = arith.constant 0 : i32
      %dma_wait3A_507 = tpu.memref_slice %arg14[%add3A_134, %dma_wait3A_506] : memref<10240x128xf32, #tpu.memory_space<vmem_shared>> -> memref<16x128xf32, #tpu.memory_space<vmem_shared>>
      tpu.wait_dma2 semaphore(%run_scoped3A_499 : memref<!tpu.dma_semaphore, #tpu.memory_space<semaphore_mem>>) src(%arg13 : memref<16x128xf32, #tpu.memory_space<vmem>>) dst(%dma_wait3A_507 : memref<16x128xf32, #tpu.memory_space<vmem_shared>>)
      tpu.yield
    }) : () -> ()
    %mul3A_135 = arith.constant 640 : i32
    %mul3A_136 = arith.muli %arg1, %mul3A_135 : i32
    %add3A_137 = arith.constant 512 : i32
    %add3A_138 = arith.addi %mul3A_136, %add3A_137 : i32
    "tpu.region"() ({
      %run_scoped3A_499 = tpu.sem_alloc : memref<!tpu.dma_semaphore, #tpu.memory_space<semaphore_mem>>
      %dma_start3A_500 = arith.constant 0 : i32
      %dma_start3A_501 = tpu.memref_slice %arg14[%add3A_138, %dma_start3A_500] : memref<10240x128xf32, #tpu.memory_space<vmem_shared>> -> memref<16x128xf32, #tpu.memory_space<vmem_shared>>
      %dma_start3A_502 = arith.constant 0 : i32
      %dma_start3A_503 = tpu.memref_slice %arg14[%add3A_138, %dma_start3A_502] : memref<10240x128xf32, #tpu.memory_space<vmem_shared>> -> memref<16x128xf32, #tpu.memory_space<vmem_shared>>
      tpu.enqueue_dma source(%arg13 : memref<16x128xf32, #tpu.memory_space<vmem>>) target(%dma_start3A_503 : memref<16x128xf32, #tpu.memory_space<vmem_shared>>) target_semaphore(%run_scoped3A_499 : memref<!tpu.dma_semaphore, #tpu.memory_space<semaphore_mem>>)
      %dma_wait3A_504 = arith.constant 0 : i32
      %dma_wait3A_505 = tpu.memref_slice %arg14[%add3A_138, %dma_wait3A_504] : memref<10240x128xf32, #tpu.memory_space<vmem_shared>> -> memref<16x128xf32, #tpu.memory_space<vmem_shared>>
      %dma_wait3A_506 = arith.constant 0 : i32
      %dma_wait3A_507 = tpu.memref_slice %arg14[%add3A_138, %dma_wait3A_506] : memref<10240x128xf32, #tpu.memory_space<vmem_shared>> -> memref<16x128xf32, #tpu.memory_space<vmem_shared>>
      tpu.wait_dma2 semaphore(%run_scoped3A_499 : memref<!tpu.dma_semaphore, #tpu.memory_space<semaphore_mem>>) src(%arg13 : memref<16x128xf32, #tpu.memory_space<vmem>>) dst(%dma_wait3A_507 : memref<16x128xf32, #tpu.memory_space<vmem_shared>>)
      tpu.yield
    }) : () -> ()
    %mul3A_139 = arith.constant 640 : i32
    %mul3A_140 = arith.muli %arg1, %mul3A_139 : i32
    %add3A_141 = arith.constant 528 : i32
    %add3A_142 = arith.addi %mul3A_140, %add3A_141 : i32
    "tpu.region"() ({
      %run_scoped3A_499 = tpu.sem_alloc : memref<!tpu.dma_semaphore, #tpu.memory_space<semaphore_mem>>
      %dma_start3A_500 = arith.constant 0 : i32
      %dma_start3A_501 = tpu.memref_slice %arg14[%add3A_142, %dma_start3A_500] : memref<10240x128xf32, #tpu.memory_space<vmem_shared>> -> memref<16x128xf32, #tpu.memory_space<vmem_shared>>
      %dma_start3A_502 = arith.constant 0 : i32
      %dma_start3A_503 = tpu.memref_slice %arg14[%add3A_142, %dma_start3A_502] : memref<10240x128xf32, #tpu.memory_space<vmem_shared>> -> memref<16x128xf32, #tpu.memory_space<vmem_shared>>
      tpu.enqueue_dma source(%arg13 : memref<16x128xf32, #tpu.memory_space<vmem>>) target(%dma_start3A_503 : memref<16x128xf32, #tpu.memory_space<vmem_shared>>) target_semaphore(%run_scoped3A_499 : memref<!tpu.dma_semaphore, #tpu.memory_space<semaphore_mem>>)
      %dma_wait3A_504 = arith.constant 0 : i32
      %dma_wait3A_505 = tpu.memref_slice %arg14[%add3A_142, %dma_wait3A_504] : memref<10240x128xf32, #tpu.memory_space<vmem_shared>> -> memref<16x128xf32, #tpu.memory_space<vmem_shared>>
      %dma_wait3A_506 = arith.constant 0 : i32
      %dma_wait3A_507 = tpu.memref_slice %arg14[%add3A_142, %dma_wait3A_506] : memref<10240x128xf32, #tpu.memory_space<vmem_shared>> -> memref<16x128xf32, #tpu.memory_space<vmem_shared>>
      tpu.wait_dma2 semaphore(%run_scoped3A_499 : memref<!tpu.dma_semaphore, #tpu.memory_space<semaphore_mem>>) src(%arg13 : memref<16x128xf32, #tpu.memory_space<vmem>>) dst(%dma_wait3A_507 : memref<16x128xf32, #tpu.memory_space<vmem_shared>>)
      tpu.yield
    }) : () -> ()
    %mul3A_143 = arith.constant 640 : i32
    %mul3A_144 = arith.muli %arg1, %mul3A_143 : i32
    %add3A_145 = arith.constant 544 : i32
    %add3A_146 = arith.addi %mul3A_144, %add3A_145 : i32
    "tpu.region"() ({
      %run_scoped3A_499 = tpu.sem_alloc : memref<!tpu.dma_semaphore, #tpu.memory_space<semaphore_mem>>
      %dma_start3A_500 = arith.constant 0 : i32
      %dma_start3A_501 = tpu.memref_slice %arg14[%add3A_146, %dma_start3A_500] : memref<10240x128xf32, #tpu.memory_space<vmem_shared>> -> memref<16x128xf32, #tpu.memory_space<vmem_shared>>
      %dma_start3A_502 = arith.constant 0 : i32
      %dma_start3A_503 = tpu.memref_slice %arg14[%add3A_146, %dma_start3A_502] : memref<10240x128xf32, #tpu.memory_space<vmem_shared>> -> memref<16x128xf32, #tpu.memory_space<vmem_shared>>
      tpu.enqueue_dma source(%arg13 : memref<16x128xf32, #tpu.memory_space<vmem>>) target(%dma_start3A_503 : memref<16x128xf32, #tpu.memory_space<vmem_shared>>) target_semaphore(%run_scoped3A_499 : memref<!tpu.dma_semaphore, #tpu.memory_space<semaphore_mem>>)
      %dma_wait3A_504 = arith.constant 0 : i32
      %dma_wait3A_505 = tpu.memref_slice %arg14[%add3A_146, %dma_wait3A_504] : memref<10240x128xf32, #tpu.memory_space<vmem_shared>> -> memref<16x128xf32, #tpu.memory_space<vmem_shared>>
      %dma_wait3A_506 = arith.constant 0 : i32
      %dma_wait3A_507 = tpu.memref_slice %arg14[%add3A_146, %dma_wait3A_506] : memref<10240x128xf32, #tpu.memory_space<vmem_shared>> -> memref<16x128xf32, #tpu.memory_space<vmem_shared>>
      tpu.wait_dma2 semaphore(%run_scoped3A_499 : memref<!tpu.dma_semaphore, #tpu.memory_space<semaphore_mem>>) src(%arg13 : memref<16x128xf32, #tpu.memory_space<vmem>>) dst(%dma_wait3A_507 : memref<16x128xf32, #tpu.memory_space<vmem_shared>>)
      tpu.yield
    }) : () -> ()
    %mul3A_147 = arith.constant 640 : i32
    %mul3A_148 = arith.muli %arg1, %mul3A_147 : i32
    %add3A_149 = arith.constant 560 : i32
    %add3A_150 = arith.addi %mul3A_148, %add3A_149 : i32
    "tpu.region"() ({
      %run_scoped3A_499 = tpu.sem_alloc : memref<!tpu.dma_semaphore, #tpu.memory_space<semaphore_mem>>
      %dma_start3A_500 = arith.constant 0 : i32
      %dma_start3A_501 = tpu.memref_slice %arg14[%add3A_150, %dma_start3A_500] : memref<10240x128xf32, #tpu.memory_space<vmem_shared>> -> memref<16x128xf32, #tpu.memory_space<vmem_shared>>
      %dma_start3A_502 = arith.constant 0 : i32
      %dma_start3A_503 = tpu.memref_slice %arg14[%add3A_150, %dma_start3A_502] : memref<10240x128xf32, #tpu.memory_space<vmem_shared>> -> memref<16x128xf32, #tpu.memory_space<vmem_shared>>
      tpu.enqueue_dma source(%arg13 : memref<16x128xf32, #tpu.memory_space<vmem>>) target(%dma_start3A_503 : memref<16x128xf32, #tpu.memory_space<vmem_shared>>) target_semaphore(%run_scoped3A_499 : memref<!tpu.dma_semaphore, #tpu.memory_space<semaphore_mem>>)
      %dma_wait3A_504 = arith.constant 0 : i32
      %dma_wait3A_505 = tpu.memref_slice %arg14[%add3A_150, %dma_wait3A_504] : memref<10240x128xf32, #tpu.memory_space<vmem_shared>> -> memref<16x128xf32, #tpu.memory_space<vmem_shared>>
      %dma_wait3A_506 = arith.constant 0 : i32
      %dma_wait3A_507 = tpu.memref_slice %arg14[%add3A_150, %dma_wait3A_506] : memref<10240x128xf32, #tpu.memory_space<vmem_shared>> -> memref<16x128xf32, #tpu.memory_space<vmem_shared>>
      tpu.wait_dma2 semaphore(%run_scoped3A_499 : memref<!tpu.dma_semaphore, #tpu.memory_space<semaphore_mem>>) src(%arg13 : memref<16x128xf32, #tpu.memory_space<vmem>>) dst(%dma_wait3A_507 : memref<16x128xf32, #tpu.memory_space<vmem_shared>>)
      tpu.yield
    }) : () -> ()
    %mul3A_151 = arith.constant 640 : i32
    %mul3A_152 = arith.muli %arg1, %mul3A_151 : i32
    %add3A_153 = arith.constant 576 : i32
    %add3A_154 = arith.addi %mul3A_152, %add3A_153 : i32
    "tpu.region"() ({
      %run_scoped3A_499 = tpu.sem_alloc : memref<!tpu.dma_semaphore, #tpu.memory_space<semaphore_mem>>
      %dma_start3A_500 = arith.constant 0 : i32
      %dma_start3A_501 = tpu.memref_slice %arg14[%add3A_154, %dma_start3A_500] : memref<10240x128xf32, #tpu.memory_space<vmem_shared>> -> memref<16x128xf32, #tpu.memory_space<vmem_shared>>
      %dma_start3A_502 = arith.constant 0 : i32
      %dma_start3A_503 = tpu.memref_slice %arg14[%add3A_154, %dma_start3A_502] : memref<10240x128xf32, #tpu.memory_space<vmem_shared>> -> memref<16x128xf32, #tpu.memory_space<vmem_shared>>
      tpu.enqueue_dma source(%arg13 : memref<16x128xf32, #tpu.memory_space<vmem>>) target(%dma_start3A_503 : memref<16x128xf32, #tpu.memory_space<vmem_shared>>) target_semaphore(%run_scoped3A_499 : memref<!tpu.dma_semaphore, #tpu.memory_space<semaphore_mem>>)
      %dma_wait3A_504 = arith.constant 0 : i32
      %dma_wait3A_505 = tpu.memref_slice %arg14[%add3A_154, %dma_wait3A_504] : memref<10240x128xf32, #tpu.memory_space<vmem_shared>> -> memref<16x128xf32, #tpu.memory_space<vmem_shared>>
      %dma_wait3A_506 = arith.constant 0 : i32
      %dma_wait3A_507 = tpu.memref_slice %arg14[%add3A_154, %dma_wait3A_506] : memref<10240x128xf32, #tpu.memory_space<vmem_shared>> -> memref<16x128xf32, #tpu.memory_space<vmem_shared>>
      tpu.wait_dma2 semaphore(%run_scoped3A_499 : memref<!tpu.dma_semaphore, #tpu.memory_space<semaphore_mem>>) src(%arg13 : memref<16x128xf32, #tpu.memory_space<vmem>>) dst(%dma_wait3A_507 : memref<16x128xf32, #tpu.memory_space<vmem_shared>>)
      tpu.yield
    }) : () -> ()
    %mul3A_155 = arith.constant 640 : i32
    %mul3A_156 = arith.muli %arg1, %mul3A_155 : i32
    %add3A_157 = arith.constant 592 : i32
    %add3A_158 = arith.addi %mul3A_156, %add3A_157 : i32
    "tpu.region"() ({
      %run_scoped3A_499 = tpu.sem_alloc : memref<!tpu.dma_semaphore, #tpu.memory_space<semaphore_mem>>
      %dma_start3A_500 = arith.constant 0 : i32
      %dma_start3A_501 = tpu.memref_slice %arg14[%add3A_158, %dma_start3A_500] : memref<10240x128xf32, #tpu.memory_space<vmem_shared>> -> memref<16x128xf32, #tpu.memory_space<vmem_shared>>
      %dma_start3A_502 = arith.constant 0 : i32
      %dma_start3A_503 = tpu.memref_slice %arg14[%add3A_158, %dma_start3A_502] : memref<10240x128xf32, #tpu.memory_space<vmem_shared>> -> memref<16x128xf32, #tpu.memory_space<vmem_shared>>
      tpu.enqueue_dma source(%arg13 : memref<16x128xf32, #tpu.memory_space<vmem>>) target(%dma_start3A_503 : memref<16x128xf32, #tpu.memory_space<vmem_shared>>) target_semaphore(%run_scoped3A_499 : memref<!tpu.dma_semaphore, #tpu.memory_space<semaphore_mem>>)
      %dma_wait3A_504 = arith.constant 0 : i32
      %dma_wait3A_505 = tpu.memref_slice %arg14[%add3A_158, %dma_wait3A_504] : memref<10240x128xf32, #tpu.memory_space<vmem_shared>> -> memref<16x128xf32, #tpu.memory_space<vmem_shared>>
      %dma_wait3A_506 = arith.constant 0 : i32
      %dma_wait3A_507 = tpu.memref_slice %arg14[%add3A_158, %dma_wait3A_506] : memref<10240x128xf32, #tpu.memory_space<vmem_shared>> -> memref<16x128xf32, #tpu.memory_space<vmem_shared>>
      tpu.wait_dma2 semaphore(%run_scoped3A_499 : memref<!tpu.dma_semaphore, #tpu.memory_space<semaphore_mem>>) src(%arg13 : memref<16x128xf32, #tpu.memory_space<vmem>>) dst(%dma_wait3A_507 : memref<16x128xf32, #tpu.memory_space<vmem_shared>>)
      tpu.yield
    }) : () -> ()
    %mul3A_159 = arith.constant 640 : i32
    %mul3A_160 = arith.muli %arg1, %mul3A_159 : i32
    %add3A_161 = arith.constant 608 : i32
    %add3A_162 = arith.addi %mul3A_160, %add3A_161 : i32
    "tpu.region"() ({
      %run_scoped3A_499 = tpu.sem_alloc : memref<!tpu.dma_semaphore, #tpu.memory_space<semaphore_mem>>
      %dma_start3A_500 = arith.constant 0 : i32
      %dma_start3A_501 = tpu.memref_slice %arg14[%add3A_162, %dma_start3A_500] : memref<10240x128xf32, #tpu.memory_space<vmem_shared>> -> memref<16x128xf32, #tpu.memory_space<vmem_shared>>
      %dma_start3A_502 = arith.constant 0 : i32
      %dma_start3A_503 = tpu.memref_slice %arg14[%add3A_162, %dma_start3A_502] : memref<10240x128xf32, #tpu.memory_space<vmem_shared>> -> memref<16x128xf32, #tpu.memory_space<vmem_shared>>
      tpu.enqueue_dma source(%arg13 : memref<16x128xf32, #tpu.memory_space<vmem>>) target(%dma_start3A_503 : memref<16x128xf32, #tpu.memory_space<vmem_shared>>) target_semaphore(%run_scoped3A_499 : memref<!tpu.dma_semaphore, #tpu.memory_space<semaphore_mem>>)
      %dma_wait3A_504 = arith.constant 0 : i32
      %dma_wait3A_505 = tpu.memref_slice %arg14[%add3A_162, %dma_wait3A_504] : memref<10240x128xf32, #tpu.memory_space<vmem_shared>> -> memref<16x128xf32, #tpu.memory_space<vmem_shared>>
      %dma_wait3A_506 = arith.constant 0 : i32
      %dma_wait3A_507 = tpu.memref_slice %arg14[%add3A_162, %dma_wait3A_506] : memref<10240x128xf32, #tpu.memory_space<vmem_shared>> -> memref<16x128xf32, #tpu.memory_space<vmem_shared>>
      tpu.wait_dma2 semaphore(%run_scoped3A_499 : memref<!tpu.dma_semaphore, #tpu.memory_space<semaphore_mem>>) src(%arg13 : memref<16x128xf32, #tpu.memory_space<vmem>>) dst(%dma_wait3A_507 : memref<16x128xf32, #tpu.memory_space<vmem_shared>>)
      tpu.yield
    }) : () -> ()
    %mul3A_163 = arith.constant 640 : i32
    %mul3A_164 = arith.muli %arg1, %mul3A_163 : i32
    %add3A_165 = arith.constant 624 : i32
    %add3A_166 = arith.addi %mul3A_164, %add3A_165 : i32
    "tpu.region"() ({
      %run_scoped3A_499 = tpu.sem_alloc : memref<!tpu.dma_semaphore, #tpu.memory_space<semaphore_mem>>
      %dma_start3A_500 = arith.constant 0 : i32
      %dma_start3A_501 = tpu.memref_slice %arg14[%add3A_166, %dma_start3A_500] : memref<10240x128xf32, #tpu.memory_space<vmem_shared>> -> memref<16x128xf32, #tpu.memory_space<vmem_shared>>
      %dma_start3A_502 = arith.constant 0 : i32
      %dma_start3A_503 = tpu.memref_slice %arg14[%add3A_166, %dma_start3A_502] : memref<10240x128xf32, #tpu.memory_space<vmem_shared>> -> memref<16x128xf32, #tpu.memory_space<vmem_shared>>
      tpu.enqueue_dma source(%arg13 : memref<16x128xf32, #tpu.memory_space<vmem>>) target(%dma_start3A_503 : memref<16x128xf32, #tpu.memory_space<vmem_shared>>) target_semaphore(%run_scoped3A_499 : memref<!tpu.dma_semaphore, #tpu.memory_space<semaphore_mem>>)
      %dma_wait3A_504 = arith.constant 0 : i32
      %dma_wait3A_505 = tpu.memref_slice %arg14[%add3A_166, %dma_wait3A_504] : memref<10240x128xf32, #tpu.memory_space<vmem_shared>> -> memref<16x128xf32, #tpu.memory_space<vmem_shared>>
      %dma_wait3A_506 = arith.constant 0 : i32
      %dma_wait3A_507 = tpu.memref_slice %arg14[%add3A_166, %dma_wait3A_506] : memref<10240x128xf32, #tpu.memory_space<vmem_shared>> -> memref<16x128xf32, #tpu.memory_space<vmem_shared>>
      tpu.wait_dma2 semaphore(%run_scoped3A_499 : memref<!tpu.dma_semaphore, #tpu.memory_space<semaphore_mem>>) src(%arg13 : memref<16x128xf32, #tpu.memory_space<vmem>>) dst(%dma_wait3A_507 : memref<16x128xf32, #tpu.memory_space<vmem_shared>>)
      tpu.yield
    }) : () -> ()
    %barrier3A = arith.constant 0 : index
    tpu.barrier barrier_id(%barrier3A)
    %mul3A_167 = arith.constant 80 : i32
    %mul3A_168 = arith.muli %add3A, %mul3A_167 : i32
    %add3A_169 = arith.constant 0 : i32
    %add3A_170 = arith.addi %mul3A_168, %add3A_169 : i32
    "tpu.region"() ({
      %run_scoped3A_499 = tpu.sem_alloc : memref<!tpu.dma_semaphore, #tpu.memory_space<semaphore_mem>>
      %dma_start3A_500 = arith.constant 0 : i32
      %dma_start3A_501 = tpu.memref_slice %arg2[%add3A_170, %dma_start3A_500] : memref<2560x125xi32, #tpu.memory_space<hbm>> -> memref<40x125xi32, #tpu.memory_space<hbm>>
      %dma_start3A_502 = arith.constant 0 : i32
      %dma_start3A_503 = tpu.memref_slice %arg2[%add3A_170, %dma_start3A_502] : memref<2560x125xi32, #tpu.memory_space<hbm>> -> memref<40x125xi32, #tpu.memory_space<hbm>>
      tpu.enqueue_dma source(%dma_start3A_503 : memref<40x125xi32, #tpu.memory_space<hbm>>) target(%arg9 : memref<40x125xi32, #tpu.memory_space<vmem>>) target_semaphore(%run_scoped3A_499 : memref<!tpu.dma_semaphore, #tpu.memory_space<semaphore_mem>>)
      %dma_wait3A_504 = arith.constant 0 : i32
      %dma_wait3A_505 = tpu.memref_slice %arg2[%add3A_170, %dma_wait3A_504] : memref<2560x125xi32, #tpu.memory_space<hbm>> -> memref<40x125xi32, #tpu.memory_space<hbm>>
      %dma_wait3A_506 = arith.constant 0 : i32
      %dma_wait3A_507 = tpu.memref_slice %arg2[%add3A_170, %dma_wait3A_506] : memref<2560x125xi32, #tpu.memory_space<hbm>> -> memref<40x125xi32, #tpu.memory_space<hbm>>
      tpu.wait_dma2 semaphore(%run_scoped3A_499 : memref<!tpu.dma_semaphore, #tpu.memory_space<semaphore_mem>>) src(%dma_wait3A_507 : memref<40x125xi32, #tpu.memory_space<hbm>>) dst(%arg9 : memref<40x125xi32, #tpu.memory_space<vmem>>)
      tpu.yield
    }) : () -> ()
    "tpu.region"() ({
      %run_scoped3A_499 = tpu.sem_alloc : memref<!tpu.dma_semaphore, #tpu.memory_space<semaphore_mem>>
      %dma_start3A_500 = arith.constant 0 : i32
      %dma_start3A_501 = tpu.memref_slice %arg3[%add3A_170, %dma_start3A_500] : memref<2560x125xi32, #tpu.memory_space<hbm>> -> memref<40x125xi32, #tpu.memory_space<hbm>>
      %dma_start3A_502 = arith.constant 0 : i32
      %dma_start3A_503 = tpu.memref_slice %arg3[%add3A_170, %dma_start3A_502] : memref<2560x125xi32, #tpu.memory_space<hbm>> -> memref<40x125xi32, #tpu.memory_space<hbm>>
      tpu.enqueue_dma source(%dma_start3A_503 : memref<40x125xi32, #tpu.memory_space<hbm>>) target(%arg10 : memref<40x125xi32, #tpu.memory_space<vmem>>) target_semaphore(%run_scoped3A_499 : memref<!tpu.dma_semaphore, #tpu.memory_space<semaphore_mem>>)
      %dma_wait3A_504 = arith.constant 0 : i32
      %dma_wait3A_505 = tpu.memref_slice %arg3[%add3A_170, %dma_wait3A_504] : memref<2560x125xi32, #tpu.memory_space<hbm>> -> memref<40x125xi32, #tpu.memory_space<hbm>>
      %dma_wait3A_506 = arith.constant 0 : i32
      %dma_wait3A_507 = tpu.memref_slice %arg3[%add3A_170, %dma_wait3A_506] : memref<2560x125xi32, #tpu.memory_space<hbm>> -> memref<40x125xi32, #tpu.memory_space<hbm>>
      tpu.wait_dma2 semaphore(%run_scoped3A_499 : memref<!tpu.dma_semaphore, #tpu.memory_space<semaphore_mem>>) src(%dma_wait3A_507 : memref<40x125xi32, #tpu.memory_space<hbm>>) dst(%arg10 : memref<40x125xi32, #tpu.memory_space<vmem>>)
      tpu.yield
    }) : () -> ()
    %dma_start3A = arith.constant 0 : i32
    %dma_start3A_171 = arith.constant 0 : i32
    %dma_start3A_172 = tpu.memref_slice %arg9[%dma_start3A, %dma_start3A_171] : memref<40x125xi32, #tpu.memory_space<vmem>> -> memref<1x125xi32, #tpu.memory_space<vmem>>
    %dma_start3A_173 = tpu.memref_squeeze %dma_start3A_172 : memref<1x125xi32, #tpu.memory_space<vmem>> -> memref<125xi32, #tpu.memory_space<vmem>>
    %dma_start3A_174 = arith.constant 0 : i32
    %dma_start3A_175 = arith.constant 0 : i32
    %dma_start3A_176 = tpu.memref_slice %arg6[%dma_start3A_174, %dma_start3A_175] : memref<10000x128xf32, #tpu.memory_space<hbm>> -> memref<10000x128xf32, #tpu.memory_space<hbm>>
    tpu.enqueue_indirect_dma source(%dma_start3A_176 : memref<10000x128xf32, #tpu.memory_space<hbm>>) target(%arg11 : memref<125x128xf32, #tpu.memory_space<vmem>>) offsets(%dma_start3A_173 : memref<125xi32, #tpu.memory_space<vmem>>) semaphore(%arg15 : memref<!tpu.dma_semaphore, #tpu.memory_space<semaphore_mem>>)
    %dma_start3A_177 = arith.constant 1 : i32
    %dma_start3A_178 = arith.constant 0 : i32
    %dma_start3A_179 = tpu.memref_slice %arg9[%dma_start3A_177, %dma_start3A_178] : memref<40x125xi32, #tpu.memory_space<vmem>> -> memref<1x125xi32, #tpu.memory_space<vmem>>
    %dma_start3A_180 = tpu.memref_squeeze %dma_start3A_179 : memref<1x125xi32, #tpu.memory_space<vmem>> -> memref<125xi32, #tpu.memory_space<vmem>>
    %dma_start3A_181 = arith.constant 0 : i32
    %dma_start3A_182 = arith.constant 0 : i32
    %dma_start3A_183 = tpu.memref_slice %arg6[%dma_start3A_181, %dma_start3A_182] : memref<10000x128xf32, #tpu.memory_space<hbm>> -> memref<10000x128xf32, #tpu.memory_space<hbm>>
    tpu.enqueue_indirect_dma source(%dma_start3A_183 : memref<10000x128xf32, #tpu.memory_space<hbm>>) target(%arg12 : memref<125x128xf32, #tpu.memory_space<vmem>>) offsets(%dma_start3A_180 : memref<125xi32, #tpu.memory_space<vmem>>) semaphore(%arg16 : memref<!tpu.dma_semaphore, #tpu.memory_space<semaphore_mem>>)
    %scan3A_184 = arith.constant 0 : i32
    %scan3A_185 = arith.constant 0 : i32
    %scan3A_186 = arith.constant 19 : i32
    %scan3A_187 = arith.addi %scan3A_185, %scan3A_186 : i32
    %scan3A_188 = arith.constant 1 : i32
    scf.for %scan3A_499 = %scan3A_185 to %scan3A_187 step %scan3A_188  : i32 {
      %mul3A_500 = arith.constant 2 : i32
      %mul3A_501 = arith.muli %mul3A_500, %scan3A_499 : i32
      %dma_wait3A_502 = arith.constant 0 : i32
      %dma_wait3A_503 = tpu.memref_slice %arg9[%mul3A_501, %dma_wait3A_502] : memref<40x125xi32, #tpu.memory_space<vmem>> -> memref<1x125xi32, #tpu.memory_space<vmem>>
      %dma_wait3A_504 = tpu.memref_squeeze %dma_wait3A_503 : memref<1x125xi32, #tpu.memory_space<vmem>> -> memref<125xi32, #tpu.memory_space<vmem>>
      %dma_wait3A_505 = arith.constant 0 : i32
      %dma_wait3A_506 = arith.constant 0 : i32
      %dma_wait3A_507 = tpu.memref_slice %arg6[%dma_wait3A_505, %dma_wait3A_506] : memref<10000x128xf32, #tpu.memory_space<hbm>> -> memref<10000x128xf32, #tpu.memory_space<hbm>>
      tpu.wait_indirect_dma semaphore(%arg15 : memref<!tpu.dma_semaphore, #tpu.memory_space<semaphore_mem>>) src(%dma_wait3A_507 : memref<10000x128xf32, #tpu.memory_space<hbm>>) dst(%arg11 : memref<125x128xf32, #tpu.memory_space<vmem>>)
      "tpu.region"() ({
        %run_scoped3A_534 = tpu.sem_alloc : memref<!tpu.dma_semaphore, #tpu.memory_space<semaphore_mem>>
        %dma_start3A_535 = arith.constant 0 : i32
        %dma_start3A_536 = tpu.memref_slice %arg10[%mul3A_501, %dma_start3A_535] : memref<40x125xi32, #tpu.memory_space<vmem>> -> memref<1x125xi32, #tpu.memory_space<vmem>>
        %dma_start3A_537 = tpu.memref_squeeze %dma_start3A_536 : memref<1x125xi32, #tpu.memory_space<vmem>> -> memref<125xi32, #tpu.memory_space<vmem>>
        %dma_start3A_538 = arith.constant 0 : i32
        %dma_start3A_539 = arith.constant 0 : i32
        %dma_start3A_540 = tpu.memref_slice %arg14[%dma_start3A_538, %dma_start3A_539] : memref<10240x128xf32, #tpu.memory_space<vmem_shared>> -> memref<10240x128xf32, #tpu.memory_space<vmem_shared>>
        tpu.enqueue_indirect_dma source(%arg11 : memref<125x128xf32, #tpu.memory_space<vmem>>) target(%dma_start3A_540 : memref<10240x128xf32, #tpu.memory_space<vmem_shared>>) offsets(%dma_start3A_537 : memref<125xi32, #tpu.memory_space<vmem>>) semaphore(%run_scoped3A_534 : memref<!tpu.dma_semaphore, #tpu.memory_space<semaphore_mem>>) {add = true}
        %dma_wait3A_541 = arith.constant 0 : i32
        %dma_wait3A_542 = tpu.memref_slice %arg10[%mul3A_501, %dma_wait3A_541] : memref<40x125xi32, #tpu.memory_space<vmem>> -> memref<1x125xi32, #tpu.memory_space<vmem>>
        %dma_wait3A_543 = tpu.memref_squeeze %dma_wait3A_542 : memref<1x125xi32, #tpu.memory_space<vmem>> -> memref<125xi32, #tpu.memory_space<vmem>>
        %dma_wait3A_544 = arith.constant 0 : i32
        %dma_wait3A_545 = arith.constant 0 : i32
        %dma_wait3A_546 = tpu.memref_slice %arg14[%dma_wait3A_544, %dma_wait3A_545] : memref<10240x128xf32, #tpu.memory_space<vmem_shared>> -> memref<10240x128xf32, #tpu.memory_space<vmem_shared>>
        tpu.wait_indirect_dma semaphore(%run_scoped3A_534 : memref<!tpu.dma_semaphore, #tpu.memory_space<semaphore_mem>>) src(%arg11 : memref<125x128xf32, #tpu.memory_space<vmem>>) dst(%dma_wait3A_546 : memref<10240x128xf32, #tpu.memory_space<vmem_shared>>)
        tpu.yield
      }) : () -> ()
      %add3A_508 = arith.constant 2 : i32
      %add3A_509 = arith.addi %mul3A_501, %add3A_508 : i32
      %dma_start3A_510 = arith.constant 0 : i32
      %dma_start3A_511 = tpu.memref_slice %arg9[%add3A_509, %dma_start3A_510] : memref<40x125xi32, #tpu.memory_space<vmem>> -> memref<1x125xi32, #tpu.memory_space<vmem>>
      %dma_start3A_512 = tpu.memref_squeeze %dma_start3A_511 : memref<1x125xi32, #tpu.memory_space<vmem>> -> memref<125xi32, #tpu.memory_space<vmem>>
      %dma_start3A_513 = arith.constant 0 : i32
      %dma_start3A_514 = arith.constant 0 : i32
      %dma_start3A_515 = tpu.memref_slice %arg6[%dma_start3A_513, %dma_start3A_514] : memref<10000x128xf32, #tpu.memory_space<hbm>> -> memref<10000x128xf32, #tpu.memory_space<hbm>>
      tpu.enqueue_indirect_dma source(%dma_start3A_515 : memref<10000x128xf32, #tpu.memory_space<hbm>>) target(%arg11 : memref<125x128xf32, #tpu.memory_space<vmem>>) offsets(%dma_start3A_512 : memref<125xi32, #tpu.memory_space<vmem>>) semaphore(%arg15 : memref<!tpu.dma_semaphore, #tpu.memory_space<semaphore_mem>>)
      %add3A_516 = arith.constant 1 : i32
      %add3A_517 = arith.addi %mul3A_501, %add3A_516 : i32
      %dma_wait3A_518 = arith.constant 0 : i32
      %dma_wait3A_519 = tpu.memref_slice %arg9[%add3A_517, %dma_wait3A_518] : memref<40x125xi32, #tpu.memory_space<vmem>> -> memref<1x125xi32, #tpu.memory_space<vmem>>
      %dma_wait3A_520 = tpu.memref_squeeze %dma_wait3A_519 : memref<1x125xi32, #tpu.memory_space<vmem>> -> memref<125xi32, #tpu.memory_space<vmem>>
      %dma_wait3A_521 = arith.constant 0 : i32
      %dma_wait3A_522 = arith.constant 0 : i32
      %dma_wait3A_523 = tpu.memref_slice %arg6[%dma_wait3A_521, %dma_wait3A_522] : memref<10000x128xf32, #tpu.memory_space<hbm>> -> memref<10000x128xf32, #tpu.memory_space<hbm>>
      tpu.wait_indirect_dma semaphore(%arg16 : memref<!tpu.dma_semaphore, #tpu.memory_space<semaphore_mem>>) src(%dma_wait3A_523 : memref<10000x128xf32, #tpu.memory_space<hbm>>) dst(%arg12 : memref<125x128xf32, #tpu.memory_space<vmem>>)
      %add3A_524 = arith.constant 1 : i32
      %add3A_525 = arith.addi %mul3A_501, %add3A_524 : i32
      "tpu.region"() ({
        %run_scoped3A_534 = tpu.sem_alloc : memref<!tpu.dma_semaphore, #tpu.memory_space<semaphore_mem>>
        %dma_start3A_535 = arith.constant 0 : i32
        %dma_start3A_536 = tpu.memref_slice %arg10[%add3A_525, %dma_start3A_535] : memref<40x125xi32, #tpu.memory_space<vmem>> -> memref<1x125xi32, #tpu.memory_space<vmem>>
        %dma_start3A_537 = tpu.memref_squeeze %dma_start3A_536 : memref<1x125xi32, #tpu.memory_space<vmem>> -> memref<125xi32, #tpu.memory_space<vmem>>
        %dma_start3A_538 = arith.constant 0 : i32
        %dma_start3A_539 = arith.constant 0 : i32
        %dma_start3A_540 = tpu.memref_slice %arg14[%dma_start3A_538, %dma_start3A_539] : memref<10240x128xf32, #tpu.memory_space<vmem_shared>> -> memref<10240x128xf32, #tpu.memory_space<vmem_shared>>
        tpu.enqueue_indirect_dma source(%arg12 : memref<125x128xf32, #tpu.memory_space<vmem>>) target(%dma_start3A_540 : memref<10240x128xf32, #tpu.memory_space<vmem_shared>>) offsets(%dma_start3A_537 : memref<125xi32, #tpu.memory_space<vmem>>) semaphore(%run_scoped3A_534 : memref<!tpu.dma_semaphore, #tpu.memory_space<semaphore_mem>>) {add = true}
        %dma_wait3A_541 = arith.constant 0 : i32
        %dma_wait3A_542 = tpu.memref_slice %arg10[%add3A_525, %dma_wait3A_541] : memref<40x125xi32, #tpu.memory_space<vmem>> -> memref<1x125xi32, #tpu.memory_space<vmem>>
        %dma_wait3A_543 = tpu.memref_squeeze %dma_wait3A_542 : memref<1x125xi32, #tpu.memory_space<vmem>> -> memref<125xi32, #tpu.memory_space<vmem>>
        %dma_wait3A_544 = arith.constant 0 : i32
        %dma_wait3A_545 = arith.constant 0 : i32
        %dma_wait3A_546 = tpu.memref_slice %arg14[%dma_wait3A_544, %dma_wait3A_545] : memref<10240x128xf32, #tpu.memory_space<vmem_shared>> -> memref<10240x128xf32, #tpu.memory_space<vmem_shared>>
        tpu.wait_indirect_dma semaphore(%run_scoped3A_534 : memref<!tpu.dma_semaphore, #tpu.memory_space<semaphore_mem>>) src(%arg12 : memref<125x128xf32, #tpu.memory_space<vmem>>) dst(%dma_wait3A_546 : memref<10240x128xf32, #tpu.memory_space<vmem_shared>>)
        tpu.yield
      }) : () -> ()
      %add3A_526 = arith.constant 3 : i32
      %add3A_527 = arith.addi %mul3A_501, %add3A_526 : i32
      %dma_start3A_528 = arith.constant 0 : i32
      %dma_start3A_529 = tpu.memref_slice %arg9[%add3A_527, %dma_start3A_528] : memref<40x125xi32, #tpu.memory_space<vmem>> -> memref<1x125xi32, #tpu.memory_space<vmem>>
      %dma_start3A_530 = tpu.memref_squeeze %dma_start3A_529 : memref<1x125xi32, #tpu.memory_space<vmem>> -> memref<125xi32, #tpu.memory_space<vmem>>
      %dma_start3A_531 = arith.constant 0 : i32
      %dma_start3A_532 = arith.constant 0 : i32
      %dma_start3A_533 = tpu.memref_slice %arg6[%dma_start3A_531, %dma_start3A_532] : memref<10000x128xf32, #tpu.memory_space<hbm>> -> memref<10000x128xf32, #tpu.memory_space<hbm>>
      tpu.enqueue_indirect_dma source(%dma_start3A_533 : memref<10000x128xf32, #tpu.memory_space<hbm>>) target(%arg12 : memref<125x128xf32, #tpu.memory_space<vmem>>) offsets(%dma_start3A_530 : memref<125xi32, #tpu.memory_space<vmem>>) semaphore(%arg16 : memref<!tpu.dma_semaphore, #tpu.memory_space<semaphore_mem>>)
    }
    %scan3A_189 = arith.constant 19 : i32
    %dma_wait3A = arith.constant 38 : i32
    %dma_wait3A_190 = arith.constant 0 : i32
    %dma_wait3A_191 = tpu.memref_slice %arg9[%dma_wait3A, %dma_wait3A_190] : memref<40x125xi32, #tpu.memory_space<vmem>> -> memref<1x125xi32, #tpu.memory_space<vmem>>
    %dma_wait3A_192 = tpu.memref_squeeze %dma_wait3A_191 : memref<1x125xi32, #tpu.memory_space<vmem>> -> memref<125xi32, #tpu.memory_space<vmem>>
    %dma_wait3A_193 = arith.constant 0 : i32
    %dma_wait3A_194 = arith.constant 0 : i32
    %dma_wait3A_195 = tpu.memref_slice %arg6[%dma_wait3A_193, %dma_wait3A_194] : memref<10000x128xf32, #tpu.memory_space<hbm>> -> memref<10000x128xf32, #tpu.memory_space<hbm>>
    tpu.wait_indirect_dma semaphore(%arg15 : memref<!tpu.dma_semaphore, #tpu.memory_space<semaphore_mem>>) src(%dma_wait3A_195 : memref<10000x128xf32, #tpu.memory_space<hbm>>) dst(%arg11 : memref<125x128xf32, #tpu.memory_space<vmem>>)
    %run_scoped3A = arith.constant 38 : i32
    "tpu.region"() ({
      %run_scoped3A_499 = tpu.sem_alloc : memref<!tpu.dma_semaphore, #tpu.memory_space<semaphore_mem>>
      %dma_start3A_500 = arith.constant 0 : i32
      %dma_start3A_501 = tpu.memref_slice %arg10[%run_scoped3A, %dma_start3A_500] : memref<40x125xi32, #tpu.memory_space<vmem>> -> memref<1x125xi32, #tpu.memory_space<vmem>>
      %dma_start3A_502 = tpu.memref_squeeze %dma_start3A_501 : memref<1x125xi32, #tpu.memory_space<vmem>> -> memref<125xi32, #tpu.memory_space<vmem>>
      %dma_start3A_503 = arith.constant 0 : i32
      %dma_start3A_504 = arith.constant 0 : i32
      %dma_start3A_505 = tpu.memref_slice %arg14[%dma_start3A_503, %dma_start3A_504] : memref<10240x128xf32, #tpu.memory_space<vmem_shared>> -> memref<10240x128xf32, #tpu.memory_space<vmem_shared>>
      tpu.enqueue_indirect_dma source(%arg11 : memref<125x128xf32, #tpu.memory_space<vmem>>) target(%dma_start3A_505 : memref<10240x128xf32, #tpu.memory_space<vmem_shared>>) offsets(%dma_start3A_502 : memref<125xi32, #tpu.memory_space<vmem>>) semaphore(%run_scoped3A_499 : memref<!tpu.dma_semaphore, #tpu.memory_space<semaphore_mem>>) {add = true}
      %dma_wait3A_506 = arith.constant 0 : i32
      %dma_wait3A_507 = tpu.memref_slice %arg10[%run_scoped3A, %dma_wait3A_506] : memref<40x125xi32, #tpu.memory_space<vmem>> -> memref<1x125xi32, #tpu.memory_space<vmem>>
      %dma_wait3A_508 = tpu.memref_squeeze %dma_wait3A_507 : memref<1x125xi32, #tpu.memory_space<vmem>> -> memref<125xi32, #tpu.memory_space<vmem>>
      %dma_wait3A_509 = arith.constant 0 : i32
      %dma_wait3A_510 = arith.constant 0 : i32
      %dma_wait3A_511 = tpu.memref_slice %arg14[%dma_wait3A_509, %dma_wait3A_510] : memref<10240x128xf32, #tpu.memory_space<vmem_shared>> -> memref<10240x128xf32, #tpu.memory_space<vmem_shared>>
      tpu.wait_indirect_dma semaphore(%run_scoped3A_499 : memref<!tpu.dma_semaphore, #tpu.memory_space<semaphore_mem>>) src(%arg11 : memref<125x128xf32, #tpu.memory_space<vmem>>) dst(%dma_wait3A_511 : memref<10240x128xf32, #tpu.memory_space<vmem_shared>>)
      tpu.yield
    }) : () -> ()
    %dma_wait3A_196 = arith.constant 39 : i32
    %dma_wait3A_197 = arith.constant 0 : i32
    %dma_wait3A_198 = tpu.memref_slice %arg9[%dma_wait3A_196, %dma_wait3A_197] : memref<40x125xi32, #tpu.memory_space<vmem>> -> memref<1x125xi32, #tpu.memory_space<vmem>>
    %dma_wait3A_199 = tpu.memref_squeeze %dma_wait3A_198 : memref<1x125xi32, #tpu.memory_space<vmem>> -> memref<125xi32, #tpu.memory_space<vmem>>
    %dma_wait3A_200 = arith.constant 0 : i32
    %dma_wait3A_201 = arith.constant 0 : i32
    %dma_wait3A_202 = tpu.memref_slice %arg6[%dma_wait3A_200, %dma_wait3A_201] : memref<10000x128xf32, #tpu.memory_space<hbm>> -> memref<10000x128xf32, #tpu.memory_space<hbm>>
    tpu.wait_indirect_dma semaphore(%arg16 : memref<!tpu.dma_semaphore, #tpu.memory_space<semaphore_mem>>) src(%dma_wait3A_202 : memref<10000x128xf32, #tpu.memory_space<hbm>>) dst(%arg12 : memref<125x128xf32, #tpu.memory_space<vmem>>)
    %run_scoped3A_203 = arith.constant 39 : i32
    "tpu.region"() ({
      %run_scoped3A_499 = tpu.sem_alloc : memref<!tpu.dma_semaphore, #tpu.memory_space<semaphore_mem>>
      %dma_start3A_500 = arith.constant 0 : i32
      %dma_start3A_501 = tpu.memref_slice %arg10[%run_scoped3A_203, %dma_start3A_500] : memref<40x125xi32, #tpu.memory_space<vmem>> -> memref<1x125xi32, #tpu.memory_space<vmem>>
      %dma_start3A_502 = tpu.memref_squeeze %dma_start3A_501 : memref<1x125xi32, #tpu.memory_space<vmem>> -> memref<125xi32, #tpu.memory_space<vmem>>
      %dma_start3A_503 = arith.constant 0 : i32
      %dma_start3A_504 = arith.constant 0 : i32
      %dma_start3A_505 = tpu.memref_slice %arg14[%dma_start3A_503, %dma_start3A_504] : memref<10240x128xf32, #tpu.memory_space<vmem_shared>> -> memref<10240x128xf32, #tpu.memory_space<vmem_shared>>
      tpu.enqueue_indirect_dma source(%arg12 : memref<125x128xf32, #tpu.memory_space<vmem>>) target(%dma_start3A_505 : memref<10240x128xf32, #tpu.memory_space<vmem_shared>>) offsets(%dma_start3A_502 : memref<125xi32, #tpu.memory_space<vmem>>) semaphore(%run_scoped3A_499 : memref<!tpu.dma_semaphore, #tpu.memory_space<semaphore_mem>>) {add = true}
      %dma_wait3A_506 = arith.constant 0 : i32
      %dma_wait3A_507 = tpu.memref_slice %arg10[%run_scoped3A_203, %dma_wait3A_506] : memref<40x125xi32, #tpu.memory_space<vmem>> -> memref<1x125xi32, #tpu.memory_space<vmem>>
      %dma_wait3A_508 = tpu.memref_squeeze %dma_wait3A_507 : memref<1x125xi32, #tpu.memory_space<vmem>> -> memref<125xi32, #tpu.memory_space<vmem>>
      %dma_wait3A_509 = arith.constant 0 : i32
      %dma_wait3A_510 = arith.constant 0 : i32
      %dma_wait3A_511 = tpu.memref_slice %arg14[%dma_wait3A_509, %dma_wait3A_510] : memref<10240x128xf32, #tpu.memory_space<vmem_shared>> -> memref<10240x128xf32, #tpu.memory_space<vmem_shared>>
      tpu.wait_indirect_dma semaphore(%run_scoped3A_499 : memref<!tpu.dma_semaphore, #tpu.memory_space<semaphore_mem>>) src(%arg12 : memref<125x128xf32, #tpu.memory_space<vmem>>) dst(%dma_wait3A_511 : memref<10240x128xf32, #tpu.memory_space<vmem_shared>>)
      tpu.yield
    }) : () -> ()
    %mul3A_204 = arith.constant 80 : i32
    %mul3A_205 = arith.muli %add3A, %mul3A_204 : i32
    %add3A_206 = arith.constant 40 : i32
    %add3A_207 = arith.addi %mul3A_205, %add3A_206 : i32
    "tpu.region"() ({
      %run_scoped3A_499 = tpu.sem_alloc : memref<!tpu.dma_semaphore, #tpu.memory_space<semaphore_mem>>
      %dma_start3A_500 = arith.constant 0 : i32
      %dma_start3A_501 = tpu.memref_slice %arg2[%add3A_207, %dma_start3A_500] : memref<2560x125xi32, #tpu.memory_space<hbm>> -> memref<40x125xi32, #tpu.memory_space<hbm>>
      %dma_start3A_502 = arith.constant 0 : i32
      %dma_start3A_503 = tpu.memref_slice %arg2[%add3A_207, %dma_start3A_502] : memref<2560x125xi32, #tpu.memory_space<hbm>> -> memref<40x125xi32, #tpu.memory_space<hbm>>
      tpu.enqueue_dma source(%dma_start3A_503 : memref<40x125xi32, #tpu.memory_space<hbm>>) target(%arg9 : memref<40x125xi32, #tpu.memory_space<vmem>>) target_semaphore(%run_scoped3A_499 : memref<!tpu.dma_semaphore, #tpu.memory_space<semaphore_mem>>)
      %dma_wait3A_504 = arith.constant 0 : i32
      %dma_wait3A_505 = tpu.memref_slice %arg2[%add3A_207, %dma_wait3A_504] : memref<2560x125xi32, #tpu.memory_space<hbm>> -> memref<40x125xi32, #tpu.memory_space<hbm>>
      %dma_wait3A_506 = arith.constant 0 : i32
      %dma_wait3A_507 = tpu.memref_slice %arg2[%add3A_207, %dma_wait3A_506] : memref<2560x125xi32, #tpu.memory_space<hbm>> -> memref<40x125xi32, #tpu.memory_space<hbm>>
      tpu.wait_dma2 semaphore(%run_scoped3A_499 : memref<!tpu.dma_semaphore, #tpu.memory_space<semaphore_mem>>) src(%dma_wait3A_507 : memref<40x125xi32, #tpu.memory_space<hbm>>) dst(%arg9 : memref<40x125xi32, #tpu.memory_space<vmem>>)
      tpu.yield
    }) : () -> ()
    "tpu.region"() ({
      %run_scoped3A_499 = tpu.sem_alloc : memref<!tpu.dma_semaphore, #tpu.memory_space<semaphore_mem>>
      %dma_start3A_500 = arith.constant 0 : i32
      %dma_start3A_501 = tpu.memref_slice %arg3[%add3A_207, %dma_start3A_500] : memref<2560x125xi32, #tpu.memory_space<hbm>> -> memref<40x125xi32, #tpu.memory_space<hbm>>
      %dma_start3A_502 = arith.constant 0 : i32
      %dma_start3A_503 = tpu.memref_slice %arg3[%add3A_207, %dma_start3A_502] : memref<2560x125xi32, #tpu.memory_space<hbm>> -> memref<40x125xi32, #tpu.memory_space<hbm>>
      tpu.enqueue_dma source(%dma_start3A_503 : memref<40x125xi32, #tpu.memory_space<hbm>>) target(%arg10 : memref<40x125xi32, #tpu.memory_space<vmem>>) target_semaphore(%run_scoped3A_499 : memref<!tpu.dma_semaphore, #tpu.memory_space<semaphore_mem>>)
      %dma_wait3A_504 = arith.constant 0 : i32
      %dma_wait3A_505 = tpu.memref_slice %arg3[%add3A_207, %dma_wait3A_504] : memref<2560x125xi32, #tpu.memory_space<hbm>> -> memref<40x125xi32, #tpu.memory_space<hbm>>
      %dma_wait3A_506 = arith.constant 0 : i32
      %dma_wait3A_507 = tpu.memref_slice %arg3[%add3A_207, %dma_wait3A_506] : memref<2560x125xi32, #tpu.memory_space<hbm>> -> memref<40x125xi32, #tpu.memory_space<hbm>>
      tpu.wait_dma2 semaphore(%run_scoped3A_499 : memref<!tpu.dma_semaphore, #tpu.memory_space<semaphore_mem>>) src(%dma_wait3A_507 : memref<40x125xi32, #tpu.memory_space<hbm>>) dst(%arg10 : memref<40x125xi32, #tpu.memory_space<vmem>>)
      tpu.yield
    }) : () -> ()
    %dma_start3A_208 = arith.constant 0 : i32
    %dma_start3A_209 = arith.constant 0 : i32
    %dma_start3A_210 = tpu.memref_slice %arg9[%dma_start3A_208, %dma_start3A_209] : memref<40x125xi32, #tpu.memory_space<vmem>> -> memref<1x125xi32, #tpu.memory_space<vmem>>
    %dma_start3A_211 = tpu.memref_squeeze %dma_start3A_210 : memref<1x125xi32, #tpu.memory_space<vmem>> -> memref<125xi32, #tpu.memory_space<vmem>>
    %dma_start3A_212 = arith.constant 0 : i32
    %dma_start3A_213 = arith.constant 0 : i32
    %dma_start3A_214 = tpu.memref_slice %arg6[%dma_start3A_212, %dma_start3A_213] : memref<10000x128xf32, #tpu.memory_space<hbm>> -> memref<10000x128xf32, #tpu.memory_space<hbm>>
    tpu.enqueue_indirect_dma source(%dma_start3A_214 : memref<10000x128xf32, #tpu.memory_space<hbm>>) target(%arg11 : memref<125x128xf32, #tpu.memory_space<vmem>>) offsets(%dma_start3A_211 : memref<125xi32, #tpu.memory_space<vmem>>) semaphore(%arg15 : memref<!tpu.dma_semaphore, #tpu.memory_space<semaphore_mem>>)
    %dma_start3A_215 = arith.constant 1 : i32
    %dma_start3A_216 = arith.constant 0 : i32
    %dma_start3A_217 = tpu.memref_slice %arg9[%dma_start3A_215, %dma_start3A_216] : memref<40x125xi32, #tpu.memory_space<vmem>> -> memref<1x125xi32, #tpu.memory_space<vmem>>
    %dma_start3A_218 = tpu.memref_squeeze %dma_start3A_217 : memref<1x125xi32, #tpu.memory_space<vmem>> -> memref<125xi32, #tpu.memory_space<vmem>>
    %dma_start3A_219 = arith.constant 0 : i32
    %dma_start3A_220 = arith.constant 0 : i32
    %dma_start3A_221 = tpu.memref_slice %arg6[%dma_start3A_219, %dma_start3A_220] : memref<10000x128xf32, #tpu.memory_space<hbm>> -> memref<10000x128xf32, #tpu.memory_space<hbm>>
    tpu.enqueue_indirect_dma source(%dma_start3A_221 : memref<10000x128xf32, #tpu.memory_space<hbm>>) target(%arg12 : memref<125x128xf32, #tpu.memory_space<vmem>>) offsets(%dma_start3A_218 : memref<125xi32, #tpu.memory_space<vmem>>) semaphore(%arg16 : memref<!tpu.dma_semaphore, #tpu.memory_space<semaphore_mem>>)
    %scan3A_222 = arith.constant 0 : i32
    %scan3A_223 = arith.constant 0 : i32
    %scan3A_224 = arith.constant 19 : i32
    %scan3A_225 = arith.addi %scan3A_223, %scan3A_224 : i32
    %scan3A_226 = arith.constant 1 : i32
    scf.for %scan3A_499 = %scan3A_223 to %scan3A_225 step %scan3A_226  : i32 {
      %mul3A_500 = arith.constant 2 : i32
      %mul3A_501 = arith.muli %mul3A_500, %scan3A_499 : i32
      %dma_wait3A_502 = arith.constant 0 : i32
      %dma_wait3A_503 = tpu.memref_slice %arg9[%mul3A_501, %dma_wait3A_502] : memref<40x125xi32, #tpu.memory_space<vmem>> -> memref<1x125xi32, #tpu.memory_space<vmem>>
      %dma_wait3A_504 = tpu.memref_squeeze %dma_wait3A_503 : memref<1x125xi32, #tpu.memory_space<vmem>> -> memref<125xi32, #tpu.memory_space<vmem>>
      %dma_wait3A_505 = arith.constant 0 : i32
      %dma_wait3A_506 = arith.constant 0 : i32
      %dma_wait3A_507 = tpu.memref_slice %arg6[%dma_wait3A_505, %dma_wait3A_506] : memref<10000x128xf32, #tpu.memory_space<hbm>> -> memref<10000x128xf32, #tpu.memory_space<hbm>>
      tpu.wait_indirect_dma semaphore(%arg15 : memref<!tpu.dma_semaphore, #tpu.memory_space<semaphore_mem>>) src(%dma_wait3A_507 : memref<10000x128xf32, #tpu.memory_space<hbm>>) dst(%arg11 : memref<125x128xf32, #tpu.memory_space<vmem>>)
      "tpu.region"() ({
        %run_scoped3A_534 = tpu.sem_alloc : memref<!tpu.dma_semaphore, #tpu.memory_space<semaphore_mem>>
        %dma_start3A_535 = arith.constant 0 : i32
        %dma_start3A_536 = tpu.memref_slice %arg10[%mul3A_501, %dma_start3A_535] : memref<40x125xi32, #tpu.memory_space<vmem>> -> memref<1x125xi32, #tpu.memory_space<vmem>>
        %dma_start3A_537 = tpu.memref_squeeze %dma_start3A_536 : memref<1x125xi32, #tpu.memory_space<vmem>> -> memref<125xi32, #tpu.memory_space<vmem>>
        %dma_start3A_538 = arith.constant 0 : i32
        %dma_start3A_539 = arith.constant 0 : i32
        %dma_start3A_540 = tpu.memref_slice %arg14[%dma_start3A_538, %dma_start3A_539] : memref<10240x128xf32, #tpu.memory_space<vmem_shared>> -> memref<10240x128xf32, #tpu.memory_space<vmem_shared>>
        tpu.enqueue_indirect_dma source(%arg11 : memref<125x128xf32, #tpu.memory_space<vmem>>) target(%dma_start3A_540 : memref<10240x128xf32, #tpu.memory_space<vmem_shared>>) offsets(%dma_start3A_537 : memref<125xi32, #tpu.memory_space<vmem>>) semaphore(%run_scoped3A_534 : memref<!tpu.dma_semaphore, #tpu.memory_space<semaphore_mem>>) {add = true}
        %dma_wait3A_541 = arith.constant 0 : i32
        %dma_wait3A_542 = tpu.memref_slice %arg10[%mul3A_501, %dma_wait3A_541] : memref<40x125xi32, #tpu.memory_space<vmem>> -> memref<1x125xi32, #tpu.memory_space<vmem>>
        %dma_wait3A_543 = tpu.memref_squeeze %dma_wait3A_542 : memref<1x125xi32, #tpu.memory_space<vmem>> -> memref<125xi32, #tpu.memory_space<vmem>>
        %dma_wait3A_544 = arith.constant 0 : i32
        %dma_wait3A_545 = arith.constant 0 : i32
        %dma_wait3A_546 = tpu.memref_slice %arg14[%dma_wait3A_544, %dma_wait3A_545] : memref<10240x128xf32, #tpu.memory_space<vmem_shared>> -> memref<10240x128xf32, #tpu.memory_space<vmem_shared>>
        tpu.wait_indirect_dma semaphore(%run_scoped3A_534 : memref<!tpu.dma_semaphore, #tpu.memory_space<semaphore_mem>>) src(%arg11 : memref<125x128xf32, #tpu.memory_space<vmem>>) dst(%dma_wait3A_546 : memref<10240x128xf32, #tpu.memory_space<vmem_shared>>)
        tpu.yield
      }) : () -> ()
      %add3A_508 = arith.constant 2 : i32
      %add3A_509 = arith.addi %mul3A_501, %add3A_508 : i32
      %dma_start3A_510 = arith.constant 0 : i32
      %dma_start3A_511 = tpu.memref_slice %arg9[%add3A_509, %dma_start3A_510] : memref<40x125xi32, #tpu.memory_space<vmem>> -> memref<1x125xi32, #tpu.memory_space<vmem>>
      %dma_start3A_512 = tpu.memref_squeeze %dma_start3A_511 : memref<1x125xi32, #tpu.memory_space<vmem>> -> memref<125xi32, #tpu.memory_space<vmem>>
      %dma_start3A_513 = arith.constant 0 : i32
      %dma_start3A_514 = arith.constant 0 : i32
      %dma_start3A_515 = tpu.memref_slice %arg6[%dma_start3A_513, %dma_start3A_514] : memref<10000x128xf32, #tpu.memory_space<hbm>> -> memref<10000x128xf32, #tpu.memory_space<hbm>>
      tpu.enqueue_indirect_dma source(%dma_start3A_515 : memref<10000x128xf32, #tpu.memory_space<hbm>>) target(%arg11 : memref<125x128xf32, #tpu.memory_space<vmem>>) offsets(%dma_start3A_512 : memref<125xi32, #tpu.memory_space<vmem>>) semaphore(%arg15 : memref<!tpu.dma_semaphore, #tpu.memory_space<semaphore_mem>>)
      %add3A_516 = arith.constant 1 : i32
      %add3A_517 = arith.addi %mul3A_501, %add3A_516 : i32
      %dma_wait3A_518 = arith.constant 0 : i32
      %dma_wait3A_519 = tpu.memref_slice %arg9[%add3A_517, %dma_wait3A_518] : memref<40x125xi32, #tpu.memory_space<vmem>> -> memref<1x125xi32, #tpu.memory_space<vmem>>
      %dma_wait3A_520 = tpu.memref_squeeze %dma_wait3A_519 : memref<1x125xi32, #tpu.memory_space<vmem>> -> memref<125xi32, #tpu.memory_space<vmem>>
      %dma_wait3A_521 = arith.constant 0 : i32
      %dma_wait3A_522 = arith.constant 0 : i32
      %dma_wait3A_523 = tpu.memref_slice %arg6[%dma_wait3A_521, %dma_wait3A_522] : memref<10000x128xf32, #tpu.memory_space<hbm>> -> memref<10000x128xf32, #tpu.memory_space<hbm>>
      tpu.wait_indirect_dma semaphore(%arg16 : memref<!tpu.dma_semaphore, #tpu.memory_space<semaphore_mem>>) src(%dma_wait3A_523 : memref<10000x128xf32, #tpu.memory_space<hbm>>) dst(%arg12 : memref<125x128xf32, #tpu.memory_space<vmem>>)
      %add3A_524 = arith.constant 1 : i32
      %add3A_525 = arith.addi %mul3A_501, %add3A_524 : i32
      "tpu.region"() ({
        %run_scoped3A_534 = tpu.sem_alloc : memref<!tpu.dma_semaphore, #tpu.memory_space<semaphore_mem>>
        %dma_start3A_535 = arith.constant 0 : i32
        %dma_start3A_536 = tpu.memref_slice %arg10[%add3A_525, %dma_start3A_535] : memref<40x125xi32, #tpu.memory_space<vmem>> -> memref<1x125xi32, #tpu.memory_space<vmem>>
        %dma_start3A_537 = tpu.memref_squeeze %dma_start3A_536 : memref<1x125xi32, #tpu.memory_space<vmem>> -> memref<125xi32, #tpu.memory_space<vmem>>
        %dma_start3A_538 = arith.constant 0 : i32
        %dma_start3A_539 = arith.constant 0 : i32
        %dma_start3A_540 = tpu.memref_slice %arg14[%dma_start3A_538, %dma_start3A_539] : memref<10240x128xf32, #tpu.memory_space<vmem_shared>> -> memref<10240x128xf32, #tpu.memory_space<vmem_shared>>
        tpu.enqueue_indirect_dma source(%arg12 : memref<125x128xf32, #tpu.memory_space<vmem>>) target(%dma_start3A_540 : memref<10240x128xf32, #tpu.memory_space<vmem_shared>>) offsets(%dma_start3A_537 : memref<125xi32, #tpu.memory_space<vmem>>) semaphore(%run_scoped3A_534 : memref<!tpu.dma_semaphore, #tpu.memory_space<semaphore_mem>>) {add = true}
        %dma_wait3A_541 = arith.constant 0 : i32
        %dma_wait3A_542 = tpu.memref_slice %arg10[%add3A_525, %dma_wait3A_541] : memref<40x125xi32, #tpu.memory_space<vmem>> -> memref<1x125xi32, #tpu.memory_space<vmem>>
        %dma_wait3A_543 = tpu.memref_squeeze %dma_wait3A_542 : memref<1x125xi32, #tpu.memory_space<vmem>> -> memref<125xi32, #tpu.memory_space<vmem>>
        %dma_wait3A_544 = arith.constant 0 : i32
        %dma_wait3A_545 = arith.constant 0 : i32
        %dma_wait3A_546 = tpu.memref_slice %arg14[%dma_wait3A_544, %dma_wait3A_545] : memref<10240x128xf32, #tpu.memory_space<vmem_shared>> -> memref<10240x128xf32, #tpu.memory_space<vmem_shared>>
        tpu.wait_indirect_dma semaphore(%run_scoped3A_534 : memref<!tpu.dma_semaphore, #tpu.memory_space<semaphore_mem>>) src(%arg12 : memref<125x128xf32, #tpu.memory_space<vmem>>) dst(%dma_wait3A_546 : memref<10240x128xf32, #tpu.memory_space<vmem_shared>>)
        tpu.yield
      }) : () -> ()
      %add3A_526 = arith.constant 3 : i32
      %add3A_527 = arith.addi %mul3A_501, %add3A_526 : i32
      %dma_start3A_528 = arith.constant 0 : i32
      %dma_start3A_529 = tpu.memref_slice %arg9[%add3A_527, %dma_start3A_528] : memref<40x125xi32, #tpu.memory_space<vmem>> -> memref<1x125xi32, #tpu.memory_space<vmem>>
      %dma_start3A_530 = tpu.memref_squeeze %dma_start3A_529 : memref<1x125xi32, #tpu.memory_space<vmem>> -> memref<125xi32, #tpu.memory_space<vmem>>
      %dma_start3A_531 = arith.constant 0 : i32
      %dma_start3A_532 = arith.constant 0 : i32
      %dma_start3A_533 = tpu.memref_slice %arg6[%dma_start3A_531, %dma_start3A_532] : memref<10000x128xf32, #tpu.memory_space<hbm>> -> memref<10000x128xf32, #tpu.memory_space<hbm>>
      tpu.enqueue_indirect_dma source(%dma_start3A_533 : memref<10000x128xf32, #tpu.memory_space<hbm>>) target(%arg12 : memref<125x128xf32, #tpu.memory_space<vmem>>) offsets(%dma_start3A_530 : memref<125xi32, #tpu.memory_space<vmem>>) semaphore(%arg16 : memref<!tpu.dma_semaphore, #tpu.memory_space<semaphore_mem>>)
    }
    %scan3A_227 = arith.constant 19 : i32
    %dma_wait3A_228 = arith.constant 38 : i32
    %dma_wait3A_229 = arith.constant 0 : i32
    %dma_wait3A_230 = tpu.memref_slice %arg9[%dma_wait3A_228, %dma_wait3A_229] : memref<40x125xi32, #tpu.memory_space<vmem>> -> memref<1x125xi32, #tpu.memory_space<vmem>>
    %dma_wait3A_231 = tpu.memref_squeeze %dma_wait3A_230 : memref<1x125xi32, #tpu.memory_space<vmem>> -> memref<125xi32, #tpu.memory_space<vmem>>
    %dma_wait3A_232 = arith.constant 0 : i32
    %dma_wait3A_233 = arith.constant 0 : i32
    %dma_wait3A_234 = tpu.memref_slice %arg6[%dma_wait3A_232, %dma_wait3A_233] : memref<10000x128xf32, #tpu.memory_space<hbm>> -> memref<10000x128xf32, #tpu.memory_space<hbm>>
    tpu.wait_indirect_dma semaphore(%arg15 : memref<!tpu.dma_semaphore, #tpu.memory_space<semaphore_mem>>) src(%dma_wait3A_234 : memref<10000x128xf32, #tpu.memory_space<hbm>>) dst(%arg11 : memref<125x128xf32, #tpu.memory_space<vmem>>)
    %run_scoped3A_235 = arith.constant 38 : i32
    "tpu.region"() ({
      %run_scoped3A_499 = tpu.sem_alloc : memref<!tpu.dma_semaphore, #tpu.memory_space<semaphore_mem>>
      %dma_start3A_500 = arith.constant 0 : i32
      %dma_start3A_501 = tpu.memref_slice %arg10[%run_scoped3A_235, %dma_start3A_500] : memref<40x125xi32, #tpu.memory_space<vmem>> -> memref<1x125xi32, #tpu.memory_space<vmem>>
      %dma_start3A_502 = tpu.memref_squeeze %dma_start3A_501 : memref<1x125xi32, #tpu.memory_space<vmem>> -> memref<125xi32, #tpu.memory_space<vmem>>
      %dma_start3A_503 = arith.constant 0 : i32
      %dma_start3A_504 = arith.constant 0 : i32
      %dma_start3A_505 = tpu.memref_slice %arg14[%dma_start3A_503, %dma_start3A_504] : memref<10240x128xf32, #tpu.memory_space<vmem_shared>> -> memref<10240x128xf32, #tpu.memory_space<vmem_shared>>
      tpu.enqueue_indirect_dma source(%arg11 : memref<125x128xf32, #tpu.memory_space<vmem>>) target(%dma_start3A_505 : memref<10240x128xf32, #tpu.memory_space<vmem_shared>>) offsets(%dma_start3A_502 : memref<125xi32, #tpu.memory_space<vmem>>) semaphore(%run_scoped3A_499 : memref<!tpu.dma_semaphore, #tpu.memory_space<semaphore_mem>>) {add = true}
      %dma_wait3A_506 = arith.constant 0 : i32
      %dma_wait3A_507 = tpu.memref_slice %arg10[%run_scoped3A_235, %dma_wait3A_506] : memref<40x125xi32, #tpu.memory_space<vmem>> -> memref<1x125xi32, #tpu.memory_space<vmem>>
      %dma_wait3A_508 = tpu.memref_squeeze %dma_wait3A_507 : memref<1x125xi32, #tpu.memory_space<vmem>> -> memref<125xi32, #tpu.memory_space<vmem>>
      %dma_wait3A_509 = arith.constant 0 : i32
      %dma_wait3A_510 = arith.constant 0 : i32
      %dma_wait3A_511 = tpu.memref_slice %arg14[%dma_wait3A_509, %dma_wait3A_510] : memref<10240x128xf32, #tpu.memory_space<vmem_shared>> -> memref<10240x128xf32, #tpu.memory_space<vmem_shared>>
      tpu.wait_indirect_dma semaphore(%run_scoped3A_499 : memref<!tpu.dma_semaphore, #tpu.memory_space<semaphore_mem>>) src(%arg11 : memref<125x128xf32, #tpu.memory_space<vmem>>) dst(%dma_wait3A_511 : memref<10240x128xf32, #tpu.memory_space<vmem_shared>>)
      tpu.yield
    }) : () -> ()
    %dma_wait3A_236 = arith.constant 39 : i32
    %dma_wait3A_237 = arith.constant 0 : i32
    %dma_wait3A_238 = tpu.memref_slice %arg9[%dma_wait3A_236, %dma_wait3A_237] : memref<40x125xi32, #tpu.memory_space<vmem>> -> memref<1x125xi32, #tpu.memory_space<vmem>>
    %dma_wait3A_239 = tpu.memref_squeeze %dma_wait3A_238 : memref<1x125xi32, #tpu.memory_space<vmem>> -> memref<125xi32, #tpu.memory_space<vmem>>
    %dma_wait3A_240 = arith.constant 0 : i32
    %dma_wait3A_241 = arith.constant 0 : i32
    %dma_wait3A_242 = tpu.memref_slice %arg6[%dma_wait3A_240, %dma_wait3A_241] : memref<10000x128xf32, #tpu.memory_space<hbm>> -> memref<10000x128xf32, #tpu.memory_space<hbm>>
    tpu.wait_indirect_dma semaphore(%arg16 : memref<!tpu.dma_semaphore, #tpu.memory_space<semaphore_mem>>) src(%dma_wait3A_242 : memref<10000x128xf32, #tpu.memory_space<hbm>>) dst(%arg12 : memref<125x128xf32, #tpu.memory_space<vmem>>)
    %run_scoped3A_243 = arith.constant 39 : i32
    "tpu.region"() ({
      %run_scoped3A_499 = tpu.sem_alloc : memref<!tpu.dma_semaphore, #tpu.memory_space<semaphore_mem>>
      %dma_start3A_500 = arith.constant 0 : i32
      %dma_start3A_501 = tpu.memref_slice %arg10[%run_scoped3A_243, %dma_start3A_500] : memref<40x125xi32, #tpu.memory_space<vmem>> -> memref<1x125xi32, #tpu.memory_space<vmem>>
      %dma_start3A_502 = tpu.memref_squeeze %dma_start3A_501 : memref<1x125xi32, #tpu.memory_space<vmem>> -> memref<125xi32, #tpu.memory_space<vmem>>
      %dma_start3A_503 = arith.constant 0 : i32
      %dma_start3A_504 = arith.constant 0 : i32
      %dma_start3A_505 = tpu.memref_slice %arg14[%dma_start3A_503, %dma_start3A_504] : memref<10240x128xf32, #tpu.memory_space<vmem_shared>> -> memref<10240x128xf32, #tpu.memory_space<vmem_shared>>
      tpu.enqueue_indirect_dma source(%arg12 : memref<125x128xf32, #tpu.memory_space<vmem>>) target(%dma_start3A_505 : memref<10240x128xf32, #tpu.memory_space<vmem_shared>>) offsets(%dma_start3A_502 : memref<125xi32, #tpu.memory_space<vmem>>) semaphore(%run_scoped3A_499 : memref<!tpu.dma_semaphore, #tpu.memory_space<semaphore_mem>>) {add = true}
      %dma_wait3A_506 = arith.constant 0 : i32
      %dma_wait3A_507 = tpu.memref_slice %arg10[%run_scoped3A_243, %dma_wait3A_506] : memref<40x125xi32, #tpu.memory_space<vmem>> -> memref<1x125xi32, #tpu.memory_space<vmem>>
      %dma_wait3A_508 = tpu.memref_squeeze %dma_wait3A_507 : memref<1x125xi32, #tpu.memory_space<vmem>> -> memref<125xi32, #tpu.memory_space<vmem>>
      %dma_wait3A_509 = arith.constant 0 : i32
      %dma_wait3A_510 = arith.constant 0 : i32
      %dma_wait3A_511 = tpu.memref_slice %arg14[%dma_wait3A_509, %dma_wait3A_510] : memref<10240x128xf32, #tpu.memory_space<vmem_shared>> -> memref<10240x128xf32, #tpu.memory_space<vmem_shared>>
      tpu.wait_indirect_dma semaphore(%run_scoped3A_499 : memref<!tpu.dma_semaphore, #tpu.memory_space<semaphore_mem>>) src(%arg12 : memref<125x128xf32, #tpu.memory_space<vmem>>) dst(%dma_wait3A_511 : memref<10240x128xf32, #tpu.memory_space<vmem_shared>>)
      tpu.yield
    }) : () -> ()
    %barrier3A_244 = arith.constant 0 : index
    tpu.barrier barrier_id(%barrier3A_244)
    %mul3A_245 = arith.constant 640 : i32
    %mul3A_246 = arith.muli %arg1, %mul3A_245 : i32
    %mul3A_247 = arith.constant 640 : i32
    %mul3A_248 = arith.muli %arg1, %mul3A_247 : i32
    %run_scoped3A_249 = arith.constant 0 : i32
    "tpu.region"() ({
      %run_scoped3A_499 = tpu.sem_alloc : memref<!tpu.dma_semaphore, #tpu.memory_space<semaphore_mem>>
      %dma_start3A_500 = arith.constant 0 : i32
      %dma_start3A_501 = tpu.memref_slice %arg8[%run_scoped3A_249, %arg0, %mul3A_248, %dma_start3A_500] : memref<2x2x10240x128xf32, #tpu.memory_space<hbm>> -> memref<1x1x640x128xf32, #tpu.memory_space<hbm>>
      %dma_start3A_502 = tpu.memref_squeeze %dma_start3A_501 : memref<1x1x640x128xf32, #tpu.memory_space<hbm>> -> memref<640x128xf32, #tpu.memory_space<hbm>>
      %dma_start3A_503 = arith.constant 0 : i32
      %dma_start3A_504 = tpu.memref_slice %arg14[%mul3A_246, %dma_start3A_503] : memref<10240x128xf32, #tpu.memory_space<vmem_shared>> -> memref<640x128xf32, #tpu.memory_space<vmem_shared>>
      tpu.enqueue_dma source(%dma_start3A_504 : memref<640x128xf32, #tpu.memory_space<vmem_shared>>) target(%dma_start3A_502 : memref<640x128xf32, #tpu.memory_space<hbm>>) target_semaphore(%run_scoped3A_499 : memref<!tpu.dma_semaphore, #tpu.memory_space<semaphore_mem>>)
      %dma_wait3A_505 = arith.constant 0 : i32
      %dma_wait3A_506 = tpu.memref_slice %arg8[%run_scoped3A_249, %arg0, %mul3A_248, %dma_wait3A_505] : memref<2x2x10240x128xf32, #tpu.memory_space<hbm>> -> memref<1x1x640x128xf32, #tpu.memory_space<hbm>>
      %dma_wait3A_507 = tpu.memref_squeeze %dma_wait3A_506 : memref<1x1x640x128xf32, #tpu.memory_space<hbm>> -> memref<640x128xf32, #tpu.memory_space<hbm>>
      %dma_wait3A_508 = arith.constant 0 : i32
      %dma_wait3A_509 = tpu.memref_slice %arg14[%mul3A_246, %dma_wait3A_508] : memref<10240x128xf32, #tpu.memory_space<vmem_shared>> -> memref<640x128xf32, #tpu.memory_space<vmem_shared>>
      tpu.wait_dma2 semaphore(%run_scoped3A_499 : memref<!tpu.dma_semaphore, #tpu.memory_space<semaphore_mem>>) src(%dma_wait3A_509 : memref<640x128xf32, #tpu.memory_space<vmem_shared>>) dst(%dma_wait3A_507 : memref<640x128xf32, #tpu.memory_space<hbm>>)
      tpu.yield
    }) : () -> ()
    %barrier3A_250 = arith.constant 0 : index
    tpu.barrier barrier_id(%barrier3A_250)
    %mul3A_251 = arith.constant 640 : i32
    %mul3A_252 = arith.muli %arg1, %mul3A_251 : i32
    %add3A_253 = arith.constant 0 : i32
    %add3A_254 = arith.addi %mul3A_252, %add3A_253 : i32
    "tpu.region"() ({
      %run_scoped3A_499 = tpu.sem_alloc : memref<!tpu.dma_semaphore, #tpu.memory_space<semaphore_mem>>
      %dma_start3A_500 = arith.constant 0 : i32
      %dma_start3A_501 = tpu.memref_slice %arg14[%add3A_254, %dma_start3A_500] : memref<10240x128xf32, #tpu.memory_space<vmem_shared>> -> memref<16x128xf32, #tpu.memory_space<vmem_shared>>
      %dma_start3A_502 = arith.constant 0 : i32
      %dma_start3A_503 = tpu.memref_slice %arg14[%add3A_254, %dma_start3A_502] : memref<10240x128xf32, #tpu.memory_space<vmem_shared>> -> memref<16x128xf32, #tpu.memory_space<vmem_shared>>
      tpu.enqueue_dma source(%arg13 : memref<16x128xf32, #tpu.memory_space<vmem>>) target(%dma_start3A_503 : memref<16x128xf32, #tpu.memory_space<vmem_shared>>) target_semaphore(%run_scoped3A_499 : memref<!tpu.dma_semaphore, #tpu.memory_space<semaphore_mem>>)
      %dma_wait3A_504 = arith.constant 0 : i32
      %dma_wait3A_505 = tpu.memref_slice %arg14[%add3A_254, %dma_wait3A_504] : memref<10240x128xf32, #tpu.memory_space<vmem_shared>> -> memref<16x128xf32, #tpu.memory_space<vmem_shared>>
      %dma_wait3A_506 = arith.constant 0 : i32
      %dma_wait3A_507 = tpu.memref_slice %arg14[%add3A_254, %dma_wait3A_506] : memref<10240x128xf32, #tpu.memory_space<vmem_shared>> -> memref<16x128xf32, #tpu.memory_space<vmem_shared>>
      tpu.wait_dma2 semaphore(%run_scoped3A_499 : memref<!tpu.dma_semaphore, #tpu.memory_space<semaphore_mem>>) src(%arg13 : memref<16x128xf32, #tpu.memory_space<vmem>>) dst(%dma_wait3A_507 : memref<16x128xf32, #tpu.memory_space<vmem_shared>>)
      tpu.yield
    }) : () -> ()
    %mul3A_255 = arith.constant 640 : i32
    %mul3A_256 = arith.muli %arg1, %mul3A_255 : i32
    %add3A_257 = arith.constant 16 : i32
    %add3A_258 = arith.addi %mul3A_256, %add3A_257 : i32
    "tpu.region"() ({
      %run_scoped3A_499 = tpu.sem_alloc : memref<!tpu.dma_semaphore, #tpu.memory_space<semaphore_mem>>
      %dma_start3A_500 = arith.constant 0 : i32
      %dma_start3A_501 = tpu.memref_slice %arg14[%add3A_258, %dma_start3A_500] : memref<10240x128xf32, #tpu.memory_space<vmem_shared>> -> memref<16x128xf32, #tpu.memory_space<vmem_shared>>
      %dma_start3A_502 = arith.constant 0 : i32
      %dma_start3A_503 = tpu.memref_slice %arg14[%add3A_258, %dma_start3A_502] : memref<10240x128xf32, #tpu.memory_space<vmem_shared>> -> memref<16x128xf32, #tpu.memory_space<vmem_shared>>
      tpu.enqueue_dma source(%arg13 : memref<16x128xf32, #tpu.memory_space<vmem>>) target(%dma_start3A_503 : memref<16x128xf32, #tpu.memory_space<vmem_shared>>) target_semaphore(%run_scoped3A_499 : memref<!tpu.dma_semaphore, #tpu.memory_space<semaphore_mem>>)
      %dma_wait3A_504 = arith.constant 0 : i32
      %dma_wait3A_505 = tpu.memref_slice %arg14[%add3A_258, %dma_wait3A_504] : memref<10240x128xf32, #tpu.memory_space<vmem_shared>> -> memref<16x128xf32, #tpu.memory_space<vmem_shared>>
      %dma_wait3A_506 = arith.constant 0 : i32
      %dma_wait3A_507 = tpu.memref_slice %arg14[%add3A_258, %dma_wait3A_506] : memref<10240x128xf32, #tpu.memory_space<vmem_shared>> -> memref<16x128xf32, #tpu.memory_space<vmem_shared>>
      tpu.wait_dma2 semaphore(%run_scoped3A_499 : memref<!tpu.dma_semaphore, #tpu.memory_space<semaphore_mem>>) src(%arg13 : memref<16x128xf32, #tpu.memory_space<vmem>>) dst(%dma_wait3A_507 : memref<16x128xf32, #tpu.memory_space<vmem_shared>>)
      tpu.yield
    }) : () -> ()
    %mul3A_259 = arith.constant 640 : i32
    %mul3A_260 = arith.muli %arg1, %mul3A_259 : i32
    %add3A_261 = arith.constant 32 : i32
    %add3A_262 = arith.addi %mul3A_260, %add3A_261 : i32
    "tpu.region"() ({
      %run_scoped3A_499 = tpu.sem_alloc : memref<!tpu.dma_semaphore, #tpu.memory_space<semaphore_mem>>
      %dma_start3A_500 = arith.constant 0 : i32
      %dma_start3A_501 = tpu.memref_slice %arg14[%add3A_262, %dma_start3A_500] : memref<10240x128xf32, #tpu.memory_space<vmem_shared>> -> memref<16x128xf32, #tpu.memory_space<vmem_shared>>
      %dma_start3A_502 = arith.constant 0 : i32
      %dma_start3A_503 = tpu.memref_slice %arg14[%add3A_262, %dma_start3A_502] : memref<10240x128xf32, #tpu.memory_space<vmem_shared>> -> memref<16x128xf32, #tpu.memory_space<vmem_shared>>
      tpu.enqueue_dma source(%arg13 : memref<16x128xf32, #tpu.memory_space<vmem>>) target(%dma_start3A_503 : memref<16x128xf32, #tpu.memory_space<vmem_shared>>) target_semaphore(%run_scoped3A_499 : memref<!tpu.dma_semaphore, #tpu.memory_space<semaphore_mem>>)
      %dma_wait3A_504 = arith.constant 0 : i32
      %dma_wait3A_505 = tpu.memref_slice %arg14[%add3A_262, %dma_wait3A_504] : memref<10240x128xf32, #tpu.memory_space<vmem_shared>> -> memref<16x128xf32, #tpu.memory_space<vmem_shared>>
      %dma_wait3A_506 = arith.constant 0 : i32
      %dma_wait3A_507 = tpu.memref_slice %arg14[%add3A_262, %dma_wait3A_506] : memref<10240x128xf32, #tpu.memory_space<vmem_shared>> -> memref<16x128xf32, #tpu.memory_space<vmem_shared>>
      tpu.wait_dma2 semaphore(%run_scoped3A_499 : memref<!tpu.dma_semaphore, #tpu.memory_space<semaphore_mem>>) src(%arg13 : memref<16x128xf32, #tpu.memory_space<vmem>>) dst(%dma_wait3A_507 : memref<16x128xf32, #tpu.memory_space<vmem_shared>>)
      tpu.yield
    }) : () -> ()
    %mul3A_263 = arith.constant 640 : i32
    %mul3A_264 = arith.muli %arg1, %mul3A_263 : i32
    %add3A_265 = arith.constant 48 : i32
    %add3A_266 = arith.addi %mul3A_264, %add3A_265 : i32
    "tpu.region"() ({
      %run_scoped3A_499 = tpu.sem_alloc : memref<!tpu.dma_semaphore, #tpu.memory_space<semaphore_mem>>
      %dma_start3A_500 = arith.constant 0 : i32
      %dma_start3A_501 = tpu.memref_slice %arg14[%add3A_266, %dma_start3A_500] : memref<10240x128xf32, #tpu.memory_space<vmem_shared>> -> memref<16x128xf32, #tpu.memory_space<vmem_shared>>
      %dma_start3A_502 = arith.constant 0 : i32
      %dma_start3A_503 = tpu.memref_slice %arg14[%add3A_266, %dma_start3A_502] : memref<10240x128xf32, #tpu.memory_space<vmem_shared>> -> memref<16x128xf32, #tpu.memory_space<vmem_shared>>
      tpu.enqueue_dma source(%arg13 : memref<16x128xf32, #tpu.memory_space<vmem>>) target(%dma_start3A_503 : memref<16x128xf32, #tpu.memory_space<vmem_shared>>) target_semaphore(%run_scoped3A_499 : memref<!tpu.dma_semaphore, #tpu.memory_space<semaphore_mem>>)
      %dma_wait3A_504 = arith.constant 0 : i32
      %dma_wait3A_505 = tpu.memref_slice %arg14[%add3A_266, %dma_wait3A_504] : memref<10240x128xf32, #tpu.memory_space<vmem_shared>> -> memref<16x128xf32, #tpu.memory_space<vmem_shared>>
      %dma_wait3A_506 = arith.constant 0 : i32
      %dma_wait3A_507 = tpu.memref_slice %arg14[%add3A_266, %dma_wait3A_506] : memref<10240x128xf32, #tpu.memory_space<vmem_shared>> -> memref<16x128xf32, #tpu.memory_space<vmem_shared>>
      tpu.wait_dma2 semaphore(%run_scoped3A_499 : memref<!tpu.dma_semaphore, #tpu.memory_space<semaphore_mem>>) src(%arg13 : memref<16x128xf32, #tpu.memory_space<vmem>>) dst(%dma_wait3A_507 : memref<16x128xf32, #tpu.memory_space<vmem_shared>>)
      tpu.yield
    }) : () -> ()
    %mul3A_267 = arith.constant 640 : i32
    %mul3A_268 = arith.muli %arg1, %mul3A_267 : i32
    %add3A_269 = arith.constant 64 : i32
    %add3A_270 = arith.addi %mul3A_268, %add3A_269 : i32
    "tpu.region"() ({
      %run_scoped3A_499 = tpu.sem_alloc : memref<!tpu.dma_semaphore, #tpu.memory_space<semaphore_mem>>
      %dma_start3A_500 = arith.constant 0 : i32
      %dma_start3A_501 = tpu.memref_slice %arg14[%add3A_270, %dma_start3A_500] : memref<10240x128xf32, #tpu.memory_space<vmem_shared>> -> memref<16x128xf32, #tpu.memory_space<vmem_shared>>
      %dma_start3A_502 = arith.constant 0 : i32
      %dma_start3A_503 = tpu.memref_slice %arg14[%add3A_270, %dma_start3A_502] : memref<10240x128xf32, #tpu.memory_space<vmem_shared>> -> memref<16x128xf32, #tpu.memory_space<vmem_shared>>
      tpu.enqueue_dma source(%arg13 : memref<16x128xf32, #tpu.memory_space<vmem>>) target(%dma_start3A_503 : memref<16x128xf32, #tpu.memory_space<vmem_shared>>) target_semaphore(%run_scoped3A_499 : memref<!tpu.dma_semaphore, #tpu.memory_space<semaphore_mem>>)
      %dma_wait3A_504 = arith.constant 0 : i32
      %dma_wait3A_505 = tpu.memref_slice %arg14[%add3A_270, %dma_wait3A_504] : memref<10240x128xf32, #tpu.memory_space<vmem_shared>> -> memref<16x128xf32, #tpu.memory_space<vmem_shared>>
      %dma_wait3A_506 = arith.constant 0 : i32
      %dma_wait3A_507 = tpu.memref_slice %arg14[%add3A_270, %dma_wait3A_506] : memref<10240x128xf32, #tpu.memory_space<vmem_shared>> -> memref<16x128xf32, #tpu.memory_space<vmem_shared>>
      tpu.wait_dma2 semaphore(%run_scoped3A_499 : memref<!tpu.dma_semaphore, #tpu.memory_space<semaphore_mem>>) src(%arg13 : memref<16x128xf32, #tpu.memory_space<vmem>>) dst(%dma_wait3A_507 : memref<16x128xf32, #tpu.memory_space<vmem_shared>>)
      tpu.yield
    }) : () -> ()
    %mul3A_271 = arith.constant 640 : i32
    %mul3A_272 = arith.muli %arg1, %mul3A_271 : i32
    %add3A_273 = arith.constant 80 : i32
    %add3A_274 = arith.addi %mul3A_272, %add3A_273 : i32
    "tpu.region"() ({
      %run_scoped3A_499 = tpu.sem_alloc : memref<!tpu.dma_semaphore, #tpu.memory_space<semaphore_mem>>
      %dma_start3A_500 = arith.constant 0 : i32
      %dma_start3A_501 = tpu.memref_slice %arg14[%add3A_274, %dma_start3A_500] : memref<10240x128xf32, #tpu.memory_space<vmem_shared>> -> memref<16x128xf32, #tpu.memory_space<vmem_shared>>
      %dma_start3A_502 = arith.constant 0 : i32
      %dma_start3A_503 = tpu.memref_slice %arg14[%add3A_274, %dma_start3A_502] : memref<10240x128xf32, #tpu.memory_space<vmem_shared>> -> memref<16x128xf32, #tpu.memory_space<vmem_shared>>
      tpu.enqueue_dma source(%arg13 : memref<16x128xf32, #tpu.memory_space<vmem>>) target(%dma_start3A_503 : memref<16x128xf32, #tpu.memory_space<vmem_shared>>) target_semaphore(%run_scoped3A_499 : memref<!tpu.dma_semaphore, #tpu.memory_space<semaphore_mem>>)
      %dma_wait3A_504 = arith.constant 0 : i32
      %dma_wait3A_505 = tpu.memref_slice %arg14[%add3A_274, %dma_wait3A_504] : memref<10240x128xf32, #tpu.memory_space<vmem_shared>> -> memref<16x128xf32, #tpu.memory_space<vmem_shared>>
      %dma_wait3A_506 = arith.constant 0 : i32
      %dma_wait3A_507 = tpu.memref_slice %arg14[%add3A_274, %dma_wait3A_506] : memref<10240x128xf32, #tpu.memory_space<vmem_shared>> -> memref<16x128xf32, #tpu.memory_space<vmem_shared>>
      tpu.wait_dma2 semaphore(%run_scoped3A_499 : memref<!tpu.dma_semaphore, #tpu.memory_space<semaphore_mem>>) src(%arg13 : memref<16x128xf32, #tpu.memory_space<vmem>>) dst(%dma_wait3A_507 : memref<16x128xf32, #tpu.memory_space<vmem_shared>>)
      tpu.yield
    }) : () -> ()
    %mul3A_275 = arith.constant 640 : i32
    %mul3A_276 = arith.muli %arg1, %mul3A_275 : i32
    %add3A_277 = arith.constant 96 : i32
    %add3A_278 = arith.addi %mul3A_276, %add3A_277 : i32
    "tpu.region"() ({
      %run_scoped3A_499 = tpu.sem_alloc : memref<!tpu.dma_semaphore, #tpu.memory_space<semaphore_mem>>
      %dma_start3A_500 = arith.constant 0 : i32
      %dma_start3A_501 = tpu.memref_slice %arg14[%add3A_278, %dma_start3A_500] : memref<10240x128xf32, #tpu.memory_space<vmem_shared>> -> memref<16x128xf32, #tpu.memory_space<vmem_shared>>
      %dma_start3A_502 = arith.constant 0 : i32
      %dma_start3A_503 = tpu.memref_slice %arg14[%add3A_278, %dma_start3A_502] : memref<10240x128xf32, #tpu.memory_space<vmem_shared>> -> memref<16x128xf32, #tpu.memory_space<vmem_shared>>
      tpu.enqueue_dma source(%arg13 : memref<16x128xf32, #tpu.memory_space<vmem>>) target(%dma_start3A_503 : memref<16x128xf32, #tpu.memory_space<vmem_shared>>) target_semaphore(%run_scoped3A_499 : memref<!tpu.dma_semaphore, #tpu.memory_space<semaphore_mem>>)
      %dma_wait3A_504 = arith.constant 0 : i32
      %dma_wait3A_505 = tpu.memref_slice %arg14[%add3A_278, %dma_wait3A_504] : memref<10240x128xf32, #tpu.memory_space<vmem_shared>> -> memref<16x128xf32, #tpu.memory_space<vmem_shared>>
      %dma_wait3A_506 = arith.constant 0 : i32
      %dma_wait3A_507 = tpu.memref_slice %arg14[%add3A_278, %dma_wait3A_506] : memref<10240x128xf32, #tpu.memory_space<vmem_shared>> -> memref<16x128xf32, #tpu.memory_space<vmem_shared>>
      tpu.wait_dma2 semaphore(%run_scoped3A_499 : memref<!tpu.dma_semaphore, #tpu.memory_space<semaphore_mem>>) src(%arg13 : memref<16x128xf32, #tpu.memory_space<vmem>>) dst(%dma_wait3A_507 : memref<16x128xf32, #tpu.memory_space<vmem_shared>>)
      tpu.yield
    }) : () -> ()
    %mul3A_279 = arith.constant 640 : i32
    %mul3A_280 = arith.muli %arg1, %mul3A_279 : i32
    %add3A_281 = arith.constant 112 : i32
    %add3A_282 = arith.addi %mul3A_280, %add3A_281 : i32
    "tpu.region"() ({
      %run_scoped3A_499 = tpu.sem_alloc : memref<!tpu.dma_semaphore, #tpu.memory_space<semaphore_mem>>
      %dma_start3A_500 = arith.constant 0 : i32
      %dma_start3A_501 = tpu.memref_slice %arg14[%add3A_282, %dma_start3A_500] : memref<10240x128xf32, #tpu.memory_space<vmem_shared>> -> memref<16x128xf32, #tpu.memory_space<vmem_shared>>
      %dma_start3A_502 = arith.constant 0 : i32
      %dma_start3A_503 = tpu.memref_slice %arg14[%add3A_282, %dma_start3A_502] : memref<10240x128xf32, #tpu.memory_space<vmem_shared>> -> memref<16x128xf32, #tpu.memory_space<vmem_shared>>
      tpu.enqueue_dma source(%arg13 : memref<16x128xf32, #tpu.memory_space<vmem>>) target(%dma_start3A_503 : memref<16x128xf32, #tpu.memory_space<vmem_shared>>) target_semaphore(%run_scoped3A_499 : memref<!tpu.dma_semaphore, #tpu.memory_space<semaphore_mem>>)
      %dma_wait3A_504 = arith.constant 0 : i32
      %dma_wait3A_505 = tpu.memref_slice %arg14[%add3A_282, %dma_wait3A_504] : memref<10240x128xf32, #tpu.memory_space<vmem_shared>> -> memref<16x128xf32, #tpu.memory_space<vmem_shared>>
      %dma_wait3A_506 = arith.constant 0 : i32
      %dma_wait3A_507 = tpu.memref_slice %arg14[%add3A_282, %dma_wait3A_506] : memref<10240x128xf32, #tpu.memory_space<vmem_shared>> -> memref<16x128xf32, #tpu.memory_space<vmem_shared>>
      tpu.wait_dma2 semaphore(%run_scoped3A_499 : memref<!tpu.dma_semaphore, #tpu.memory_space<semaphore_mem>>) src(%arg13 : memref<16x128xf32, #tpu.memory_space<vmem>>) dst(%dma_wait3A_507 : memref<16x128xf32, #tpu.memory_space<vmem_shared>>)
      tpu.yield
    }) : () -> ()
    %mul3A_283 = arith.constant 640 : i32
    %mul3A_284 = arith.muli %arg1, %mul3A_283 : i32
    %add3A_285 = arith.constant 128 : i32
    %add3A_286 = arith.addi %mul3A_284, %add3A_285 : i32
    "tpu.region"() ({
      %run_scoped3A_499 = tpu.sem_alloc : memref<!tpu.dma_semaphore, #tpu.memory_space<semaphore_mem>>
      %dma_start3A_500 = arith.constant 0 : i32
      %dma_start3A_501 = tpu.memref_slice %arg14[%add3A_286, %dma_start3A_500] : memref<10240x128xf32, #tpu.memory_space<vmem_shared>> -> memref<16x128xf32, #tpu.memory_space<vmem_shared>>
      %dma_start3A_502 = arith.constant 0 : i32
      %dma_start3A_503 = tpu.memref_slice %arg14[%add3A_286, %dma_start3A_502] : memref<10240x128xf32, #tpu.memory_space<vmem_shared>> -> memref<16x128xf32, #tpu.memory_space<vmem_shared>>
      tpu.enqueue_dma source(%arg13 : memref<16x128xf32, #tpu.memory_space<vmem>>) target(%dma_start3A_503 : memref<16x128xf32, #tpu.memory_space<vmem_shared>>) target_semaphore(%run_scoped3A_499 : memref<!tpu.dma_semaphore, #tpu.memory_space<semaphore_mem>>)
      %dma_wait3A_504 = arith.constant 0 : i32
      %dma_wait3A_505 = tpu.memref_slice %arg14[%add3A_286, %dma_wait3A_504] : memref<10240x128xf32, #tpu.memory_space<vmem_shared>> -> memref<16x128xf32, #tpu.memory_space<vmem_shared>>
      %dma_wait3A_506 = arith.constant 0 : i32
      %dma_wait3A_507 = tpu.memref_slice %arg14[%add3A_286, %dma_wait3A_506] : memref<10240x128xf32, #tpu.memory_space<vmem_shared>> -> memref<16x128xf32, #tpu.memory_space<vmem_shared>>
      tpu.wait_dma2 semaphore(%run_scoped3A_499 : memref<!tpu.dma_semaphore, #tpu.memory_space<semaphore_mem>>) src(%arg13 : memref<16x128xf32, #tpu.memory_space<vmem>>) dst(%dma_wait3A_507 : memref<16x128xf32, #tpu.memory_space<vmem_shared>>)
      tpu.yield
    }) : () -> ()
    %mul3A_287 = arith.constant 640 : i32
    %mul3A_288 = arith.muli %arg1, %mul3A_287 : i32
    %add3A_289 = arith.constant 144 : i32
    %add3A_290 = arith.addi %mul3A_288, %add3A_289 : i32
    "tpu.region"() ({
      %run_scoped3A_499 = tpu.sem_alloc : memref<!tpu.dma_semaphore, #tpu.memory_space<semaphore_mem>>
      %dma_start3A_500 = arith.constant 0 : i32
      %dma_start3A_501 = tpu.memref_slice %arg14[%add3A_290, %dma_start3A_500] : memref<10240x128xf32, #tpu.memory_space<vmem_shared>> -> memref<16x128xf32, #tpu.memory_space<vmem_shared>>
      %dma_start3A_502 = arith.constant 0 : i32
      %dma_start3A_503 = tpu.memref_slice %arg14[%add3A_290, %dma_start3A_502] : memref<10240x128xf32, #tpu.memory_space<vmem_shared>> -> memref<16x128xf32, #tpu.memory_space<vmem_shared>>
      tpu.enqueue_dma source(%arg13 : memref<16x128xf32, #tpu.memory_space<vmem>>) target(%dma_start3A_503 : memref<16x128xf32, #tpu.memory_space<vmem_shared>>) target_semaphore(%run_scoped3A_499 : memref<!tpu.dma_semaphore, #tpu.memory_space<semaphore_mem>>)
      %dma_wait3A_504 = arith.constant 0 : i32
      %dma_wait3A_505 = tpu.memref_slice %arg14[%add3A_290, %dma_wait3A_504] : memref<10240x128xf32, #tpu.memory_space<vmem_shared>> -> memref<16x128xf32, #tpu.memory_space<vmem_shared>>
      %dma_wait3A_506 = arith.constant 0 : i32
      %dma_wait3A_507 = tpu.memref_slice %arg14[%add3A_290, %dma_wait3A_506] : memref<10240x128xf32, #tpu.memory_space<vmem_shared>> -> memref<16x128xf32, #tpu.memory_space<vmem_shared>>
      tpu.wait_dma2 semaphore(%run_scoped3A_499 : memref<!tpu.dma_semaphore, #tpu.memory_space<semaphore_mem>>) src(%arg13 : memref<16x128xf32, #tpu.memory_space<vmem>>) dst(%dma_wait3A_507 : memref<16x128xf32, #tpu.memory_space<vmem_shared>>)
      tpu.yield
    }) : () -> ()
    %mul3A_291 = arith.constant 640 : i32
    %mul3A_292 = arith.muli %arg1, %mul3A_291 : i32
    %add3A_293 = arith.constant 160 : i32
    %add3A_294 = arith.addi %mul3A_292, %add3A_293 : i32
    "tpu.region"() ({
      %run_scoped3A_499 = tpu.sem_alloc : memref<!tpu.dma_semaphore, #tpu.memory_space<semaphore_mem>>
      %dma_start3A_500 = arith.constant 0 : i32
      %dma_start3A_501 = tpu.memref_slice %arg14[%add3A_294, %dma_start3A_500] : memref<10240x128xf32, #tpu.memory_space<vmem_shared>> -> memref<16x128xf32, #tpu.memory_space<vmem_shared>>
      %dma_start3A_502 = arith.constant 0 : i32
      %dma_start3A_503 = tpu.memref_slice %arg14[%add3A_294, %dma_start3A_502] : memref<10240x128xf32, #tpu.memory_space<vmem_shared>> -> memref<16x128xf32, #tpu.memory_space<vmem_shared>>
      tpu.enqueue_dma source(%arg13 : memref<16x128xf32, #tpu.memory_space<vmem>>) target(%dma_start3A_503 : memref<16x128xf32, #tpu.memory_space<vmem_shared>>) target_semaphore(%run_scoped3A_499 : memref<!tpu.dma_semaphore, #tpu.memory_space<semaphore_mem>>)
      %dma_wait3A_504 = arith.constant 0 : i32
      %dma_wait3A_505 = tpu.memref_slice %arg14[%add3A_294, %dma_wait3A_504] : memref<10240x128xf32, #tpu.memory_space<vmem_shared>> -> memref<16x128xf32, #tpu.memory_space<vmem_shared>>
      %dma_wait3A_506 = arith.constant 0 : i32
      %dma_wait3A_507 = tpu.memref_slice %arg14[%add3A_294, %dma_wait3A_506] : memref<10240x128xf32, #tpu.memory_space<vmem_shared>> -> memref<16x128xf32, #tpu.memory_space<vmem_shared>>
      tpu.wait_dma2 semaphore(%run_scoped3A_499 : memref<!tpu.dma_semaphore, #tpu.memory_space<semaphore_mem>>) src(%arg13 : memref<16x128xf32, #tpu.memory_space<vmem>>) dst(%dma_wait3A_507 : memref<16x128xf32, #tpu.memory_space<vmem_shared>>)
      tpu.yield
    }) : () -> ()
    %mul3A_295 = arith.constant 640 : i32
    %mul3A_296 = arith.muli %arg1, %mul3A_295 : i32
    %add3A_297 = arith.constant 176 : i32
    %add3A_298 = arith.addi %mul3A_296, %add3A_297 : i32
    "tpu.region"() ({
      %run_scoped3A_499 = tpu.sem_alloc : memref<!tpu.dma_semaphore, #tpu.memory_space<semaphore_mem>>
      %dma_start3A_500 = arith.constant 0 : i32
      %dma_start3A_501 = tpu.memref_slice %arg14[%add3A_298, %dma_start3A_500] : memref<10240x128xf32, #tpu.memory_space<vmem_shared>> -> memref<16x128xf32, #tpu.memory_space<vmem_shared>>
      %dma_start3A_502 = arith.constant 0 : i32
      %dma_start3A_503 = tpu.memref_slice %arg14[%add3A_298, %dma_start3A_502] : memref<10240x128xf32, #tpu.memory_space<vmem_shared>> -> memref<16x128xf32, #tpu.memory_space<vmem_shared>>
      tpu.enqueue_dma source(%arg13 : memref<16x128xf32, #tpu.memory_space<vmem>>) target(%dma_start3A_503 : memref<16x128xf32, #tpu.memory_space<vmem_shared>>) target_semaphore(%run_scoped3A_499 : memref<!tpu.dma_semaphore, #tpu.memory_space<semaphore_mem>>)
      %dma_wait3A_504 = arith.constant 0 : i32
      %dma_wait3A_505 = tpu.memref_slice %arg14[%add3A_298, %dma_wait3A_504] : memref<10240x128xf32, #tpu.memory_space<vmem_shared>> -> memref<16x128xf32, #tpu.memory_space<vmem_shared>>
      %dma_wait3A_506 = arith.constant 0 : i32
      %dma_wait3A_507 = tpu.memref_slice %arg14[%add3A_298, %dma_wait3A_506] : memref<10240x128xf32, #tpu.memory_space<vmem_shared>> -> memref<16x128xf32, #tpu.memory_space<vmem_shared>>
      tpu.wait_dma2 semaphore(%run_scoped3A_499 : memref<!tpu.dma_semaphore, #tpu.memory_space<semaphore_mem>>) src(%arg13 : memref<16x128xf32, #tpu.memory_space<vmem>>) dst(%dma_wait3A_507 : memref<16x128xf32, #tpu.memory_space<vmem_shared>>)
      tpu.yield
    }) : () -> ()
    %mul3A_299 = arith.constant 640 : i32
    %mul3A_300 = arith.muli %arg1, %mul3A_299 : i32
    %add3A_301 = arith.constant 192 : i32
    %add3A_302 = arith.addi %mul3A_300, %add3A_301 : i32
    "tpu.region"() ({
      %run_scoped3A_499 = tpu.sem_alloc : memref<!tpu.dma_semaphore, #tpu.memory_space<semaphore_mem>>
      %dma_start3A_500 = arith.constant 0 : i32
      %dma_start3A_501 = tpu.memref_slice %arg14[%add3A_302, %dma_start3A_500] : memref<10240x128xf32, #tpu.memory_space<vmem_shared>> -> memref<16x128xf32, #tpu.memory_space<vmem_shared>>
      %dma_start3A_502 = arith.constant 0 : i32
      %dma_start3A_503 = tpu.memref_slice %arg14[%add3A_302, %dma_start3A_502] : memref<10240x128xf32, #tpu.memory_space<vmem_shared>> -> memref<16x128xf32, #tpu.memory_space<vmem_shared>>
      tpu.enqueue_dma source(%arg13 : memref<16x128xf32, #tpu.memory_space<vmem>>) target(%dma_start3A_503 : memref<16x128xf32, #tpu.memory_space<vmem_shared>>) target_semaphore(%run_scoped3A_499 : memref<!tpu.dma_semaphore, #tpu.memory_space<semaphore_mem>>)
      %dma_wait3A_504 = arith.constant 0 : i32
      %dma_wait3A_505 = tpu.memref_slice %arg14[%add3A_302, %dma_wait3A_504] : memref<10240x128xf32, #tpu.memory_space<vmem_shared>> -> memref<16x128xf32, #tpu.memory_space<vmem_shared>>
      %dma_wait3A_506 = arith.constant 0 : i32
      %dma_wait3A_507 = tpu.memref_slice %arg14[%add3A_302, %dma_wait3A_506] : memref<10240x128xf32, #tpu.memory_space<vmem_shared>> -> memref<16x128xf32, #tpu.memory_space<vmem_shared>>
      tpu.wait_dma2 semaphore(%run_scoped3A_499 : memref<!tpu.dma_semaphore, #tpu.memory_space<semaphore_mem>>) src(%arg13 : memref<16x128xf32, #tpu.memory_space<vmem>>) dst(%dma_wait3A_507 : memref<16x128xf32, #tpu.memory_space<vmem_shared>>)
      tpu.yield
    }) : () -> ()
    %mul3A_303 = arith.constant 640 : i32
    %mul3A_304 = arith.muli %arg1, %mul3A_303 : i32
    %add3A_305 = arith.constant 208 : i32
    %add3A_306 = arith.addi %mul3A_304, %add3A_305 : i32
    "tpu.region"() ({
      %run_scoped3A_499 = tpu.sem_alloc : memref<!tpu.dma_semaphore, #tpu.memory_space<semaphore_mem>>
      %dma_start3A_500 = arith.constant 0 : i32
      %dma_start3A_501 = tpu.memref_slice %arg14[%add3A_306, %dma_start3A_500] : memref<10240x128xf32, #tpu.memory_space<vmem_shared>> -> memref<16x128xf32, #tpu.memory_space<vmem_shared>>
      %dma_start3A_502 = arith.constant 0 : i32
      %dma_start3A_503 = tpu.memref_slice %arg14[%add3A_306, %dma_start3A_502] : memref<10240x128xf32, #tpu.memory_space<vmem_shared>> -> memref<16x128xf32, #tpu.memory_space<vmem_shared>>
      tpu.enqueue_dma source(%arg13 : memref<16x128xf32, #tpu.memory_space<vmem>>) target(%dma_start3A_503 : memref<16x128xf32, #tpu.memory_space<vmem_shared>>) target_semaphore(%run_scoped3A_499 : memref<!tpu.dma_semaphore, #tpu.memory_space<semaphore_mem>>)
      %dma_wait3A_504 = arith.constant 0 : i32
      %dma_wait3A_505 = tpu.memref_slice %arg14[%add3A_306, %dma_wait3A_504] : memref<10240x128xf32, #tpu.memory_space<vmem_shared>> -> memref<16x128xf32, #tpu.memory_space<vmem_shared>>
      %dma_wait3A_506 = arith.constant 0 : i32
      %dma_wait3A_507 = tpu.memref_slice %arg14[%add3A_306, %dma_wait3A_506] : memref<10240x128xf32, #tpu.memory_space<vmem_shared>> -> memref<16x128xf32, #tpu.memory_space<vmem_shared>>
      tpu.wait_dma2 semaphore(%run_scoped3A_499 : memref<!tpu.dma_semaphore, #tpu.memory_space<semaphore_mem>>) src(%arg13 : memref<16x128xf32, #tpu.memory_space<vmem>>) dst(%dma_wait3A_507 : memref<16x128xf32, #tpu.memory_space<vmem_shared>>)
      tpu.yield
    }) : () -> ()
    %mul3A_307 = arith.constant 640 : i32
    %mul3A_308 = arith.muli %arg1, %mul3A_307 : i32
    %add3A_309 = arith.constant 224 : i32
    %add3A_310 = arith.addi %mul3A_308, %add3A_309 : i32
    "tpu.region"() ({
      %run_scoped3A_499 = tpu.sem_alloc : memref<!tpu.dma_semaphore, #tpu.memory_space<semaphore_mem>>
      %dma_start3A_500 = arith.constant 0 : i32
      %dma_start3A_501 = tpu.memref_slice %arg14[%add3A_310, %dma_start3A_500] : memref<10240x128xf32, #tpu.memory_space<vmem_shared>> -> memref<16x128xf32, #tpu.memory_space<vmem_shared>>
      %dma_start3A_502 = arith.constant 0 : i32
      %dma_start3A_503 = tpu.memref_slice %arg14[%add3A_310, %dma_start3A_502] : memref<10240x128xf32, #tpu.memory_space<vmem_shared>> -> memref<16x128xf32, #tpu.memory_space<vmem_shared>>
      tpu.enqueue_dma source(%arg13 : memref<16x128xf32, #tpu.memory_space<vmem>>) target(%dma_start3A_503 : memref<16x128xf32, #tpu.memory_space<vmem_shared>>) target_semaphore(%run_scoped3A_499 : memref<!tpu.dma_semaphore, #tpu.memory_space<semaphore_mem>>)
      %dma_wait3A_504 = arith.constant 0 : i32
      %dma_wait3A_505 = tpu.memref_slice %arg14[%add3A_310, %dma_wait3A_504] : memref<10240x128xf32, #tpu.memory_space<vmem_shared>> -> memref<16x128xf32, #tpu.memory_space<vmem_shared>>
      %dma_wait3A_506 = arith.constant 0 : i32
      %dma_wait3A_507 = tpu.memref_slice %arg14[%add3A_310, %dma_wait3A_506] : memref<10240x128xf32, #tpu.memory_space<vmem_shared>> -> memref<16x128xf32, #tpu.memory_space<vmem_shared>>
      tpu.wait_dma2 semaphore(%run_scoped3A_499 : memref<!tpu.dma_semaphore, #tpu.memory_space<semaphore_mem>>) src(%arg13 : memref<16x128xf32, #tpu.memory_space<vmem>>) dst(%dma_wait3A_507 : memref<16x128xf32, #tpu.memory_space<vmem_shared>>)
      tpu.yield
    }) : () -> ()
    %mul3A_311 = arith.constant 640 : i32
    %mul3A_312 = arith.muli %arg1, %mul3A_311 : i32
    %add3A_313 = arith.constant 240 : i32
    %add3A_314 = arith.addi %mul3A_312, %add3A_313 : i32
    "tpu.region"() ({
      %run_scoped3A_499 = tpu.sem_alloc : memref<!tpu.dma_semaphore, #tpu.memory_space<semaphore_mem>>
      %dma_start3A_500 = arith.constant 0 : i32
      %dma_start3A_501 = tpu.memref_slice %arg14[%add3A_314, %dma_start3A_500] : memref<10240x128xf32, #tpu.memory_space<vmem_shared>> -> memref<16x128xf32, #tpu.memory_space<vmem_shared>>
      %dma_start3A_502 = arith.constant 0 : i32
      %dma_start3A_503 = tpu.memref_slice %arg14[%add3A_314, %dma_start3A_502] : memref<10240x128xf32, #tpu.memory_space<vmem_shared>> -> memref<16x128xf32, #tpu.memory_space<vmem_shared>>
      tpu.enqueue_dma source(%arg13 : memref<16x128xf32, #tpu.memory_space<vmem>>) target(%dma_start3A_503 : memref<16x128xf32, #tpu.memory_space<vmem_shared>>) target_semaphore(%run_scoped3A_499 : memref<!tpu.dma_semaphore, #tpu.memory_space<semaphore_mem>>)
      %dma_wait3A_504 = arith.constant 0 : i32
      %dma_wait3A_505 = tpu.memref_slice %arg14[%add3A_314, %dma_wait3A_504] : memref<10240x128xf32, #tpu.memory_space<vmem_shared>> -> memref<16x128xf32, #tpu.memory_space<vmem_shared>>
      %dma_wait3A_506 = arith.constant 0 : i32
      %dma_wait3A_507 = tpu.memref_slice %arg14[%add3A_314, %dma_wait3A_506] : memref<10240x128xf32, #tpu.memory_space<vmem_shared>> -> memref<16x128xf32, #tpu.memory_space<vmem_shared>>
      tpu.wait_dma2 semaphore(%run_scoped3A_499 : memref<!tpu.dma_semaphore, #tpu.memory_space<semaphore_mem>>) src(%arg13 : memref<16x128xf32, #tpu.memory_space<vmem>>) dst(%dma_wait3A_507 : memref<16x128xf32, #tpu.memory_space<vmem_shared>>)
      tpu.yield
    }) : () -> ()
    %mul3A_315 = arith.constant 640 : i32
    %mul3A_316 = arith.muli %arg1, %mul3A_315 : i32
    %add3A_317 = arith.constant 256 : i32
    %add3A_318 = arith.addi %mul3A_316, %add3A_317 : i32
    "tpu.region"() ({
      %run_scoped3A_499 = tpu.sem_alloc : memref<!tpu.dma_semaphore, #tpu.memory_space<semaphore_mem>>
      %dma_start3A_500 = arith.constant 0 : i32
      %dma_start3A_501 = tpu.memref_slice %arg14[%add3A_318, %dma_start3A_500] : memref<10240x128xf32, #tpu.memory_space<vmem_shared>> -> memref<16x128xf32, #tpu.memory_space<vmem_shared>>
      %dma_start3A_502 = arith.constant 0 : i32
      %dma_start3A_503 = tpu.memref_slice %arg14[%add3A_318, %dma_start3A_502] : memref<10240x128xf32, #tpu.memory_space<vmem_shared>> -> memref<16x128xf32, #tpu.memory_space<vmem_shared>>
      tpu.enqueue_dma source(%arg13 : memref<16x128xf32, #tpu.memory_space<vmem>>) target(%dma_start3A_503 : memref<16x128xf32, #tpu.memory_space<vmem_shared>>) target_semaphore(%run_scoped3A_499 : memref<!tpu.dma_semaphore, #tpu.memory_space<semaphore_mem>>)
      %dma_wait3A_504 = arith.constant 0 : i32
      %dma_wait3A_505 = tpu.memref_slice %arg14[%add3A_318, %dma_wait3A_504] : memref<10240x128xf32, #tpu.memory_space<vmem_shared>> -> memref<16x128xf32, #tpu.memory_space<vmem_shared>>
      %dma_wait3A_506 = arith.constant 0 : i32
      %dma_wait3A_507 = tpu.memref_slice %arg14[%add3A_318, %dma_wait3A_506] : memref<10240x128xf32, #tpu.memory_space<vmem_shared>> -> memref<16x128xf32, #tpu.memory_space<vmem_shared>>
      tpu.wait_dma2 semaphore(%run_scoped3A_499 : memref<!tpu.dma_semaphore, #tpu.memory_space<semaphore_mem>>) src(%arg13 : memref<16x128xf32, #tpu.memory_space<vmem>>) dst(%dma_wait3A_507 : memref<16x128xf32, #tpu.memory_space<vmem_shared>>)
      tpu.yield
    }) : () -> ()
    %mul3A_319 = arith.constant 640 : i32
    %mul3A_320 = arith.muli %arg1, %mul3A_319 : i32
    %add3A_321 = arith.constant 272 : i32
    %add3A_322 = arith.addi %mul3A_320, %add3A_321 : i32
    "tpu.region"() ({
      %run_scoped3A_499 = tpu.sem_alloc : memref<!tpu.dma_semaphore, #tpu.memory_space<semaphore_mem>>
      %dma_start3A_500 = arith.constant 0 : i32
      %dma_start3A_501 = tpu.memref_slice %arg14[%add3A_322, %dma_start3A_500] : memref<10240x128xf32, #tpu.memory_space<vmem_shared>> -> memref<16x128xf32, #tpu.memory_space<vmem_shared>>
      %dma_start3A_502 = arith.constant 0 : i32
      %dma_start3A_503 = tpu.memref_slice %arg14[%add3A_322, %dma_start3A_502] : memref<10240x128xf32, #tpu.memory_space<vmem_shared>> -> memref<16x128xf32, #tpu.memory_space<vmem_shared>>
      tpu.enqueue_dma source(%arg13 : memref<16x128xf32, #tpu.memory_space<vmem>>) target(%dma_start3A_503 : memref<16x128xf32, #tpu.memory_space<vmem_shared>>) target_semaphore(%run_scoped3A_499 : memref<!tpu.dma_semaphore, #tpu.memory_space<semaphore_mem>>)
      %dma_wait3A_504 = arith.constant 0 : i32
      %dma_wait3A_505 = tpu.memref_slice %arg14[%add3A_322, %dma_wait3A_504] : memref<10240x128xf32, #tpu.memory_space<vmem_shared>> -> memref<16x128xf32, #tpu.memory_space<vmem_shared>>
      %dma_wait3A_506 = arith.constant 0 : i32
      %dma_wait3A_507 = tpu.memref_slice %arg14[%add3A_322, %dma_wait3A_506] : memref<10240x128xf32, #tpu.memory_space<vmem_shared>> -> memref<16x128xf32, #tpu.memory_space<vmem_shared>>
      tpu.wait_dma2 semaphore(%run_scoped3A_499 : memref<!tpu.dma_semaphore, #tpu.memory_space<semaphore_mem>>) src(%arg13 : memref<16x128xf32, #tpu.memory_space<vmem>>) dst(%dma_wait3A_507 : memref<16x128xf32, #tpu.memory_space<vmem_shared>>)
      tpu.yield
    }) : () -> ()
    %mul3A_323 = arith.constant 640 : i32
    %mul3A_324 = arith.muli %arg1, %mul3A_323 : i32
    %add3A_325 = arith.constant 288 : i32
    %add3A_326 = arith.addi %mul3A_324, %add3A_325 : i32
    "tpu.region"() ({
      %run_scoped3A_499 = tpu.sem_alloc : memref<!tpu.dma_semaphore, #tpu.memory_space<semaphore_mem>>
      %dma_start3A_500 = arith.constant 0 : i32
      %dma_start3A_501 = tpu.memref_slice %arg14[%add3A_326, %dma_start3A_500] : memref<10240x128xf32, #tpu.memory_space<vmem_shared>> -> memref<16x128xf32, #tpu.memory_space<vmem_shared>>
      %dma_start3A_502 = arith.constant 0 : i32
      %dma_start3A_503 = tpu.memref_slice %arg14[%add3A_326, %dma_start3A_502] : memref<10240x128xf32, #tpu.memory_space<vmem_shared>> -> memref<16x128xf32, #tpu.memory_space<vmem_shared>>
      tpu.enqueue_dma source(%arg13 : memref<16x128xf32, #tpu.memory_space<vmem>>) target(%dma_start3A_503 : memref<16x128xf32, #tpu.memory_space<vmem_shared>>) target_semaphore(%run_scoped3A_499 : memref<!tpu.dma_semaphore, #tpu.memory_space<semaphore_mem>>)
      %dma_wait3A_504 = arith.constant 0 : i32
      %dma_wait3A_505 = tpu.memref_slice %arg14[%add3A_326, %dma_wait3A_504] : memref<10240x128xf32, #tpu.memory_space<vmem_shared>> -> memref<16x128xf32, #tpu.memory_space<vmem_shared>>
      %dma_wait3A_506 = arith.constant 0 : i32
      %dma_wait3A_507 = tpu.memref_slice %arg14[%add3A_326, %dma_wait3A_506] : memref<10240x128xf32, #tpu.memory_space<vmem_shared>> -> memref<16x128xf32, #tpu.memory_space<vmem_shared>>
      tpu.wait_dma2 semaphore(%run_scoped3A_499 : memref<!tpu.dma_semaphore, #tpu.memory_space<semaphore_mem>>) src(%arg13 : memref<16x128xf32, #tpu.memory_space<vmem>>) dst(%dma_wait3A_507 : memref<16x128xf32, #tpu.memory_space<vmem_shared>>)
      tpu.yield
    }) : () -> ()
    %mul3A_327 = arith.constant 640 : i32
    %mul3A_328 = arith.muli %arg1, %mul3A_327 : i32
    %add3A_329 = arith.constant 304 : i32
    %add3A_330 = arith.addi %mul3A_328, %add3A_329 : i32
    "tpu.region"() ({
      %run_scoped3A_499 = tpu.sem_alloc : memref<!tpu.dma_semaphore, #tpu.memory_space<semaphore_mem>>
      %dma_start3A_500 = arith.constant 0 : i32
      %dma_start3A_501 = tpu.memref_slice %arg14[%add3A_330, %dma_start3A_500] : memref<10240x128xf32, #tpu.memory_space<vmem_shared>> -> memref<16x128xf32, #tpu.memory_space<vmem_shared>>
      %dma_start3A_502 = arith.constant 0 : i32
      %dma_start3A_503 = tpu.memref_slice %arg14[%add3A_330, %dma_start3A_502] : memref<10240x128xf32, #tpu.memory_space<vmem_shared>> -> memref<16x128xf32, #tpu.memory_space<vmem_shared>>
      tpu.enqueue_dma source(%arg13 : memref<16x128xf32, #tpu.memory_space<vmem>>) target(%dma_start3A_503 : memref<16x128xf32, #tpu.memory_space<vmem_shared>>) target_semaphore(%run_scoped3A_499 : memref<!tpu.dma_semaphore, #tpu.memory_space<semaphore_mem>>)
      %dma_wait3A_504 = arith.constant 0 : i32
      %dma_wait3A_505 = tpu.memref_slice %arg14[%add3A_330, %dma_wait3A_504] : memref<10240x128xf32, #tpu.memory_space<vmem_shared>> -> memref<16x128xf32, #tpu.memory_space<vmem_shared>>
      %dma_wait3A_506 = arith.constant 0 : i32
      %dma_wait3A_507 = tpu.memref_slice %arg14[%add3A_330, %dma_wait3A_506] : memref<10240x128xf32, #tpu.memory_space<vmem_shared>> -> memref<16x128xf32, #tpu.memory_space<vmem_shared>>
      tpu.wait_dma2 semaphore(%run_scoped3A_499 : memref<!tpu.dma_semaphore, #tpu.memory_space<semaphore_mem>>) src(%arg13 : memref<16x128xf32, #tpu.memory_space<vmem>>) dst(%dma_wait3A_507 : memref<16x128xf32, #tpu.memory_space<vmem_shared>>)
      tpu.yield
    }) : () -> ()
    %mul3A_331 = arith.constant 640 : i32
    %mul3A_332 = arith.muli %arg1, %mul3A_331 : i32
    %add3A_333 = arith.constant 320 : i32
    %add3A_334 = arith.addi %mul3A_332, %add3A_333 : i32
    "tpu.region"() ({
      %run_scoped3A_499 = tpu.sem_alloc : memref<!tpu.dma_semaphore, #tpu.memory_space<semaphore_mem>>
      %dma_start3A_500 = arith.constant 0 : i32
      %dma_start3A_501 = tpu.memref_slice %arg14[%add3A_334, %dma_start3A_500] : memref<10240x128xf32, #tpu.memory_space<vmem_shared>> -> memref<16x128xf32, #tpu.memory_space<vmem_shared>>
      %dma_start3A_502 = arith.constant 0 : i32
      %dma_start3A_503 = tpu.memref_slice %arg14[%add3A_334, %dma_start3A_502] : memref<10240x128xf32, #tpu.memory_space<vmem_shared>> -> memref<16x128xf32, #tpu.memory_space<vmem_shared>>
      tpu.enqueue_dma source(%arg13 : memref<16x128xf32, #tpu.memory_space<vmem>>) target(%dma_start3A_503 : memref<16x128xf32, #tpu.memory_space<vmem_shared>>) target_semaphore(%run_scoped3A_499 : memref<!tpu.dma_semaphore, #tpu.memory_space<semaphore_mem>>)
      %dma_wait3A_504 = arith.constant 0 : i32
      %dma_wait3A_505 = tpu.memref_slice %arg14[%add3A_334, %dma_wait3A_504] : memref<10240x128xf32, #tpu.memory_space<vmem_shared>> -> memref<16x128xf32, #tpu.memory_space<vmem_shared>>
      %dma_wait3A_506 = arith.constant 0 : i32
      %dma_wait3A_507 = tpu.memref_slice %arg14[%add3A_334, %dma_wait3A_506] : memref<10240x128xf32, #tpu.memory_space<vmem_shared>> -> memref<16x128xf32, #tpu.memory_space<vmem_shared>>
      tpu.wait_dma2 semaphore(%run_scoped3A_499 : memref<!tpu.dma_semaphore, #tpu.memory_space<semaphore_mem>>) src(%arg13 : memref<16x128xf32, #tpu.memory_space<vmem>>) dst(%dma_wait3A_507 : memref<16x128xf32, #tpu.memory_space<vmem_shared>>)
      tpu.yield
    }) : () -> ()
    %mul3A_335 = arith.constant 640 : i32
    %mul3A_336 = arith.muli %arg1, %mul3A_335 : i32
    %add3A_337 = arith.constant 336 : i32
    %add3A_338 = arith.addi %mul3A_336, %add3A_337 : i32
    "tpu.region"() ({
      %run_scoped3A_499 = tpu.sem_alloc : memref<!tpu.dma_semaphore, #tpu.memory_space<semaphore_mem>>
      %dma_start3A_500 = arith.constant 0 : i32
      %dma_start3A_501 = tpu.memref_slice %arg14[%add3A_338, %dma_start3A_500] : memref<10240x128xf32, #tpu.memory_space<vmem_shared>> -> memref<16x128xf32, #tpu.memory_space<vmem_shared>>
      %dma_start3A_502 = arith.constant 0 : i32
      %dma_start3A_503 = tpu.memref_slice %arg14[%add3A_338, %dma_start3A_502] : memref<10240x128xf32, #tpu.memory_space<vmem_shared>> -> memref<16x128xf32, #tpu.memory_space<vmem_shared>>
      tpu.enqueue_dma source(%arg13 : memref<16x128xf32, #tpu.memory_space<vmem>>) target(%dma_start3A_503 : memref<16x128xf32, #tpu.memory_space<vmem_shared>>) target_semaphore(%run_scoped3A_499 : memref<!tpu.dma_semaphore, #tpu.memory_space<semaphore_mem>>)
      %dma_wait3A_504 = arith.constant 0 : i32
      %dma_wait3A_505 = tpu.memref_slice %arg14[%add3A_338, %dma_wait3A_504] : memref<10240x128xf32, #tpu.memory_space<vmem_shared>> -> memref<16x128xf32, #tpu.memory_space<vmem_shared>>
      %dma_wait3A_506 = arith.constant 0 : i32
      %dma_wait3A_507 = tpu.memref_slice %arg14[%add3A_338, %dma_wait3A_506] : memref<10240x128xf32, #tpu.memory_space<vmem_shared>> -> memref<16x128xf32, #tpu.memory_space<vmem_shared>>
      tpu.wait_dma2 semaphore(%run_scoped3A_499 : memref<!tpu.dma_semaphore, #tpu.memory_space<semaphore_mem>>) src(%arg13 : memref<16x128xf32, #tpu.memory_space<vmem>>) dst(%dma_wait3A_507 : memref<16x128xf32, #tpu.memory_space<vmem_shared>>)
      tpu.yield
    }) : () -> ()
    %mul3A_339 = arith.constant 640 : i32
    %mul3A_340 = arith.muli %arg1, %mul3A_339 : i32
    %add3A_341 = arith.constant 352 : i32
    %add3A_342 = arith.addi %mul3A_340, %add3A_341 : i32
    "tpu.region"() ({
      %run_scoped3A_499 = tpu.sem_alloc : memref<!tpu.dma_semaphore, #tpu.memory_space<semaphore_mem>>
      %dma_start3A_500 = arith.constant 0 : i32
      %dma_start3A_501 = tpu.memref_slice %arg14[%add3A_342, %dma_start3A_500] : memref<10240x128xf32, #tpu.memory_space<vmem_shared>> -> memref<16x128xf32, #tpu.memory_space<vmem_shared>>
      %dma_start3A_502 = arith.constant 0 : i32
      %dma_start3A_503 = tpu.memref_slice %arg14[%add3A_342, %dma_start3A_502] : memref<10240x128xf32, #tpu.memory_space<vmem_shared>> -> memref<16x128xf32, #tpu.memory_space<vmem_shared>>
      tpu.enqueue_dma source(%arg13 : memref<16x128xf32, #tpu.memory_space<vmem>>) target(%dma_start3A_503 : memref<16x128xf32, #tpu.memory_space<vmem_shared>>) target_semaphore(%run_scoped3A_499 : memref<!tpu.dma_semaphore, #tpu.memory_space<semaphore_mem>>)
      %dma_wait3A_504 = arith.constant 0 : i32
      %dma_wait3A_505 = tpu.memref_slice %arg14[%add3A_342, %dma_wait3A_504] : memref<10240x128xf32, #tpu.memory_space<vmem_shared>> -> memref<16x128xf32, #tpu.memory_space<vmem_shared>>
      %dma_wait3A_506 = arith.constant 0 : i32
      %dma_wait3A_507 = tpu.memref_slice %arg14[%add3A_342, %dma_wait3A_506] : memref<10240x128xf32, #tpu.memory_space<vmem_shared>> -> memref<16x128xf32, #tpu.memory_space<vmem_shared>>
      tpu.wait_dma2 semaphore(%run_scoped3A_499 : memref<!tpu.dma_semaphore, #tpu.memory_space<semaphore_mem>>) src(%arg13 : memref<16x128xf32, #tpu.memory_space<vmem>>) dst(%dma_wait3A_507 : memref<16x128xf32, #tpu.memory_space<vmem_shared>>)
      tpu.yield
    }) : () -> ()
    %mul3A_343 = arith.constant 640 : i32
    %mul3A_344 = arith.muli %arg1, %mul3A_343 : i32
    %add3A_345 = arith.constant 368 : i32
    %add3A_346 = arith.addi %mul3A_344, %add3A_345 : i32
    "tpu.region"() ({
      %run_scoped3A_499 = tpu.sem_alloc : memref<!tpu.dma_semaphore, #tpu.memory_space<semaphore_mem>>
      %dma_start3A_500 = arith.constant 0 : i32
      %dma_start3A_501 = tpu.memref_slice %arg14[%add3A_346, %dma_start3A_500] : memref<10240x128xf32, #tpu.memory_space<vmem_shared>> -> memref<16x128xf32, #tpu.memory_space<vmem_shared>>
      %dma_start3A_502 = arith.constant 0 : i32
      %dma_start3A_503 = tpu.memref_slice %arg14[%add3A_346, %dma_start3A_502] : memref<10240x128xf32, #tpu.memory_space<vmem_shared>> -> memref<16x128xf32, #tpu.memory_space<vmem_shared>>
      tpu.enqueue_dma source(%arg13 : memref<16x128xf32, #tpu.memory_space<vmem>>) target(%dma_start3A_503 : memref<16x128xf32, #tpu.memory_space<vmem_shared>>) target_semaphore(%run_scoped3A_499 : memref<!tpu.dma_semaphore, #tpu.memory_space<semaphore_mem>>)
      %dma_wait3A_504 = arith.constant 0 : i32
      %dma_wait3A_505 = tpu.memref_slice %arg14[%add3A_346, %dma_wait3A_504] : memref<10240x128xf32, #tpu.memory_space<vmem_shared>> -> memref<16x128xf32, #tpu.memory_space<vmem_shared>>
      %dma_wait3A_506 = arith.constant 0 : i32
      %dma_wait3A_507 = tpu.memref_slice %arg14[%add3A_346, %dma_wait3A_506] : memref<10240x128xf32, #tpu.memory_space<vmem_shared>> -> memref<16x128xf32, #tpu.memory_space<vmem_shared>>
      tpu.wait_dma2 semaphore(%run_scoped3A_499 : memref<!tpu.dma_semaphore, #tpu.memory_space<semaphore_mem>>) src(%arg13 : memref<16x128xf32, #tpu.memory_space<vmem>>) dst(%dma_wait3A_507 : memref<16x128xf32, #tpu.memory_space<vmem_shared>>)
      tpu.yield
    }) : () -> ()
    %mul3A_347 = arith.constant 640 : i32
    %mul3A_348 = arith.muli %arg1, %mul3A_347 : i32
    %add3A_349 = arith.constant 384 : i32
    %add3A_350 = arith.addi %mul3A_348, %add3A_349 : i32
    "tpu.region"() ({
      %run_scoped3A_499 = tpu.sem_alloc : memref<!tpu.dma_semaphore, #tpu.memory_space<semaphore_mem>>
      %dma_start3A_500 = arith.constant 0 : i32
      %dma_start3A_501 = tpu.memref_slice %arg14[%add3A_350, %dma_start3A_500] : memref<10240x128xf32, #tpu.memory_space<vmem_shared>> -> memref<16x128xf32, #tpu.memory_space<vmem_shared>>
      %dma_start3A_502 = arith.constant 0 : i32
      %dma_start3A_503 = tpu.memref_slice %arg14[%add3A_350, %dma_start3A_502] : memref<10240x128xf32, #tpu.memory_space<vmem_shared>> -> memref<16x128xf32, #tpu.memory_space<vmem_shared>>
      tpu.enqueue_dma source(%arg13 : memref<16x128xf32, #tpu.memory_space<vmem>>) target(%dma_start3A_503 : memref<16x128xf32, #tpu.memory_space<vmem_shared>>) target_semaphore(%run_scoped3A_499 : memref<!tpu.dma_semaphore, #tpu.memory_space<semaphore_mem>>)
      %dma_wait3A_504 = arith.constant 0 : i32
      %dma_wait3A_505 = tpu.memref_slice %arg14[%add3A_350, %dma_wait3A_504] : memref<10240x128xf32, #tpu.memory_space<vmem_shared>> -> memref<16x128xf32, #tpu.memory_space<vmem_shared>>
      %dma_wait3A_506 = arith.constant 0 : i32
      %dma_wait3A_507 = tpu.memref_slice %arg14[%add3A_350, %dma_wait3A_506] : memref<10240x128xf32, #tpu.memory_space<vmem_shared>> -> memref<16x128xf32, #tpu.memory_space<vmem_shared>>
      tpu.wait_dma2 semaphore(%run_scoped3A_499 : memref<!tpu.dma_semaphore, #tpu.memory_space<semaphore_mem>>) src(%arg13 : memref<16x128xf32, #tpu.memory_space<vmem>>) dst(%dma_wait3A_507 : memref<16x128xf32, #tpu.memory_space<vmem_shared>>)
      tpu.yield
    }) : () -> ()
    %mul3A_351 = arith.constant 640 : i32
    %mul3A_352 = arith.muli %arg1, %mul3A_351 : i32
    %add3A_353 = arith.constant 400 : i32
    %add3A_354 = arith.addi %mul3A_352, %add3A_353 : i32
    "tpu.region"() ({
      %run_scoped3A_499 = tpu.sem_alloc : memref<!tpu.dma_semaphore, #tpu.memory_space<semaphore_mem>>
      %dma_start3A_500 = arith.constant 0 : i32
      %dma_start3A_501 = tpu.memref_slice %arg14[%add3A_354, %dma_start3A_500] : memref<10240x128xf32, #tpu.memory_space<vmem_shared>> -> memref<16x128xf32, #tpu.memory_space<vmem_shared>>
      %dma_start3A_502 = arith.constant 0 : i32
      %dma_start3A_503 = tpu.memref_slice %arg14[%add3A_354, %dma_start3A_502] : memref<10240x128xf32, #tpu.memory_space<vmem_shared>> -> memref<16x128xf32, #tpu.memory_space<vmem_shared>>
      tpu.enqueue_dma source(%arg13 : memref<16x128xf32, #tpu.memory_space<vmem>>) target(%dma_start3A_503 : memref<16x128xf32, #tpu.memory_space<vmem_shared>>) target_semaphore(%run_scoped3A_499 : memref<!tpu.dma_semaphore, #tpu.memory_space<semaphore_mem>>)
      %dma_wait3A_504 = arith.constant 0 : i32
      %dma_wait3A_505 = tpu.memref_slice %arg14[%add3A_354, %dma_wait3A_504] : memref<10240x128xf32, #tpu.memory_space<vmem_shared>> -> memref<16x128xf32, #tpu.memory_space<vmem_shared>>
      %dma_wait3A_506 = arith.constant 0 : i32
      %dma_wait3A_507 = tpu.memref_slice %arg14[%add3A_354, %dma_wait3A_506] : memref<10240x128xf32, #tpu.memory_space<vmem_shared>> -> memref<16x128xf32, #tpu.memory_space<vmem_shared>>
      tpu.wait_dma2 semaphore(%run_scoped3A_499 : memref<!tpu.dma_semaphore, #tpu.memory_space<semaphore_mem>>) src(%arg13 : memref<16x128xf32, #tpu.memory_space<vmem>>) dst(%dma_wait3A_507 : memref<16x128xf32, #tpu.memory_space<vmem_shared>>)
      tpu.yield
    }) : () -> ()
    %mul3A_355 = arith.constant 640 : i32
    %mul3A_356 = arith.muli %arg1, %mul3A_355 : i32
    %add3A_357 = arith.constant 416 : i32
    %add3A_358 = arith.addi %mul3A_356, %add3A_357 : i32
    "tpu.region"() ({
      %run_scoped3A_499 = tpu.sem_alloc : memref<!tpu.dma_semaphore, #tpu.memory_space<semaphore_mem>>
      %dma_start3A_500 = arith.constant 0 : i32
      %dma_start3A_501 = tpu.memref_slice %arg14[%add3A_358, %dma_start3A_500] : memref<10240x128xf32, #tpu.memory_space<vmem_shared>> -> memref<16x128xf32, #tpu.memory_space<vmem_shared>>
      %dma_start3A_502 = arith.constant 0 : i32
      %dma_start3A_503 = tpu.memref_slice %arg14[%add3A_358, %dma_start3A_502] : memref<10240x128xf32, #tpu.memory_space<vmem_shared>> -> memref<16x128xf32, #tpu.memory_space<vmem_shared>>
      tpu.enqueue_dma source(%arg13 : memref<16x128xf32, #tpu.memory_space<vmem>>) target(%dma_start3A_503 : memref<16x128xf32, #tpu.memory_space<vmem_shared>>) target_semaphore(%run_scoped3A_499 : memref<!tpu.dma_semaphore, #tpu.memory_space<semaphore_mem>>)
      %dma_wait3A_504 = arith.constant 0 : i32
      %dma_wait3A_505 = tpu.memref_slice %arg14[%add3A_358, %dma_wait3A_504] : memref<10240x128xf32, #tpu.memory_space<vmem_shared>> -> memref<16x128xf32, #tpu.memory_space<vmem_shared>>
      %dma_wait3A_506 = arith.constant 0 : i32
      %dma_wait3A_507 = tpu.memref_slice %arg14[%add3A_358, %dma_wait3A_506] : memref<10240x128xf32, #tpu.memory_space<vmem_shared>> -> memref<16x128xf32, #tpu.memory_space<vmem_shared>>
      tpu.wait_dma2 semaphore(%run_scoped3A_499 : memref<!tpu.dma_semaphore, #tpu.memory_space<semaphore_mem>>) src(%arg13 : memref<16x128xf32, #tpu.memory_space<vmem>>) dst(%dma_wait3A_507 : memref<16x128xf32, #tpu.memory_space<vmem_shared>>)
      tpu.yield
    }) : () -> ()
    %mul3A_359 = arith.constant 640 : i32
    %mul3A_360 = arith.muli %arg1, %mul3A_359 : i32
    %add3A_361 = arith.constant 432 : i32
    %add3A_362 = arith.addi %mul3A_360, %add3A_361 : i32
    "tpu.region"() ({
      %run_scoped3A_499 = tpu.sem_alloc : memref<!tpu.dma_semaphore, #tpu.memory_space<semaphore_mem>>
      %dma_start3A_500 = arith.constant 0 : i32
      %dma_start3A_501 = tpu.memref_slice %arg14[%add3A_362, %dma_start3A_500] : memref<10240x128xf32, #tpu.memory_space<vmem_shared>> -> memref<16x128xf32, #tpu.memory_space<vmem_shared>>
      %dma_start3A_502 = arith.constant 0 : i32
      %dma_start3A_503 = tpu.memref_slice %arg14[%add3A_362, %dma_start3A_502] : memref<10240x128xf32, #tpu.memory_space<vmem_shared>> -> memref<16x128xf32, #tpu.memory_space<vmem_shared>>
      tpu.enqueue_dma source(%arg13 : memref<16x128xf32, #tpu.memory_space<vmem>>) target(%dma_start3A_503 : memref<16x128xf32, #tpu.memory_space<vmem_shared>>) target_semaphore(%run_scoped3A_499 : memref<!tpu.dma_semaphore, #tpu.memory_space<semaphore_mem>>)
      %dma_wait3A_504 = arith.constant 0 : i32
      %dma_wait3A_505 = tpu.memref_slice %arg14[%add3A_362, %dma_wait3A_504] : memref<10240x128xf32, #tpu.memory_space<vmem_shared>> -> memref<16x128xf32, #tpu.memory_space<vmem_shared>>
      %dma_wait3A_506 = arith.constant 0 : i32
      %dma_wait3A_507 = tpu.memref_slice %arg14[%add3A_362, %dma_wait3A_506] : memref<10240x128xf32, #tpu.memory_space<vmem_shared>> -> memref<16x128xf32, #tpu.memory_space<vmem_shared>>
      tpu.wait_dma2 semaphore(%run_scoped3A_499 : memref<!tpu.dma_semaphore, #tpu.memory_space<semaphore_mem>>) src(%arg13 : memref<16x128xf32, #tpu.memory_space<vmem>>) dst(%dma_wait3A_507 : memref<16x128xf32, #tpu.memory_space<vmem_shared>>)
      tpu.yield
    }) : () -> ()
    %mul3A_363 = arith.constant 640 : i32
    %mul3A_364 = arith.muli %arg1, %mul3A_363 : i32
    %add3A_365 = arith.constant 448 : i32
    %add3A_366 = arith.addi %mul3A_364, %add3A_365 : i32
    "tpu.region"() ({
      %run_scoped3A_499 = tpu.sem_alloc : memref<!tpu.dma_semaphore, #tpu.memory_space<semaphore_mem>>
      %dma_start3A_500 = arith.constant 0 : i32
      %dma_start3A_501 = tpu.memref_slice %arg14[%add3A_366, %dma_start3A_500] : memref<10240x128xf32, #tpu.memory_space<vmem_shared>> -> memref<16x128xf32, #tpu.memory_space<vmem_shared>>
      %dma_start3A_502 = arith.constant 0 : i32
      %dma_start3A_503 = tpu.memref_slice %arg14[%add3A_366, %dma_start3A_502] : memref<10240x128xf32, #tpu.memory_space<vmem_shared>> -> memref<16x128xf32, #tpu.memory_space<vmem_shared>>
      tpu.enqueue_dma source(%arg13 : memref<16x128xf32, #tpu.memory_space<vmem>>) target(%dma_start3A_503 : memref<16x128xf32, #tpu.memory_space<vmem_shared>>) target_semaphore(%run_scoped3A_499 : memref<!tpu.dma_semaphore, #tpu.memory_space<semaphore_mem>>)
      %dma_wait3A_504 = arith.constant 0 : i32
      %dma_wait3A_505 = tpu.memref_slice %arg14[%add3A_366, %dma_wait3A_504] : memref<10240x128xf32, #tpu.memory_space<vmem_shared>> -> memref<16x128xf32, #tpu.memory_space<vmem_shared>>
      %dma_wait3A_506 = arith.constant 0 : i32
      %dma_wait3A_507 = tpu.memref_slice %arg14[%add3A_366, %dma_wait3A_506] : memref<10240x128xf32, #tpu.memory_space<vmem_shared>> -> memref<16x128xf32, #tpu.memory_space<vmem_shared>>
      tpu.wait_dma2 semaphore(%run_scoped3A_499 : memref<!tpu.dma_semaphore, #tpu.memory_space<semaphore_mem>>) src(%arg13 : memref<16x128xf32, #tpu.memory_space<vmem>>) dst(%dma_wait3A_507 : memref<16x128xf32, #tpu.memory_space<vmem_shared>>)
      tpu.yield
    }) : () -> ()
    %mul3A_367 = arith.constant 640 : i32
    %mul3A_368 = arith.muli %arg1, %mul3A_367 : i32
    %add3A_369 = arith.constant 464 : i32
    %add3A_370 = arith.addi %mul3A_368, %add3A_369 : i32
    "tpu.region"() ({
      %run_scoped3A_499 = tpu.sem_alloc : memref<!tpu.dma_semaphore, #tpu.memory_space<semaphore_mem>>
      %dma_start3A_500 = arith.constant 0 : i32
      %dma_start3A_501 = tpu.memref_slice %arg14[%add3A_370, %dma_start3A_500] : memref<10240x128xf32, #tpu.memory_space<vmem_shared>> -> memref<16x128xf32, #tpu.memory_space<vmem_shared>>
      %dma_start3A_502 = arith.constant 0 : i32
      %dma_start3A_503 = tpu.memref_slice %arg14[%add3A_370, %dma_start3A_502] : memref<10240x128xf32, #tpu.memory_space<vmem_shared>> -> memref<16x128xf32, #tpu.memory_space<vmem_shared>>
      tpu.enqueue_dma source(%arg13 : memref<16x128xf32, #tpu.memory_space<vmem>>) target(%dma_start3A_503 : memref<16x128xf32, #tpu.memory_space<vmem_shared>>) target_semaphore(%run_scoped3A_499 : memref<!tpu.dma_semaphore, #tpu.memory_space<semaphore_mem>>)
      %dma_wait3A_504 = arith.constant 0 : i32
      %dma_wait3A_505 = tpu.memref_slice %arg14[%add3A_370, %dma_wait3A_504] : memref<10240x128xf32, #tpu.memory_space<vmem_shared>> -> memref<16x128xf32, #tpu.memory_space<vmem_shared>>
      %dma_wait3A_506 = arith.constant 0 : i32
      %dma_wait3A_507 = tpu.memref_slice %arg14[%add3A_370, %dma_wait3A_506] : memref<10240x128xf32, #tpu.memory_space<vmem_shared>> -> memref<16x128xf32, #tpu.memory_space<vmem_shared>>
      tpu.wait_dma2 semaphore(%run_scoped3A_499 : memref<!tpu.dma_semaphore, #tpu.memory_space<semaphore_mem>>) src(%arg13 : memref<16x128xf32, #tpu.memory_space<vmem>>) dst(%dma_wait3A_507 : memref<16x128xf32, #tpu.memory_space<vmem_shared>>)
      tpu.yield
    }) : () -> ()
    %mul3A_371 = arith.constant 640 : i32
    %mul3A_372 = arith.muli %arg1, %mul3A_371 : i32
    %add3A_373 = arith.constant 480 : i32
    %add3A_374 = arith.addi %mul3A_372, %add3A_373 : i32
    "tpu.region"() ({
      %run_scoped3A_499 = tpu.sem_alloc : memref<!tpu.dma_semaphore, #tpu.memory_space<semaphore_mem>>
      %dma_start3A_500 = arith.constant 0 : i32
      %dma_start3A_501 = tpu.memref_slice %arg14[%add3A_374, %dma_start3A_500] : memref<10240x128xf32, #tpu.memory_space<vmem_shared>> -> memref<16x128xf32, #tpu.memory_space<vmem_shared>>
      %dma_start3A_502 = arith.constant 0 : i32
      %dma_start3A_503 = tpu.memref_slice %arg14[%add3A_374, %dma_start3A_502] : memref<10240x128xf32, #tpu.memory_space<vmem_shared>> -> memref<16x128xf32, #tpu.memory_space<vmem_shared>>
      tpu.enqueue_dma source(%arg13 : memref<16x128xf32, #tpu.memory_space<vmem>>) target(%dma_start3A_503 : memref<16x128xf32, #tpu.memory_space<vmem_shared>>) target_semaphore(%run_scoped3A_499 : memref<!tpu.dma_semaphore, #tpu.memory_space<semaphore_mem>>)
      %dma_wait3A_504 = arith.constant 0 : i32
      %dma_wait3A_505 = tpu.memref_slice %arg14[%add3A_374, %dma_wait3A_504] : memref<10240x128xf32, #tpu.memory_space<vmem_shared>> -> memref<16x128xf32, #tpu.memory_space<vmem_shared>>
      %dma_wait3A_506 = arith.constant 0 : i32
      %dma_wait3A_507 = tpu.memref_slice %arg14[%add3A_374, %dma_wait3A_506] : memref<10240x128xf32, #tpu.memory_space<vmem_shared>> -> memref<16x128xf32, #tpu.memory_space<vmem_shared>>
      tpu.wait_dma2 semaphore(%run_scoped3A_499 : memref<!tpu.dma_semaphore, #tpu.memory_space<semaphore_mem>>) src(%arg13 : memref<16x128xf32, #tpu.memory_space<vmem>>) dst(%dma_wait3A_507 : memref<16x128xf32, #tpu.memory_space<vmem_shared>>)
      tpu.yield
    }) : () -> ()
    %mul3A_375 = arith.constant 640 : i32
    %mul3A_376 = arith.muli %arg1, %mul3A_375 : i32
    %add3A_377 = arith.constant 496 : i32
    %add3A_378 = arith.addi %mul3A_376, %add3A_377 : i32
    "tpu.region"() ({
      %run_scoped3A_499 = tpu.sem_alloc : memref<!tpu.dma_semaphore, #tpu.memory_space<semaphore_mem>>
      %dma_start3A_500 = arith.constant 0 : i32
      %dma_start3A_501 = tpu.memref_slice %arg14[%add3A_378, %dma_start3A_500] : memref<10240x128xf32, #tpu.memory_space<vmem_shared>> -> memref<16x128xf32, #tpu.memory_space<vmem_shared>>
      %dma_start3A_502 = arith.constant 0 : i32
      %dma_start3A_503 = tpu.memref_slice %arg14[%add3A_378, %dma_start3A_502] : memref<10240x128xf32, #tpu.memory_space<vmem_shared>> -> memref<16x128xf32, #tpu.memory_space<vmem_shared>>
      tpu.enqueue_dma source(%arg13 : memref<16x128xf32, #tpu.memory_space<vmem>>) target(%dma_start3A_503 : memref<16x128xf32, #tpu.memory_space<vmem_shared>>) target_semaphore(%run_scoped3A_499 : memref<!tpu.dma_semaphore, #tpu.memory_space<semaphore_mem>>)
      %dma_wait3A_504 = arith.constant 0 : i32
      %dma_wait3A_505 = tpu.memref_slice %arg14[%add3A_378, %dma_wait3A_504] : memref<10240x128xf32, #tpu.memory_space<vmem_shared>> -> memref<16x128xf32, #tpu.memory_space<vmem_shared>>
      %dma_wait3A_506 = arith.constant 0 : i32
      %dma_wait3A_507 = tpu.memref_slice %arg14[%add3A_378, %dma_wait3A_506] : memref<10240x128xf32, #tpu.memory_space<vmem_shared>> -> memref<16x128xf32, #tpu.memory_space<vmem_shared>>
      tpu.wait_dma2 semaphore(%run_scoped3A_499 : memref<!tpu.dma_semaphore, #tpu.memory_space<semaphore_mem>>) src(%arg13 : memref<16x128xf32, #tpu.memory_space<vmem>>) dst(%dma_wait3A_507 : memref<16x128xf32, #tpu.memory_space<vmem_shared>>)
      tpu.yield
    }) : () -> ()
    %mul3A_379 = arith.constant 640 : i32
    %mul3A_380 = arith.muli %arg1, %mul3A_379 : i32
    %add3A_381 = arith.constant 512 : i32
    %add3A_382 = arith.addi %mul3A_380, %add3A_381 : i32
    "tpu.region"() ({
      %run_scoped3A_499 = tpu.sem_alloc : memref<!tpu.dma_semaphore, #tpu.memory_space<semaphore_mem>>
      %dma_start3A_500 = arith.constant 0 : i32
      %dma_start3A_501 = tpu.memref_slice %arg14[%add3A_382, %dma_start3A_500] : memref<10240x128xf32, #tpu.memory_space<vmem_shared>> -> memref<16x128xf32, #tpu.memory_space<vmem_shared>>
      %dma_start3A_502 = arith.constant 0 : i32
      %dma_start3A_503 = tpu.memref_slice %arg14[%add3A_382, %dma_start3A_502] : memref<10240x128xf32, #tpu.memory_space<vmem_shared>> -> memref<16x128xf32, #tpu.memory_space<vmem_shared>>
      tpu.enqueue_dma source(%arg13 : memref<16x128xf32, #tpu.memory_space<vmem>>) target(%dma_start3A_503 : memref<16x128xf32, #tpu.memory_space<vmem_shared>>) target_semaphore(%run_scoped3A_499 : memref<!tpu.dma_semaphore, #tpu.memory_space<semaphore_mem>>)
      %dma_wait3A_504 = arith.constant 0 : i32
      %dma_wait3A_505 = tpu.memref_slice %arg14[%add3A_382, %dma_wait3A_504] : memref<10240x128xf32, #tpu.memory_space<vmem_shared>> -> memref<16x128xf32, #tpu.memory_space<vmem_shared>>
      %dma_wait3A_506 = arith.constant 0 : i32
      %dma_wait3A_507 = tpu.memref_slice %arg14[%add3A_382, %dma_wait3A_506] : memref<10240x128xf32, #tpu.memory_space<vmem_shared>> -> memref<16x128xf32, #tpu.memory_space<vmem_shared>>
      tpu.wait_dma2 semaphore(%run_scoped3A_499 : memref<!tpu.dma_semaphore, #tpu.memory_space<semaphore_mem>>) src(%arg13 : memref<16x128xf32, #tpu.memory_space<vmem>>) dst(%dma_wait3A_507 : memref<16x128xf32, #tpu.memory_space<vmem_shared>>)
      tpu.yield
    }) : () -> ()
    %mul3A_383 = arith.constant 640 : i32
    %mul3A_384 = arith.muli %arg1, %mul3A_383 : i32
    %add3A_385 = arith.constant 528 : i32
    %add3A_386 = arith.addi %mul3A_384, %add3A_385 : i32
    "tpu.region"() ({
      %run_scoped3A_499 = tpu.sem_alloc : memref<!tpu.dma_semaphore, #tpu.memory_space<semaphore_mem>>
      %dma_start3A_500 = arith.constant 0 : i32
      %dma_start3A_501 = tpu.memref_slice %arg14[%add3A_386, %dma_start3A_500] : memref<10240x128xf32, #tpu.memory_space<vmem_shared>> -> memref<16x128xf32, #tpu.memory_space<vmem_shared>>
      %dma_start3A_502 = arith.constant 0 : i32
      %dma_start3A_503 = tpu.memref_slice %arg14[%add3A_386, %dma_start3A_502] : memref<10240x128xf32, #tpu.memory_space<vmem_shared>> -> memref<16x128xf32, #tpu.memory_space<vmem_shared>>
      tpu.enqueue_dma source(%arg13 : memref<16x128xf32, #tpu.memory_space<vmem>>) target(%dma_start3A_503 : memref<16x128xf32, #tpu.memory_space<vmem_shared>>) target_semaphore(%run_scoped3A_499 : memref<!tpu.dma_semaphore, #tpu.memory_space<semaphore_mem>>)
      %dma_wait3A_504 = arith.constant 0 : i32
      %dma_wait3A_505 = tpu.memref_slice %arg14[%add3A_386, %dma_wait3A_504] : memref<10240x128xf32, #tpu.memory_space<vmem_shared>> -> memref<16x128xf32, #tpu.memory_space<vmem_shared>>
      %dma_wait3A_506 = arith.constant 0 : i32
      %dma_wait3A_507 = tpu.memref_slice %arg14[%add3A_386, %dma_wait3A_506] : memref<10240x128xf32, #tpu.memory_space<vmem_shared>> -> memref<16x128xf32, #tpu.memory_space<vmem_shared>>
      tpu.wait_dma2 semaphore(%run_scoped3A_499 : memref<!tpu.dma_semaphore, #tpu.memory_space<semaphore_mem>>) src(%arg13 : memref<16x128xf32, #tpu.memory_space<vmem>>) dst(%dma_wait3A_507 : memref<16x128xf32, #tpu.memory_space<vmem_shared>>)
      tpu.yield
    }) : () -> ()
    %mul3A_387 = arith.constant 640 : i32
    %mul3A_388 = arith.muli %arg1, %mul3A_387 : i32
    %add3A_389 = arith.constant 544 : i32
    %add3A_390 = arith.addi %mul3A_388, %add3A_389 : i32
    "tpu.region"() ({
      %run_scoped3A_499 = tpu.sem_alloc : memref<!tpu.dma_semaphore, #tpu.memory_space<semaphore_mem>>
      %dma_start3A_500 = arith.constant 0 : i32
      %dma_start3A_501 = tpu.memref_slice %arg14[%add3A_390, %dma_start3A_500] : memref<10240x128xf32, #tpu.memory_space<vmem_shared>> -> memref<16x128xf32, #tpu.memory_space<vmem_shared>>
      %dma_start3A_502 = arith.constant 0 : i32
      %dma_start3A_503 = tpu.memref_slice %arg14[%add3A_390, %dma_start3A_502] : memref<10240x128xf32, #tpu.memory_space<vmem_shared>> -> memref<16x128xf32, #tpu.memory_space<vmem_shared>>
      tpu.enqueue_dma source(%arg13 : memref<16x128xf32, #tpu.memory_space<vmem>>) target(%dma_start3A_503 : memref<16x128xf32, #tpu.memory_space<vmem_shared>>) target_semaphore(%run_scoped3A_499 : memref<!tpu.dma_semaphore, #tpu.memory_space<semaphore_mem>>)
      %dma_wait3A_504 = arith.constant 0 : i32
      %dma_wait3A_505 = tpu.memref_slice %arg14[%add3A_390, %dma_wait3A_504] : memref<10240x128xf32, #tpu.memory_space<vmem_shared>> -> memref<16x128xf32, #tpu.memory_space<vmem_shared>>
      %dma_wait3A_506 = arith.constant 0 : i32
      %dma_wait3A_507 = tpu.memref_slice %arg14[%add3A_390, %dma_wait3A_506] : memref<10240x128xf32, #tpu.memory_space<vmem_shared>> -> memref<16x128xf32, #tpu.memory_space<vmem_shared>>
      tpu.wait_dma2 semaphore(%run_scoped3A_499 : memref<!tpu.dma_semaphore, #tpu.memory_space<semaphore_mem>>) src(%arg13 : memref<16x128xf32, #tpu.memory_space<vmem>>) dst(%dma_wait3A_507 : memref<16x128xf32, #tpu.memory_space<vmem_shared>>)
      tpu.yield
    }) : () -> ()
    %mul3A_391 = arith.constant 640 : i32
    %mul3A_392 = arith.muli %arg1, %mul3A_391 : i32
    %add3A_393 = arith.constant 560 : i32
    %add3A_394 = arith.addi %mul3A_392, %add3A_393 : i32
    "tpu.region"() ({
      %run_scoped3A_499 = tpu.sem_alloc : memref<!tpu.dma_semaphore, #tpu.memory_space<semaphore_mem>>
      %dma_start3A_500 = arith.constant 0 : i32
      %dma_start3A_501 = tpu.memref_slice %arg14[%add3A_394, %dma_start3A_500] : memref<10240x128xf32, #tpu.memory_space<vmem_shared>> -> memref<16x128xf32, #tpu.memory_space<vmem_shared>>
      %dma_start3A_502 = arith.constant 0 : i32
      %dma_start3A_503 = tpu.memref_slice %arg14[%add3A_394, %dma_start3A_502] : memref<10240x128xf32, #tpu.memory_space<vmem_shared>> -> memref<16x128xf32, #tpu.memory_space<vmem_shared>>
      tpu.enqueue_dma source(%arg13 : memref<16x128xf32, #tpu.memory_space<vmem>>) target(%dma_start3A_503 : memref<16x128xf32, #tpu.memory_space<vmem_shared>>) target_semaphore(%run_scoped3A_499 : memref<!tpu.dma_semaphore, #tpu.memory_space<semaphore_mem>>)
      %dma_wait3A_504 = arith.constant 0 : i32
      %dma_wait3A_505 = tpu.memref_slice %arg14[%add3A_394, %dma_wait3A_504] : memref<10240x128xf32, #tpu.memory_space<vmem_shared>> -> memref<16x128xf32, #tpu.memory_space<vmem_shared>>
      %dma_wait3A_506 = arith.constant 0 : i32
      %dma_wait3A_507 = tpu.memref_slice %arg14[%add3A_394, %dma_wait3A_506] : memref<10240x128xf32, #tpu.memory_space<vmem_shared>> -> memref<16x128xf32, #tpu.memory_space<vmem_shared>>
      tpu.wait_dma2 semaphore(%run_scoped3A_499 : memref<!tpu.dma_semaphore, #tpu.memory_space<semaphore_mem>>) src(%arg13 : memref<16x128xf32, #tpu.memory_space<vmem>>) dst(%dma_wait3A_507 : memref<16x128xf32, #tpu.memory_space<vmem_shared>>)
      tpu.yield
    }) : () -> ()
    %mul3A_395 = arith.constant 640 : i32
    %mul3A_396 = arith.muli %arg1, %mul3A_395 : i32
    %add3A_397 = arith.constant 576 : i32
    %add3A_398 = arith.addi %mul3A_396, %add3A_397 : i32
    "tpu.region"() ({
      %run_scoped3A_499 = tpu.sem_alloc : memref<!tpu.dma_semaphore, #tpu.memory_space<semaphore_mem>>
      %dma_start3A_500 = arith.constant 0 : i32
      %dma_start3A_501 = tpu.memref_slice %arg14[%add3A_398, %dma_start3A_500] : memref<10240x128xf32, #tpu.memory_space<vmem_shared>> -> memref<16x128xf32, #tpu.memory_space<vmem_shared>>
      %dma_start3A_502 = arith.constant 0 : i32
      %dma_start3A_503 = tpu.memref_slice %arg14[%add3A_398, %dma_start3A_502] : memref<10240x128xf32, #tpu.memory_space<vmem_shared>> -> memref<16x128xf32, #tpu.memory_space<vmem_shared>>
      tpu.enqueue_dma source(%arg13 : memref<16x128xf32, #tpu.memory_space<vmem>>) target(%dma_start3A_503 : memref<16x128xf32, #tpu.memory_space<vmem_shared>>) target_semaphore(%run_scoped3A_499 : memref<!tpu.dma_semaphore, #tpu.memory_space<semaphore_mem>>)
      %dma_wait3A_504 = arith.constant 0 : i32
      %dma_wait3A_505 = tpu.memref_slice %arg14[%add3A_398, %dma_wait3A_504] : memref<10240x128xf32, #tpu.memory_space<vmem_shared>> -> memref<16x128xf32, #tpu.memory_space<vmem_shared>>
      %dma_wait3A_506 = arith.constant 0 : i32
      %dma_wait3A_507 = tpu.memref_slice %arg14[%add3A_398, %dma_wait3A_506] : memref<10240x128xf32, #tpu.memory_space<vmem_shared>> -> memref<16x128xf32, #tpu.memory_space<vmem_shared>>
      tpu.wait_dma2 semaphore(%run_scoped3A_499 : memref<!tpu.dma_semaphore, #tpu.memory_space<semaphore_mem>>) src(%arg13 : memref<16x128xf32, #tpu.memory_space<vmem>>) dst(%dma_wait3A_507 : memref<16x128xf32, #tpu.memory_space<vmem_shared>>)
      tpu.yield
    }) : () -> ()
    %mul3A_399 = arith.constant 640 : i32
    %mul3A_400 = arith.muli %arg1, %mul3A_399 : i32
    %add3A_401 = arith.constant 592 : i32
    %add3A_402 = arith.addi %mul3A_400, %add3A_401 : i32
    "tpu.region"() ({
      %run_scoped3A_499 = tpu.sem_alloc : memref<!tpu.dma_semaphore, #tpu.memory_space<semaphore_mem>>
      %dma_start3A_500 = arith.constant 0 : i32
      %dma_start3A_501 = tpu.memref_slice %arg14[%add3A_402, %dma_start3A_500] : memref<10240x128xf32, #tpu.memory_space<vmem_shared>> -> memref<16x128xf32, #tpu.memory_space<vmem_shared>>
      %dma_start3A_502 = arith.constant 0 : i32
      %dma_start3A_503 = tpu.memref_slice %arg14[%add3A_402, %dma_start3A_502] : memref<10240x128xf32, #tpu.memory_space<vmem_shared>> -> memref<16x128xf32, #tpu.memory_space<vmem_shared>>
      tpu.enqueue_dma source(%arg13 : memref<16x128xf32, #tpu.memory_space<vmem>>) target(%dma_start3A_503 : memref<16x128xf32, #tpu.memory_space<vmem_shared>>) target_semaphore(%run_scoped3A_499 : memref<!tpu.dma_semaphore, #tpu.memory_space<semaphore_mem>>)
      %dma_wait3A_504 = arith.constant 0 : i32
      %dma_wait3A_505 = tpu.memref_slice %arg14[%add3A_402, %dma_wait3A_504] : memref<10240x128xf32, #tpu.memory_space<vmem_shared>> -> memref<16x128xf32, #tpu.memory_space<vmem_shared>>
      %dma_wait3A_506 = arith.constant 0 : i32
      %dma_wait3A_507 = tpu.memref_slice %arg14[%add3A_402, %dma_wait3A_506] : memref<10240x128xf32, #tpu.memory_space<vmem_shared>> -> memref<16x128xf32, #tpu.memory_space<vmem_shared>>
      tpu.wait_dma2 semaphore(%run_scoped3A_499 : memref<!tpu.dma_semaphore, #tpu.memory_space<semaphore_mem>>) src(%arg13 : memref<16x128xf32, #tpu.memory_space<vmem>>) dst(%dma_wait3A_507 : memref<16x128xf32, #tpu.memory_space<vmem_shared>>)
      tpu.yield
    }) : () -> ()
    %mul3A_403 = arith.constant 640 : i32
    %mul3A_404 = arith.muli %arg1, %mul3A_403 : i32
    %add3A_405 = arith.constant 608 : i32
    %add3A_406 = arith.addi %mul3A_404, %add3A_405 : i32
    "tpu.region"() ({
      %run_scoped3A_499 = tpu.sem_alloc : memref<!tpu.dma_semaphore, #tpu.memory_space<semaphore_mem>>
      %dma_start3A_500 = arith.constant 0 : i32
      %dma_start3A_501 = tpu.memref_slice %arg14[%add3A_406, %dma_start3A_500] : memref<10240x128xf32, #tpu.memory_space<vmem_shared>> -> memref<16x128xf32, #tpu.memory_space<vmem_shared>>
      %dma_start3A_502 = arith.constant 0 : i32
      %dma_start3A_503 = tpu.memref_slice %arg14[%add3A_406, %dma_start3A_502] : memref<10240x128xf32, #tpu.memory_space<vmem_shared>> -> memref<16x128xf32, #tpu.memory_space<vmem_shared>>
      tpu.enqueue_dma source(%arg13 : memref<16x128xf32, #tpu.memory_space<vmem>>) target(%dma_start3A_503 : memref<16x128xf32, #tpu.memory_space<vmem_shared>>) target_semaphore(%run_scoped3A_499 : memref<!tpu.dma_semaphore, #tpu.memory_space<semaphore_mem>>)
      %dma_wait3A_504 = arith.constant 0 : i32
      %dma_wait3A_505 = tpu.memref_slice %arg14[%add3A_406, %dma_wait3A_504] : memref<10240x128xf32, #tpu.memory_space<vmem_shared>> -> memref<16x128xf32, #tpu.memory_space<vmem_shared>>
      %dma_wait3A_506 = arith.constant 0 : i32
      %dma_wait3A_507 = tpu.memref_slice %arg14[%add3A_406, %dma_wait3A_506] : memref<10240x128xf32, #tpu.memory_space<vmem_shared>> -> memref<16x128xf32, #tpu.memory_space<vmem_shared>>
      tpu.wait_dma2 semaphore(%run_scoped3A_499 : memref<!tpu.dma_semaphore, #tpu.memory_space<semaphore_mem>>) src(%arg13 : memref<16x128xf32, #tpu.memory_space<vmem>>) dst(%dma_wait3A_507 : memref<16x128xf32, #tpu.memory_space<vmem_shared>>)
      tpu.yield
    }) : () -> ()
    %mul3A_407 = arith.constant 640 : i32
    %mul3A_408 = arith.muli %arg1, %mul3A_407 : i32
    %add3A_409 = arith.constant 624 : i32
    %add3A_410 = arith.addi %mul3A_408, %add3A_409 : i32
    "tpu.region"() ({
      %run_scoped3A_499 = tpu.sem_alloc : memref<!tpu.dma_semaphore, #tpu.memory_space<semaphore_mem>>
      %dma_start3A_500 = arith.constant 0 : i32
      %dma_start3A_501 = tpu.memref_slice %arg14[%add3A_410, %dma_start3A_500] : memref<10240x128xf32, #tpu.memory_space<vmem_shared>> -> memref<16x128xf32, #tpu.memory_space<vmem_shared>>
      %dma_start3A_502 = arith.constant 0 : i32
      %dma_start3A_503 = tpu.memref_slice %arg14[%add3A_410, %dma_start3A_502] : memref<10240x128xf32, #tpu.memory_space<vmem_shared>> -> memref<16x128xf32, #tpu.memory_space<vmem_shared>>
      tpu.enqueue_dma source(%arg13 : memref<16x128xf32, #tpu.memory_space<vmem>>) target(%dma_start3A_503 : memref<16x128xf32, #tpu.memory_space<vmem_shared>>) target_semaphore(%run_scoped3A_499 : memref<!tpu.dma_semaphore, #tpu.memory_space<semaphore_mem>>)
      %dma_wait3A_504 = arith.constant 0 : i32
      %dma_wait3A_505 = tpu.memref_slice %arg14[%add3A_410, %dma_wait3A_504] : memref<10240x128xf32, #tpu.memory_space<vmem_shared>> -> memref<16x128xf32, #tpu.memory_space<vmem_shared>>
      %dma_wait3A_506 = arith.constant 0 : i32
      %dma_wait3A_507 = tpu.memref_slice %arg14[%add3A_410, %dma_wait3A_506] : memref<10240x128xf32, #tpu.memory_space<vmem_shared>> -> memref<16x128xf32, #tpu.memory_space<vmem_shared>>
      tpu.wait_dma2 semaphore(%run_scoped3A_499 : memref<!tpu.dma_semaphore, #tpu.memory_space<semaphore_mem>>) src(%arg13 : memref<16x128xf32, #tpu.memory_space<vmem>>) dst(%dma_wait3A_507 : memref<16x128xf32, #tpu.memory_space<vmem_shared>>)
      tpu.yield
    }) : () -> ()
    %barrier3A_411 = arith.constant 0 : index
    tpu.barrier barrier_id(%barrier3A_411)
    %mul3A_412 = arith.constant 80 : i32
    %mul3A_413 = arith.muli %add3A, %mul3A_412 : i32
    %add3A_414 = arith.constant 0 : i32
    %add3A_415 = arith.addi %mul3A_413, %add3A_414 : i32
    "tpu.region"() ({
      %run_scoped3A_499 = tpu.sem_alloc : memref<!tpu.dma_semaphore, #tpu.memory_space<semaphore_mem>>
      %dma_start3A_500 = arith.constant 0 : i32
      %dma_start3A_501 = tpu.memref_slice %arg4[%add3A_415, %dma_start3A_500] : memref<2560x125xi32, #tpu.memory_space<hbm>> -> memref<40x125xi32, #tpu.memory_space<hbm>>
      %dma_start3A_502 = arith.constant 0 : i32
      %dma_start3A_503 = tpu.memref_slice %arg4[%add3A_415, %dma_start3A_502] : memref<2560x125xi32, #tpu.memory_space<hbm>> -> memref<40x125xi32, #tpu.memory_space<hbm>>
      tpu.enqueue_dma source(%dma_start3A_503 : memref<40x125xi32, #tpu.memory_space<hbm>>) target(%arg9 : memref<40x125xi32, #tpu.memory_space<vmem>>) target_semaphore(%run_scoped3A_499 : memref<!tpu.dma_semaphore, #tpu.memory_space<semaphore_mem>>)
      %dma_wait3A_504 = arith.constant 0 : i32
      %dma_wait3A_505 = tpu.memref_slice %arg4[%add3A_415, %dma_wait3A_504] : memref<2560x125xi32, #tpu.memory_space<hbm>> -> memref<40x125xi32, #tpu.memory_space<hbm>>
      %dma_wait3A_506 = arith.constant 0 : i32
      %dma_wait3A_507 = tpu.memref_slice %arg4[%add3A_415, %dma_wait3A_506] : memref<2560x125xi32, #tpu.memory_space<hbm>> -> memref<40x125xi32, #tpu.memory_space<hbm>>
      tpu.wait_dma2 semaphore(%run_scoped3A_499 : memref<!tpu.dma_semaphore, #tpu.memory_space<semaphore_mem>>) src(%dma_wait3A_507 : memref<40x125xi32, #tpu.memory_space<hbm>>) dst(%arg9 : memref<40x125xi32, #tpu.memory_space<vmem>>)
      tpu.yield
    }) : () -> ()
    "tpu.region"() ({
      %run_scoped3A_499 = tpu.sem_alloc : memref<!tpu.dma_semaphore, #tpu.memory_space<semaphore_mem>>
      %dma_start3A_500 = arith.constant 0 : i32
      %dma_start3A_501 = tpu.memref_slice %arg5[%add3A_415, %dma_start3A_500] : memref<2560x125xi32, #tpu.memory_space<hbm>> -> memref<40x125xi32, #tpu.memory_space<hbm>>
      %dma_start3A_502 = arith.constant 0 : i32
      %dma_start3A_503 = tpu.memref_slice %arg5[%add3A_415, %dma_start3A_502] : memref<2560x125xi32, #tpu.memory_space<hbm>> -> memref<40x125xi32, #tpu.memory_space<hbm>>
      tpu.enqueue_dma source(%dma_start3A_503 : memref<40x125xi32, #tpu.memory_space<hbm>>) target(%arg10 : memref<40x125xi32, #tpu.memory_space<vmem>>) target_semaphore(%run_scoped3A_499 : memref<!tpu.dma_semaphore, #tpu.memory_space<semaphore_mem>>)
      %dma_wait3A_504 = arith.constant 0 : i32
      %dma_wait3A_505 = tpu.memref_slice %arg5[%add3A_415, %dma_wait3A_504] : memref<2560x125xi32, #tpu.memory_space<hbm>> -> memref<40x125xi32, #tpu.memory_space<hbm>>
      %dma_wait3A_506 = arith.constant 0 : i32
      %dma_wait3A_507 = tpu.memref_slice %arg5[%add3A_415, %dma_wait3A_506] : memref<2560x125xi32, #tpu.memory_space<hbm>> -> memref<40x125xi32, #tpu.memory_space<hbm>>
      tpu.wait_dma2 semaphore(%run_scoped3A_499 : memref<!tpu.dma_semaphore, #tpu.memory_space<semaphore_mem>>) src(%dma_wait3A_507 : memref<40x125xi32, #tpu.memory_space<hbm>>) dst(%arg10 : memref<40x125xi32, #tpu.memory_space<vmem>>)
      tpu.yield
    }) : () -> ()
    %dma_start3A_416 = arith.constant 0 : i32
    %dma_start3A_417 = arith.constant 0 : i32
    %dma_start3A_418 = tpu.memref_slice %arg9[%dma_start3A_416, %dma_start3A_417] : memref<40x125xi32, #tpu.memory_space<vmem>> -> memref<1x125xi32, #tpu.memory_space<vmem>>
    %dma_start3A_419 = tpu.memref_squeeze %dma_start3A_418 : memref<1x125xi32, #tpu.memory_space<vmem>> -> memref<125xi32, #tpu.memory_space<vmem>>
    %dma_start3A_420 = arith.constant 0 : i32
    %dma_start3A_421 = arith.constant 0 : i32
    %dma_start3A_422 = tpu.memref_slice %arg7[%dma_start3A_420, %dma_start3A_421] : memref<10000x128xf32, #tpu.memory_space<hbm>> -> memref<10000x128xf32, #tpu.memory_space<hbm>>
    tpu.enqueue_indirect_dma source(%dma_start3A_422 : memref<10000x128xf32, #tpu.memory_space<hbm>>) target(%arg11 : memref<125x128xf32, #tpu.memory_space<vmem>>) offsets(%dma_start3A_419 : memref<125xi32, #tpu.memory_space<vmem>>) semaphore(%arg15 : memref<!tpu.dma_semaphore, #tpu.memory_space<semaphore_mem>>)
    %dma_start3A_423 = arith.constant 1 : i32
    %dma_start3A_424 = arith.constant 0 : i32
    %dma_start3A_425 = tpu.memref_slice %arg9[%dma_start3A_423, %dma_start3A_424] : memref<40x125xi32, #tpu.memory_space<vmem>> -> memref<1x125xi32, #tpu.memory_space<vmem>>
    %dma_start3A_426 = tpu.memref_squeeze %dma_start3A_425 : memref<1x125xi32, #tpu.memory_space<vmem>> -> memref<125xi32, #tpu.memory_space<vmem>>
    %dma_start3A_427 = arith.constant 0 : i32
    %dma_start3A_428 = arith.constant 0 : i32
    %dma_start3A_429 = tpu.memref_slice %arg7[%dma_start3A_427, %dma_start3A_428] : memref<10000x128xf32, #tpu.memory_space<hbm>> -> memref<10000x128xf32, #tpu.memory_space<hbm>>
    tpu.enqueue_indirect_dma source(%dma_start3A_429 : memref<10000x128xf32, #tpu.memory_space<hbm>>) target(%arg12 : memref<125x128xf32, #tpu.memory_space<vmem>>) offsets(%dma_start3A_426 : memref<125xi32, #tpu.memory_space<vmem>>) semaphore(%arg16 : memref<!tpu.dma_semaphore, #tpu.memory_space<semaphore_mem>>)
    %scan3A_430 = arith.constant 0 : i32
    %scan3A_431 = arith.constant 0 : i32
    %scan3A_432 = arith.constant 19 : i32
    %scan3A_433 = arith.addi %scan3A_431, %scan3A_432 : i32
    %scan3A_434 = arith.constant 1 : i32
    scf.for %scan3A_499 = %scan3A_431 to %scan3A_433 step %scan3A_434  : i32 {
      %mul3A_500 = arith.constant 2 : i32
      %mul3A_501 = arith.muli %mul3A_500, %scan3A_499 : i32
      %dma_wait3A_502 = arith.constant 0 : i32
      %dma_wait3A_503 = tpu.memref_slice %arg9[%mul3A_501, %dma_wait3A_502] : memref<40x125xi32, #tpu.memory_space<vmem>> -> memref<1x125xi32, #tpu.memory_space<vmem>>
      %dma_wait3A_504 = tpu.memref_squeeze %dma_wait3A_503 : memref<1x125xi32, #tpu.memory_space<vmem>> -> memref<125xi32, #tpu.memory_space<vmem>>
      %dma_wait3A_505 = arith.constant 0 : i32
      %dma_wait3A_506 = arith.constant 0 : i32
      %dma_wait3A_507 = tpu.memref_slice %arg7[%dma_wait3A_505, %dma_wait3A_506] : memref<10000x128xf32, #tpu.memory_space<hbm>> -> memref<10000x128xf32, #tpu.memory_space<hbm>>
      tpu.wait_indirect_dma semaphore(%arg15 : memref<!tpu.dma_semaphore, #tpu.memory_space<semaphore_mem>>) src(%dma_wait3A_507 : memref<10000x128xf32, #tpu.memory_space<hbm>>) dst(%arg11 : memref<125x128xf32, #tpu.memory_space<vmem>>)
      "tpu.region"() ({
        %run_scoped3A_534 = tpu.sem_alloc : memref<!tpu.dma_semaphore, #tpu.memory_space<semaphore_mem>>
        %dma_start3A_535 = arith.constant 0 : i32
        %dma_start3A_536 = tpu.memref_slice %arg10[%mul3A_501, %dma_start3A_535] : memref<40x125xi32, #tpu.memory_space<vmem>> -> memref<1x125xi32, #tpu.memory_space<vmem>>
        %dma_start3A_537 = tpu.memref_squeeze %dma_start3A_536 : memref<1x125xi32, #tpu.memory_space<vmem>> -> memref<125xi32, #tpu.memory_space<vmem>>
        %dma_start3A_538 = arith.constant 0 : i32
        %dma_start3A_539 = arith.constant 0 : i32
        %dma_start3A_540 = tpu.memref_slice %arg14[%dma_start3A_538, %dma_start3A_539] : memref<10240x128xf32, #tpu.memory_space<vmem_shared>> -> memref<10240x128xf32, #tpu.memory_space<vmem_shared>>
        tpu.enqueue_indirect_dma source(%arg11 : memref<125x128xf32, #tpu.memory_space<vmem>>) target(%dma_start3A_540 : memref<10240x128xf32, #tpu.memory_space<vmem_shared>>) offsets(%dma_start3A_537 : memref<125xi32, #tpu.memory_space<vmem>>) semaphore(%run_scoped3A_534 : memref<!tpu.dma_semaphore, #tpu.memory_space<semaphore_mem>>) {add = true}
        %dma_wait3A_541 = arith.constant 0 : i32
        %dma_wait3A_542 = tpu.memref_slice %arg10[%mul3A_501, %dma_wait3A_541] : memref<40x125xi32, #tpu.memory_space<vmem>> -> memref<1x125xi32, #tpu.memory_space<vmem>>
        %dma_wait3A_543 = tpu.memref_squeeze %dma_wait3A_542 : memref<1x125xi32, #tpu.memory_space<vmem>> -> memref<125xi32, #tpu.memory_space<vmem>>
        %dma_wait3A_544 = arith.constant 0 : i32
        %dma_wait3A_545 = arith.constant 0 : i32
        %dma_wait3A_546 = tpu.memref_slice %arg14[%dma_wait3A_544, %dma_wait3A_545] : memref<10240x128xf32, #tpu.memory_space<vmem_shared>> -> memref<10240x128xf32, #tpu.memory_space<vmem_shared>>
        tpu.wait_indirect_dma semaphore(%run_scoped3A_534 : memref<!tpu.dma_semaphore, #tpu.memory_space<semaphore_mem>>) src(%arg11 : memref<125x128xf32, #tpu.memory_space<vmem>>) dst(%dma_wait3A_546 : memref<10240x128xf32, #tpu.memory_space<vmem_shared>>)
        tpu.yield
      }) : () -> ()
      %add3A_508 = arith.constant 2 : i32
      %add3A_509 = arith.addi %mul3A_501, %add3A_508 : i32
      %dma_start3A_510 = arith.constant 0 : i32
      %dma_start3A_511 = tpu.memref_slice %arg9[%add3A_509, %dma_start3A_510] : memref<40x125xi32, #tpu.memory_space<vmem>> -> memref<1x125xi32, #tpu.memory_space<vmem>>
      %dma_start3A_512 = tpu.memref_squeeze %dma_start3A_511 : memref<1x125xi32, #tpu.memory_space<vmem>> -> memref<125xi32, #tpu.memory_space<vmem>>
      %dma_start3A_513 = arith.constant 0 : i32
      %dma_start3A_514 = arith.constant 0 : i32
      %dma_start3A_515 = tpu.memref_slice %arg7[%dma_start3A_513, %dma_start3A_514] : memref<10000x128xf32, #tpu.memory_space<hbm>> -> memref<10000x128xf32, #tpu.memory_space<hbm>>
      tpu.enqueue_indirect_dma source(%dma_start3A_515 : memref<10000x128xf32, #tpu.memory_space<hbm>>) target(%arg11 : memref<125x128xf32, #tpu.memory_space<vmem>>) offsets(%dma_start3A_512 : memref<125xi32, #tpu.memory_space<vmem>>) semaphore(%arg15 : memref<!tpu.dma_semaphore, #tpu.memory_space<semaphore_mem>>)
      %add3A_516 = arith.constant 1 : i32
      %add3A_517 = arith.addi %mul3A_501, %add3A_516 : i32
      %dma_wait3A_518 = arith.constant 0 : i32
      %dma_wait3A_519 = tpu.memref_slice %arg9[%add3A_517, %dma_wait3A_518] : memref<40x125xi32, #tpu.memory_space<vmem>> -> memref<1x125xi32, #tpu.memory_space<vmem>>
      %dma_wait3A_520 = tpu.memref_squeeze %dma_wait3A_519 : memref<1x125xi32, #tpu.memory_space<vmem>> -> memref<125xi32, #tpu.memory_space<vmem>>
      %dma_wait3A_521 = arith.constant 0 : i32
      %dma_wait3A_522 = arith.constant 0 : i32
      %dma_wait3A_523 = tpu.memref_slice %arg7[%dma_wait3A_521, %dma_wait3A_522] : memref<10000x128xf32, #tpu.memory_space<hbm>> -> memref<10000x128xf32, #tpu.memory_space<hbm>>
      tpu.wait_indirect_dma semaphore(%arg16 : memref<!tpu.dma_semaphore, #tpu.memory_space<semaphore_mem>>) src(%dma_wait3A_523 : memref<10000x128xf32, #tpu.memory_space<hbm>>) dst(%arg12 : memref<125x128xf32, #tpu.memory_space<vmem>>)
      %add3A_524 = arith.constant 1 : i32
      %add3A_525 = arith.addi %mul3A_501, %add3A_524 : i32
      "tpu.region"() ({
        %run_scoped3A_534 = tpu.sem_alloc : memref<!tpu.dma_semaphore, #tpu.memory_space<semaphore_mem>>
        %dma_start3A_535 = arith.constant 0 : i32
        %dma_start3A_536 = tpu.memref_slice %arg10[%add3A_525, %dma_start3A_535] : memref<40x125xi32, #tpu.memory_space<vmem>> -> memref<1x125xi32, #tpu.memory_space<vmem>>
        %dma_start3A_537 = tpu.memref_squeeze %dma_start3A_536 : memref<1x125xi32, #tpu.memory_space<vmem>> -> memref<125xi32, #tpu.memory_space<vmem>>
        %dma_start3A_538 = arith.constant 0 : i32
        %dma_start3A_539 = arith.constant 0 : i32
        %dma_start3A_540 = tpu.memref_slice %arg14[%dma_start3A_538, %dma_start3A_539] : memref<10240x128xf32, #tpu.memory_space<vmem_shared>> -> memref<10240x128xf32, #tpu.memory_space<vmem_shared>>
        tpu.enqueue_indirect_dma source(%arg12 : memref<125x128xf32, #tpu.memory_space<vmem>>) target(%dma_start3A_540 : memref<10240x128xf32, #tpu.memory_space<vmem_shared>>) offsets(%dma_start3A_537 : memref<125xi32, #tpu.memory_space<vmem>>) semaphore(%run_scoped3A_534 : memref<!tpu.dma_semaphore, #tpu.memory_space<semaphore_mem>>) {add = true}
        %dma_wait3A_541 = arith.constant 0 : i32
        %dma_wait3A_542 = tpu.memref_slice %arg10[%add3A_525, %dma_wait3A_541] : memref<40x125xi32, #tpu.memory_space<vmem>> -> memref<1x125xi32, #tpu.memory_space<vmem>>
        %dma_wait3A_543 = tpu.memref_squeeze %dma_wait3A_542 : memref<1x125xi32, #tpu.memory_space<vmem>> -> memref<125xi32, #tpu.memory_space<vmem>>
        %dma_wait3A_544 = arith.constant 0 : i32
        %dma_wait3A_545 = arith.constant 0 : i32
        %dma_wait3A_546 = tpu.memref_slice %arg14[%dma_wait3A_544, %dma_wait3A_545] : memref<10240x128xf32, #tpu.memory_space<vmem_shared>> -> memref<10240x128xf32, #tpu.memory_space<vmem_shared>>
        tpu.wait_indirect_dma semaphore(%run_scoped3A_534 : memref<!tpu.dma_semaphore, #tpu.memory_space<semaphore_mem>>) src(%arg12 : memref<125x128xf32, #tpu.memory_space<vmem>>) dst(%dma_wait3A_546 : memref<10240x128xf32, #tpu.memory_space<vmem_shared>>)
        tpu.yield
      }) : () -> ()
      %add3A_526 = arith.constant 3 : i32
      %add3A_527 = arith.addi %mul3A_501, %add3A_526 : i32
      %dma_start3A_528 = arith.constant 0 : i32
      %dma_start3A_529 = tpu.memref_slice %arg9[%add3A_527, %dma_start3A_528] : memref<40x125xi32, #tpu.memory_space<vmem>> -> memref<1x125xi32, #tpu.memory_space<vmem>>
      %dma_start3A_530 = tpu.memref_squeeze %dma_start3A_529 : memref<1x125xi32, #tpu.memory_space<vmem>> -> memref<125xi32, #tpu.memory_space<vmem>>
      %dma_start3A_531 = arith.constant 0 : i32
      %dma_start3A_532 = arith.constant 0 : i32
      %dma_start3A_533 = tpu.memref_slice %arg7[%dma_start3A_531, %dma_start3A_532] : memref<10000x128xf32, #tpu.memory_space<hbm>> -> memref<10000x128xf32, #tpu.memory_space<hbm>>
      tpu.enqueue_indirect_dma source(%dma_start3A_533 : memref<10000x128xf32, #tpu.memory_space<hbm>>) target(%arg12 : memref<125x128xf32, #tpu.memory_space<vmem>>) offsets(%dma_start3A_530 : memref<125xi32, #tpu.memory_space<vmem>>) semaphore(%arg16 : memref<!tpu.dma_semaphore, #tpu.memory_space<semaphore_mem>>)
    }
    %scan3A_435 = arith.constant 19 : i32
    %dma_wait3A_436 = arith.constant 38 : i32
    %dma_wait3A_437 = arith.constant 0 : i32
    %dma_wait3A_438 = tpu.memref_slice %arg9[%dma_wait3A_436, %dma_wait3A_437] : memref<40x125xi32, #tpu.memory_space<vmem>> -> memref<1x125xi32, #tpu.memory_space<vmem>>
    %dma_wait3A_439 = tpu.memref_squeeze %dma_wait3A_438 : memref<1x125xi32, #tpu.memory_space<vmem>> -> memref<125xi32, #tpu.memory_space<vmem>>
    %dma_wait3A_440 = arith.constant 0 : i32
    %dma_wait3A_441 = arith.constant 0 : i32
    %dma_wait3A_442 = tpu.memref_slice %arg7[%dma_wait3A_440, %dma_wait3A_441] : memref<10000x128xf32, #tpu.memory_space<hbm>> -> memref<10000x128xf32, #tpu.memory_space<hbm>>
    tpu.wait_indirect_dma semaphore(%arg15 : memref<!tpu.dma_semaphore, #tpu.memory_space<semaphore_mem>>) src(%dma_wait3A_442 : memref<10000x128xf32, #tpu.memory_space<hbm>>) dst(%arg11 : memref<125x128xf32, #tpu.memory_space<vmem>>)
    %run_scoped3A_443 = arith.constant 38 : i32
    "tpu.region"() ({
      %run_scoped3A_499 = tpu.sem_alloc : memref<!tpu.dma_semaphore, #tpu.memory_space<semaphore_mem>>
      %dma_start3A_500 = arith.constant 0 : i32
      %dma_start3A_501 = tpu.memref_slice %arg10[%run_scoped3A_443, %dma_start3A_500] : memref<40x125xi32, #tpu.memory_space<vmem>> -> memref<1x125xi32, #tpu.memory_space<vmem>>
      %dma_start3A_502 = tpu.memref_squeeze %dma_start3A_501 : memref<1x125xi32, #tpu.memory_space<vmem>> -> memref<125xi32, #tpu.memory_space<vmem>>
      %dma_start3A_503 = arith.constant 0 : i32
      %dma_start3A_504 = arith.constant 0 : i32
      %dma_start3A_505 = tpu.memref_slice %arg14[%dma_start3A_503, %dma_start3A_504] : memref<10240x128xf32, #tpu.memory_space<vmem_shared>> -> memref<10240x128xf32, #tpu.memory_space<vmem_shared>>
      tpu.enqueue_indirect_dma source(%arg11 : memref<125x128xf32, #tpu.memory_space<vmem>>) target(%dma_start3A_505 : memref<10240x128xf32, #tpu.memory_space<vmem_shared>>) offsets(%dma_start3A_502 : memref<125xi32, #tpu.memory_space<vmem>>) semaphore(%run_scoped3A_499 : memref<!tpu.dma_semaphore, #tpu.memory_space<semaphore_mem>>) {add = true}
      %dma_wait3A_506 = arith.constant 0 : i32
      %dma_wait3A_507 = tpu.memref_slice %arg10[%run_scoped3A_443, %dma_wait3A_506] : memref<40x125xi32, #tpu.memory_space<vmem>> -> memref<1x125xi32, #tpu.memory_space<vmem>>
      %dma_wait3A_508 = tpu.memref_squeeze %dma_wait3A_507 : memref<1x125xi32, #tpu.memory_space<vmem>> -> memref<125xi32, #tpu.memory_space<vmem>>
      %dma_wait3A_509 = arith.constant 0 : i32
      %dma_wait3A_510 = arith.constant 0 : i32
      %dma_wait3A_511 = tpu.memref_slice %arg14[%dma_wait3A_509, %dma_wait3A_510] : memref<10240x128xf32, #tpu.memory_space<vmem_shared>> -> memref<10240x128xf32, #tpu.memory_space<vmem_shared>>
      tpu.wait_indirect_dma semaphore(%run_scoped3A_499 : memref<!tpu.dma_semaphore, #tpu.memory_space<semaphore_mem>>) src(%arg11 : memref<125x128xf32, #tpu.memory_space<vmem>>) dst(%dma_wait3A_511 : memref<10240x128xf32, #tpu.memory_space<vmem_shared>>)
      tpu.yield
    }) : () -> ()
    %dma_wait3A_444 = arith.constant 39 : i32
    %dma_wait3A_445 = arith.constant 0 : i32
    %dma_wait3A_446 = tpu.memref_slice %arg9[%dma_wait3A_444, %dma_wait3A_445] : memref<40x125xi32, #tpu.memory_space<vmem>> -> memref<1x125xi32, #tpu.memory_space<vmem>>
    %dma_wait3A_447 = tpu.memref_squeeze %dma_wait3A_446 : memref<1x125xi32, #tpu.memory_space<vmem>> -> memref<125xi32, #tpu.memory_space<vmem>>
    %dma_wait3A_448 = arith.constant 0 : i32
    %dma_wait3A_449 = arith.constant 0 : i32
    %dma_wait3A_450 = tpu.memref_slice %arg7[%dma_wait3A_448, %dma_wait3A_449] : memref<10000x128xf32, #tpu.memory_space<hbm>> -> memref<10000x128xf32, #tpu.memory_space<hbm>>
    tpu.wait_indirect_dma semaphore(%arg16 : memref<!tpu.dma_semaphore, #tpu.memory_space<semaphore_mem>>) src(%dma_wait3A_450 : memref<10000x128xf32, #tpu.memory_space<hbm>>) dst(%arg12 : memref<125x128xf32, #tpu.memory_space<vmem>>)
    %run_scoped3A_451 = arith.constant 39 : i32
    "tpu.region"() ({
      %run_scoped3A_499 = tpu.sem_alloc : memref<!tpu.dma_semaphore, #tpu.memory_space<semaphore_mem>>
      %dma_start3A_500 = arith.constant 0 : i32
      %dma_start3A_501 = tpu.memref_slice %arg10[%run_scoped3A_451, %dma_start3A_500] : memref<40x125xi32, #tpu.memory_space<vmem>> -> memref<1x125xi32, #tpu.memory_space<vmem>>
      %dma_start3A_502 = tpu.memref_squeeze %dma_start3A_501 : memref<1x125xi32, #tpu.memory_space<vmem>> -> memref<125xi32, #tpu.memory_space<vmem>>
      %dma_start3A_503 = arith.constant 0 : i32
      %dma_start3A_504 = arith.constant 0 : i32
      %dma_start3A_505 = tpu.memref_slice %arg14[%dma_start3A_503, %dma_start3A_504] : memref<10240x128xf32, #tpu.memory_space<vmem_shared>> -> memref<10240x128xf32, #tpu.memory_space<vmem_shared>>
      tpu.enqueue_indirect_dma source(%arg12 : memref<125x128xf32, #tpu.memory_space<vmem>>) target(%dma_start3A_505 : memref<10240x128xf32, #tpu.memory_space<vmem_shared>>) offsets(%dma_start3A_502 : memref<125xi32, #tpu.memory_space<vmem>>) semaphore(%run_scoped3A_499 : memref<!tpu.dma_semaphore, #tpu.memory_space<semaphore_mem>>) {add = true}
      %dma_wait3A_506 = arith.constant 0 : i32
      %dma_wait3A_507 = tpu.memref_slice %arg10[%run_scoped3A_451, %dma_wait3A_506] : memref<40x125xi32, #tpu.memory_space<vmem>> -> memref<1x125xi32, #tpu.memory_space<vmem>>
      %dma_wait3A_508 = tpu.memref_squeeze %dma_wait3A_507 : memref<1x125xi32, #tpu.memory_space<vmem>> -> memref<125xi32, #tpu.memory_space<vmem>>
      %dma_wait3A_509 = arith.constant 0 : i32
      %dma_wait3A_510 = arith.constant 0 : i32
      %dma_wait3A_511 = tpu.memref_slice %arg14[%dma_wait3A_509, %dma_wait3A_510] : memref<10240x128xf32, #tpu.memory_space<vmem_shared>> -> memref<10240x128xf32, #tpu.memory_space<vmem_shared>>
      tpu.wait_indirect_dma semaphore(%run_scoped3A_499 : memref<!tpu.dma_semaphore, #tpu.memory_space<semaphore_mem>>) src(%arg12 : memref<125x128xf32, #tpu.memory_space<vmem>>) dst(%dma_wait3A_511 : memref<10240x128xf32, #tpu.memory_space<vmem_shared>>)
      tpu.yield
    }) : () -> ()
    %mul3A_452 = arith.constant 80 : i32
    %mul3A_453 = arith.muli %add3A, %mul3A_452 : i32
    %add3A_454 = arith.constant 40 : i32
    %add3A_455 = arith.addi %mul3A_453, %add3A_454 : i32
    "tpu.region"() ({
      %run_scoped3A_499 = tpu.sem_alloc : memref<!tpu.dma_semaphore, #tpu.memory_space<semaphore_mem>>
      %dma_start3A_500 = arith.constant 0 : i32
      %dma_start3A_501 = tpu.memref_slice %arg4[%add3A_455, %dma_start3A_500] : memref<2560x125xi32, #tpu.memory_space<hbm>> -> memref<40x125xi32, #tpu.memory_space<hbm>>
      %dma_start3A_502 = arith.constant 0 : i32
      %dma_start3A_503 = tpu.memref_slice %arg4[%add3A_455, %dma_start3A_502] : memref<2560x125xi32, #tpu.memory_space<hbm>> -> memref<40x125xi32, #tpu.memory_space<hbm>>
      tpu.enqueue_dma source(%dma_start3A_503 : memref<40x125xi32, #tpu.memory_space<hbm>>) target(%arg9 : memref<40x125xi32, #tpu.memory_space<vmem>>) target_semaphore(%run_scoped3A_499 : memref<!tpu.dma_semaphore, #tpu.memory_space<semaphore_mem>>)
      %dma_wait3A_504 = arith.constant 0 : i32
      %dma_wait3A_505 = tpu.memref_slice %arg4[%add3A_455, %dma_wait3A_504] : memref<2560x125xi32, #tpu.memory_space<hbm>> -> memref<40x125xi32, #tpu.memory_space<hbm>>
      %dma_wait3A_506 = arith.constant 0 : i32
      %dma_wait3A_507 = tpu.memref_slice %arg4[%add3A_455, %dma_wait3A_506] : memref<2560x125xi32, #tpu.memory_space<hbm>> -> memref<40x125xi32, #tpu.memory_space<hbm>>
      tpu.wait_dma2 semaphore(%run_scoped3A_499 : memref<!tpu.dma_semaphore, #tpu.memory_space<semaphore_mem>>) src(%dma_wait3A_507 : memref<40x125xi32, #tpu.memory_space<hbm>>) dst(%arg9 : memref<40x125xi32, #tpu.memory_space<vmem>>)
      tpu.yield
    }) : () -> ()
    "tpu.region"() ({
      %run_scoped3A_499 = tpu.sem_alloc : memref<!tpu.dma_semaphore, #tpu.memory_space<semaphore_mem>>
      %dma_start3A_500 = arith.constant 0 : i32
      %dma_start3A_501 = tpu.memref_slice %arg5[%add3A_455, %dma_start3A_500] : memref<2560x125xi32, #tpu.memory_space<hbm>> -> memref<40x125xi32, #tpu.memory_space<hbm>>
      %dma_start3A_502 = arith.constant 0 : i32
      %dma_start3A_503 = tpu.memref_slice %arg5[%add3A_455, %dma_start3A_502] : memref<2560x125xi32, #tpu.memory_space<hbm>> -> memref<40x125xi32, #tpu.memory_space<hbm>>
      tpu.enqueue_dma source(%dma_start3A_503 : memref<40x125xi32, #tpu.memory_space<hbm>>) target(%arg10 : memref<40x125xi32, #tpu.memory_space<vmem>>) target_semaphore(%run_scoped3A_499 : memref<!tpu.dma_semaphore, #tpu.memory_space<semaphore_mem>>)
      %dma_wait3A_504 = arith.constant 0 : i32
      %dma_wait3A_505 = tpu.memref_slice %arg5[%add3A_455, %dma_wait3A_504] : memref<2560x125xi32, #tpu.memory_space<hbm>> -> memref<40x125xi32, #tpu.memory_space<hbm>>
      %dma_wait3A_506 = arith.constant 0 : i32
      %dma_wait3A_507 = tpu.memref_slice %arg5[%add3A_455, %dma_wait3A_506] : memref<2560x125xi32, #tpu.memory_space<hbm>> -> memref<40x125xi32, #tpu.memory_space<hbm>>
      tpu.wait_dma2 semaphore(%run_scoped3A_499 : memref<!tpu.dma_semaphore, #tpu.memory_space<semaphore_mem>>) src(%dma_wait3A_507 : memref<40x125xi32, #tpu.memory_space<hbm>>) dst(%arg10 : memref<40x125xi32, #tpu.memory_space<vmem>>)
      tpu.yield
    }) : () -> ()
    %dma_start3A_456 = arith.constant 0 : i32
    %dma_start3A_457 = arith.constant 0 : i32
    %dma_start3A_458 = tpu.memref_slice %arg9[%dma_start3A_456, %dma_start3A_457] : memref<40x125xi32, #tpu.memory_space<vmem>> -> memref<1x125xi32, #tpu.memory_space<vmem>>
    %dma_start3A_459 = tpu.memref_squeeze %dma_start3A_458 : memref<1x125xi32, #tpu.memory_space<vmem>> -> memref<125xi32, #tpu.memory_space<vmem>>
    %dma_start3A_460 = arith.constant 0 : i32
    %dma_start3A_461 = arith.constant 0 : i32
    %dma_start3A_462 = tpu.memref_slice %arg7[%dma_start3A_460, %dma_start3A_461] : memref<10000x128xf32, #tpu.memory_space<hbm>> -> memref<10000x128xf32, #tpu.memory_space<hbm>>
    tpu.enqueue_indirect_dma source(%dma_start3A_462 : memref<10000x128xf32, #tpu.memory_space<hbm>>) target(%arg11 : memref<125x128xf32, #tpu.memory_space<vmem>>) offsets(%dma_start3A_459 : memref<125xi32, #tpu.memory_space<vmem>>) semaphore(%arg15 : memref<!tpu.dma_semaphore, #tpu.memory_space<semaphore_mem>>)
    %dma_start3A_463 = arith.constant 1 : i32
    %dma_start3A_464 = arith.constant 0 : i32
    %dma_start3A_465 = tpu.memref_slice %arg9[%dma_start3A_463, %dma_start3A_464] : memref<40x125xi32, #tpu.memory_space<vmem>> -> memref<1x125xi32, #tpu.memory_space<vmem>>
    %dma_start3A_466 = tpu.memref_squeeze %dma_start3A_465 : memref<1x125xi32, #tpu.memory_space<vmem>> -> memref<125xi32, #tpu.memory_space<vmem>>
    %dma_start3A_467 = arith.constant 0 : i32
    %dma_start3A_468 = arith.constant 0 : i32
    %dma_start3A_469 = tpu.memref_slice %arg7[%dma_start3A_467, %dma_start3A_468] : memref<10000x128xf32, #tpu.memory_space<hbm>> -> memref<10000x128xf32, #tpu.memory_space<hbm>>
    tpu.enqueue_indirect_dma source(%dma_start3A_469 : memref<10000x128xf32, #tpu.memory_space<hbm>>) target(%arg12 : memref<125x128xf32, #tpu.memory_space<vmem>>) offsets(%dma_start3A_466 : memref<125xi32, #tpu.memory_space<vmem>>) semaphore(%arg16 : memref<!tpu.dma_semaphore, #tpu.memory_space<semaphore_mem>>)
    %scan3A_470 = arith.constant 0 : i32
    %scan3A_471 = arith.constant 0 : i32
    %scan3A_472 = arith.constant 19 : i32
    %scan3A_473 = arith.addi %scan3A_471, %scan3A_472 : i32
    %scan3A_474 = arith.constant 1 : i32
    scf.for %scan3A_499 = %scan3A_471 to %scan3A_473 step %scan3A_474  : i32 {
      %mul3A_500 = arith.constant 2 : i32
      %mul3A_501 = arith.muli %mul3A_500, %scan3A_499 : i32
      %dma_wait3A_502 = arith.constant 0 : i32
      %dma_wait3A_503 = tpu.memref_slice %arg9[%mul3A_501, %dma_wait3A_502] : memref<40x125xi32, #tpu.memory_space<vmem>> -> memref<1x125xi32, #tpu.memory_space<vmem>>
      %dma_wait3A_504 = tpu.memref_squeeze %dma_wait3A_503 : memref<1x125xi32, #tpu.memory_space<vmem>> -> memref<125xi32, #tpu.memory_space<vmem>>
      %dma_wait3A_505 = arith.constant 0 : i32
      %dma_wait3A_506 = arith.constant 0 : i32
      %dma_wait3A_507 = tpu.memref_slice %arg7[%dma_wait3A_505, %dma_wait3A_506] : memref<10000x128xf32, #tpu.memory_space<hbm>> -> memref<10000x128xf32, #tpu.memory_space<hbm>>
      tpu.wait_indirect_dma semaphore(%arg15 : memref<!tpu.dma_semaphore, #tpu.memory_space<semaphore_mem>>) src(%dma_wait3A_507 : memref<10000x128xf32, #tpu.memory_space<hbm>>) dst(%arg11 : memref<125x128xf32, #tpu.memory_space<vmem>>)
      "tpu.region"() ({
        %run_scoped3A_534 = tpu.sem_alloc : memref<!tpu.dma_semaphore, #tpu.memory_space<semaphore_mem>>
        %dma_start3A_535 = arith.constant 0 : i32
        %dma_start3A_536 = tpu.memref_slice %arg10[%mul3A_501, %dma_start3A_535] : memref<40x125xi32, #tpu.memory_space<vmem>> -> memref<1x125xi32, #tpu.memory_space<vmem>>
        %dma_start3A_537 = tpu.memref_squeeze %dma_start3A_536 : memref<1x125xi32, #tpu.memory_space<vmem>> -> memref<125xi32, #tpu.memory_space<vmem>>
        %dma_start3A_538 = arith.constant 0 : i32
        %dma_start3A_539 = arith.constant 0 : i32
        %dma_start3A_540 = tpu.memref_slice %arg14[%dma_start3A_538, %dma_start3A_539] : memref<10240x128xf32, #tpu.memory_space<vmem_shared>> -> memref<10240x128xf32, #tpu.memory_space<vmem_shared>>
        tpu.enqueue_indirect_dma source(%arg11 : memref<125x128xf32, #tpu.memory_space<vmem>>) target(%dma_start3A_540 : memref<10240x128xf32, #tpu.memory_space<vmem_shared>>) offsets(%dma_start3A_537 : memref<125xi32, #tpu.memory_space<vmem>>) semaphore(%run_scoped3A_534 : memref<!tpu.dma_semaphore, #tpu.memory_space<semaphore_mem>>) {add = true}
        %dma_wait3A_541 = arith.constant 0 : i32
        %dma_wait3A_542 = tpu.memref_slice %arg10[%mul3A_501, %dma_wait3A_541] : memref<40x125xi32, #tpu.memory_space<vmem>> -> memref<1x125xi32, #tpu.memory_space<vmem>>
        %dma_wait3A_543 = tpu.memref_squeeze %dma_wait3A_542 : memref<1x125xi32, #tpu.memory_space<vmem>> -> memref<125xi32, #tpu.memory_space<vmem>>
        %dma_wait3A_544 = arith.constant 0 : i32
        %dma_wait3A_545 = arith.constant 0 : i32
        %dma_wait3A_546 = tpu.memref_slice %arg14[%dma_wait3A_544, %dma_wait3A_545] : memref<10240x128xf32, #tpu.memory_space<vmem_shared>> -> memref<10240x128xf32, #tpu.memory_space<vmem_shared>>
        tpu.wait_indirect_dma semaphore(%run_scoped3A_534 : memref<!tpu.dma_semaphore, #tpu.memory_space<semaphore_mem>>) src(%arg11 : memref<125x128xf32, #tpu.memory_space<vmem>>) dst(%dma_wait3A_546 : memref<10240x128xf32, #tpu.memory_space<vmem_shared>>)
        tpu.yield
      }) : () -> ()
      %add3A_508 = arith.constant 2 : i32
      %add3A_509 = arith.addi %mul3A_501, %add3A_508 : i32
      %dma_start3A_510 = arith.constant 0 : i32
      %dma_start3A_511 = tpu.memref_slice %arg9[%add3A_509, %dma_start3A_510] : memref<40x125xi32, #tpu.memory_space<vmem>> -> memref<1x125xi32, #tpu.memory_space<vmem>>
      %dma_start3A_512 = tpu.memref_squeeze %dma_start3A_511 : memref<1x125xi32, #tpu.memory_space<vmem>> -> memref<125xi32, #tpu.memory_space<vmem>>
      %dma_start3A_513 = arith.constant 0 : i32
      %dma_start3A_514 = arith.constant 0 : i32
      %dma_start3A_515 = tpu.memref_slice %arg7[%dma_start3A_513, %dma_start3A_514] : memref<10000x128xf32, #tpu.memory_space<hbm>> -> memref<10000x128xf32, #tpu.memory_space<hbm>>
      tpu.enqueue_indirect_dma source(%dma_start3A_515 : memref<10000x128xf32, #tpu.memory_space<hbm>>) target(%arg11 : memref<125x128xf32, #tpu.memory_space<vmem>>) offsets(%dma_start3A_512 : memref<125xi32, #tpu.memory_space<vmem>>) semaphore(%arg15 : memref<!tpu.dma_semaphore, #tpu.memory_space<semaphore_mem>>)
      %add3A_516 = arith.constant 1 : i32
      %add3A_517 = arith.addi %mul3A_501, %add3A_516 : i32
      %dma_wait3A_518 = arith.constant 0 : i32
      %dma_wait3A_519 = tpu.memref_slice %arg9[%add3A_517, %dma_wait3A_518] : memref<40x125xi32, #tpu.memory_space<vmem>> -> memref<1x125xi32, #tpu.memory_space<vmem>>
      %dma_wait3A_520 = tpu.memref_squeeze %dma_wait3A_519 : memref<1x125xi32, #tpu.memory_space<vmem>> -> memref<125xi32, #tpu.memory_space<vmem>>
      %dma_wait3A_521 = arith.constant 0 : i32
      %dma_wait3A_522 = arith.constant 0 : i32
      %dma_wait3A_523 = tpu.memref_slice %arg7[%dma_wait3A_521, %dma_wait3A_522] : memref<10000x128xf32, #tpu.memory_space<hbm>> -> memref<10000x128xf32, #tpu.memory_space<hbm>>
      tpu.wait_indirect_dma semaphore(%arg16 : memref<!tpu.dma_semaphore, #tpu.memory_space<semaphore_mem>>) src(%dma_wait3A_523 : memref<10000x128xf32, #tpu.memory_space<hbm>>) dst(%arg12 : memref<125x128xf32, #tpu.memory_space<vmem>>)
      %add3A_524 = arith.constant 1 : i32
      %add3A_525 = arith.addi %mul3A_501, %add3A_524 : i32
      "tpu.region"() ({
        %run_scoped3A_534 = tpu.sem_alloc : memref<!tpu.dma_semaphore, #tpu.memory_space<semaphore_mem>>
        %dma_start3A_535 = arith.constant 0 : i32
        %dma_start3A_536 = tpu.memref_slice %arg10[%add3A_525, %dma_start3A_535] : memref<40x125xi32, #tpu.memory_space<vmem>> -> memref<1x125xi32, #tpu.memory_space<vmem>>
        %dma_start3A_537 = tpu.memref_squeeze %dma_start3A_536 : memref<1x125xi32, #tpu.memory_space<vmem>> -> memref<125xi32, #tpu.memory_space<vmem>>
        %dma_start3A_538 = arith.constant 0 : i32
        %dma_start3A_539 = arith.constant 0 : i32
        %dma_start3A_540 = tpu.memref_slice %arg14[%dma_start3A_538, %dma_start3A_539] : memref<10240x128xf32, #tpu.memory_space<vmem_shared>> -> memref<10240x128xf32, #tpu.memory_space<vmem_shared>>
        tpu.enqueue_indirect_dma source(%arg12 : memref<125x128xf32, #tpu.memory_space<vmem>>) target(%dma_start3A_540 : memref<10240x128xf32, #tpu.memory_space<vmem_shared>>) offsets(%dma_start3A_537 : memref<125xi32, #tpu.memory_space<vmem>>) semaphore(%run_scoped3A_534 : memref<!tpu.dma_semaphore, #tpu.memory_space<semaphore_mem>>) {add = true}
        %dma_wait3A_541 = arith.constant 0 : i32
        %dma_wait3A_542 = tpu.memref_slice %arg10[%add3A_525, %dma_wait3A_541] : memref<40x125xi32, #tpu.memory_space<vmem>> -> memref<1x125xi32, #tpu.memory_space<vmem>>
        %dma_wait3A_543 = tpu.memref_squeeze %dma_wait3A_542 : memref<1x125xi32, #tpu.memory_space<vmem>> -> memref<125xi32, #tpu.memory_space<vmem>>
        %dma_wait3A_544 = arith.constant 0 : i32
        %dma_wait3A_545 = arith.constant 0 : i32
        %dma_wait3A_546 = tpu.memref_slice %arg14[%dma_wait3A_544, %dma_wait3A_545] : memref<10240x128xf32, #tpu.memory_space<vmem_shared>> -> memref<10240x128xf32, #tpu.memory_space<vmem_shared>>
        tpu.wait_indirect_dma semaphore(%run_scoped3A_534 : memref<!tpu.dma_semaphore, #tpu.memory_space<semaphore_mem>>) src(%arg12 : memref<125x128xf32, #tpu.memory_space<vmem>>) dst(%dma_wait3A_546 : memref<10240x128xf32, #tpu.memory_space<vmem_shared>>)
        tpu.yield
      }) : () -> ()
      %add3A_526 = arith.constant 3 : i32
      %add3A_527 = arith.addi %mul3A_501, %add3A_526 : i32
      %dma_start3A_528 = arith.constant 0 : i32
      %dma_start3A_529 = tpu.memref_slice %arg9[%add3A_527, %dma_start3A_528] : memref<40x125xi32, #tpu.memory_space<vmem>> -> memref<1x125xi32, #tpu.memory_space<vmem>>
      %dma_start3A_530 = tpu.memref_squeeze %dma_start3A_529 : memref<1x125xi32, #tpu.memory_space<vmem>> -> memref<125xi32, #tpu.memory_space<vmem>>
      %dma_start3A_531 = arith.constant 0 : i32
      %dma_start3A_532 = arith.constant 0 : i32
      %dma_start3A_533 = tpu.memref_slice %arg7[%dma_start3A_531, %dma_start3A_532] : memref<10000x128xf32, #tpu.memory_space<hbm>> -> memref<10000x128xf32, #tpu.memory_space<hbm>>
      tpu.enqueue_indirect_dma source(%dma_start3A_533 : memref<10000x128xf32, #tpu.memory_space<hbm>>) target(%arg12 : memref<125x128xf32, #tpu.memory_space<vmem>>) offsets(%dma_start3A_530 : memref<125xi32, #tpu.memory_space<vmem>>) semaphore(%arg16 : memref<!tpu.dma_semaphore, #tpu.memory_space<semaphore_mem>>)
    }
    %scan3A_475 = arith.constant 19 : i32
    %dma_wait3A_476 = arith.constant 38 : i32
    %dma_wait3A_477 = arith.constant 0 : i32
    %dma_wait3A_478 = tpu.memref_slice %arg9[%dma_wait3A_476, %dma_wait3A_477] : memref<40x125xi32, #tpu.memory_space<vmem>> -> memref<1x125xi32, #tpu.memory_space<vmem>>
    %dma_wait3A_479 = tpu.memref_squeeze %dma_wait3A_478 : memref<1x125xi32, #tpu.memory_space<vmem>> -> memref<125xi32, #tpu.memory_space<vmem>>
    %dma_wait3A_480 = arith.constant 0 : i32
    %dma_wait3A_481 = arith.constant 0 : i32
    %dma_wait3A_482 = tpu.memref_slice %arg7[%dma_wait3A_480, %dma_wait3A_481] : memref<10000x128xf32, #tpu.memory_space<hbm>> -> memref<10000x128xf32, #tpu.memory_space<hbm>>
    tpu.wait_indirect_dma semaphore(%arg15 : memref<!tpu.dma_semaphore, #tpu.memory_space<semaphore_mem>>) src(%dma_wait3A_482 : memref<10000x128xf32, #tpu.memory_space<hbm>>) dst(%arg11 : memref<125x128xf32, #tpu.memory_space<vmem>>)
    %run_scoped3A_483 = arith.constant 38 : i32
    "tpu.region"() ({
      %run_scoped3A_499 = tpu.sem_alloc : memref<!tpu.dma_semaphore, #tpu.memory_space<semaphore_mem>>
      %dma_start3A_500 = arith.constant 0 : i32
      %dma_start3A_501 = tpu.memref_slice %arg10[%run_scoped3A_483, %dma_start3A_500] : memref<40x125xi32, #tpu.memory_space<vmem>> -> memref<1x125xi32, #tpu.memory_space<vmem>>
      %dma_start3A_502 = tpu.memref_squeeze %dma_start3A_501 : memref<1x125xi32, #tpu.memory_space<vmem>> -> memref<125xi32, #tpu.memory_space<vmem>>
      %dma_start3A_503 = arith.constant 0 : i32
      %dma_start3A_504 = arith.constant 0 : i32
      %dma_start3A_505 = tpu.memref_slice %arg14[%dma_start3A_503, %dma_start3A_504] : memref<10240x128xf32, #tpu.memory_space<vmem_shared>> -> memref<10240x128xf32, #tpu.memory_space<vmem_shared>>
      tpu.enqueue_indirect_dma source(%arg11 : memref<125x128xf32, #tpu.memory_space<vmem>>) target(%dma_start3A_505 : memref<10240x128xf32, #tpu.memory_space<vmem_shared>>) offsets(%dma_start3A_502 : memref<125xi32, #tpu.memory_space<vmem>>) semaphore(%run_scoped3A_499 : memref<!tpu.dma_semaphore, #tpu.memory_space<semaphore_mem>>) {add = true}
      %dma_wait3A_506 = arith.constant 0 : i32
      %dma_wait3A_507 = tpu.memref_slice %arg10[%run_scoped3A_483, %dma_wait3A_506] : memref<40x125xi32, #tpu.memory_space<vmem>> -> memref<1x125xi32, #tpu.memory_space<vmem>>
      %dma_wait3A_508 = tpu.memref_squeeze %dma_wait3A_507 : memref<1x125xi32, #tpu.memory_space<vmem>> -> memref<125xi32, #tpu.memory_space<vmem>>
      %dma_wait3A_509 = arith.constant 0 : i32
      %dma_wait3A_510 = arith.constant 0 : i32
      %dma_wait3A_511 = tpu.memref_slice %arg14[%dma_wait3A_509, %dma_wait3A_510] : memref<10240x128xf32, #tpu.memory_space<vmem_shared>> -> memref<10240x128xf32, #tpu.memory_space<vmem_shared>>
      tpu.wait_indirect_dma semaphore(%run_scoped3A_499 : memref<!tpu.dma_semaphore, #tpu.memory_space<semaphore_mem>>) src(%arg11 : memref<125x128xf32, #tpu.memory_space<vmem>>) dst(%dma_wait3A_511 : memref<10240x128xf32, #tpu.memory_space<vmem_shared>>)
      tpu.yield
    }) : () -> ()
    %dma_wait3A_484 = arith.constant 39 : i32
    %dma_wait3A_485 = arith.constant 0 : i32
    %dma_wait3A_486 = tpu.memref_slice %arg9[%dma_wait3A_484, %dma_wait3A_485] : memref<40x125xi32, #tpu.memory_space<vmem>> -> memref<1x125xi32, #tpu.memory_space<vmem>>
    %dma_wait3A_487 = tpu.memref_squeeze %dma_wait3A_486 : memref<1x125xi32, #tpu.memory_space<vmem>> -> memref<125xi32, #tpu.memory_space<vmem>>
    %dma_wait3A_488 = arith.constant 0 : i32
    %dma_wait3A_489 = arith.constant 0 : i32
    %dma_wait3A_490 = tpu.memref_slice %arg7[%dma_wait3A_488, %dma_wait3A_489] : memref<10000x128xf32, #tpu.memory_space<hbm>> -> memref<10000x128xf32, #tpu.memory_space<hbm>>
    tpu.wait_indirect_dma semaphore(%arg16 : memref<!tpu.dma_semaphore, #tpu.memory_space<semaphore_mem>>) src(%dma_wait3A_490 : memref<10000x128xf32, #tpu.memory_space<hbm>>) dst(%arg12 : memref<125x128xf32, #tpu.memory_space<vmem>>)
    %run_scoped3A_491 = arith.constant 39 : i32
    "tpu.region"() ({
      %run_scoped3A_499 = tpu.sem_alloc : memref<!tpu.dma_semaphore, #tpu.memory_space<semaphore_mem>>
      %dma_start3A_500 = arith.constant 0 : i32
      %dma_start3A_501 = tpu.memref_slice %arg10[%run_scoped3A_491, %dma_start3A_500] : memref<40x125xi32, #tpu.memory_space<vmem>> -> memref<1x125xi32, #tpu.memory_space<vmem>>
      %dma_start3A_502 = tpu.memref_squeeze %dma_start3A_501 : memref<1x125xi32, #tpu.memory_space<vmem>> -> memref<125xi32, #tpu.memory_space<vmem>>
      %dma_start3A_503 = arith.constant 0 : i32
      %dma_start3A_504 = arith.constant 0 : i32
      %dma_start3A_505 = tpu.memref_slice %arg14[%dma_start3A_503, %dma_start3A_504] : memref<10240x128xf32, #tpu.memory_space<vmem_shared>> -> memref<10240x128xf32, #tpu.memory_space<vmem_shared>>
      tpu.enqueue_indirect_dma source(%arg12 : memref<125x128xf32, #tpu.memory_space<vmem>>) target(%dma_start3A_505 : memref<10240x128xf32, #tpu.memory_space<vmem_shared>>) offsets(%dma_start3A_502 : memref<125xi32, #tpu.memory_space<vmem>>) semaphore(%run_scoped3A_499 : memref<!tpu.dma_semaphore, #tpu.memory_space<semaphore_mem>>) {add = true}
      %dma_wait3A_506 = arith.constant 0 : i32
      %dma_wait3A_507 = tpu.memref_slice %arg10[%run_scoped3A_491, %dma_wait3A_506] : memref<40x125xi32, #tpu.memory_space<vmem>> -> memref<1x125xi32, #tpu.memory_space<vmem>>
      %dma_wait3A_508 = tpu.memref_squeeze %dma_wait3A_507 : memref<1x125xi32, #tpu.memory_space<vmem>> -> memref<125xi32, #tpu.memory_space<vmem>>
      %dma_wait3A_509 = arith.constant 0 : i32
      %dma_wait3A_510 = arith.constant 0 : i32
      %dma_wait3A_511 = tpu.memref_slice %arg14[%dma_wait3A_509, %dma_wait3A_510] : memref<10240x128xf32, #tpu.memory_space<vmem_shared>> -> memref<10240x128xf32, #tpu.memory_space<vmem_shared>>
      tpu.wait_indirect_dma semaphore(%run_scoped3A_499 : memref<!tpu.dma_semaphore, #tpu.memory_space<semaphore_mem>>) src(%arg12 : memref<125x128xf32, #tpu.memory_space<vmem>>) dst(%dma_wait3A_511 : memref<10240x128xf32, #tpu.memory_space<vmem_shared>>)
      tpu.yield
    }) : () -> ()
    %barrier3A_492 = arith.constant 0 : index
    tpu.barrier barrier_id(%barrier3A_492)
    %mul3A_493 = arith.constant 640 : i32
    %mul3A_494 = arith.muli %arg1, %mul3A_493 : i32
    %mul3A_495 = arith.constant 640 : i32
    %mul3A_496 = arith.muli %arg1, %mul3A_495 : i32
    %run_scoped3A_497 = arith.constant 1 : i32
    "tpu.region"() ({
      %run_scoped3A_499 = tpu.sem_alloc : memref<!tpu.dma_semaphore, #tpu.memory_space<semaphore_mem>>
      %dma_start3A_500 = arith.constant 0 : i32
      %dma_start3A_501 = tpu.memref_slice %arg8[%run_scoped3A_497, %arg0, %mul3A_496, %dma_start3A_500] : memref<2x2x10240x128xf32, #tpu.memory_space<hbm>> -> memref<1x1x640x128xf32, #tpu.memory_space<hbm>>
      %dma_start3A_502 = tpu.memref_squeeze %dma_start3A_501 : memref<1x1x640x128xf32, #tpu.memory_space<hbm>> -> memref<640x128xf32, #tpu.memory_space<hbm>>
      %dma_start3A_503 = arith.constant 0 : i32
      %dma_start3A_504 = tpu.memref_slice %arg14[%mul3A_494, %dma_start3A_503] : memref<10240x128xf32, #tpu.memory_space<vmem_shared>> -> memref<640x128xf32, #tpu.memory_space<vmem_shared>>
      tpu.enqueue_dma source(%dma_start3A_504 : memref<640x128xf32, #tpu.memory_space<vmem_shared>>) target(%dma_start3A_502 : memref<640x128xf32, #tpu.memory_space<hbm>>) target_semaphore(%run_scoped3A_499 : memref<!tpu.dma_semaphore, #tpu.memory_space<semaphore_mem>>)
      %dma_wait3A_505 = arith.constant 0 : i32
      %dma_wait3A_506 = tpu.memref_slice %arg8[%run_scoped3A_497, %arg0, %mul3A_496, %dma_wait3A_505] : memref<2x2x10240x128xf32, #tpu.memory_space<hbm>> -> memref<1x1x640x128xf32, #tpu.memory_space<hbm>>
      %dma_wait3A_507 = tpu.memref_squeeze %dma_wait3A_506 : memref<1x1x640x128xf32, #tpu.memory_space<hbm>> -> memref<640x128xf32, #tpu.memory_space<hbm>>
      %dma_wait3A_508 = arith.constant 0 : i32
      %dma_wait3A_509 = tpu.memref_slice %arg14[%mul3A_494, %dma_wait3A_508] : memref<10240x128xf32, #tpu.memory_space<vmem_shared>> -> memref<640x128xf32, #tpu.memory_space<vmem_shared>>
      tpu.wait_dma2 semaphore(%run_scoped3A_499 : memref<!tpu.dma_semaphore, #tpu.memory_space<semaphore_mem>>) src(%dma_wait3A_509 : memref<640x128xf32, #tpu.memory_space<vmem_shared>>) dst(%dma_wait3A_507 : memref<640x128xf32, #tpu.memory_space<hbm>>)
      tpu.yield
    }) : () -> ()
    %barrier3A_498 = arith.constant 0 : index
    tpu.barrier barrier_id(%barrier3A_498)
    return
  }
}

module attributes {stable_mosaic.version = 14 : i64} {
  func.func @_y_body(%arg0: i32, %arg1: memref<1000x128xf32, #tpu.memory_space<vmem>>, %arg2: memref<1000x128xf32, #tpu.memory_space<vmem>>, %arg3: memref<2x2x1000x16xf32, #tpu.memory_space<vmem>>, %arg4: memref<1000x128xf32, #tpu.memory_space<vmem>>, %arg5: memref<1000x128xf32, #tpu.memory_space<vmem>>) attributes {dimension_semantics = [#tpu.dimension_semantics<arbitrary>], iteration_bounds = array<i64: 10>, scalar_prefetch = 0 : i64, scratch_operands = 0 : i64, tpu.core_type = #tpu.core_type<tc>, window_params = [{transform_indices = @transform_0, window_bounds = array<i64: 1000, 128>}, {transform_indices = @transform_1, window_bounds = array<i64: 1000, 128>}, {transform_indices = @transform_2, window_bounds = array<i64: 2, 2, 1000, 16>}, {transform_indices = @transform_3, window_bounds = array<i64: 1000, 128>}, {transform_indices = @transform_4, window_bounds = array<i64: 1000, 128>}]} {
    %get3A = arith.constant 0 : index
    %get3A_0 = arith.constant 0 : index
    %get3A_1 = arith.constant 0 : index
    %get3A_2 = arith.constant 0 : index
    %get3A_3 = vector.load %arg3[%get3A, %get3A_0, %get3A_1, %get3A_2] : memref<2x2x1000x16xf32, #tpu.memory_space<vmem>>, vector<2x2x1000x16xf32>
    %slice3A = vector.extract_strided_slice %get3A_3 {offsets = [0, 0, 0, 0], sizes = [1, 1, 1000, 1], strides = [1, 1, 1, 1]} : vector<2x2x1000x16xf32> to vector<1x1x1000x1xf32>
    %squeeze3A = vector.shape_cast %slice3A : vector<1x1x1000x1xf32> to vector<1000x1xf32>
    %slice3A_4 = vector.extract_strided_slice %get3A_3 {offsets = [0, 1, 0, 0], sizes = [1, 1, 1000, 1], strides = [1, 1, 1, 1]} : vector<2x2x1000x16xf32> to vector<1x1x1000x1xf32>
    %squeeze3A_5 = vector.shape_cast %slice3A_4 : vector<1x1x1000x1xf32> to vector<1000x1xf32>
    %add3A = arith.addf %squeeze3A, %squeeze3A_5 : vector<1000x1xf32>
    %add3A_6 = arith.constant 1.000000e+00 : f32
    %add3A_7 = vector.broadcast %add3A_6 : f32 to vector<1000x1xf32>
    %add3A_8 = arith.addf %add3A, %add3A_7 : vector<1000x1xf32>
    %rsqrt3A = math.rsqrt %add3A_8 : vector<1000x1xf32>
    %get3A_9 = arith.constant 0 : index
    %get3A_10 = arith.constant 0 : index
    %get3A_11 = vector.load %arg1[%get3A_9, %get3A_10] : memref<1000x128xf32, #tpu.memory_space<vmem>>, vector<1000x128xf32>
    %mul3A = vector.broadcast %rsqrt3A : vector<1000x1xf32> to vector<1000x128xf32>
    %mul3A_12 = arith.mulf %get3A_11, %mul3A : vector<1000x128xf32>
    %swap3A = arith.constant 0 : index
    %swap3A_13 = arith.constant 0 : index
    %swap3A_14 = vector.load %arg4[%swap3A, %swap3A_13] : memref<1000x128xf32, #tpu.memory_space<vmem>>, vector<1000x128xf32>
    tpu.vector_store %arg4[%swap3A, %swap3A_13], %mul3A_12 {strides = array<i32>} : memref<1000x128xf32, #tpu.memory_space<vmem>>, vector<1000x128xf32>,
    %slice3A_15 = vector.extract_strided_slice %get3A_3 {offsets = [1, 0, 0, 0], sizes = [1, 1, 1000, 1], strides = [1, 1, 1, 1]} : vector<2x2x1000x16xf32> to vector<1x1x1000x1xf32>
    %squeeze3A_16 = vector.shape_cast %slice3A_15 : vector<1x1x1000x1xf32> to vector<1000x1xf32>
    %slice3A_17 = vector.extract_strided_slice %get3A_3 {offsets = [1, 1, 0, 0], sizes = [1, 1, 1000, 1], strides = [1, 1, 1, 1]} : vector<2x2x1000x16xf32> to vector<1x1x1000x1xf32>
    %squeeze3A_18 = vector.shape_cast %slice3A_17 : vector<1x1x1000x1xf32> to vector<1000x1xf32>
    %add3A_19 = arith.addf %squeeze3A_16, %squeeze3A_18 : vector<1000x1xf32>
    %add3A_20 = arith.constant 1.000000e+00 : f32
    %add3A_21 = vector.broadcast %add3A_20 : f32 to vector<1000x1xf32>
    %add3A_22 = arith.addf %add3A_19, %add3A_21 : vector<1000x1xf32>
    %rsqrt3A_23 = math.rsqrt %add3A_22 : vector<1000x1xf32>
    %get3A_24 = arith.constant 0 : index
    %get3A_25 = arith.constant 0 : index
    %get3A_26 = vector.load %arg2[%get3A_24, %get3A_25] : memref<1000x128xf32, #tpu.memory_space<vmem>>, vector<1000x128xf32>
    %mul3A_27 = vector.broadcast %rsqrt3A_23 : vector<1000x1xf32> to vector<1000x128xf32>
    %mul3A_28 = arith.mulf %get3A_26, %mul3A_27 : vector<1000x128xf32>
    %swap3A_29 = arith.constant 0 : index
    %swap3A_30 = arith.constant 0 : index
    %swap3A_31 = vector.load %arg5[%swap3A_29, %swap3A_30] : memref<1000x128xf32, #tpu.memory_space<vmem>>, vector<1000x128xf32>
    tpu.vector_store %arg5[%swap3A_29, %swap3A_30], %mul3A_28 {strides = array<i32>} : memref<1000x128xf32, #tpu.memory_space<vmem>>, vector<1000x128xf32>,
    return
  }
  func.func @transform_0(%arg0: i32) -> (i32, i32) {
    %c0_i32 = arith.constant 0 : i32
    %c0_i32_0 = arith.constant 0 : i32
    return %arg0, %c0_i32 : i32, i32
  }
  func.func @transform_1(%arg0: i32) -> (i32, i32) {
    %c0_i32 = arith.constant 0 : i32
    %c0_i32_0 = arith.constant 0 : i32
    return %arg0, %c0_i32 : i32, i32
  }
  func.func @transform_2(%arg0: i32) -> (i32, i32, i32, i32) {
    %c0_i32 = arith.constant 0 : i32
    %c0_i32_0 = arith.constant 0 : i32
    %c0_i32_1 = arith.constant 0 : i32
    %c0_i32_2 = arith.constant 0 : i32
    return %c0_i32, %c0_i32_0, %arg0, %c0_i32_1 : i32, i32, i32, i32
  }
  func.func @transform_3(%arg0: i32) -> (i32, i32) {
    %c0_i32 = arith.constant 0 : i32
    %c0_i32_0 = arith.constant 0 : i32
    return %arg0, %c0_i32 : i32, i32
  }
  func.func @transform_4(%arg0: i32) -> (i32, i32) {
    %c0_i32 = arith.constant 0 : i32
    %c0_i32_0 = arith.constant 0 : i32
    return %arg0, %c0_i32 : i32, i32
  }
}

module attributes {stable_mosaic.version = 14 : i64} {
  func.func @_main_body(%arg0: i32, %arg1: memref<2x2x1000x128xf32, #tpu.memory_space<vmem>>, %arg2: memref<1000x128xf32, #tpu.memory_space<vmem>>, %arg3: memref<1000x128xf32, #tpu.memory_space<vmem>>, %arg4: memref<2x2x1000x16xf32, #tpu.memory_space<vmem>>, %arg5: memref<2x1000x1xf32, #tpu.memory_space<vmem>>, %arg6: memref<2x128x640xf32, #tpu.memory_space<vmem>>, %arg7: memref<2x1x640xf32, #tpu.memory_space<vmem>>, %arg8: memref<2x640x64xf32, #tpu.memory_space<vmem>>, %arg9: memref<2x1x64xf32, #tpu.memory_space<vmem>>, %arg10: memref<128x64xf32, #tpu.memory_space<vmem>>, %arg11: memref<1x64xf32, #tpu.memory_space<vmem>>, %arg12: memref<64x16xf32, #tpu.memory_space<vmem>>, %arg13: memref<1x16xf32, #tpu.memory_space<vmem>>, %arg14: memref<16x1xf32, #tpu.memory_space<vmem>>, %arg15: memref<1x1xf32, #tpu.memory_space<vmem>>, %arg16: memref<128x1xf32, #tpu.memory_space<vmem>>, %arg17: memref<2x128x640xf32, #tpu.memory_space<vmem>>, %arg18: memref<2x128x8xf32, #tpu.memory_space<vmem>>) attributes {dimension_semantics = [#tpu.dimension_semantics<arbitrary>], iteration_bounds = array<i64: 10>, scalar_prefetch = 0 : i64, scratch_operands = 2 : i64, tpu.core_type = #tpu.core_type<tc>, window_params = [{transform_indices = @transform_0, window_bounds = array<i64: 2, 2, 1000, 128>}, {transform_indices = @transform_1, window_bounds = array<i64: 1000, 128>}, {transform_indices = @transform_2, window_bounds = array<i64: 1000, 128>}, {transform_indices = @transform_3, window_bounds = array<i64: 2, 2, 1000, 16>}, {transform_indices = @transform_4, window_bounds = array<i64: 2, 1000, 1>}, {pipeline_mode = #tpu.pipeline_mode<synchronous>, transform_indices = @transform_5, window_bounds = array<i64: 2, 128, 640>}, {pipeline_mode = #tpu.pipeline_mode<synchronous>, transform_indices = @transform_6, window_bounds = array<i64: 2, 1, 640>}, {pipeline_mode = #tpu.pipeline_mode<synchronous>, transform_indices = @transform_7, window_bounds = array<i64: 2, 640, 64>}, {pipeline_mode = #tpu.pipeline_mode<synchronous>, transform_indices = @transform_8, window_bounds = array<i64: 2, 1, 64>}, {pipeline_mode = #tpu.pipeline_mode<synchronous>, transform_indices = @transform_9, window_bounds = array<i64: 128, 64>}, {pipeline_mode = #tpu.pipeline_mode<synchronous>, transform_indices = @transform_10, window_bounds = array<i64: 1, 64>}, {pipeline_mode = #tpu.pipeline_mode<synchronous>, transform_indices = @transform_11, window_bounds = array<i64: 64, 16>}, {pipeline_mode = #tpu.pipeline_mode<synchronous>, transform_indices = @transform_12, window_bounds = array<i64: 1, 16>}, {pipeline_mode = #tpu.pipeline_mode<synchronous>, transform_indices = @transform_13, window_bounds = array<i64: 16, 1>}, {pipeline_mode = #tpu.pipeline_mode<synchronous>, transform_indices = @transform_14, window_bounds = array<i64: 1, 1>}, {pipeline_mode = #tpu.pipeline_mode<synchronous>, transform_indices = @transform_15, window_bounds = array<i64: 128, 1>}]} {
    %eq3A = arith.constant 0 : i32
    %eq3A_0 = arith.cmpi eq, %arg0, %eq3A : i32
    %convert_element_type3A = arith.extui %eq3A_0 : i1 to i32
    %cond3A = arith.constant 0 : i32
    %cond3A_1 = arith.cmpi ne, %convert_element_type3A, %cond3A : i32
    scf.if %cond3A_1 {
      %broadcast_in_dim3A_181 = arith.constant 0.000000e+00 : f32
      %broadcast_in_dim3A_182 = vector.broadcast %broadcast_in_dim3A_181 : f32 to vector<2x128x640xf32>
      %swap3A_183 = arith.constant 0 : index
      %swap3A_184 = arith.constant 0 : index
      %swap3A_185 = arith.constant 0 : index
      %swap3A_186 = vector.load %arg17[%swap3A_183, %swap3A_184, %swap3A_185] : memref<2x128x640xf32, #tpu.memory_space<vmem>>, vector<2x128x640xf32>
      tpu.vector_store %arg17[%swap3A_183, %swap3A_184, %swap3A_185], %broadcast_in_dim3A_182 {strides = array<i32>} : memref<2x128x640xf32, #tpu.memory_space<vmem>>, vector<2x128x640xf32>,
      %broadcast_in_dim3A_187 = arith.constant 0.000000e+00 : f32
      %broadcast_in_dim3A_188 = vector.broadcast %broadcast_in_dim3A_187 : f32 to vector<2x128x8xf32>
      %swap3A_189 = arith.constant 0 : index
      %swap3A_190 = arith.constant 0 : index
      %swap3A_191 = arith.constant 0 : index
      %swap3A_192 = vector.load %arg18[%swap3A_189, %swap3A_190, %swap3A_191] : memref<2x128x8xf32, #tpu.memory_space<vmem>>, vector<2x128x8xf32>
      tpu.vector_store %arg18[%swap3A_189, %swap3A_190, %swap3A_191], %broadcast_in_dim3A_188 {strides = array<i32>} : memref<2x128x8xf32, #tpu.memory_space<vmem>>, vector<2x128x8xf32>,
    } else {
    }
    %iota3A = tpu.iota {dimensions = array<i32: 1>} : vector<1000x128xi32>
    %convert_element_type3A_2 = arith.sitofp %iota3A : vector<1000x128xi32> to vector<1000x128xf32>
    %broadcast_in_dim3A = arith.constant 1.000000e+00 : f32
    %broadcast_in_dim3A_3 = vector.broadcast %broadcast_in_dim3A : f32 to vector<1000x8xf32>
    %get3A = arith.constant 0 : index
    %get3A_4 = arith.constant 0 : index
    %get3A_5 = arith.constant 0 : index
    %get3A_6 = arith.constant 0 : index
    %get3A_7 = vector.load %arg4[%get3A, %get3A_4, %get3A_5, %get3A_6] : memref<2x2x1000x16xf32, #tpu.memory_space<vmem>>, vector<2x2x1000x16xf32>
    %get3A_8 = arith.constant 0 : index
    %get3A_9 = arith.constant 0 : index
    %get3A_10 = vector.load %arg2[%get3A_8, %get3A_9] : memref<1000x128xf32, #tpu.memory_space<vmem>>, vector<1000x128xf32>
    %slice3A = vector.extract_strided_slice %get3A_7 {offsets = [0, 0, 0, 0], sizes = [1, 1, 1000, 1], strides = [1, 1, 1, 1]} : vector<2x2x1000x16xf32> to vector<1x1x1000x1xf32>
    %squeeze3A = vector.shape_cast %slice3A : vector<1x1x1000x1xf32> to vector<1000x1xf32>
    %slice3A_11 = vector.extract_strided_slice %get3A_7 {offsets = [0, 1, 0, 0], sizes = [1, 1, 1000, 1], strides = [1, 1, 1, 1]} : vector<2x2x1000x16xf32> to vector<1x1x1000x1xf32>
    %squeeze3A_12 = vector.shape_cast %slice3A_11 : vector<1x1x1000x1xf32> to vector<1000x1xf32>
    %add3A = arith.addf %squeeze3A, %squeeze3A_12 : vector<1000x1xf32>
    %add3A_13 = arith.constant 1.000000e+00 : f32
    %add3A_14 = vector.broadcast %add3A_13 : f32 to vector<1000x1xf32>
    %add3A_15 = arith.addf %add3A, %add3A_14 : vector<1000x1xf32>
    %rsqrt3A = math.rsqrt %add3A_15 : vector<1000x1xf32>
    %get3A_16 = arith.constant 0 : index
    %get3A_17 = arith.constant 0 : index
    %get3A_18 = arith.constant 0 : index
    %get3A_19 = arith.constant 0 : index
    %get3A_20 = vector.load %arg1[%get3A_16, %get3A_17, %get3A_18, %get3A_19] : memref<2x2x1000x128xf32, #tpu.memory_space<vmem>>, vector<1x1x1000x128xf32>
    %get3A_21 = vector.shape_cast %get3A_20 : vector<1x1x1000x128xf32> to vector<1000x128xf32>
    %get3A_22 = arith.constant 0 : index
    %get3A_23 = arith.constant 1 : index
    %get3A_24 = arith.constant 0 : index
    %get3A_25 = arith.constant 0 : index
    %get3A_26 = vector.load %arg1[%get3A_22, %get3A_23, %get3A_24, %get3A_25] : memref<2x2x1000x128xf32, #tpu.memory_space<vmem>>, vector<1x1x1000x128xf32>
    %get3A_27 = vector.shape_cast %get3A_26 : vector<1x1x1000x128xf32> to vector<1000x128xf32>
    %add3A_28 = arith.addf %get3A_21, %get3A_27 : vector<1000x128xf32>
    %add3A_29 = arith.addf %add3A_28, %get3A_10 : vector<1000x128xf32>
    %mul3A = vector.broadcast %rsqrt3A : vector<1000x1xf32> to vector<1000x128xf32>
    %mul3A_30 = arith.mulf %mul3A, %add3A_29 : vector<1000x128xf32>
    %get3A_31 = arith.constant 0 : index
    %get3A_32 = arith.constant 0 : index
    %get3A_33 = arith.constant 0 : index
    %get3A_34 = vector.load %arg6[%get3A_31, %get3A_32, %get3A_33] : memref<2x128x640xf32, #tpu.memory_space<vmem>>, vector<1x128x640xf32>
    %get3A_35 = vector.shape_cast %get3A_34 : vector<1x128x640xf32> to vector<128x640xf32>
    %dot_general3A = arith.constant dense<0.000000e+00> : vector<1000x640xf32>
    %dot_general3A_36 = tpu.matmul %mul3A_30, %get3A_35, %dot_general3A {dimension_numbers = #tpu.dot_dimension_numbers<[1], [0], [0], [1], [0, 0, 1, 1], [], []>, transpose_lhs_hint = false} : vector<1000x128xf32>, vector<128x640xf32>, vector<1000x640xf32> -> vector<1000x640xf32>
    %get3A_37 = arith.constant 0 : index
    %get3A_38 = arith.constant 0 : index
    %get3A_39 = arith.constant 0 : index
    %get3A_40 = vector.load %arg7[%get3A_37, %get3A_38, %get3A_39] : memref<2x1x640xf32, #tpu.memory_space<vmem>>, vector<1x1x640xf32>
    %get3A_41 = vector.shape_cast %get3A_40 : vector<1x1x640xf32> to vector<1x640xf32>
    %add3A_42 = vector.broadcast %get3A_41 : vector<1x640xf32> to vector<1000x640xf32>
    %add3A_43 = arith.addf %dot_general3A_36, %add3A_42 : vector<1000x640xf32>
    %ge3A = arith.constant 0.000000e+00 : f32
    %ge3A_44 = vector.broadcast %ge3A : f32 to vector<1000x640xf32>
    %ge3A_45 = arith.cmpf oge, %add3A_43, %ge3A_44 : vector<1000x640xf32>
    %mul3A_46 = arith.constant 0.00999999977 : f32
    %mul3A_47 = vector.broadcast %mul3A_46 : f32 to vector<1000x640xf32>
    %mul3A_48 = arith.mulf %mul3A_47, %add3A_43 : vector<1000x640xf32>
    %select_n3A = arith.select %ge3A_45, %add3A_43, %mul3A_48 : vector<1000x640xi1>, vector<1000x640xf32>
    %get3A_49 = arith.constant 0 : index
    %get3A_50 = arith.constant 0 : index
    %get3A_51 = arith.constant 0 : index
    %get3A_52 = vector.load %arg5[%get3A_49, %get3A_50, %get3A_51] : memref<2x1000x1xf32, #tpu.memory_space<vmem>>, vector<1x1000x1xf32>
    %get3A_53 = vector.shape_cast %get3A_52 : vector<1x1000x1xf32> to vector<1000x1xf32>
    %eq3A_54 = vector.broadcast %get3A_53 : vector<1000x1xf32> to vector<1000x128xf32>
    %eq3A_55 = arith.cmpf oeq, %eq3A_54, %convert_element_type3A_2 : vector<1000x128xf32>
    %jit3A = arith.constant 1.000000e+00 : f32
    %jit3A_56 = arith.constant 0.000000e+00 : f32
    %broadcast_in_dim3A_57 = vector.broadcast %jit3A : f32 to vector<1000x128xf32>
    %broadcast_in_dim3A_58 = vector.broadcast %jit3A_56 : f32 to vector<1000x128xf32>
    %select_n3A_59 = arith.select %eq3A_55, %broadcast_in_dim3A_57, %broadcast_in_dim3A_58 : vector<1000x128xi1>, vector<1000x128xf32>
    %get3A_60 = arith.constant 0 : index
    %get3A_61 = arith.constant 0 : index
    %get3A_62 = arith.constant 0 : index
    %get3A_63 = vector.load %arg17[%get3A_60, %get3A_61, %get3A_62] : memref<2x128x640xf32, #tpu.memory_space<vmem>>, vector<1x128x640xf32>
    %get3A_64 = vector.shape_cast %get3A_63 : vector<1x128x640xf32> to vector<128x640xf32>
    %dot_general3A_65 = arith.constant dense<0.000000e+00> : vector<128x640xf32>
    %dot_general3A_66 = tpu.matmul %select_n3A_59, %select_n3A, %dot_general3A_65 {dimension_numbers = #tpu.dot_dimension_numbers<[0], [0], [1], [1], [0, 1, 1, 1], [], []>, transpose_lhs_hint = false} : vector<1000x128xf32>, vector<1000x640xf32>, vector<128x640xf32> -> vector<128x640xf32>
    %add3A_67 = arith.addf %get3A_64, %dot_general3A_66 : vector<128x640xf32>
    %swap3A = arith.constant 0 : index
    %swap3A_68 = arith.constant 0 : index
    %swap3A_69 = arith.constant 0 : index
    %swap3A_70 = vector.load %arg17[%swap3A, %swap3A_68, %swap3A_69] : memref<2x128x640xf32, #tpu.memory_space<vmem>>, vector<1x128x640xf32>
    %swap3A_71 = vector.shape_cast %swap3A_70 : vector<1x128x640xf32> to vector<128x640xf32>
    %swap3A_72 = vector.shape_cast %add3A_67 : vector<128x640xf32> to vector<1x128x640xf32>
    tpu.vector_store %arg17[%swap3A, %swap3A_68, %swap3A_69], %swap3A_72 {strides = array<i32>} : memref<2x128x640xf32, #tpu.memory_space<vmem>>, vector<1x128x640xf32>,
    %get3A_73 = arith.constant 0 : index
    %get3A_74 = arith.constant 0 : index
    %get3A_75 = arith.constant 0 : index
    %get3A_76 = vector.load %arg18[%get3A_73, %get3A_74, %get3A_75] : memref<2x128x8xf32, #tpu.memory_space<vmem>>, vector<1x128x8xf32>
    %get3A_77 = vector.shape_cast %get3A_76 : vector<1x128x8xf32> to vector<128x8xf32>
    %dot_general3A_78 = arith.constant dense<0.000000e+00> : vector<128x8xf32>
    %dot_general3A_79 = tpu.matmul %select_n3A_59, %broadcast_in_dim3A_3, %dot_general3A_78 {dimension_numbers = #tpu.dot_dimension_numbers<[0], [0], [1], [1], [0, 1, 1, 1], [], []>, transpose_lhs_hint = false} : vector<1000x128xf32>, vector<1000x8xf32>, vector<128x8xf32> -> vector<128x8xf32>
    %add3A_80 = arith.addf %get3A_77, %dot_general3A_79 : vector<128x8xf32>
    %swap3A_81 = arith.constant 0 : index
    %swap3A_82 = arith.constant 0 : index
    %swap3A_83 = arith.constant 0 : index
    %swap3A_84 = vector.load %arg18[%swap3A_81, %swap3A_82, %swap3A_83] : memref<2x128x8xf32, #tpu.memory_space<vmem>>, vector<1x128x8xf32>
    %swap3A_85 = vector.shape_cast %swap3A_84 : vector<1x128x8xf32> to vector<128x8xf32>
    %swap3A_86 = vector.shape_cast %add3A_80 : vector<128x8xf32> to vector<1x128x8xf32>
    tpu.vector_store %arg18[%swap3A_81, %swap3A_82, %swap3A_83], %swap3A_86 {strides = array<i32>} : memref<2x128x8xf32, #tpu.memory_space<vmem>>, vector<1x128x8xf32>,
    %get3A_87 = arith.constant 0 : index
    %get3A_88 = arith.constant 0 : index
    %get3A_89 = vector.load %arg3[%get3A_87, %get3A_88] : memref<1000x128xf32, #tpu.memory_space<vmem>>, vector<1000x128xf32>
    %slice3A_90 = vector.extract_strided_slice %get3A_7 {offsets = [1, 0, 0, 0], sizes = [1, 1, 1000, 1], strides = [1, 1, 1, 1]} : vector<2x2x1000x16xf32> to vector<1x1x1000x1xf32>
    %squeeze3A_91 = vector.shape_cast %slice3A_90 : vector<1x1x1000x1xf32> to vector<1000x1xf32>
    %slice3A_92 = vector.extract_strided_slice %get3A_7 {offsets = [1, 1, 0, 0], sizes = [1, 1, 1000, 1], strides = [1, 1, 1, 1]} : vector<2x2x1000x16xf32> to vector<1x1x1000x1xf32>
    %squeeze3A_93 = vector.shape_cast %slice3A_92 : vector<1x1x1000x1xf32> to vector<1000x1xf32>
    %add3A_94 = arith.addf %squeeze3A_91, %squeeze3A_93 : vector<1000x1xf32>
    %add3A_95 = arith.constant 1.000000e+00 : f32
    %add3A_96 = vector.broadcast %add3A_95 : f32 to vector<1000x1xf32>
    %add3A_97 = arith.addf %add3A_94, %add3A_96 : vector<1000x1xf32>
    %rsqrt3A_98 = math.rsqrt %add3A_97 : vector<1000x1xf32>
    %get3A_99 = arith.constant 1 : index
    %get3A_100 = arith.constant 0 : index
    %get3A_101 = arith.constant 0 : index
    %get3A_102 = arith.constant 0 : index
    %get3A_103 = vector.load %arg1[%get3A_99, %get3A_100, %get3A_101, %get3A_102] : memref<2x2x1000x128xf32, #tpu.memory_space<vmem>>, vector<1x1x1000x128xf32>
    %get3A_104 = vector.shape_cast %get3A_103 : vector<1x1x1000x128xf32> to vector<1000x128xf32>
    %get3A_105 = arith.constant 1 : index
    %get3A_106 = arith.constant 1 : index
    %get3A_107 = arith.constant 0 : index
    %get3A_108 = arith.constant 0 : index
    %get3A_109 = vector.load %arg1[%get3A_105, %get3A_106, %get3A_107, %get3A_108] : memref<2x2x1000x128xf32, #tpu.memory_space<vmem>>, vector<1x1x1000x128xf32>
    %get3A_110 = vector.shape_cast %get3A_109 : vector<1x1x1000x128xf32> to vector<1000x128xf32>
    %add3A_111 = arith.addf %get3A_104, %get3A_110 : vector<1000x128xf32>
    %add3A_112 = arith.addf %add3A_111, %get3A_89 : vector<1000x128xf32>
    %mul3A_113 = vector.broadcast %rsqrt3A_98 : vector<1000x1xf32> to vector<1000x128xf32>
    %mul3A_114 = arith.mulf %mul3A_113, %add3A_112 : vector<1000x128xf32>
    %get3A_115 = arith.constant 1 : index
    %get3A_116 = arith.constant 0 : index
    %get3A_117 = arith.constant 0 : index
    %get3A_118 = vector.load %arg6[%get3A_115, %get3A_116, %get3A_117] : memref<2x128x640xf32, #tpu.memory_space<vmem>>, vector<1x128x640xf32>
    %get3A_119 = vector.shape_cast %get3A_118 : vector<1x128x640xf32> to vector<128x640xf32>
    %dot_general3A_120 = arith.constant dense<0.000000e+00> : vector<1000x640xf32>
    %dot_general3A_121 = tpu.matmul %mul3A_114, %get3A_119, %dot_general3A_120 {dimension_numbers = #tpu.dot_dimension_numbers<[1], [0], [0], [1], [0, 0, 1, 1], [], []>, transpose_lhs_hint = false} : vector<1000x128xf32>, vector<128x640xf32>, vector<1000x640xf32> -> vector<1000x640xf32>
    %get3A_122 = arith.constant 1 : index
    %get3A_123 = arith.constant 0 : index
    %get3A_124 = arith.constant 0 : index
    %get3A_125 = vector.load %arg7[%get3A_122, %get3A_123, %get3A_124] : memref<2x1x640xf32, #tpu.memory_space<vmem>>, vector<1x1x640xf32>
    %get3A_126 = vector.shape_cast %get3A_125 : vector<1x1x640xf32> to vector<1x640xf32>
    %add3A_127 = vector.broadcast %get3A_126 : vector<1x640xf32> to vector<1000x640xf32>
    %add3A_128 = arith.addf %dot_general3A_121, %add3A_127 : vector<1000x640xf32>
    %ge3A_129 = arith.constant 0.000000e+00 : f32
    %ge3A_130 = vector.broadcast %ge3A_129 : f32 to vector<1000x640xf32>
    %ge3A_131 = arith.cmpf oge, %add3A_128, %ge3A_130 : vector<1000x640xf32>
    %mul3A_132 = arith.constant 0.00999999977 : f32
    %mul3A_133 = vector.broadcast %mul3A_132 : f32 to vector<1000x640xf32>
    %mul3A_134 = arith.mulf %mul3A_133, %add3A_128 : vector<1000x640xf32>
    %select_n3A_135 = arith.select %ge3A_131, %add3A_128, %mul3A_134 : vector<1000x640xi1>, vector<1000x640xf32>
    %get3A_136 = arith.constant 1 : index
    %get3A_137 = arith.constant 0 : index
    %get3A_138 = arith.constant 0 : index
    %get3A_139 = vector.load %arg5[%get3A_136, %get3A_137, %get3A_138] : memref<2x1000x1xf32, #tpu.memory_space<vmem>>, vector<1x1000x1xf32>
    %get3A_140 = vector.shape_cast %get3A_139 : vector<1x1000x1xf32> to vector<1000x1xf32>
    %eq3A_141 = vector.broadcast %get3A_140 : vector<1000x1xf32> to vector<1000x128xf32>
    %eq3A_142 = arith.cmpf oeq, %eq3A_141, %convert_element_type3A_2 : vector<1000x128xf32>
    %jit3A_143 = arith.constant 1.000000e+00 : f32
    %jit3A_144 = arith.constant 0.000000e+00 : f32
    %broadcast_in_dim3A_145 = vector.broadcast %jit3A_143 : f32 to vector<1000x128xf32>
    %broadcast_in_dim3A_146 = vector.broadcast %jit3A_144 : f32 to vector<1000x128xf32>
    %select_n3A_147 = arith.select %eq3A_142, %broadcast_in_dim3A_145, %broadcast_in_dim3A_146 : vector<1000x128xi1>, vector<1000x128xf32>
    %get3A_148 = arith.constant 1 : index
    %get3A_149 = arith.constant 0 : index
    %get3A_150 = arith.constant 0 : index
    %get3A_151 = vector.load %arg17[%get3A_148, %get3A_149, %get3A_150] : memref<2x128x640xf32, #tpu.memory_space<vmem>>, vector<1x128x640xf32>
    %get3A_152 = vector.shape_cast %get3A_151 : vector<1x128x640xf32> to vector<128x640xf32>
    %dot_general3A_153 = arith.constant dense<0.000000e+00> : vector<128x640xf32>
    %dot_general3A_154 = tpu.matmul %select_n3A_147, %select_n3A_135, %dot_general3A_153 {dimension_numbers = #tpu.dot_dimension_numbers<[0], [0], [1], [1], [0, 1, 1, 1], [], []>, transpose_lhs_hint = false} : vector<1000x128xf32>, vector<1000x640xf32>, vector<128x640xf32> -> vector<128x640xf32>
    %add3A_155 = arith.addf %get3A_152, %dot_general3A_154 : vector<128x640xf32>
    %swap3A_156 = arith.constant 1 : index
    %swap3A_157 = arith.constant 0 : index
    %swap3A_158 = arith.constant 0 : index
    %swap3A_159 = vector.load %arg17[%swap3A_156, %swap3A_157, %swap3A_158] : memref<2x128x640xf32, #tpu.memory_space<vmem>>, vector<1x128x640xf32>
    %swap3A_160 = vector.shape_cast %swap3A_159 : vector<1x128x640xf32> to vector<128x640xf32>
    %swap3A_161 = vector.shape_cast %add3A_155 : vector<128x640xf32> to vector<1x128x640xf32>
    tpu.vector_store %arg17[%swap3A_156, %swap3A_157, %swap3A_158], %swap3A_161 {strides = array<i32>} : memref<2x128x640xf32, #tpu.memory_space<vmem>>, vector<1x128x640xf32>,
    %get3A_162 = arith.constant 1 : index
    %get3A_163 = arith.constant 0 : index
    %get3A_164 = arith.constant 0 : index
    %get3A_165 = vector.load %arg18[%get3A_162, %get3A_163, %get3A_164] : memref<2x128x8xf32, #tpu.memory_space<vmem>>, vector<1x128x8xf32>
    %get3A_166 = vector.shape_cast %get3A_165 : vector<1x128x8xf32> to vector<128x8xf32>
    %dot_general3A_167 = arith.constant dense<0.000000e+00> : vector<128x8xf32>
    %dot_general3A_168 = tpu.matmul %select_n3A_147, %broadcast_in_dim3A_3, %dot_general3A_167 {dimension_numbers = #tpu.dot_dimension_numbers<[0], [0], [1], [1], [0, 1, 1, 1], [], []>, transpose_lhs_hint = false} : vector<1000x128xf32>, vector<1000x8xf32>, vector<128x8xf32> -> vector<128x8xf32>
    %add3A_169 = arith.addf %get3A_166, %dot_general3A_168 : vector<128x8xf32>
    %swap3A_170 = arith.constant 1 : index
    %swap3A_171 = arith.constant 0 : index
    %swap3A_172 = arith.constant 0 : index
    %swap3A_173 = vector.load %arg18[%swap3A_170, %swap3A_171, %swap3A_172] : memref<2x128x8xf32, #tpu.memory_space<vmem>>, vector<1x128x8xf32>
    %swap3A_174 = vector.shape_cast %swap3A_173 : vector<1x128x8xf32> to vector<128x8xf32>
    %swap3A_175 = vector.shape_cast %add3A_169 : vector<128x8xf32> to vector<1x128x8xf32>
    tpu.vector_store %arg18[%swap3A_170, %swap3A_171, %swap3A_172], %swap3A_175 {strides = array<i32>} : memref<2x128x8xf32, #tpu.memory_space<vmem>>, vector<1x128x8xf32>,
    %eq3A_176 = arith.constant 9 : i32
    %eq3A_177 = arith.cmpi eq, %arg0, %eq3A_176 : i32
    %convert_element_type3A_178 = arith.extui %eq3A_177 : i1 to i32
    %cond3A_179 = arith.constant 0 : i32
    %cond3A_180 = arith.cmpi ne, %convert_element_type3A_178, %cond3A_179 : i32
    scf.if %cond3A_180 {
      %get3A_181 = arith.constant 0 : index
      %get3A_182 = arith.constant 0 : index
      %get3A_183 = arith.constant 0 : index
      %get3A_184 = vector.load %arg18[%get3A_181, %get3A_182, %get3A_183] : memref<2x128x8xf32, #tpu.memory_space<vmem>>, vector<1x128x1xf32>
      %get3A_185 = vector.shape_cast %get3A_184 : vector<1x128x1xf32> to vector<128x1xf32>
      %max3A = arith.constant 1.000000e+00 : f32
      %max3A_186 = vector.broadcast %max3A : f32 to vector<128x1xf32>
      %max3A_187 = arith.maximumf %get3A_185, %max3A_186 : vector<128x1xf32>
      %get3A_188 = arith.constant 0 : index
      %get3A_189 = arith.constant 0 : index
      %get3A_190 = arith.constant 0 : index
      %get3A_191 = vector.load %arg17[%get3A_188, %get3A_189, %get3A_190] : memref<2x128x640xf32, #tpu.memory_space<vmem>>, vector<1x128x640xf32>
      %get3A_192 = vector.shape_cast %get3A_191 : vector<1x128x640xf32> to vector<128x640xf32>
      %div3A = vector.broadcast %max3A_187 : vector<128x1xf32> to vector<128x640xf32>
      %div3A_193 = arith.divf %get3A_192, %div3A : vector<128x640xf32>
      %get3A_194 = arith.constant 0 : index
      %get3A_195 = arith.constant 0 : index
      %get3A_196 = arith.constant 0 : index
      %get3A_197 = vector.load %arg8[%get3A_194, %get3A_195, %get3A_196] : memref<2x640x64xf32, #tpu.memory_space<vmem>>, vector<1x640x64xf32>
      %get3A_198 = vector.shape_cast %get3A_197 : vector<1x640x64xf32> to vector<640x64xf32>
      %dot_general3A_199 = arith.constant dense<0.000000e+00> : vector<128x64xf32>
      %dot_general3A_200 = tpu.matmul %div3A_193, %get3A_198, %dot_general3A_199 {dimension_numbers = #tpu.dot_dimension_numbers<[1], [0], [0], [1], [0, 0, 1, 1], [], []>, transpose_lhs_hint = false} : vector<128x640xf32>, vector<640x64xf32>, vector<128x64xf32> -> vector<128x64xf32>
      %get3A_201 = arith.constant 0 : index
      %get3A_202 = arith.constant 0 : index
      %get3A_203 = arith.constant 0 : index
      %get3A_204 = vector.load %arg9[%get3A_201, %get3A_202, %get3A_203] : memref<2x1x64xf32, #tpu.memory_space<vmem>>, vector<1x1x64xf32>
      %get3A_205 = vector.shape_cast %get3A_204 : vector<1x1x64xf32> to vector<1x64xf32>
      %add3A_206 = vector.broadcast %get3A_205 : vector<1x64xf32> to vector<128x64xf32>
      %add3A_207 = arith.addf %dot_general3A_200, %add3A_206 : vector<128x64xf32>
      %ge3A_208 = arith.constant 0.000000e+00 : f32
      %ge3A_209 = vector.broadcast %ge3A_208 : f32 to vector<128x64xf32>
      %ge3A_210 = arith.cmpf oge, %add3A_207, %ge3A_209 : vector<128x64xf32>
      %mul3A_211 = arith.constant 0.00999999977 : f32
      %mul3A_212 = vector.broadcast %mul3A_211 : f32 to vector<128x64xf32>
      %mul3A_213 = arith.mulf %mul3A_212, %add3A_207 : vector<128x64xf32>
      %select_n3A_214 = arith.select %ge3A_210, %add3A_207, %mul3A_213 : vector<128x64xi1>, vector<128x64xf32>
      %get3A_215 = arith.constant 1 : index
      %get3A_216 = arith.constant 0 : index
      %get3A_217 = arith.constant 0 : index
      %get3A_218 = vector.load %arg18[%get3A_215, %get3A_216, %get3A_217] : memref<2x128x8xf32, #tpu.memory_space<vmem>>, vector<1x128x1xf32>
      %get3A_219 = vector.shape_cast %get3A_218 : vector<1x128x1xf32> to vector<128x1xf32>
      %max3A_220 = arith.constant 1.000000e+00 : f32
      %max3A_221 = vector.broadcast %max3A_220 : f32 to vector<128x1xf32>
      %max3A_222 = arith.maximumf %get3A_219, %max3A_221 : vector<128x1xf32>
      %get3A_223 = arith.constant 1 : index
      %get3A_224 = arith.constant 0 : index
      %get3A_225 = arith.constant 0 : index
      %get3A_226 = vector.load %arg17[%get3A_223, %get3A_224, %get3A_225] : memref<2x128x640xf32, #tpu.memory_space<vmem>>, vector<1x128x640xf32>
      %get3A_227 = vector.shape_cast %get3A_226 : vector<1x128x640xf32> to vector<128x640xf32>
      %div3A_228 = vector.broadcast %max3A_222 : vector<128x1xf32> to vector<128x640xf32>
      %div3A_229 = arith.divf %get3A_227, %div3A_228 : vector<128x640xf32>
      %get3A_230 = arith.constant 1 : index
      %get3A_231 = arith.constant 0 : index
      %get3A_232 = arith.constant 0 : index
      %get3A_233 = vector.load %arg8[%get3A_230, %get3A_231, %get3A_232] : memref<2x640x64xf32, #tpu.memory_space<vmem>>, vector<1x640x64xf32>
      %get3A_234 = vector.shape_cast %get3A_233 : vector<1x640x64xf32> to vector<640x64xf32>
      %dot_general3A_235 = arith.constant dense<0.000000e+00> : vector<128x64xf32>
      %dot_general3A_236 = tpu.matmul %div3A_229, %get3A_234, %dot_general3A_235 {dimension_numbers = #tpu.dot_dimension_numbers<[1], [0], [0], [1], [0, 0, 1, 1], [], []>, transpose_lhs_hint = false} : vector<128x640xf32>, vector<640x64xf32>, vector<128x64xf32> -> vector<128x64xf32>
      %get3A_237 = arith.constant 1 : index
      %get3A_238 = arith.constant 0 : index
      %get3A_239 = arith.constant 0 : index
      %get3A_240 = vector.load %arg9[%get3A_237, %get3A_238, %get3A_239] : memref<2x1x64xf32, #tpu.memory_space<vmem>>, vector<1x1x64xf32>
      %get3A_241 = vector.shape_cast %get3A_240 : vector<1x1x64xf32> to vector<1x64xf32>
      %add3A_242 = vector.broadcast %get3A_241 : vector<1x64xf32> to vector<128x64xf32>
      %add3A_243 = arith.addf %dot_general3A_236, %add3A_242 : vector<128x64xf32>
      %ge3A_244 = arith.constant 0.000000e+00 : f32
      %ge3A_245 = vector.broadcast %ge3A_244 : f32 to vector<128x64xf32>
      %ge3A_246 = arith.cmpf oge, %add3A_243, %ge3A_245 : vector<128x64xf32>
      %mul3A_247 = arith.constant 0.00999999977 : f32
      %mul3A_248 = vector.broadcast %mul3A_247 : f32 to vector<128x64xf32>
      %mul3A_249 = arith.mulf %mul3A_248, %add3A_243 : vector<128x64xf32>
      %select_n3A_250 = arith.select %ge3A_246, %add3A_243, %mul3A_249 : vector<128x64xi1>, vector<128x64xf32>
      %concatenate3A = tpu.concatenate %select_n3A_214, %select_n3A_250 in 1 : vector<128x64xf32>, vector<128x64xf32> -> vector<128x128xf32>
      %get3A_251 = arith.constant 0 : index
      %get3A_252 = arith.constant 0 : index
      %get3A_253 = vector.load %arg10[%get3A_251, %get3A_252] : memref<128x64xf32, #tpu.memory_space<vmem>>, vector<128x64xf32>
      %dot_general3A_254 = arith.constant dense<0.000000e+00> : vector<128x64xf32>
      %dot_general3A_255 = tpu.matmul %concatenate3A, %get3A_253, %dot_general3A_254 {dimension_numbers = #tpu.dot_dimension_numbers<[1], [0], [0], [1], [0, 0, 1, 1], [], []>, transpose_lhs_hint = false} : vector<128x128xf32>, vector<128x64xf32>, vector<128x64xf32> -> vector<128x64xf32>
      %get3A_256 = arith.constant 0 : index
      %get3A_257 = arith.constant 0 : index
      %get3A_258 = vector.load %arg11[%get3A_256, %get3A_257] : memref<1x64xf32, #tpu.memory_space<vmem>>, vector<1x64xf32>
      %add3A_259 = vector.broadcast %get3A_258 : vector<1x64xf32> to vector<128x64xf32>
      %add3A_260 = arith.addf %dot_general3A_255, %add3A_259 : vector<128x64xf32>
      %ge3A_261 = arith.constant 0.000000e+00 : f32
      %ge3A_262 = vector.broadcast %ge3A_261 : f32 to vector<128x64xf32>
      %ge3A_263 = arith.cmpf oge, %add3A_260, %ge3A_262 : vector<128x64xf32>
      %mul3A_264 = arith.constant 0.00999999977 : f32
      %mul3A_265 = vector.broadcast %mul3A_264 : f32 to vector<128x64xf32>
      %mul3A_266 = arith.mulf %mul3A_265, %add3A_260 : vector<128x64xf32>
      %select_n3A_267 = arith.select %ge3A_263, %add3A_260, %mul3A_266 : vector<128x64xi1>, vector<128x64xf32>
      %get3A_268 = arith.constant 0 : index
      %get3A_269 = arith.constant 0 : index
      %get3A_270 = vector.load %arg12[%get3A_268, %get3A_269] : memref<64x16xf32, #tpu.memory_space<vmem>>, vector<64x16xf32>
      %dot_general3A_271 = arith.constant dense<0.000000e+00> : vector<128x16xf32>
      %dot_general3A_272 = tpu.matmul %select_n3A_267, %get3A_270, %dot_general3A_271 {dimension_numbers = #tpu.dot_dimension_numbers<[1], [0], [0], [1], [0, 0, 1, 1], [], []>, transpose_lhs_hint = false} : vector<128x64xf32>, vector<64x16xf32>, vector<128x16xf32> -> vector<128x16xf32>
      %get3A_273 = arith.constant 0 : index
      %get3A_274 = arith.constant 0 : index
      %get3A_275 = vector.load %arg13[%get3A_273, %get3A_274] : memref<1x16xf32, #tpu.memory_space<vmem>>, vector<1x16xf32>
      %add3A_276 = vector.broadcast %get3A_275 : vector<1x16xf32> to vector<128x16xf32>
      %add3A_277 = arith.addf %dot_general3A_272, %add3A_276 : vector<128x16xf32>
      %ge3A_278 = arith.constant 0.000000e+00 : f32
      %ge3A_279 = vector.broadcast %ge3A_278 : f32 to vector<128x16xf32>
      %ge3A_280 = arith.cmpf oge, %add3A_277, %ge3A_279 : vector<128x16xf32>
      %mul3A_281 = arith.constant 0.00999999977 : f32
      %mul3A_282 = vector.broadcast %mul3A_281 : f32 to vector<128x16xf32>
      %mul3A_283 = arith.mulf %mul3A_282, %add3A_277 : vector<128x16xf32>
      %select_n3A_284 = arith.select %ge3A_280, %add3A_277, %mul3A_283 : vector<128x16xi1>, vector<128x16xf32>
      %get3A_285 = arith.constant 0 : index
      %get3A_286 = arith.constant 0 : index
      %get3A_287 = vector.load %arg14[%get3A_285, %get3A_286] : memref<16x1xf32, #tpu.memory_space<vmem>>, vector<16x1xf32>
      %dot_general3A_288 = arith.constant dense<0.000000e+00> : vector<128x1xf32>
      %dot_general3A_289 = tpu.matmul %select_n3A_284, %get3A_287, %dot_general3A_288 {dimension_numbers = #tpu.dot_dimension_numbers<[1], [0], [0], [1], [0, 0, 1, 1], [], []>, transpose_lhs_hint = false} : vector<128x16xf32>, vector<16x1xf32>, vector<128x1xf32> -> vector<128x1xf32>
      %get3A_290 = arith.constant 0 : index
      %get3A_291 = arith.constant 0 : index
      %get3A_292 = vector.load %arg15[%get3A_290, %get3A_291] : memref<1x1xf32, #tpu.memory_space<vmem>>, vector<1x1xf32>
      %add3A_293 = vector.broadcast %get3A_292 : vector<1x1xf32> to vector<128x1xf32>
      %add3A_294 = arith.addf %dot_general3A_289, %add3A_293 : vector<128x1xf32>
      %swap3A_295 = arith.constant 0 : index
      %swap3A_296 = arith.constant 0 : index
      %swap3A_297 = vector.load %arg16[%swap3A_295, %swap3A_296] : memref<128x1xf32, #tpu.memory_space<vmem>>, vector<128x1xf32>
      tpu.vector_store %arg16[%swap3A_295, %swap3A_296], %add3A_294 {strides = array<i32>} : memref<128x1xf32, #tpu.memory_space<vmem>>, vector<128x1xf32>,
    } else {
    }
    return
  }
  func.func @transform_0(%arg0: i32) -> (i32, i32, i32, i32) {
    %c0_i32 = arith.constant 0 : i32
    %c0_i32_0 = arith.constant 0 : i32
    %c0_i32_1 = arith.constant 0 : i32
    %c0_i32_2 = arith.constant 0 : i32
    return %c0_i32, %c0_i32_0, %arg0, %c0_i32_1 : i32, i32, i32, i32
  }
  func.func @transform_1(%arg0: i32) -> (i32, i32) {
    %c0_i32 = arith.constant 0 : i32
    %c0_i32_0 = arith.constant 0 : i32
    return %arg0, %c0_i32 : i32, i32
  }
  func.func @transform_2(%arg0: i32) -> (i32, i32) {
    %c0_i32 = arith.constant 0 : i32
    %c0_i32_0 = arith.constant 0 : i32
    return %arg0, %c0_i32 : i32, i32
  }
  func.func @transform_3(%arg0: i32) -> (i32, i32, i32, i32) {
    %c0_i32 = arith.constant 0 : i32
    %c0_i32_0 = arith.constant 0 : i32
    %c0_i32_1 = arith.constant 0 : i32
    %c0_i32_2 = arith.constant 0 : i32
    return %c0_i32, %c0_i32_0, %arg0, %c0_i32_1 : i32, i32, i32, i32
  }
  func.func @transform_4(%arg0: i32) -> (i32, i32, i32) {
    %c0_i32 = arith.constant 0 : i32
    %c0_i32_0 = arith.constant 0 : i32
    %c0_i32_1 = arith.constant 0 : i32
    return %c0_i32, %arg0, %c0_i32_0 : i32, i32, i32
  }
  func.func @transform_5(%arg0: i32) -> (i32, i32, i32) {
    %c0_i32 = arith.constant 0 : i32
    %c0_i32_0 = arith.constant 0 : i32
    %c0_i32_1 = arith.constant 0 : i32
    %c0_i32_2 = arith.constant 0 : i32
    return %c0_i32, %c0_i32_0, %c0_i32_1 : i32, i32, i32
  }
  func.func @transform_6(%arg0: i32) -> (i32, i32, i32) {
    %c0_i32 = arith.constant 0 : i32
    %c0_i32_0 = arith.constant 0 : i32
    %c0_i32_1 = arith.constant 0 : i32
    %c0_i32_2 = arith.constant 0 : i32
    return %c0_i32, %c0_i32_0, %c0_i32_1 : i32, i32, i32
  }
  func.func @transform_7(%arg0: i32) -> (i32, i32, i32) {
    %c0_i32 = arith.constant 0 : i32
    %c0_i32_0 = arith.constant 0 : i32
    %c0_i32_1 = arith.constant 0 : i32
    %c0_i32_2 = arith.constant 0 : i32
    return %c0_i32, %c0_i32_0, %c0_i32_1 : i32, i32, i32
  }
  func.func @transform_8(%arg0: i32) -> (i32, i32, i32) {
    %c0_i32 = arith.constant 0 : i32
    %c0_i32_0 = arith.constant 0 : i32
    %c0_i32_1 = arith.constant 0 : i32
    %c0_i32_2 = arith.constant 0 : i32
    return %c0_i32, %c0_i32_0, %c0_i32_1 : i32, i32, i32
  }
  func.func @transform_9(%arg0: i32) -> (i32, i32) {
    %c0_i32 = arith.constant 0 : i32
    %c0_i32_0 = arith.constant 0 : i32
    %c0_i32_1 = arith.constant 0 : i32
    return %c0_i32, %c0_i32_0 : i32, i32
  }
  func.func @transform_10(%arg0: i32) -> (i32, i32) {
    %c0_i32 = arith.constant 0 : i32
    %c0_i32_0 = arith.constant 0 : i32
    %c0_i32_1 = arith.constant 0 : i32
    return %c0_i32, %c0_i32_0 : i32, i32
  }
  func.func @transform_11(%arg0: i32) -> (i32, i32) {
    %c0_i32 = arith.constant 0 : i32
    %c0_i32_0 = arith.constant 0 : i32
    %c0_i32_1 = arith.constant 0 : i32
    return %c0_i32, %c0_i32_0 : i32, i32
  }
  func.func @transform_12(%arg0: i32) -> (i32, i32) {
    %c0_i32 = arith.constant 0 : i32
    %c0_i32_0 = arith.constant 0 : i32
    %c0_i32_1 = arith.constant 0 : i32
    return %c0_i32, %c0_i32_0 : i32, i32
  }
  func.func @transform_13(%arg0: i32) -> (i32, i32) {
    %c0_i32 = arith.constant 0 : i32
    %c0_i32_0 = arith.constant 0 : i32
    %c0_i32_1 = arith.constant 0 : i32
    return %c0_i32, %c0_i32_0 : i32, i32
  }
  func.func @transform_14(%arg0: i32) -> (i32, i32) {
    %c0_i32 = arith.constant 0 : i32
    %c0_i32_0 = arith.constant 0 : i32
    %c0_i32_1 = arith.constant 0 : i32
    return %c0_i32, %c0_i32_0 : i32, i32
  }
  func.func @transform_15(%arg0: i32) -> (i32, i32) {
    %c0_i32 = arith.constant 0 : i32
    %c0_i32_0 = arith.constant 0 : i32
    %c0_i32_1 = arith.constant 0 : i32
    return %c0_i32, %c0_i32_0 : i32, i32
  }
}

</mosaic_0001>

<sc_bundles>
// kernel: kernel.6.cloned.1.call-start
scs
__scs_entry_jumppad:
0x0: {  	(pc) =	sbr.rel $0x88, $3  }
0x1: {  	(tag) =	ssettag $0x0;
	lr =	simm.s32 $0x1  }
0x2: {  	[smem:$0x3F8D] =	sst lr;
	_ =	strace $0xD0000000  }
0x3: {  	_ = 	snop  }
0x4: {  	_ = 	snop  }
0x5: {  	_ = 	snop  }
0x6: {  	_ = 	snop  }
0x7: {  	_ = 	snop  }
__scs_overlays_trampoline_lowered:
0x8: {  	[smem:$0x3F9C] =	sst s0  }
0x9: {  	[smem:$0x3F9D] =	sst s1  }
0xa: {  	[smem:$0x3F9E] =	sst s2  }
0xb: {  	[smem:$0x3F9F] =	sst s3  }
0xc: {  	[smem:$0x3FA0] =	sst s4  }
0xd: {  	[smem:$0x3FA1] =	sst s5  }
0xe: {  	[smem:$0x3FA2] =	sst s6  }
0xf: {  	[smem:$0x3FA3] =	sst s7  }
0x10: {  	[smem:$0x3FA4] =	sst s8  }
0x11: {  	[smem:$0x3FA5] =	sst s9;
	s0 =	simm.s32 @!p0 $0x0  }
0x12: {  	s1 =	sld [smem:$0x3F8B];
	s0 =	simm.s32 @p0 $0x1  }
0x13: {  	[smem:$0x3FA6] =	sst s0;
	s0 =	simm.s32 @!p1 $0x0  }
0x14: {  	s2 =	sld [smem:$0x3F8A];
	s0 =	simm.s32 @p1 $0x1  }
0x15: {  	[smem:$0x3FA7] =	sst s0;
	s0 =	simm.s32 @!p2 $0x0  }
0x16: {  	s3 =	sld [smem:$0x3FDB];
	s0 =	simm.s32 @p2 $0x1  }
0x17: {  	s4 =	simm.s32 $0x1BF5;
	[smem:$0x3FA9] =	sst s0  }
0x18: {  	s0 =	sld [smem:$0x3F8C];
	_ =	swait.ge [sflag:s4], $0x0  }
0x19: {  	s7 =	sld [smem:$0x3F8D]  }
0x1a: {  	s8 =	sadd.s32 $0xFFFFE003, lr  }
0x1b: {  	s9 =	sadd.s32 $0xFFFFFEF7, lr;
	s5 =	simm.s32 $0xFFFFFFFF;
	p2 =	slt.u32 s8, $0xFFFFF086  }
0x1c: {  	p1 =	slt.u32 s9, $0xF7A;
	s5 =	simm.s32 @!p2 $0x0  }
0x1d: {  	s5 =	simm.s32 @p1 $0x1;
	p0 =	seq.s32 s7, s2  }
0x1e: {  	s7 =	smul.u32 @!p0 $0xF7A, s2;
	p2 =	seq.s32 @!p0 s5, $0x0  }
0x1f: {  	s9 =	smul.u32 $0xF7A, s1;
	s8 =	simm.s32 @!p0 $0x1BF5;
	p2 =	por !p2, p0  }
0x20: {  	[sflag:s8] =	ssyncset.s32 @!p0 $0xFFFFF086;
	s6 =	sadd.s32 @!p0 s3, s7;
	s7 =	simm.s32 @!p0 $0x108  }
0x21: {  	s3 =	sadd.s32 s3, s9;
	s6 =	sadd.s32 @!p0 $0x88, s6;
	s7 =	simm.s32 @p2 $0x1082  }
0x22: {  	[simem:s7], [sflag:s8] =	dma.local @!p0 [hbm:s6], $0xF7A  }
0x23: {  	s9 =	sor.u32 $0xD0000000, s2;
	s6 =	simm.s32 $0x108;
	_ =	swait.ge @!p0 [sflag:s8], $0x0  }
0x24: {  	s3 =	sadd.s32 $0x88, s3;
	s6 =	simm.s32 @!p1 $0x1082;
	[sflag:s4] =	ssyncset.s32 $0xFFFFF086  }
0x25: {  	[simem:s6], [sflag:s4] =	dma.local [hbm:s3], $0xF7A  }
0x26: {  	[smem:$0x3F8D] =	sst s1;
	(tag) =	ssettag s2;
	_ =	strace s9  }
0x27: {  	s1 =	sld [smem:$0x3F9D]  }
0x28: {  	s2 =	sld [smem:$0x3F9E]  }
0x29: {  	s4 =	sld [smem:$0x3FA0]  }
0x2a: {  	p0 =	seq.s32 s5, $0x0;
	s5 =	sld [smem:$0x3FA1]  }
0x2b: {  	s6 =	sld [smem:$0x3FA2]  }
0x2c: {  	s7 =	sld [smem:$0x3FA3]  }
0x2d: {  	s3 =	simm.s32 $0x108;
	s8 =	sld [smem:$0x3FA4]  }
0x2e: {  	s3 =	simm.s32 @!p0 $0x1082;
	s9 =	sld [smem:$0x3FA5]  }
0x2f: {  	lr =	sadd.s32 s0, s3;
	s0 =	sld [smem:$0x3F9C]  }
0x30: {  	s3 =	sld [smem:$0x3F9F]  }
0x31: {  	[smem:$0x3FA8] =	sst s10  }
0x32: {  	s10 =	sld [smem:$0x3FA6];
	_ =	sdelay $0x3  }
0x33: {  	p0 =	seq.s32 s10, $0x1;
	s10 =	sld [smem:$0x3FA8];
	_ =	sdelay $0x3  }
0x34: {  	[smem:$0x3FA8] =	sst s10  }
0x35: {  	s10 =	sld [smem:$0x3FA7];
	_ =	sdelay $0x3  }
0x36: {  	p1 =	seq.s32 s10, $0x1;
	s10 =	sld [smem:$0x3FA8];
	_ =	sdelay $0x3  }
0x37: {  	[smem:$0x3FA8] =	sst s10  }
0x38: {  	s10 =	sld [smem:$0x3FA9]  }
0x39: {  	_ = 	snop;
	(pc) =	sbr.ind lr, $3  }
0x3a: {  	_ = 	snop  }
0x3b: {  	_ = 	snop  }
0x3c: {  	p2 =	seq.s32 s10, $0x1;
	s10 =	sld [smem:$0x3FA8]  }
0x3d: {  	_ =	shalt  }
0x3e: {  	_ =	shalt  }
0x3f: {  	_ =	shalt  }
0x40: {  	_ =	shalt  }
0x41: {  	_ =	shalt  }
0x42: {  	_ =	shalt  }
0x43: {  	_ =	shalt  }
0x44: {  	_ =	shalt  }
0x45: {  	_ =	shalt  }
0x46: {  	_ =	shalt  }
0x47: {  	_ =	shalt  }
0x48: {  	_ =	shalt  }
0x49: {  	_ =	shalt  }
0x4a: {  	_ =	shalt  }
0x4b: {  	_ =	shalt  }
0x4c: {  	_ =	shalt  }
0x4d: {  	_ =	shalt  }
0x4e: {  	_ =	shalt  }
0x4f: {  	_ =	shalt  }
0x50: {  	_ =	shalt  }
0x51: {  	_ =	shalt  }
0x52: {  	_ =	shalt  }
0x53: {  	_ =	shalt  }
0x54: {  	_ =	shalt  }
0x55: {  	_ =	shalt  }
0x56: {  	_ =	shalt  }
0x57: {  	_ =	shalt  }
0x58: {  	_ =	shalt  }
0x59: {  	_ =	shalt  }
0x5a: {  	_ =	shalt  }
0x5b: {  	_ =	shalt  }
0x5c: {  	_ =	shalt  }
0x5d: {  	_ =	shalt  }
0x5e: {  	_ =	shalt  }
0x5f: {  	_ =	shalt  }
0x60: {  	_ =	shalt  }
0x61: {  	_ =	shalt  }
0x62: {  	_ =	shalt  }
0x63: {  	_ =	shalt  }
0x64: {  	_ =	shalt  }
0x65: {  	_ =	shalt  }
0x66: {  	_ =	shalt  }
0x67: {  	_ =	shalt  }
0x68: {  	_ =	shalt  }
0x69: {  	_ =	shalt  }
0x6a: {  	_ =	shalt  }
0x6b: {  	_ =	shalt  }
0x6c: {  	_ =	shalt  }
0x6d: {  	_ =	shalt  }
0x6e: {  	_ =	shalt  }
0x6f: {  	_ =	shalt  }
0x70: {  	_ =	shalt  }
0x71: {  	_ =	shalt  }
0x72: {  	_ =	shalt  }
0x73: {  	_ =	shalt  }
0x74: {  	_ =	shalt  }
0x75: {  	_ =	shalt  }
0x76: {  	_ =	shalt  }
0x77: {  	_ =	shalt  }
0x78: {  	_ =	shalt  }
0x79: {  	_ =	shalt  }
0x7a: {  	_ =	shalt  }
0x7b: {  	_ =	shalt  }
0x7c: {  	_ =	shalt  }
0x7d: {  	_ =	shalt  }
0x7e: {  	_ =	shalt  }
0x7f: {  	_ =	shalt  }
0x80: {  	_ =	shalt  }
0x81: {  	_ =	shalt  }
0x82: {  	_ =	shalt  }
0x83: {  	_ =	shalt  }
0x84: {  	_ =	shalt  }
0x85: {  	_ =	shalt  }
0x86: {  	_ =	shalt  }
0x87: {  	_ =	shalt  }
.Lfunc_end0:
.L_simem_size_0:
called_computation_lowered:
.L_overlay_start_0:
0x88: {  	s2 =	sld [smem:$0x3FD9]  }
0x89: {  	s3 =	sld [smem:$0x3FFE];
	_ =	sdelay $0x1  }
0x8a: {  	s1 =	srdreg.scid  }
0x8b: {  	s0 =	sand.u32 $0x1, s1  }
0x8c: {  	s16 =	sshll.u32 s0, $0xA;
	s2 =	sadd.s32 s3, s2  }
0x8d: {  	s2 =	sadd.s32 s2, s16  }
0x8e: {  	[smem:$0x3FB4] =	sst s2  }
0x8f: {  	_ = 	snop  }
0x90: {  	(tm) =	ssettm $0x1  }
0x91: {  	s17 =	sld [smem:$0x3FFB];
	_ =	sdelay $0x3  }
0x92: {  	_ =	strace s17  }
0x93: {  	s2 =	sld [smem:$0x3FFC];
	_ =	sdelay $0x3  }
0x94: {  	_ =	strace s2  }
0x95: {  	s2 =	sld [smem:$0x3FFD];
	_ =	sdelay $0x3  }
0x96: {  	_ =	strace s2  }
0x97: {  	_ =	strace $0x8FFFFFFF  }
0x98: {  	s18 =	sld [smem:$0x3FDB];
	_ =	sdelay $0x1  }
0x99: {  	s19 =	simm.s32 $_scs_section_size  }
0x9a: {  	s4 =	simm.s32 $_size__tile_overlayer_lowered;
	s5 =	simm.s32 $_tile_overlayer_lowered  }
0x9b: {  	s22 =	simm.s32 $0x1BFF;
	s21 =	sshll.u32 s5, $0x1;
	s2 =	sadd.s32 s19, s18  }
0x9c: {  	s6 =	simm.s32 $0x0;
	s20 =	sshll.u32 s4, $0x1;
	s4 =	sadd.s32 s21, s2  }
0x9d: {  	[timem:s6], [sflag:s22] =	dma.local [hbm:s4], s20  }
0x9e: {  	_ =	swait.ge [sflag:s22], s20  }
0x9f: {  	s3 =	ssub.s32 $0x0, s20;
	[sflag:s22] =	ssyncset.done $0x0  }
0xa0: {  	[sflag:s22] =	ssyncadd.s32 s3;
	_ =	sdelay $0x1  }
0xa1: {  	s23 =	simm.s32 $0x1B8B  }
0xa2: {  	_ =	swait.ge [sflag:s23], $0x1  }
0xa3: {  	[sflag:s23] =	ssyncset.done $0x0  }
0xa4: {  	s25 =	simm.s32 $0x1B8E;
	s24 =	sld [smem:$0x3FFE];
	[sflag:s23] =	ssyncadd.s32 $0xFFFFFFFF  }
0xa5: {  	s26 =	simm.s32 $execute0_lowered;
	[smem:$0x3FD2] =	sst s25  }
0xa6: {  	s4 =	sshll.u32 s26, $0x1;
	_ =	strace $0x80000046;
	[dreg:$0x1] =	wrdreg $0xFFFFFFFF  }
0xa7: {  	s28 =	simm.s32 $_size_execute0_lowered;
	s2 =	sadd.s32 s2, s4;
	[dreg:$0x0] =	wrdreg $0x0  }
0xa8: {  	s4 =	sshll.u32 s28, $0x1;
	[dreg:$0x2] =	wrdreg s2  }
0xa9: {  	[dreg:$0x3] =	wrdreg s4  }
0xaa: {  	[dreg:$0x4] =	wrdreg $0xC0  }
0xab: {  	_ =	task [dreg:s6], $0x5FFFF  }
0xac: {  	[dreg:$0x1] =	wrdreg $0xFFFFFFFF  }
0xad: {  	[dreg:$0x0] =	wrdreg $0x60  }
0xae: {  	[dreg:$0x2] =	wrdreg s24  }
0xaf: {  	[dreg:$0x3] =	wrdreg $0x88000  }
0xb0: {  	[dreg:$0x4] =	wrdreg $0x9  }
0xb1: {  	_ =	task.clear_ibuf [dreg:s6], $0x5FFFF;
	_ =	strace $0x90000046  }
0xb2: {  	s29 =	simm.s32 $0x9;
	_ =	strace $0x80000048  }
0xb3: {  	_ =	swait.ge [sflag:s29], $0x1  }
0xb4: {  	[sflag:s29] =	ssyncadd.s32 $0xFFFFFFFF  }
0xb5: {  	_ =	strace $0x90000048  }
0xb6: {  	_ =	sfence  }
0xb7: {  	s30 =	sld [smem:$0x0];
	_ =	sdelay $0x2  }
0xb8: {  	s31 =	sshll.u32 s1, $0xD;
	s1 =	sshrl.u32 s1, $0x2  }
0xb9: {  	s3 =	sand.u32 $0x4000, s31;
	s1 =	sadd.s32 s1, s30  }
0xba: {  	s0 =	sor.u32 s3, s0;
	s1 =	sshll.u32 s1, $0x11  }
0xbb: {  	s0 =	sor.u32 s1, s0  }
0xbc: {  	s0 =	sadd.s32 $0x8F2B, s0  }
0xbd: {  	[sflag:s0] =	ssyncadd.remote.s32 $0x1  }
0xbe: {  	_ =	sfence.sel $0xFFFF  }
0xbf: {  	[dreg:$0x0] =	wrdreg $0xFFFFFFFF;
	(pc) =	sbr.abs _section_cstart, $3  }
0xc0: {  	[dreg:$0x1] =	wrdreg $0xFFFFFFFF  }
0xc1: {  	_ =	task.clear_ibuf [dreg:s6], $0x2FFFF;
	_ =	strace $0x9FFFFFFF  }
0xc2: {  	(tm) =	ssettm $0x7FFFFFFF  }
0xc3: {  	_ =	shalt  }
tec
execute0_lowered:
.L_overlay_start_1:
0x0: {  	(tag) =	ssettag $0x1  }
0x1: {  	s5 =	rddreg [dreg:$0x0]  }
0x2: {  	s0 =	srdreg.scid;
	s2 =	rddreg [dreg:$0x1];
	s3 =	simm.s32 $0x0  }
0x3: {  	s19 =	simm.s32 $0x6800;
	s20 =	simm.s32 $0x2;
	s21 =	simm.s32 $0x7D  }
0x4: {  	s22 =	simm.s32 $0x2800;
	s4 =	sand.u32 $0x1, s0;
	s0 =	stileid.u32  }
0x5: {  	s23 =	simm.s32 $0x1;
	[smem:$0x7FF] =	sst s3;
	s7 =	smul.u32 $0x140000, s4  }
0x6: {  	s1 =	sshll.u32 s4, $0x4;
	s8 =	smul.u32 $0x14000, s0;
	s29 =	ssub.s32 $0x2, s4  }
0x7: {  	s9 =	smul.u32 $0x50000, s0;
	s1 =	sor.u32 s0, s1;
	s31 =	sshrl.u32 s29, $0x1  }
0x8: {  	s6 =	smul.u32 $0x500, s1;
	s1 =	rddreg [dreg:$0x2];
	_ =	strace $0x80000047  }
0x9: {  	s28 =	sadd.s32 s8, s7;
	s30 =	sshrl.u32 s9, $0x2;
	s18 =	ssub.s32 s29, s31  }
0xa: {  	s4 =	sadd.s32 s30, s2;
	s18 =	smax.u32 s18, $0x1;
	s16 =	sadd.s32 s6, s5  }
0xb: {  	s6 =	sshrl.u32 s28, $0x3;
	s7 =	sadd.s32 $0x6000, s4;
	s8 =	sadd.s32 $0x8000, s4  }
0xc: {  	s9 =	sadd.s32 $0xA000, s4;
	s10 =	sadd.s32 $0xC000, s4;
	s11 =	sadd.s32 $0xE000, s4  }
0xd: {  	s12 =	sadd.s32 $0x10000, s4;
	s13 =	sadd.s32 $0x12000, s4;
	s17 =	sadd.s32 s6, s5  }
0xe: {  	v0 =	vimm.f32 $0.0e+00;
	vm0 =	vcmask $0x300;
	s5 =	sadd.s32 $0x2000, s4;
	s6 =	sadd.s32 $0x4000, s4;
	s14 =	sadd.s32 $0x3C00, s16  }
0xf: {  	v1 =	vsel vm0, $0x3F800000, v0;
	s16 =	sadd.s32 $0xDC00, s16;
	s15 =	sadd.s32 $0x17C00, s17;
	s17 =	sadd.s32 $0x67C00, s17  }
.LBB2_1:
0x10: {  	s24 =	simm.s32 $0x0  }
.LBB2_2:
0x11: {  	p0 =	sne.s32 s24, $0xF800  }
.Ltmp0:
0x12: {  	_ = 	snop;
	(pc) =	sbr.rel @p0 .LBB2_2-.Ltmp0, $3  }
0x13: {  	_ =	sdelay $0x1  }
0x14: {  	s25 =	sshra.s32 s24, $0x2  }
0x15: {  	s24 =	sadd.s32 $0x200, s24;
	[tilespmem:s25+$0x2800] =	vst v1  }
0x16: {  	s24 =	simm.s32 $0x200;
	s25 =	simm.s32 $0x0  }
.LBB2_4:
0x17: {  	p0 =	sne.s32 s24, $0x7E00;
	[tilespmem:s25+$0x6800] =	vst v0;
	s25 =	smov.u32 s24;
	s24 =	sadd.s32 $0x200, s24  }
.Ltmp1:
0x18: {  	(pc) =	sbr.rel @p0 .LBB2_4-.Ltmp1, $2  }
0x19: {  	_ =	sdelay $0x2  }
0x1a: {  	s25 =	sshra.s32 s25, $0x2  }
0x1b: {  	[tilespmem:s25+$0x6800] =	vst v0  }
0x1c: {  	[spmem:s4] =	stream.linear.scatter [tilespmem:s19], [sflag:$0x2], $0x2000, $0x38;
	[tilespmem:$0xB000] =	vst v63  }
0x1d: {  	_ =	swait.ge [sflag:s20], $0x2000  }
0x1e: {  	[sflag:s20] =	ssyncset.done $0x0  }
0x1f: {  	[sflag:s20] =	ssyncadd.s32 $0xFFFFE000  }
0x20: {  	[spmem:s5] =	stream.linear.scatter [tilespmem:s19], [sflag:$0x2], $0x2000, $0x38;
	[tilespmem:$0xB000] =	vst v63  }
0x21: {  	_ =	swait.ge [sflag:s20], $0x2000  }
0x22: {  	[sflag:s20] =	ssyncset.done $0x0  }
0x23: {  	[sflag:s20] =	ssyncadd.s32 $0xFFFFE000  }
0x24: {  	[spmem:s6] =	stream.linear.scatter [tilespmem:s19], [sflag:$0x2], $0x2000, $0x38;
	[tilespmem:$0xB000] =	vst v63  }
0x25: {  	_ =	swait.ge [sflag:s20], $0x2000  }
0x26: {  	[sflag:s20] =	ssyncset.done $0x0  }
0x27: {  	[sflag:s20] =	ssyncadd.s32 $0xFFFFE000  }
0x28: {  	[spmem:s7] =	stream.linear.scatter [tilespmem:s19], [sflag:$0x2], $0x2000, $0x38;
	[tilespmem:$0xB000] =	vst v63  }
0x29: {  	_ =	swait.ge [sflag:s20], $0x2000  }
0x2a: {  	[sflag:s20] =	ssyncset.done $0x0  }
0x2b: {  	[sflag:s20] =	ssyncadd.s32 $0xFFFFE000  }
0x2c: {  	[spmem:s8] =	stream.linear.scatter [tilespmem:s19], [sflag:$0x2], $0x2000, $0x38;
	[tilespmem:$0xB000] =	vst v63  }
0x2d: {  	_ =	swait.ge [sflag:s20], $0x2000  }
0x2e: {  	[sflag:s20] =	ssyncset.done $0x0  }
0x2f: {  	[sflag:s20] =	ssyncadd.s32 $0xFFFFE000  }
0x30: {  	[spmem:s9] =	stream.linear.scatter [tilespmem:s19], [sflag:$0x2], $0x2000, $0x38;
	[tilespmem:$0xB000] =	vst v63  }
0x31: {  	_ =	swait.ge [sflag:s20], $0x2000  }
0x32: {  	[sflag:s20] =	ssyncset.done $0x0  }
0x33: {  	[sflag:s20] =	ssyncadd.s32 $0xFFFFE000  }
0x34: {  	[spmem:s10] =	stream.linear.scatter [tilespmem:s19], [sflag:$0x2], $0x2000, $0x38;
	[tilespmem:$0xB000] =	vst v63  }
0x35: {  	_ =	swait.ge [sflag:s20], $0x2000  }
0x36: {  	[sflag:s20] =	ssyncset.done $0x0  }
0x37: {  	[sflag:s20] =	ssyncadd.s32 $0xFFFFE000  }
0x38: {  	[spmem:s11] =	stream.linear.scatter [tilespmem:s19], [sflag:$0x2], $0x2000, $0x38;
	[tilespmem:$0xB000] =	vst v63  }
0x39: {  	_ =	swait.ge [sflag:s20], $0x2000  }
0x3a: {  	[sflag:s20] =	ssyncset.done $0x0  }
0x3b: {  	[sflag:s20] =	ssyncadd.s32 $0xFFFFE000  }
0x3c: {  	[spmem:s12] =	stream.linear.scatter [tilespmem:s19], [sflag:$0x2], $0x2000, $0x38;
	[tilespmem:$0xB000] =	vst v63  }
0x3d: {  	_ =	swait.ge [sflag:s20], $0x2000  }
0x3e: {  	[sflag:s20] =	ssyncset.done $0x0  }
0x3f: {  	[sflag:s20] =	ssyncadd.s32 $0xFFFFE000  }
0x40: {  	[spmem:s13] =	stream.linear.scatter [tilespmem:s19], [sflag:$0x2], $0x2000, $0x38;
	[tilespmem:$0xB000] =	vst v63  }
0x41: {  	_ =	swait.ge [sflag:s20], $0x2000  }
0x42: {  	[sflag:s20] =	ssyncset.done $0x0  }
0x43: {  	[sflag:s20] =	ssyncadd.s32 $0xFFFFE000  }
0x44: {  	s24 =	simm.s32 $0x0;
	[bflag:$0x0] =	sbarrier.arrive $0xFFFF  }
0x45: {  	[tilespmem:s24], [sflag:$0x2] =	stream.linear.gather [hbm4b:s14+s24], $0x2800, $0x38;
	[tilespmem:$0xB000] =	vst v63  }
0x46: {  	_ =	swait.ge [sflag:s20], $0x2800  }
0x47: {  	[sflag:s20] =	ssyncset.done $0x0  }
0x48: {  	[sflag:s20] =	ssyncadd.s32 $0xFFFFD800  }
.LBB2_6:
0x49: {  	p0 =	sne.s32 s24, $0x9E00  }
.Ltmp2:
0x4a: {  	_ = 	snop;
	(pc) =	sbr.rel @p0 .LBB2_6-.Ltmp2, $3  }
0x4b: {  	_ =	sdelay $0x1  }
0x4c: {  	s25 =	sshra.s32 s24, $0x2;
	s24 =	sadd.s32 $0x200, s24  }
0x4d: {  	[spmem:s2] =	stream.indirect.scatter.add.f32 [tilespmem:s22], [sflag:$0x1], $0x10, s25, s21, $0xb8;
	[tilespmem:$0xB000] =	vst v63  }
0x4e: {  	_ =	swait.ge [sflag:s23], $0x7D0  }
0x4f: {  	s24 =	simm.s32 $0x4F;
	[sflag:s23] =	ssyncset.done $0x0  }
.LBB2_8:
0x50: {  	p0 =	sne.s32 s24, $0x1;
	s24 =	sadd.s32 $0xFFFFFFFF, s24;
	[sflag:s23] =	ssyncadd.s32 $0xFFFFF830  }
.Ltmp3:
0x51: {  	(pc) =	sbr.rel @p0 .LBB2_8-.Ltmp3, $3  }
0x52: {  	_ =	sdelay $0x1  }
0x53: {  	_ =	swait.ge [sflag:s23], $0x7D0  }
0x54: {  	[sflag:s23] =	ssyncset.done $0x0  }
0x55: {  	[sflag:s23] =	ssyncadd.s32 $0xFFFFF830;
	s24 =	sshll.u32 s0, $0x6  }
0x56: {  	s25 =	sshrl.u32 s4, $0x3;
	[bflag:$0x0] =	sbarrier.arrive $0xFFFF;
	s24 =	sor.u32 $0x1C02, s24  }
0x57: {  	[hbm:s15], [sflag:s24] =	dma.local [spmem:s25], $0x2800  }
0x58: {  	_ =	swait.ge [sflag:s20], $0x2800  }
0x59: {  	[sflag:s20] =	ssyncset.done $0x0  }
0x5a: {  	[sflag:s20] =	ssyncadd.s32 $0xFFFFD800  }
0x5b: {  	[bflag:$0x0] =	sbarrier.arrive $0xFFFF  }
0x5c: {  	[spmem:s4] =	stream.linear.scatter [tilespmem:s19], [sflag:$0x2], $0x2000, $0x38;
	[tilespmem:$0xB000] =	vst v63  }
0x5d: {  	_ =	swait.ge [sflag:s20], $0x2000  }
0x5e: {  	[sflag:s20] =	ssyncset.done $0x0  }
0x5f: {  	[sflag:s20] =	ssyncadd.s32 $0xFFFFE000  }
0x60: {  	[spmem:s5] =	stream.linear.scatter [tilespmem:s19], [sflag:$0x2], $0x2000, $0x38;
	[tilespmem:$0xB000] =	vst v63  }
0x61: {  	_ =	swait.ge [sflag:s20], $0x2000  }
0x62: {  	[sflag:s20] =	ssyncset.done $0x0  }
0x63: {  	[sflag:s20] =	ssyncadd.s32 $0xFFFFE000  }
0x64: {  	[spmem:s6] =	stream.linear.scatter [tilespmem:s19], [sflag:$0x2], $0x2000, $0x38;
	[tilespmem:$0xB000] =	vst v63  }
0x65: {  	_ =	swait.ge [sflag:s20], $0x2000  }
0x66: {  	[sflag:s20] =	ssyncset.done $0x0  }
0x67: {  	[sflag:s20] =	ssyncadd.s32 $0xFFFFE000  }
0x68: {  	[spmem:s7] =	stream.linear.scatter [tilespmem:s19], [sflag:$0x2], $0x2000, $0x38;
	[tilespmem:$0xB000] =	vst v63  }
0x69: {  	_ =	swait.ge [sflag:s20], $0x2000  }
0x6a: {  	[sflag:s20] =	ssyncset.done $0x0  }
0x6b: {  	[sflag:s20] =	ssyncadd.s32 $0xFFFFE000  }
0x6c: {  	[spmem:s8] =	stream.linear.scatter [tilespmem:s19], [sflag:$0x2], $0x2000, $0x38;
	[tilespmem:$0xB000] =	vst v63  }
0x6d: {  	_ =	swait.ge [sflag:s20], $0x2000  }
0x6e: {  	[sflag:s20] =	ssyncset.done $0x0  }
0x6f: {  	[sflag:s20] =	ssyncadd.s32 $0xFFFFE000  }
0x70: {  	[spmem:s9] =	stream.linear.scatter [tilespmem:s19], [sflag:$0x2], $0x2000, $0x38;
	[tilespmem:$0xB000] =	vst v63  }
0x71: {  	_ =	swait.ge [sflag:s20], $0x2000  }
0x72: {  	[sflag:s20] =	ssyncset.done $0x0  }
0x73: {  	[sflag:s20] =	ssyncadd.s32 $0xFFFFE000  }
0x74: {  	[spmem:s10] =	stream.linear.scatter [tilespmem:s19], [sflag:$0x2], $0x2000, $0x38;
	[tilespmem:$0xB000] =	vst v63  }
0x75: {  	_ =	swait.ge [sflag:s20], $0x2000  }
0x76: {  	[sflag:s20] =	ssyncset.done $0x0  }
0x77: {  	[sflag:s20] =	ssyncadd.s32 $0xFFFFE000  }
0x78: {  	[spmem:s11] =	stream.linear.scatter [tilespmem:s19], [sflag:$0x2], $0x2000, $0x38;
	[tilespmem:$0xB000] =	vst v63  }
0x79: {  	_ =	swait.ge [sflag:s20], $0x2000  }
0x7a: {  	[sflag:s20] =	ssyncset.done $0x0  }
0x7b: {  	[sflag:s20] =	ssyncadd.s32 $0xFFFFE000  }
0x7c: {  	[spmem:s12] =	stream.linear.scatter [tilespmem:s19], [sflag:$0x2], $0x2000, $0x38;
	[tilespmem:$0xB000] =	vst v63  }
0x7d: {  	_ =	swait.ge [sflag:s20], $0x2000  }
0x7e: {  	[sflag:s20] =	ssyncset.done $0x0  }
0x7f: {  	[sflag:s20] =	ssyncadd.s32 $0xFFFFE000  }
0x80: {  	[spmem:s13] =	stream.linear.scatter [tilespmem:s19], [sflag:$0x2], $0x2000, $0x38;
	[tilespmem:$0xB000] =	vst v63  }
0x81: {  	_ =	swait.ge [sflag:s20], $0x2000  }
0x82: {  	[sflag:s20] =	ssyncset.done $0x0  }
0x83: {  	[sflag:s20] =	ssyncadd.s32 $0xFFFFE000  }
0x84: {  	s26 =	simm.s32 $0x0;
	[bflag:$0x0] =	sbarrier.arrive $0xFFFF  }
0x85: {  	[tilespmem:s26], [sflag:$0x2] =	stream.linear.gather [hbm4b:s16+s26], $0x2800, $0x38;
	[tilespmem:$0xB000] =	vst v63  }
0x86: {  	_ =	swait.ge [sflag:s20], $0x2800  }
0x87: {  	[sflag:s20] =	ssyncset.done $0x0  }
0x88: {  	[sflag:s20] =	ssyncadd.s32 $0xFFFFD800  }
.LBB2_10:
0x89: {  	p0 =	sne.s32 s26, $0x9E00  }
.Ltmp4:
0x8a: {  	_ = 	snop;
	(pc) =	sbr.rel @p0 .LBB2_10-.Ltmp4, $3  }
0x8b: {  	_ =	sdelay $0x1  }
0x8c: {  	s28 =	sshra.s32 s26, $0x2;
	s26 =	sadd.s32 $0x200, s26  }
0x8d: {  	[spmem:s2] =	stream.indirect.scatter.add.f32 [tilespmem:s22], [sflag:$0x1], $0x10, s28, s21, $0xb8;
	[tilespmem:$0xB000] =	vst v63  }
0x8e: {  	_ =	swait.ge [sflag:s23], $0x7D0  }
0x8f: {  	s26 =	simm.s32 $0x4F;
	[sflag:s23] =	ssyncset.done $0x0  }
.LBB2_12:
0x90: {  	p0 =	sne.s32 s26, $0x1;
	s26 =	sadd.s32 $0xFFFFFFFF, s26;
	[sflag:s23] =	ssyncadd.s32 $0xFFFFF830  }
.Ltmp5:
0x91: {  	(pc) =	sbr.rel @p0 .LBB2_12-.Ltmp5, $3  }
0x92: {  	_ =	sdelay $0x1  }
0x93: {  	_ =	swait.ge [sflag:s23], $0x7D0  }
0x94: {  	[sflag:s23] =	ssyncset.done $0x0  }
0x95: {  	[sflag:s23] =	ssyncadd.s32 $0xFFFFF830;
	s3 =	sadd.s32 $0x1, s3  }
0x96: {  	[bflag:$0x0] =	sbarrier.arrive $0xFFFF;
	p0 =	sne.s32 s3, s18  }
0x97: {  	[hbm:s17], [sflag:s24] =	dma.local [spmem:s25], $0x2800  }
.Ltmp6:
0x98: {  	_ =	swait.ge [sflag:s20], $0x2800;
	(pc) =	sbr.rel @p0 .LBB2_1-.Ltmp6, $3  }
0x99: {  	[sflag:s20] =	ssyncset.done $0x0  }
0x9a: {  	[sflag:s20] =	ssyncadd.s32 $0xFFFFD800  }
0x9b: {  	[bflag:$0x0] =	sbarrier.arrive $0xFFFF;
	_ =	sdelay $0x1  }
0x9c: {  	_ =	sfence.sel $0x180000  }
0x9d: {  	[bflag:$0x0] =	sbarrier.arrive $0xFFFF  }
0x9e: {  	p0 =	sne.s32 s0, $0x0;
	_ =	strace $0x90000047  }
0x9f: {  	s0 =	sadd.s32 @!p0 $0x100000, s1;
	[bflag:$0x2] =	sbarrier.arrive $0xFFFF  }
0xa0: {  	[sflag:s0] =	ssyncadd.tile.s32 @!p0 $0x1;
	_ =	shalt  }
.Lfunc_end2:
_tile_overlayer_lowered:
.L_overlay_start_2:
0xa1: {  	(tag) =	ssettag $0x2  }
0xa2: {  	s0 =	rddreg [dreg:$0x0];
	s2 =	stileid.u32  }
0xa3: {  	s1 =	rddreg [dreg:$0x1];
	p0 =	sne.s32 s2, $0x0  }
0xa4: {  	s3 =	rddreg [dreg:$0x2];
	[bflag:$0x3] =	sbarrier.arrive $0xFFFF;
	s2 =	simm.s32 @!p0 $0x1C02  }
0xa5: {  	[timem:s3], [sflag:s2] =	dma.local @!p0 [hbm:s0], s1  }
0xa6: {  	s0 =	simm.s32 @!p0 $0x2  }
0xa7: {  	_ =	swait.ge @!p0 [sflag:s0], s1  }
0xa8: {  	s1 =	ssub.s32 @!p0 $0x0, s1;
	[sflag:s0] =	ssyncset.done @!p0 $0x0  }
0xa9: {  	[sflag:s0] =	ssyncadd.s32 @!p0 s1  }
0xaa: {  	[bflag:$0x3] =	sbarrier.arrive $0xFFFF  }
0xab: {  	_ =	shalt  }

// kernel: kernel.9.cloned.1.call-start
scs
__scs_entry_jumppad:
0x0: {  	(pc) =	sbr.rel $0x88, $3  }
0x1: {  	(tag) =	ssettag $0x0;
	lr =	simm.s32 $0x1  }
0x2: {  	[smem:$0x3F8D] =	sst lr;
	_ =	strace $0xD0000000  }
0x3: {  	_ = 	snop  }
0x4: {  	_ = 	snop  }
0x5: {  	_ = 	snop  }
0x6: {  	_ = 	snop  }
0x7: {  	_ = 	snop  }
__scs_overlays_trampoline_lowered:
0x8: {  	[smem:$0x3F9C] =	sst s0  }
0x9: {  	[smem:$0x3F9D] =	sst s1  }
0xa: {  	[smem:$0x3F9E] =	sst s2  }
0xb: {  	[smem:$0x3F9F] =	sst s3  }
0xc: {  	[smem:$0x3FA0] =	sst s4  }
0xd: {  	[smem:$0x3FA1] =	sst s5  }
0xe: {  	[smem:$0x3FA2] =	sst s6  }
0xf: {  	[smem:$0x3FA3] =	sst s7  }
0x10: {  	[smem:$0x3FA4] =	sst s8  }
0x11: {  	[smem:$0x3FA5] =	sst s9;
	s0 =	simm.s32 @!p0 $0x0  }
0x12: {  	s1 =	sld [smem:$0x3F8B];
	s0 =	simm.s32 @p0 $0x1  }
0x13: {  	[smem:$0x3FA6] =	sst s0;
	s0 =	simm.s32 @!p1 $0x0  }
0x14: {  	s2 =	sld [smem:$0x3F8A];
	s0 =	simm.s32 @p1 $0x1  }
0x15: {  	[smem:$0x3FA7] =	sst s0;
	s0 =	simm.s32 @!p2 $0x0  }
0x16: {  	s3 =	sld [smem:$0x3FDB];
	s0 =	simm.s32 @p2 $0x1  }
0x17: {  	s4 =	simm.s32 $0x1BF5;
	[smem:$0x3FA9] =	sst s0  }
0x18: {  	s0 =	sld [smem:$0x3F8C];
	_ =	swait.ge [sflag:s4], $0x0  }
0x19: {  	s7 =	sld [smem:$0x3F8D]  }
0x1a: {  	s8 =	sadd.s32 $0xFFFFE003, lr  }
0x1b: {  	s9 =	sadd.s32 $0xFFFFFEF7, lr;
	s5 =	simm.s32 $0xFFFFFFFF;
	p2 =	slt.u32 s8, $0xFFFFF086  }
0x1c: {  	p1 =	slt.u32 s9, $0xF7A;
	s5 =	simm.s32 @!p2 $0x0  }
0x1d: {  	s5 =	simm.s32 @p1 $0x1;
	p0 =	seq.s32 s7, s2  }
0x1e: {  	s7 =	smul.u32 @!p0 $0xF7A, s2;
	p2 =	seq.s32 @!p0 s5, $0x0  }
0x1f: {  	s9 =	smul.u32 $0xF7A, s1;
	s8 =	simm.s32 @!p0 $0x1BF5;
	p2 =	por !p2, p0  }
0x20: {  	[sflag:s8] =	ssyncset.s32 @!p0 $0xFFFFF086;
	s6 =	sadd.s32 @!p0 s3, s7;
	s7 =	simm.s32 @!p0 $0x108  }
0x21: {  	s3 =	sadd.s32 s3, s9;
	s6 =	sadd.s32 @!p0 $0x88, s6;
	s7 =	simm.s32 @p2 $0x1082  }
0x22: {  	[simem:s7], [sflag:s8] =	dma.local @!p0 [hbm:s6], $0xF7A  }
0x23: {  	s9 =	sor.u32 $0xD0000000, s2;
	s6 =	simm.s32 $0x108;
	_ =	swait.ge @!p0 [sflag:s8], $0x0  }
0x24: {  	s3 =	sadd.s32 $0x88, s3;
	s6 =	simm.s32 @!p1 $0x1082;
	[sflag:s4] =	ssyncset.s32 $0xFFFFF086  }
0x25: {  	[simem:s6], [sflag:s4] =	dma.local [hbm:s3], $0xF7A  }
0x26: {  	[smem:$0x3F8D] =	sst s1;
	(tag) =	ssettag s2;
	_ =	strace s9  }
0x27: {  	s1 =	sld [smem:$0x3F9D]  }
0x28: {  	s2 =	sld [smem:$0x3F9E]  }
0x29: {  	s4 =	sld [smem:$0x3FA0]  }
0x2a: {  	p0 =	seq.s32 s5, $0x0;
	s5 =	sld [smem:$0x3FA1]  }
0x2b: {  	s6 =	sld [smem:$0x3FA2]  }
0x2c: {  	s7 =	sld [smem:$0x3FA3]  }
0x2d: {  	s3 =	simm.s32 $0x108;
	s8 =	sld [smem:$0x3FA4]  }
0x2e: {  	s3 =	simm.s32 @!p0 $0x1082;
	s9 =	sld [smem:$0x3FA5]  }
0x2f: {  	lr =	sadd.s32 s0, s3;
	s0 =	sld [smem:$0x3F9C]  }
0x30: {  	s3 =	sld [smem:$0x3F9F]  }
0x31: {  	[smem:$0x3FA8] =	sst s10  }
0x32: {  	s10 =	sld [smem:$0x3FA6];
	_ =	sdelay $0x3  }
0x33: {  	p0 =	seq.s32 s10, $0x1;
	s10 =	sld [smem:$0x3FA8];
	_ =	sdelay $0x3  }
0x34: {  	[smem:$0x3FA8] =	sst s10  }
0x35: {  	s10 =	sld [smem:$0x3FA7];
	_ =	sdelay $0x3  }
0x36: {  	p1 =	seq.s32 s10, $0x1;
	s10 =	sld [smem:$0x3FA8];
	_ =	sdelay $0x3  }
0x37: {  	[smem:$0x3FA8] =	sst s10  }
0x38: {  	s10 =	sld [smem:$0x3FA9]  }
0x39: {  	_ = 	snop;
	(pc) =	sbr.ind lr, $3  }
0x3a: {  	_ = 	snop  }
0x3b: {  	_ = 	snop  }
0x3c: {  	p2 =	seq.s32 s10, $0x1;
	s10 =	sld [smem:$0x3FA8]  }
0x3d: {  	_ =	shalt  }
0x3e: {  	_ =	shalt  }
0x3f: {  	_ =	shalt  }
0x40: {  	_ =	shalt  }
0x41: {  	_ =	shalt  }
0x42: {  	_ =	shalt  }
0x43: {  	_ =	shalt  }
0x44: {  	_ =	shalt  }
0x45: {  	_ =	shalt  }
0x46: {  	_ =	shalt  }
0x47: {  	_ =	shalt  }
0x48: {  	_ =	shalt  }
0x49: {  	_ =	shalt  }
0x4a: {  	_ =	shalt  }
0x4b: {  	_ =	shalt  }
0x4c: {  	_ =	shalt  }
0x4d: {  	_ =	shalt  }
0x4e: {  	_ =	shalt  }
0x4f: {  	_ =	shalt  }
0x50: {  	_ =	shalt  }
0x51: {  	_ =	shalt  }
0x52: {  	_ =	shalt  }
0x53: {  	_ =	shalt  }
0x54: {  	_ =	shalt  }
0x55: {  	_ =	shalt  }
0x56: {  	_ =	shalt  }
0x57: {  	_ =	shalt  }
0x58: {  	_ =	shalt  }
0x59: {  	_ =	shalt  }
0x5a: {  	_ =	shalt  }
0x5b: {  	_ =	shalt  }
0x5c: {  	_ =	shalt  }
0x5d: {  	_ =	shalt  }
0x5e: {  	_ =	shalt  }
0x5f: {  	_ =	shalt  }
0x60: {  	_ =	shalt  }
0x61: {  	_ =	shalt  }
0x62: {  	_ =	shalt  }
0x63: {  	_ =	shalt  }
0x64: {  	_ =	shalt  }
0x65: {  	_ =	shalt  }
0x66: {  	_ =	shalt  }
0x67: {  	_ =	shalt  }
0x68: {  	_ =	shalt  }
0x69: {  	_ =	shalt  }
0x6a: {  	_ =	shalt  }
0x6b: {  	_ =	shalt  }
0x6c: {  	_ =	shalt  }
0x6d: {  	_ =	shalt  }
0x6e: {  	_ =	shalt  }
0x6f: {  	_ =	shalt  }
0x70: {  	_ =	shalt  }
0x71: {  	_ =	shalt  }
0x72: {  	_ =	shalt  }
0x73: {  	_ =	shalt  }
0x74: {  	_ =	shalt  }
0x75: {  	_ =	shalt  }
0x76: {  	_ =	shalt  }
0x77: {  	_ =	shalt  }
0x78: {  	_ =	shalt  }
0x79: {  	_ =	shalt  }
0x7a: {  	_ =	shalt  }
0x7b: {  	_ =	shalt  }
0x7c: {  	_ =	shalt  }
0x7d: {  	_ =	shalt  }
0x7e: {  	_ =	shalt  }
0x7f: {  	_ =	shalt  }
0x80: {  	_ =	shalt  }
0x81: {  	_ =	shalt  }
0x82: {  	_ =	shalt  }
0x83: {  	_ =	shalt  }
0x84: {  	_ =	shalt  }
0x85: {  	_ =	shalt  }
0x86: {  	_ =	shalt  }
0x87: {  	_ =	shalt  }
.Lfunc_end0:
.L_simem_size_0:
called_computation.1_lowered:
.L_overlay_start_0:
0x88: {  	s2 =	sld [smem:$0x3FD9]  }
0x89: {  	s3 =	sld [smem:$0x3FFE];
	_ =	sdelay $0x1  }
0x8a: {  	s1 =	srdreg.scid  }
0x8b: {  	s0 =	sand.u32 $0x1, s1  }
0x8c: {  	s16 =	sshll.u32 s0, $0xA;
	s2 =	sadd.s32 s3, s2  }
0x8d: {  	s2 =	sadd.s32 s2, s16  }
0x8e: {  	[smem:$0x3FB4] =	sst s2  }
0x8f: {  	_ = 	snop  }
0x90: {  	(tm) =	ssettm $0x1  }
0x91: {  	s17 =	sld [smem:$0x3FFB];
	_ =	sdelay $0x3  }
0x92: {  	_ =	strace s17  }
0x93: {  	s2 =	sld [smem:$0x3FFC];
	_ =	sdelay $0x3  }
0x94: {  	_ =	strace s2  }
0x95: {  	s2 =	sld [smem:$0x3FFD];
	_ =	sdelay $0x3  }
0x96: {  	_ =	strace s2  }
0x97: {  	_ =	strace $0x8FFFFFFF  }
0x98: {  	s18 =	sld [smem:$0x3FDB];
	_ =	sdelay $0x1  }
0x99: {  	s19 =	simm.s32 $_scs_section_size  }
0x9a: {  	s4 =	simm.s32 $_size__tile_overlayer_lowered;
	s5 =	simm.s32 $_tile_overlayer_lowered  }
0x9b: {  	s22 =	simm.s32 $0x1BFF;
	s21 =	sshll.u32 s5, $0x1;
	s2 =	sadd.s32 s19, s18  }
0x9c: {  	s6 =	simm.s32 $0x0;
	s20 =	sshll.u32 s4, $0x1;
	s4 =	sadd.s32 s21, s2  }
0x9d: {  	[timem:s6], [sflag:s22] =	dma.local [hbm:s4], s20  }
0x9e: {  	_ =	swait.ge [sflag:s22], s20  }
0x9f: {  	s3 =	ssub.s32 $0x0, s20;
	[sflag:s22] =	ssyncset.done $0x0  }
0xa0: {  	[sflag:s22] =	ssyncadd.s32 s3;
	_ =	sdelay $0x1  }
0xa1: {  	s23 =	simm.s32 $0x1B8B  }
0xa2: {  	_ =	swait.ge [sflag:s23], $0x1  }
0xa3: {  	[sflag:s23] =	ssyncset.done $0x0  }
0xa4: {  	s25 =	simm.s32 $0x1B8E;
	s24 =	sld [smem:$0x3FFE];
	[sflag:s23] =	ssyncadd.s32 $0xFFFFFFFF  }
0xa5: {  	s26 =	simm.s32 $execute0_lowered;
	[smem:$0x3FD2] =	sst s25  }
0xa6: {  	s4 =	sshll.u32 s26, $0x1;
	_ =	strace $0x80000049;
	[dreg:$0x1] =	wrdreg $0xFFFFFFFF  }
0xa7: {  	s28 =	simm.s32 $_size_execute0_lowered;
	s2 =	sadd.s32 s2, s4;
	[dreg:$0x0] =	wrdreg $0x0  }
0xa8: {  	s4 =	sshll.u32 s28, $0x1;
	[dreg:$0x2] =	wrdreg s2  }
0xa9: {  	[dreg:$0x3] =	wrdreg s4  }
0xaa: {  	[dreg:$0x4] =	wrdreg $0xC0  }
0xab: {  	_ =	task [dreg:s6], $0x5FFFF  }
0xac: {  	[dreg:$0x1] =	wrdreg $0xFFFFFFFF  }
0xad: {  	[dreg:$0x0] =	wrdreg $0x60  }
0xae: {  	[dreg:$0x2] =	wrdreg s24  }
0xaf: {  	[dreg:$0x3] =	wrdreg $0xB0000  }
0xb0: {  	[dreg:$0x4] =	wrdreg $0x9  }
0xb1: {  	_ =	task.clear_ibuf [dreg:s6], $0x5FFFF;
	_ =	strace $0x90000049  }
0xb2: {  	s29 =	simm.s32 $0x9;
	_ =	strace $0x8000004B  }
0xb3: {  	_ =	swait.ge [sflag:s29], $0x1  }
0xb4: {  	[sflag:s29] =	ssyncadd.s32 $0xFFFFFFFF  }
0xb5: {  	_ =	strace $0x9000004B  }
0xb6: {  	_ =	sfence  }
0xb7: {  	s30 =	sld [smem:$0x0];
	_ =	sdelay $0x2  }
0xb8: {  	s31 =	sshll.u32 s1, $0xD;
	s1 =	sshrl.u32 s1, $0x2  }
0xb9: {  	s3 =	sand.u32 $0x4000, s31;
	s1 =	sadd.s32 s1, s30  }
0xba: {  	s0 =	sor.u32 s3, s0;
	s1 =	sshll.u32 s1, $0x11  }
0xbb: {  	s0 =	sor.u32 s1, s0  }
0xbc: {  	s0 =	sadd.s32 $0x8F2B, s0  }
0xbd: {  	[sflag:s0] =	ssyncadd.remote.s32 $0x1  }
0xbe: {  	_ =	sfence.sel $0xFFFF  }
0xbf: {  	[dreg:$0x0] =	wrdreg $0xFFFFFFFF;
	(pc) =	sbr.abs _section_cstart, $3  }
0xc0: {  	[dreg:$0x1] =	wrdreg $0xFFFFFFFF  }
0xc1: {  	_ =	task.clear_ibuf [dreg:s6], $0x2FFFF;
	_ =	strace $0x9FFFFFFF  }
0xc2: {  	(tm) =	ssettm $0x7FFFFFFF  }
0xc3: {  	_ =	shalt  }
tec
execute0_lowered:
.L_overlay_start_1:
0x0: {  	(tag) =	ssettag $0x1  }
0x1: {  	s0 =	rddreg [dreg:$0x0]  }
0x2: {  	s1 =	rddreg [dreg:$0x1]  }
0x3: {  	s2 =	srdreg.scid;
	s13 =	stileid.u32  }
0x4: {  	s3 =	simm.s32 $0x0;
	s2 =	sand.u32 $0x1, s2;
	s6 =	smul.u32 $0x14000, s13  }
0x5: {  	s5 =	smul.u32 $0x140000, s2;
	s12 =	ssub.s32 $0x2, s2;
	s2 =	sshll.u32 s2, $0x4  }
0x6: {  	[smem:$0x7FF] =	sst s3;
	s11 =	smul.u32 $0x50000, s13;
	s2 =	sor.u32 s13, s2  }
0x7: {  	s7 =	sadd.s32 $0xB7C00, s0;
	s8 =	sadd.s32 $0x3C00, s0;
	s26 =	smul.u32 $0x2800, s2  }
0x8: {  	s9 =	sadd.s32 $0xC1C00, s0;
	s10 =	sadd.s32 $0xDC00, s0;
	s2 =	smul.u32 $0x500, s2  }
0x9: {  	s4 =	sadd.s32 $0xCBC00, s0;
	_ =	strace $0x8000004A;
	s11 =	sshrl.u32 s11, $0x2  }
0xa: {  	s6 =	sadd.s32 s6, s5;
	s5 =	sadd.s32 $0xF2E00, s0;
	s18 =	sadd.s32 s7, s2  }
0xb: {  	s6 =	sshrl.u32 s6, $0x3;
	s19 =	sadd.s32 s8, s2;
	[dreg:$0xb] =	wrdreg s18  }
0xc: {  	s0 =	sadd.s32 s6, s0;
	s21 =	sadd.s32 s9, s2;
	[dreg:$0xc] =	wrdreg s19  }
0xd: {  	s6 =	sadd.s32 s11, s1;
	s2 =	sadd.s32 s10, s2;
	[dreg:$0xf] =	wrdreg s21  }
0xe: {  	s11 =	sadd.s32 $0x800, s6;
	[dreg:$0x10] =	wrdreg s2  }
0xf: {  	s23 =	sadd.s32 $0x1000, s6;
	[dreg:$0x3] =	wrdreg s11  }
0x10: {  	s24 =	sadd.s32 $0x1800, s6;
	[dreg:$0x4] =	wrdreg s23  }
0x11: {  	s25 =	sadd.s32 $0x2000, s6;
	[dreg:$0x5] =	wrdreg s24  }
0x12: {  	s14 =	sadd.s32 $0x2800, s6;
	[dreg:$0x6] =	wrdreg s25  }
0x13: {  	s15 =	sadd.s32 $0x3000, s6;
	[dreg:$0x7] =	wrdreg s14  }
0x14: {  	s16 =	sadd.s32 $0x3800, s6;
	[dreg:$0x8] =	wrdreg s15  }
0x15: {  	s17 =	sadd.s32 $0x4000, s6;
	[dreg:$0x9] =	wrdreg s16  }
0x16: {  	s2 =	sadd.s32 $0x5800, s6;
	[dreg:$0xa] =	wrdreg s17  }
0x17: {  	s13 =	sadd.s32 $0x8800, s6;
	[dreg:$0x17] =	wrdreg s2  }
0x18: {  	s18 =	sadd.s32 $0xB000, s6;
	[dreg:$0x1d] =	wrdreg s13  }
0x19: {  	s19 =	sadd.s32 $0xB800, s6;
	[smem:$0x7F5] =	sst s18  }
0x1a: {  	s21 =	sadd.s32 $0xC800, s6;
	[smem:$0x7F6] =	sst s19  }
0x1b: {  	s22 =	sshrl.u32 s12, $0x1;
	s24 =	sadd.s32 $0x11A000, s0;
	[smem:$0x7F8] =	sst s21  }
0x1c: {  	s12 =	ssub.s32 s12, s22;
	s0 =	sadd.s32 $0x16A000, s0;
	[dreg:$0x13] =	wrdreg s24  }
0x1d: {  	s25 =	smax.u32 s12, $0x1;
	[dreg:$0x14] =	wrdreg s0  }
0x1e: {  	s11 =	sshrl.u32 s26, $0x3;
	s26 =	sadd.s32 $0x5000, s6;
	[dreg:$0x15] =	wrdreg s25  }
0x1f: {  	s12 =	sadd.s32 $0x8000, s6;
	[dreg:$0x16] =	wrdreg s26  }
0x20: {  	s14 =	sadd.s32 $0x9000, s6;
	[dreg:$0x1c] =	wrdreg s12  }
0x21: {  	s28 =	sadd.s32 $0x12000, s6;
	s15 =	sadd.s32 $0x9800, s6;
	[dreg:$0x1e] =	wrdreg s14  }
0x22: {  	s29 =	sadd.s32 $0x12800, s6;
	s16 =	sadd.s32 $0xA000, s6;
	[dreg:$0x1f] =	wrdreg s15  }
0x23: {  	s30 =	sadd.s32 $0x13000, s6;
	s17 =	sadd.s32 $0xA800, s6;
	[smem:$0x7F3] =	sst s16  }
0x24: {  	s31 =	sadd.s32 $0x13800, s6;
	[smem:$0x7F4] =	sst s17;
	s24 =	sadd.s32 $0xE000, s6  }
0x25: {  	s13 =	sadd.s32 $0x10800, s6;
	s25 =	sadd.s32 $0xE800, s6;
	[smem:$0x7FB] =	sst s24  }
0x26: {  	s11 =	sadd.s32 $0x280, s11;
	s26 =	sadd.s32 $0xF000, s6;
	[smem:$0x7FC] =	sst s25  }
0x27: {  	s2 =	simm.s32 $0x3;
	s7 =	sadd.s32 s7, s11;
	[smem:$0x7FD] =	sst s26  }
0x28: {  	s18 =	simm.s32 $0x80;
	s20 =	sadd.s32 s8, s11;
	[dreg:$0xd] =	wrdreg s7  }
0x29: {  	s19 =	simm.s32 $0x6800;
	s22 =	sadd.s32 s9, s11;
	[dreg:$0xe] =	wrdreg s20  }
0x2a: {  	s21 =	simm.s32 $0x2;
	s23 =	sadd.s32 s10, s11;
	[dreg:$0x11] =	wrdreg s22  }
0x2b: {  	s12 =	sadd.s32 $0x10000, s6;
	s8 =	sadd.s32 $0x6800, s6;
	[dreg:$0x12] =	wrdreg s23  }
0x2c: {  	s14 =	sadd.s32 $0x11000, s6;
	s10 =	sadd.s32 $0x7000, s6;
	[dreg:$0x19] =	wrdreg s8  }
0x2d: {  	s0 =	simm.s32 $0xA800;
	s11 =	sadd.s32 $0x7800, s6;
	[dreg:$0x1a] =	wrdreg s10  }
0x2e: {  	s15 =	simm.s32 $0x1400;
	s7 =	sadd.s32 $0x6000, s6;
	[dreg:$0x1b] =	wrdreg s11  }
0x2f: {  	s16 =	simm.s32 $0x7D;
	s20 =	sadd.s32 $0xC000, s6;
	[dreg:$0x18] =	wrdreg s7  }
0x30: {  	s17 =	simm.s32 $0x2800;
	s22 =	sadd.s32 $0xD000, s6;
	[smem:$0x7F7] =	sst s20  }
0x31: {  	s9 =	sadd.s32 $0x4800, s6;
	s23 =	sadd.s32 $0xD800, s6;
	[smem:$0x7F9] =	sst s22  }
0x32: {  	s26 =	sadd.s32 $0x11800, s6;
	s11 =	sadd.s32 $0xF800, s6;
	[smem:$0x7FA] =	sst s23  }
0x33: {  	v0 =	vimm.f32 $0.0e+00;
	s20 =	simm.s32 $0x1;
	s22 =	simm.s32 $0x2700;
	s23 =	simm.s32 $0x2780  }
.LBB2_1:
0x34: {  	s7 =	simm.s32 $0x0;
	s24 =	simm.s32 $0x200  }
.LBB2_2:
0x35: {  	p0 =	sne.s32 s24, $0x1E00;
	[tilespmem:s7+$0xA870] =	vst v0  }
0x36: {  	[tilespmem:s7+$0xA800] =	vst v0  }
0x37: {  	[tilespmem:s7+$0xA810] =	vst v0  }
.Ltmp0:
0x38: {  	[tilespmem:s7+$0xA820] =	vst v0;
	(pc) =	sbr.rel @p0 .LBB2_2-.Ltmp0, $4  }
0x39: {  	[tilespmem:s7+$0xA830] =	vst v0  }
0x3a: {  	[tilespmem:s7+$0xA840] =	vst v0  }
0x3b: {  	[tilespmem:s7+$0xA850] =	vst v0  }
0x3c: {  	[tilespmem:s7+$0xA860] =	vst v0;
	s7 =	sshra.s32 s24, $0x2;
	s24 =	sadd.s32 $0x200, s24  }
0x3d: {  	[tilespmem:s7+$0xA870] =	vst v0  }
0x3e: {  	[tilespmem:s7+$0xA800] =	vst v0  }
0x3f: {  	[tilespmem:s7+$0xA810] =	vst v0  }
0x40: {  	[tilespmem:s7+$0xA820] =	vst v0  }
0x41: {  	[tilespmem:s7+$0xA830] =	vst v0  }
0x42: {  	[tilespmem:s7+$0xA840] =	vst v0  }
0x43: {  	[tilespmem:s7+$0xA850] =	vst v0  }
0x44: {  	[tilespmem:s7+$0xA860] =	vst v0  }
0x45: {  	[spmem:s6] =	stream.linear.scatter [tilespmem:s0], [sflag:$0x3], $0x800, $0x38;
	[tilespmem:$0x1F000] =	vst v63  }
0x46: {  	_ =	swait.ge [sflag:s2], $0x800  }
0x47: {  	[sflag:s2] =	ssyncset.done $0x0  }
0x48: {  	s10 =	rddreg [dreg:$0x3];
	[sflag:s2] =	ssyncadd.s32 $0xFFFFF800  }
0x49: {  	[spmem:s10] =	stream.linear.scatter [tilespmem:s0], [sflag:$0x3], $0x800, $0x38;
	[tilespmem:$0x1F000] =	vst v63  }
0x4a: {  	_ =	swait.ge [sflag:s2], $0x800  }
0x4b: {  	[sflag:s2] =	ssyncset.done $0x0  }
0x4c: {  	s24 =	rddreg [dreg:$0x4];
	[sflag:s2] =	ssyncadd.s32 $0xFFFFF800  }
0x4d: {  	[spmem:s24] =	stream.linear.scatter [tilespmem:s0], [sflag:$0x3], $0x800, $0x38;
	[tilespmem:$0x1F000] =	vst v63  }
0x4e: {  	_ =	swait.ge [sflag:s2], $0x800  }
0x4f: {  	[sflag:s2] =	ssyncset.done $0x0  }
0x50: {  	s25 =	rddreg [dreg:$0x5];
	[sflag:s2] =	ssyncadd.s32 $0xFFFFF800  }
0x51: {  	[spmem:s25] =	stream.linear.scatter [tilespmem:s0], [sflag:$0x3], $0x800, $0x38;
	[tilespmem:$0x1F000] =	vst v63  }
0x52: {  	_ =	swait.ge [sflag:s2], $0x800  }
0x53: {  	[sflag:s2] =	ssyncset.done $0x0  }
0x54: {  	s8 =	rddreg [dreg:$0x6];
	[sflag:s2] =	ssyncadd.s32 $0xFFFFF800  }
0x55: {  	[spmem:s8] =	stream.linear.scatter [tilespmem:s0], [sflag:$0x3], $0x800, $0x38;
	[tilespmem:$0x1F000] =	vst v63  }
0x56: {  	_ =	swait.ge [sflag:s2], $0x800  }
0x57: {  	[sflag:s2] =	ssyncset.done $0x0  }
0x58: {  	s10 =	rddreg [dreg:$0x7];
	[sflag:s2] =	ssyncadd.s32 $0xFFFFF800  }
0x59: {  	[spmem:s10] =	stream.linear.scatter [tilespmem:s0], [sflag:$0x3], $0x800, $0x38;
	[tilespmem:$0x1F000] =	vst v63  }
0x5a: {  	_ =	swait.ge [sflag:s2], $0x800  }
0x5b: {  	[sflag:s2] =	ssyncset.done $0x0  }
0x5c: {  	s24 =	rddreg [dreg:$0x8];
	[sflag:s2] =	ssyncadd.s32 $0xFFFFF800  }
0x5d: {  	[spmem:s24] =	stream.linear.scatter [tilespmem:s0], [sflag:$0x3], $0x800, $0x38;
	[tilespmem:$0x1F000] =	vst v63  }
0x5e: {  	_ =	swait.ge [sflag:s2], $0x800  }
0x5f: {  	[sflag:s2] =	ssyncset.done $0x0  }
0x60: {  	s25 =	rddreg [dreg:$0x9];
	[sflag:s2] =	ssyncadd.s32 $0xFFFFF800  }
0x61: {  	[spmem:s25] =	stream.linear.scatter [tilespmem:s0], [sflag:$0x3], $0x800, $0x38;
	[tilespmem:$0x1F000] =	vst v63  }
0x62: {  	_ =	swait.ge [sflag:s2], $0x800  }
0x63: {  	[sflag:s2] =	ssyncset.done $0x0  }
0x64: {  	s8 =	rddreg [dreg:$0xa];
	[sflag:s2] =	ssyncadd.s32 $0xFFFFF800  }
0x65: {  	[spmem:s8] =	stream.linear.scatter [tilespmem:s0], [sflag:$0x3], $0x800, $0x38;
	[tilespmem:$0x1F000] =	vst v63  }
0x66: {  	_ =	swait.ge [sflag:s2], $0x800  }
0x67: {  	[sflag:s2] =	ssyncset.done $0x0  }
0x68: {  	[sflag:s2] =	ssyncadd.s32 $0xFFFFF800  }
0x69: {  	[spmem:s9] =	stream.linear.scatter [tilespmem:s0], [sflag:$0x3], $0x800, $0x38;
	[tilespmem:$0x1F000] =	vst v63  }
0x6a: {  	_ =	swait.ge [sflag:s2], $0x800  }
0x6b: {  	[sflag:s2] =	ssyncset.done $0x0  }
0x6c: {  	s10 =	rddreg [dreg:$0x16];
	[sflag:s2] =	ssyncadd.s32 $0xFFFFF800  }
0x6d: {  	[spmem:s10] =	stream.linear.scatter [tilespmem:s0], [sflag:$0x3], $0x800, $0x38;
	[tilespmem:$0x1F000] =	vst v63  }
0x6e: {  	_ =	swait.ge [sflag:s2], $0x800  }
0x6f: {  	[sflag:s2] =	ssyncset.done $0x0  }
0x70: {  	s24 =	rddreg [dreg:$0x17];
	[sflag:s2] =	ssyncadd.s32 $0xFFFFF800  }
0x71: {  	[spmem:s24] =	stream.linear.scatter [tilespmem:s0], [sflag:$0x3], $0x800, $0x38;
	[tilespmem:$0x1F000] =	vst v63  }
0x72: {  	_ =	swait.ge [sflag:s2], $0x800  }
0x73: {  	[sflag:s2] =	ssyncset.done $0x0  }
0x74: {  	s25 =	rddreg [dreg:$0x18];
	[sflag:s2] =	ssyncadd.s32 $0xFFFFF800  }
0x75: {  	[spmem:s25] =	stream.linear.scatter [tilespmem:s0], [sflag:$0x3], $0x800, $0x38;
	[tilespmem:$0x1F000] =	vst v63  }
0x76: {  	_ =	swait.ge [sflag:s2], $0x800  }
0x77: {  	[sflag:s2] =	ssyncset.done $0x0  }
0x78: {  	s8 =	rddreg [dreg:$0x19];
	[sflag:s2] =	ssyncadd.s32 $0xFFFFF800  }
0x79: {  	[spmem:s8] =	stream.linear.scatter [tilespmem:s0], [sflag:$0x3], $0x800, $0x38;
	[tilespmem:$0x1F000] =	vst v63  }
0x7a: {  	_ =	swait.ge [sflag:s2], $0x800  }
0x7b: {  	[sflag:s2] =	ssyncset.done $0x0  }
0x7c: {  	s10 =	rddreg [dreg:$0x1a];
	[sflag:s2] =	ssyncadd.s32 $0xFFFFF800  }
0x7d: {  	[spmem:s10] =	stream.linear.scatter [tilespmem:s0], [sflag:$0x3], $0x800, $0x38;
	[tilespmem:$0x1F000] =	vst v63  }
0x7e: {  	_ =	swait.ge [sflag:s2], $0x800  }
0x7f: {  	[sflag:s2] =	ssyncset.done $0x0  }
0x80: {  	s24 =	rddreg [dreg:$0x1b];
	[sflag:s2] =	ssyncadd.s32 $0xFFFFF800  }
0x81: {  	[spmem:s24] =	stream.linear.scatter [tilespmem:s0], [sflag:$0x3], $0x800, $0x38;
	[tilespmem:$0x1F000] =	vst v63  }
0x82: {  	_ =	swait.ge [sflag:s2], $0x800  }
0x83: {  	[sflag:s2] =	ssyncset.done $0x0  }
0x84: {  	s25 =	rddreg [dreg:$0x1c];
	[sflag:s2] =	ssyncadd.s32 $0xFFFFF800  }
0x85: {  	[spmem:s25] =	stream.linear.scatter [tilespmem:s0], [sflag:$0x3], $0x800, $0x38;
	[tilespmem:$0x1F000] =	vst v63  }
0x86: {  	_ =	swait.ge [sflag:s2], $0x800  }
0x87: {  	[sflag:s2] =	ssyncset.done $0x0  }
0x88: {  	s8 =	rddreg [dreg:$0x1d];
	[sflag:s2] =	ssyncadd.s32 $0xFFFFF800  }
0x89: {  	[spmem:s8] =	stream.linear.scatter [tilespmem:s0], [sflag:$0x3], $0x800, $0x38;
	[tilespmem:$0x1F000] =	vst v63  }
0x8a: {  	_ =	swait.ge [sflag:s2], $0x800  }
0x8b: {  	[sflag:s2] =	ssyncset.done $0x0  }
0x8c: {  	s10 =	rddreg [dreg:$0x1e];
	[sflag:s2] =	ssyncadd.s32 $0xFFFFF800  }
0x8d: {  	[spmem:s10] =	stream.linear.scatter [tilespmem:s0], [sflag:$0x3], $0x800, $0x38;
	[tilespmem:$0x1F000] =	vst v63  }
0x8e: {  	_ =	swait.ge [sflag:s2], $0x800  }
0x8f: {  	[sflag:s2] =	ssyncset.done $0x0  }
0x90: {  	s24 =	rddreg [dreg:$0x1f];
	[sflag:s2] =	ssyncadd.s32 $0xFFFFF800  }
0x91: {  	[spmem:s24] =	stream.linear.scatter [tilespmem:s0], [sflag:$0x3], $0x800, $0x38;
	[tilespmem:$0x1F000] =	vst v63  }
0x92: {  	_ =	swait.ge [sflag:s2], $0x800  }
0x93: {  	s25 =	sld [smem:$0x7F3]  }
0x94: {  	[sflag:s2] =	ssyncset.done $0x0  }
0x95: {  	[sflag:s2] =	ssyncadd.s32 $0xFFFFF800  }
0x96: {  	[spmem:s25] =	stream.linear.scatter [tilespmem:s0], [sflag:$0x3], $0x800, $0x38;
	[tilespmem:$0x1F000] =	vst v63  }
0x97: {  	_ =	swait.ge [sflag:s2], $0x800  }
0x98: {  	s8 =	sld [smem:$0x7F4]  }
0x99: {  	[sflag:s2] =	ssyncset.done $0x0  }
0x9a: {  	[sflag:s2] =	ssyncadd.s32 $0xFFFFF800  }
0x9b: {  	[spmem:s8] =	stream.linear.scatter [tilespmem:s0], [sflag:$0x3], $0x800, $0x38;
	[tilespmem:$0x1F000] =	vst v63  }
0x9c: {  	_ =	swait.ge [sflag:s2], $0x800  }
0x9d: {  	s10 =	sld [smem:$0x7F5]  }
0x9e: {  	[sflag:s2] =	ssyncset.done $0x0  }
0x9f: {  	[sflag:s2] =	ssyncadd.s32 $0xFFFFF800  }
0xa0: {  	[spmem:s10] =	stream.linear.scatter [tilespmem:s0], [sflag:$0x3], $0x800, $0x38;
	[tilespmem:$0x1F000] =	vst v63  }
0xa1: {  	_ =	swait.ge [sflag:s2], $0x800  }
0xa2: {  	s24 =	sld [smem:$0x7F6]  }
0xa3: {  	[sflag:s2] =	ssyncset.done $0x0  }
0xa4: {  	[sflag:s2] =	ssyncadd.s32 $0xFFFFF800  }
0xa5: {  	[spmem:s24] =	stream.linear.scatter [tilespmem:s0], [sflag:$0x3], $0x800, $0x38;
	[tilespmem:$0x1F000] =	vst v63  }
0xa6: {  	_ =	swait.ge [sflag:s2], $0x800  }
0xa7: {  	s25 =	sld [smem:$0x7F7]  }
0xa8: {  	[sflag:s2] =	ssyncset.done $0x0  }
0xa9: {  	[sflag:s2] =	ssyncadd.s32 $0xFFFFF800  }
0xaa: {  	[spmem:s25] =	stream.linear.scatter [tilespmem:s0], [sflag:$0x3], $0x800, $0x38;
	[tilespmem:$0x1F000] =	vst v63  }
0xab: {  	_ =	swait.ge [sflag:s2], $0x800  }
0xac: {  	s8 =	sld [smem:$0x7F8]  }
0xad: {  	[sflag:s2] =	ssyncset.done $0x0  }
0xae: {  	[sflag:s2] =	ssyncadd.s32 $0xFFFFF800  }
0xaf: {  	[spmem:s8] =	stream.linear.scatter [tilespmem:s0], [sflag:$0x3], $0x800, $0x38;
	[tilespmem:$0x1F000] =	vst v63  }
0xb0: {  	_ =	swait.ge [sflag:s2], $0x800  }
0xb1: {  	s10 =	sld [smem:$0x7F9]  }
0xb2: {  	[sflag:s2] =	ssyncset.done $0x0  }
0xb3: {  	[sflag:s2] =	ssyncadd.s32 $0xFFFFF800  }
0xb4: {  	[spmem:s10] =	stream.linear.scatter [tilespmem:s0], [sflag:$0x3], $0x800, $0x38;
	[tilespmem:$0x1F000] =	vst v63  }
0xb5: {  	_ =	swait.ge [sflag:s2], $0x800  }
0xb6: {  	s24 =	sld [smem:$0x7FA]  }
0xb7: {  	[sflag:s2] =	ssyncset.done $0x0  }
0xb8: {  	[sflag:s2] =	ssyncadd.s32 $0xFFFFF800  }
0xb9: {  	[spmem:s24] =	stream.linear.scatter [tilespmem:s0], [sflag:$0x3], $0x800, $0x38;
	[tilespmem:$0x1F000] =	vst v63  }
0xba: {  	_ =	swait.ge [sflag:s2], $0x800  }
0xbb: {  	s25 =	sld [smem:$0x7FB]  }
0xbc: {  	[sflag:s2] =	ssyncset.done $0x0  }
0xbd: {  	[sflag:s2] =	ssyncadd.s32 $0xFFFFF800  }
0xbe: {  	[spmem:s25] =	stream.linear.scatter [tilespmem:s0], [sflag:$0x3], $0x800, $0x38;
	[tilespmem:$0x1F000] =	vst v63  }
0xbf: {  	_ =	swait.ge [sflag:s2], $0x800  }
0xc0: {  	s8 =	sld [smem:$0x7FC]  }
0xc1: {  	[sflag:s2] =	ssyncset.done $0x0  }
0xc2: {  	[sflag:s2] =	ssyncadd.s32 $0xFFFFF800  }
0xc3: {  	[spmem:s8] =	stream.linear.scatter [tilespmem:s0], [sflag:$0x3], $0x800, $0x38;
	[tilespmem:$0x1F000] =	vst v63  }
0xc4: {  	_ =	swait.ge [sflag:s2], $0x800  }
0xc5: {  	s10 =	sld [smem:$0x7FD]  }
0xc6: {  	[sflag:s2] =	ssyncset.done $0x0  }
0xc7: {  	[sflag:s2] =	ssyncadd.s32 $0xFFFFF800  }
0xc8: {  	[spmem:s10] =	stream.linear.scatter [tilespmem:s0], [sflag:$0x3], $0x800, $0x38;
	[tilespmem:$0x1F000] =	vst v63  }
0xc9: {  	_ =	swait.ge [sflag:s2], $0x800  }
0xca: {  	[sflag:s2] =	ssyncset.done $0x0  }
0xcb: {  	[sflag:s2] =	ssyncadd.s32 $0xFFFFF800  }
0xcc: {  	[spmem:s11] =	stream.linear.scatter [tilespmem:s0], [sflag:$0x3], $0x800, $0x38;
	[tilespmem:$0x1F000] =	vst v63  }
0xcd: {  	_ =	swait.ge [sflag:s2], $0x800  }
0xce: {  	[sflag:s2] =	ssyncset.done $0x0  }
0xcf: {  	[sflag:s2] =	ssyncadd.s32 $0xFFFFF800  }
0xd0: {  	[spmem:s12] =	stream.linear.scatter [tilespmem:s0], [sflag:$0x3], $0x800, $0x38;
	[tilespmem:$0x1F000] =	vst v63  }
0xd1: {  	_ =	swait.ge [sflag:s2], $0x800  }
0xd2: {  	[sflag:s2] =	ssyncset.done $0x0  }
0xd3: {  	[sflag:s2] =	ssyncadd.s32 $0xFFFFF800  }
0xd4: {  	[spmem:s13] =	stream.linear.scatter [tilespmem:s0], [sflag:$0x3], $0x800, $0x38;
	[tilespmem:$0x1F000] =	vst v63  }
0xd5: {  	_ =	swait.ge [sflag:s2], $0x800  }
0xd6: {  	[sflag:s2] =	ssyncset.done $0x0  }
0xd7: {  	[sflag:s2] =	ssyncadd.s32 $0xFFFFF800  }
0xd8: {  	[spmem:s14] =	stream.linear.scatter [tilespmem:s0], [sflag:$0x3], $0x800, $0x38;
	[tilespmem:$0x1F000] =	vst v63  }
0xd9: {  	_ =	swait.ge [sflag:s2], $0x800  }
0xda: {  	[sflag:s2] =	ssyncset.done $0x0  }
0xdb: {  	[sflag:s2] =	ssyncadd.s32 $0xFFFFF800  }
0xdc: {  	[spmem:s26] =	stream.linear.scatter [tilespmem:s0], [sflag:$0x3], $0x800, $0x38;
	[tilespmem:$0x1F000] =	vst v63  }
0xdd: {  	_ =	swait.ge [sflag:s2], $0x800  }
0xde: {  	[sflag:s2] =	ssyncset.done $0x0  }
0xdf: {  	[sflag:s2] =	ssyncadd.s32 $0xFFFFF800  }
0xe0: {  	[spmem:s28] =	stream.linear.scatter [tilespmem:s0], [sflag:$0x3], $0x800, $0x38;
	[tilespmem:$0x1F000] =	vst v63  }
0xe1: {  	_ =	swait.ge [sflag:s2], $0x800  }
0xe2: {  	[sflag:s2] =	ssyncset.done $0x0  }
0xe3: {  	[sflag:s2] =	ssyncadd.s32 $0xFFFFF800  }
0xe4: {  	[spmem:s29] =	stream.linear.scatter [tilespmem:s0], [sflag:$0x3], $0x800, $0x38;
	[tilespmem:$0x1F000] =	vst v63  }
0xe5: {  	_ =	swait.ge [sflag:s2], $0x800  }
0xe6: {  	[sflag:s2] =	ssyncset.done $0x0  }
0xe7: {  	[sflag:s2] =	ssyncadd.s32 $0xFFFFF800  }
0xe8: {  	[spmem:s30] =	stream.linear.scatter [tilespmem:s0], [sflag:$0x3], $0x800, $0x38;
	[tilespmem:$0x1F000] =	vst v63  }
0xe9: {  	_ =	swait.ge [sflag:s2], $0x800  }
0xea: {  	[sflag:s2] =	ssyncset.done $0x0  }
0xeb: {  	[sflag:s2] =	ssyncadd.s32 $0xFFFFF800  }
0xec: {  	[spmem:s31] =	stream.linear.scatter [tilespmem:s0], [sflag:$0x3], $0x800, $0x38;
	[tilespmem:$0x1F000] =	vst v63  }
0xed: {  	_ =	swait.ge [sflag:s2], $0x800  }
0xee: {  	[sflag:s2] =	ssyncset.done $0x0  }
0xef: {  	[sflag:s2] =	ssyncadd.s32 $0xFFFFF800  }
0xf0: {  	[bflag:$0x0] =	sbarrier.arrive $0xFFFF  }
0xf1: {  	s24 =	simm.s32 $0x0;
	s8 =	rddreg [dreg:$0xb]  }
0xf2: {  	[tilespmem:s24], [sflag:$0x3] =	stream.linear.gather [hbm4b:s8+s24], $0x1400, $0x38;
	[tilespmem:$0x1F000] =	vst v63  }
0xf3: {  	_ =	swait.ge [sflag:s2], $0x1400  }
0xf4: {  	[sflag:s2] =	ssyncset.done $0x0  }
0xf5: {  	s25 =	rddreg [dreg:$0xc];
	[sflag:s2] =	ssyncadd.s32 $0xFFFFEC00  }
0xf6: {  	[tilespmem:s15], [sflag:$0x3] =	stream.linear.gather [hbm4b:s25+s24], $0x1400, $0x38;
	[tilespmem:$0x1F000] =	vst v63  }
0xf7: {  	_ =	swait.ge [sflag:s2], $0x1400  }
0xf8: {  	[sflag:s2] =	ssyncset.done $0x0  }
0xf9: {  	[sflag:s2] =	ssyncadd.s32 $0xFFFFEC00  }
0xfa: {  	[tilespmem:s17], [sflag:$0x1] =	stream.indirect.gather [hbm4b:s4+s16], $0x80, s24, s16, $0xb8;
	[tilespmem:$0x1F000] =	vst v63  }
0xfb: {  	_ = 	snop  }
0xfc: {  	[tilespmem:s19], [sflag:$0x2] =	stream.indirect.gather [hbm4b:s4+s16], $0x80, s18, s16, $0xb8;
	[tilespmem:$0x1F000] =	vst v63  }
0xfd: {  	_ =	swait.ge [sflag:s20], $0x3E80  }
0xfe: {  	[sflag:s20] =	ssyncset.done $0x0  }
0xff: {  	s10 =	simm.s32 $0x1400;
	[sflag:s20] =	ssyncadd.s32 $0xFFFFC180  }
0x100: {  	[spmem:s1] =	stream.indirect.scatter.add.f32 [tilespmem:s17], [sflag:$0x3], $0x80, s10, s16, $0xb8;
	[tilespmem:$0x1F000] =	vst v63  }
0x101: {  	_ =	swait.ge [sflag:s2], $0x3E80  }
0x102: {  	[sflag:s2] =	ssyncset.done $0x0  }
0x103: {  	s24 =	simm.s32 $0x100;
	[sflag:s2] =	ssyncadd.s32 $0xFFFFC180  }
0x104: {  	[tilespmem:s17], [sflag:$0x1] =	stream.indirect.gather [hbm4b:s4+s16], $0x80, s24, s16, $0xb8;
	[tilespmem:$0x1F000] =	vst v63  }
0x105: {  	_ =	swait.ge [sflag:s21], $0x3E80  }
0x106: {  	[sflag:s21] =	ssyncset.done $0x0  }
0x107: {  	s25 =	simm.s32 $0x1480;
	[sflag:s21] =	ssyncadd.s32 $0xFFFFC180  }
0x108: {  	[spmem:s1] =	stream.indirect.scatter.add.f32 [tilespmem:s19], [sflag:$0x3], $0x80, s25, s16, $0xb8;
	[tilespmem:$0x1F000] =	vst v63  }
0x109: {  	_ =	swait.ge [sflag:s2], $0x3E80  }
0x10a: {  	[sflag:s2] =	ssyncset.done $0x0  }
0x10b: {  	s7 =	simm.s32 $0x180;
	s24 =	simm.s32 $0x400;
	[sflag:s2] =	ssyncadd.s32 $0xFFFFC180  }
.LBB2_4:
0x10c: {  	[tilespmem:s19], [sflag:$0x2] =	stream.indirect.gather [hbm4b:s4+s16], $0x80, s7, s16, $0xb8;
	[tilespmem:$0x1F000] =	vst v63  }
0x10d: {  	s7 =	smov.u32 s24  }
0x10e: {  	p0 =	sne.s32 s24, $0x4800;
	s24 =	sadd.s32 $0x400, s24;
	_ =	swait.ge [sflag:s20], $0x3E80  }
0x10f: {  	s7 =	sshra.s32 s7, $0x2;
	[sflag:s20] =	ssyncset.done $0x0  }
0x110: {  	s8 =	sadd.s32 $0x1400, s7;
	[sflag:s20] =	ssyncadd.s32 $0xFFFFC180  }
0x111: {  	[spmem:s1] =	stream.indirect.scatter.add.f32 [tilespmem:s17], [sflag:$0x3], $0x80, s8, s16, $0xb8;
	[tilespmem:$0x1F000] =	vst v63  }
0x112: {  	_ =	swait.ge [sflag:s2], $0x3E80  }
0x113: {  	[sflag:s2] =	ssyncset.done $0x0  }
0x114: {  	s8 =	sadd.s32 $0x100, s7;
	[sflag:s2] =	ssyncadd.s32 $0xFFFFC180  }
0x115: {  	[tilespmem:s17], [sflag:$0x1] =	stream.indirect.gather [hbm4b:s4+s16], $0x80, s8, s16, $0xb8;
	[tilespmem:$0x1F000] =	vst v63  }
0x116: {  	_ =	swait.ge [sflag:s21], $0x3E80  }
0x117: {  	[sflag:s21] =	ssyncset.done $0x0  }
.Ltmp1:
0x118: {  	s8 =	sadd.s32 $0x1480, s7;
	[sflag:s21] =	ssyncadd.s32 $0xFFFFC180;
	(pc) =	sbr.rel @p0 .LBB2_4-.Ltmp1, $4  }
0x119: {  	[spmem:s1] =	stream.indirect.scatter.add.f32 [tilespmem:s19], [sflag:$0x3], $0x80, s8, s16, $0xb8;
	[tilespmem:$0x1F000] =	vst v63  }
0x11a: {  	_ =	swait.ge [sflag:s2], $0x3E80  }
0x11b: {  	[sflag:s2] =	ssyncset.done $0x0  }
0x11c: {  	s7 =	sadd.s32 $0x180, s7;
	[sflag:s2] =	ssyncadd.s32 $0xFFFFC180  }
0x11d: {  	[tilespmem:s19], [sflag:$0x2] =	stream.indirect.gather [hbm4b:s4+s16], $0x80, s7, s16, $0xb8;
	[tilespmem:$0x1F000] =	vst v63  }
0x11e: {  	_ =	swait.ge [sflag:s20], $0x3E80  }
0x11f: {  	[sflag:s20] =	ssyncset.done $0x0  }
0x120: {  	[sflag:s20] =	ssyncadd.s32 $0xFFFFC180  }
0x121: {  	[spmem:s1] =	stream.indirect.scatter.add.f32 [tilespmem:s17], [sflag:$0x3], $0x80, s22, s16, $0xb8;
	[tilespmem:$0x1F000] =	vst v63  }
0x122: {  	_ =	swait.ge [sflag:s2], $0x3E80  }
0x123: {  	[sflag:s2] =	ssyncset.done $0x0  }
0x124: {  	[sflag:s2] =	ssyncadd.s32 $0xFFFFC180  }
0x125: {  	_ =	swait.ge [sflag:s21], $0x3E80  }
0x126: {  	[sflag:s21] =	ssyncset.done $0x0  }
0x127: {  	[sflag:s21] =	ssyncadd.s32 $0xFFFFC180  }
0x128: {  	[spmem:s1] =	stream.indirect.scatter.add.f32 [tilespmem:s19], [sflag:$0x3], $0x80, s23, s16, $0xb8;
	[tilespmem:$0x1F000] =	vst v63  }
0x129: {  	_ =	swait.ge [sflag:s2], $0x3E80  }
0x12a: {  	[sflag:s2] =	ssyncset.done $0x0  }
0x12b: {  	s24 =	simm.s32 $0x0;
	s8 =	rddreg [dreg:$0xd];
	[sflag:s2] =	ssyncadd.s32 $0xFFFFC180  }
0x12c: {  	[tilespmem:s24], [sflag:$0x3] =	stream.linear.gather [hbm4b:s8+s24], $0x1400, $0x38;
	[tilespmem:$0x1F000] =	vst v63  }
0x12d: {  	_ =	swait.ge [sflag:s2], $0x1400  }
0x12e: {  	[sflag:s2] =	ssyncset.done $0x0  }
0x12f: {  	s25 =	rddreg [dreg:$0xe];
	[sflag:s2] =	ssyncadd.s32 $0xFFFFEC00  }
0x130: {  	[tilespmem:s15], [sflag:$0x3] =	stream.linear.gather [hbm4b:s25+s24], $0x1400, $0x38;
	[tilespmem:$0x1F000] =	vst v63  }
0x131: {  	_ =	swait.ge [sflag:s2], $0x1400  }
0x132: {  	[sflag:s2] =	ssyncset.done $0x0  }
0x133: {  	[sflag:s2] =	ssyncadd.s32 $0xFFFFEC00  }
0x134: {  	[tilespmem:s17], [sflag:$0x1] =	stream.indirect.gather [hbm4b:s4+s16], $0x80, s24, s16, $0xb8;
	[tilespmem:$0x1F000] =	vst v63  }
0x135: {  	_ = 	snop  }
0x136: {  	[tilespmem:s19], [sflag:$0x2] =	stream.indirect.gather [hbm4b:s4+s16], $0x80, s18, s16, $0xb8;
	[tilespmem:$0x1F000] =	vst v63  }
0x137: {  	_ =	swait.ge [sflag:s20], $0x3E80  }
0x138: {  	[sflag:s20] =	ssyncset.done $0x0  }
0x139: {  	s10 =	simm.s32 $0x1400;
	[sflag:s20] =	ssyncadd.s32 $0xFFFFC180  }
0x13a: {  	[spmem:s1] =	stream.indirect.scatter.add.f32 [tilespmem:s17], [sflag:$0x3], $0x80, s10, s16, $0xb8;
	[tilespmem:$0x1F000] =	vst v63  }
0x13b: {  	_ =	swait.ge [sflag:s2], $0x3E80  }
0x13c: {  	[sflag:s2] =	ssyncset.done $0x0  }
0x13d: {  	s24 =	simm.s32 $0x100;
	[sflag:s2] =	ssyncadd.s32 $0xFFFFC180  }
0x13e: {  	[tilespmem:s17], [sflag:$0x1] =	stream.indirect.gather [hbm4b:s4+s16], $0x80, s24, s16, $0xb8;
	[tilespmem:$0x1F000] =	vst v63  }
0x13f: {  	_ =	swait.ge [sflag:s21], $0x3E80  }
0x140: {  	[sflag:s21] =	ssyncset.done $0x0  }
0x141: {  	s25 =	simm.s32 $0x1480;
	[sflag:s21] =	ssyncadd.s32 $0xFFFFC180  }
0x142: {  	[spmem:s1] =	stream.indirect.scatter.add.f32 [tilespmem:s19], [sflag:$0x3], $0x80, s25, s16, $0xb8;
	[tilespmem:$0x1F000] =	vst v63  }
0x143: {  	_ =	swait.ge [sflag:s2], $0x3E80  }
0x144: {  	[sflag:s2] =	ssyncset.done $0x0  }
0x145: {  	s7 =	simm.s32 $0x180;
	s24 =	simm.s32 $0x400;
	[sflag:s2] =	ssyncadd.s32 $0xFFFFC180  }
.LBB2_6:
0x146: {  	[tilespmem:s19], [sflag:$0x2] =	stream.indirect.gather [hbm4b:s4+s16], $0x80, s7, s16, $0xb8;
	[tilespmem:$0x1F000] =	vst v63  }
0x147: {  	s7 =	smov.u32 s24  }
0x148: {  	p0 =	sne.s32 s24, $0x4800;
	s24 =	sadd.s32 $0x400, s24;
	_ =	swait.ge [sflag:s20], $0x3E80  }
0x149: {  	s7 =	sshra.s32 s7, $0x2;
	[sflag:s20] =	ssyncset.done $0x0  }
0x14a: {  	s8 =	sadd.s32 $0x1400, s7;
	[sflag:s20] =	ssyncadd.s32 $0xFFFFC180  }
0x14b: {  	[spmem:s1] =	stream.indirect.scatter.add.f32 [tilespmem:s17], [sflag:$0x3], $0x80, s8, s16, $0xb8;
	[tilespmem:$0x1F000] =	vst v63  }
0x14c: {  	_ =	swait.ge [sflag:s2], $0x3E80  }
0x14d: {  	[sflag:s2] =	ssyncset.done $0x0  }
0x14e: {  	s8 =	sadd.s32 $0x100, s7;
	[sflag:s2] =	ssyncadd.s32 $0xFFFFC180  }
0x14f: {  	[tilespmem:s17], [sflag:$0x1] =	stream.indirect.gather [hbm4b:s4+s16], $0x80, s8, s16, $0xb8;
	[tilespmem:$0x1F000] =	vst v63  }
0x150: {  	_ =	swait.ge [sflag:s21], $0x3E80  }
0x151: {  	[sflag:s21] =	ssyncset.done $0x0  }
.Ltmp2:
0x152: {  	s8 =	sadd.s32 $0x1480, s7;
	[sflag:s21] =	ssyncadd.s32 $0xFFFFC180;
	(pc) =	sbr.rel @p0 .LBB2_6-.Ltmp2, $4  }
0x153: {  	[spmem:s1] =	stream.indirect.scatter.add.f32 [tilespmem:s19], [sflag:$0x3], $0x80, s8, s16, $0xb8;
	[tilespmem:$0x1F000] =	vst v63  }
0x154: {  	_ =	swait.ge [sflag:s2], $0x3E80  }
0x155: {  	[sflag:s2] =	ssyncset.done $0x0  }
0x156: {  	s7 =	sadd.s32 $0x180, s7;
	[sflag:s2] =	ssyncadd.s32 $0xFFFFC180  }
0x157: {  	[tilespmem:s19], [sflag:$0x2] =	stream.indirect.gather [hbm4b:s4+s16], $0x80, s7, s16, $0xb8;
	[tilespmem:$0x1F000] =	vst v63  }
0x158: {  	_ =	swait.ge [sflag:s20], $0x3E80  }
0x159: {  	[sflag:s20] =	ssyncset.done $0x0  }
0x15a: {  	[sflag:s20] =	ssyncadd.s32 $0xFFFFC180  }
0x15b: {  	[spmem:s1] =	stream.indirect.scatter.add.f32 [tilespmem:s17], [sflag:$0x3], $0x80, s22, s16, $0xb8;
	[tilespmem:$0x1F000] =	vst v63  }
0x15c: {  	_ =	swait.ge [sflag:s2], $0x3E80  }
0x15d: {  	[sflag:s2] =	ssyncset.done $0x0  }
0x15e: {  	[sflag:s2] =	ssyncadd.s32 $0xFFFFC180  }
0x15f: {  	_ =	swait.ge [sflag:s21], $0x3E80  }
0x160: {  	[sflag:s21] =	ssyncset.done $0x0  }
0x161: {  	[sflag:s21] =	ssyncadd.s32 $0xFFFFC180  }
0x162: {  	[spmem:s1] =	stream.indirect.scatter.add.f32 [tilespmem:s19], [sflag:$0x3], $0x80, s23, s16, $0xb8;
	[tilespmem:$0x1F000] =	vst v63  }
0x163: {  	_ =	swait.ge [sflag:s2], $0x3E80  }
0x164: {  	[sflag:s2] =	ssyncset.done $0x0  }
0x165: {  	s8 =	stileid.u32;
	[sflag:s2] =	ssyncadd.s32 $0xFFFFC180  }
0x166: {  	s7 =	sshll.u32 s8, $0x6;
	[bflag:$0x0] =	sbarrier.arrive $0xFFFF  }
0x167: {  	s25 =	sshrl.u32 s6, $0x3;
	s24 =	sor.u32 $0x1C03, s7;
	s10 =	rddreg [dreg:$0x13]  }
0x168: {  	[hbm:s10], [sflag:s24] =	dma.local [spmem:s25], $0x2800  }
0x169: {  	_ =	swait.ge [sflag:s2], $0x2800  }
0x16a: {  	[sflag:s2] =	ssyncset.done $0x0  }
0x16b: {  	[sflag:s2] =	ssyncadd.s32 $0xFFFFD800  }
0x16c: {  	[bflag:$0x0] =	sbarrier.arrive $0xFFFF  }
0x16d: {  	[spmem:s6] =	stream.linear.scatter [tilespmem:s0], [sflag:$0x3], $0x800, $0x38;
	[tilespmem:$0x1F000] =	vst v63  }
0x16e: {  	_ =	swait.ge [sflag:s2], $0x800  }
0x16f: {  	[sflag:s2] =	ssyncset.done $0x0  }
0x170: {  	s8 =	rddreg [dreg:$0x3];
	[sflag:s2] =	ssyncadd.s32 $0xFFFFF800  }
0x171: {  	[spmem:s8] =	stream.linear.scatter [tilespmem:s0], [sflag:$0x3], $0x800, $0x38;
	[tilespmem:$0x1F000] =	vst v63  }
0x172: {  	_ =	swait.ge [sflag:s2], $0x800  }
0x173: {  	[sflag:s2] =	ssyncset.done $0x0  }
0x174: {  	s10 =	rddreg [dreg:$0x4];
	[sflag:s2] =	ssyncadd.s32 $0xFFFFF800  }
0x175: {  	[spmem:s10] =	stream.linear.scatter [tilespmem:s0], [sflag:$0x3], $0x800, $0x38;
	[tilespmem:$0x1F000] =	vst v63  }
0x176: {  	_ =	swait.ge [sflag:s2], $0x800  }
0x177: {  	[sflag:s2] =	ssyncset.done $0x0  }
0x178: {  	s8 =	rddreg [dreg:$0x5];
	[sflag:s2] =	ssyncadd.s32 $0xFFFFF800  }
0x179: {  	[spmem:s8] =	stream.linear.scatter [tilespmem:s0], [sflag:$0x3], $0x800, $0x38;
	[tilespmem:$0x1F000] =	vst v63  }
0x17a: {  	_ =	swait.ge [sflag:s2], $0x800  }
0x17b: {  	[sflag:s2] =	ssyncset.done $0x0  }
0x17c: {  	s10 =	rddreg [dreg:$0x6];
	[sflag:s2] =	ssyncadd.s32 $0xFFFFF800  }
0x17d: {  	[spmem:s10] =	stream.linear.scatter [tilespmem:s0], [sflag:$0x3], $0x800, $0x38;
	[tilespmem:$0x1F000] =	vst v63  }
0x17e: {  	_ =	swait.ge [sflag:s2], $0x800  }
0x17f: {  	[sflag:s2] =	ssyncset.done $0x0  }
0x180: {  	s8 =	rddreg [dreg:$0x7];
	[sflag:s2] =	ssyncadd.s32 $0xFFFFF800  }
0x181: {  	[spmem:s8] =	stream.linear.scatter [tilespmem:s0], [sflag:$0x3], $0x800, $0x38;
	[tilespmem:$0x1F000] =	vst v63  }
0x182: {  	_ =	swait.ge [sflag:s2], $0x800  }
0x183: {  	[sflag:s2] =	ssyncset.done $0x0  }
0x184: {  	s10 =	rddreg [dreg:$0x8];
	[sflag:s2] =	ssyncadd.s32 $0xFFFFF800  }
0x185: {  	[spmem:s10] =	stream.linear.scatter [tilespmem:s0], [sflag:$0x3], $0x800, $0x38;
	[tilespmem:$0x1F000] =	vst v63  }
0x186: {  	_ =	swait.ge [sflag:s2], $0x800  }
0x187: {  	[sflag:s2] =	ssyncset.done $0x0  }
0x188: {  	s8 =	rddreg [dreg:$0x9];
	[sflag:s2] =	ssyncadd.s32 $0xFFFFF800  }
0x189: {  	[spmem:s8] =	stream.linear.scatter [tilespmem:s0], [sflag:$0x3], $0x800, $0x38;
	[tilespmem:$0x1F000] =	vst v63  }
0x18a: {  	_ =	swait.ge [sflag:s2], $0x800  }
0x18b: {  	[sflag:s2] =	ssyncset.done $0x0  }
0x18c: {  	s10 =	rddreg [dreg:$0xa];
	[sflag:s2] =	ssyncadd.s32 $0xFFFFF800  }
0x18d: {  	[spmem:s10] =	stream.linear.scatter [tilespmem:s0], [sflag:$0x3], $0x800, $0x38;
	[tilespmem:$0x1F000] =	vst v63  }
0x18e: {  	_ =	swait.ge [sflag:s2], $0x800  }
0x18f: {  	[sflag:s2] =	ssyncset.done $0x0  }
0x190: {  	[sflag:s2] =	ssyncadd.s32 $0xFFFFF800  }
0x191: {  	[spmem:s9] =	stream.linear.scatter [tilespmem:s0], [sflag:$0x3], $0x800, $0x38;
	[tilespmem:$0x1F000] =	vst v63  }
0x192: {  	_ =	swait.ge [sflag:s2], $0x800  }
0x193: {  	[sflag:s2] =	ssyncset.done $0x0  }
0x194: {  	s8 =	rddreg [dreg:$0x16];
	[sflag:s2] =	ssyncadd.s32 $0xFFFFF800  }
0x195: {  	[spmem:s8] =	stream.linear.scatter [tilespmem:s0], [sflag:$0x3], $0x800, $0x38;
	[tilespmem:$0x1F000] =	vst v63  }
0x196: {  	_ =	swait.ge [sflag:s2], $0x800  }
0x197: {  	[sflag:s2] =	ssyncset.done $0x0  }
0x198: {  	s10 =	smov.u32 s9;
	s9 =	rddreg [dreg:$0x17];
	[sflag:s2] =	ssyncadd.s32 $0xFFFFF800  }
0x199: {  	[spmem:s9] =	stream.linear.scatter [tilespmem:s0], [sflag:$0x3], $0x800, $0x38;
	[tilespmem:$0x1F000] =	vst v63  }
0x19a: {  	_ =	swait.ge [sflag:s2], $0x800  }
0x19b: {  	[sflag:s2] =	ssyncset.done $0x0  }
0x19c: {  	s8 =	rddreg [dreg:$0x18];
	[sflag:s2] =	ssyncadd.s32 $0xFFFFF800  }
0x19d: {  	[spmem:s8] =	stream.linear.scatter [tilespmem:s0], [sflag:$0x3], $0x800, $0x38;
	[tilespmem:$0x1F000] =	vst v63  }
0x19e: {  	_ =	swait.ge [sflag:s2], $0x800  }
0x19f: {  	[sflag:s2] =	ssyncset.done $0x0  }
0x1a0: {  	s9 =	rddreg [dreg:$0x19];
	[sflag:s2] =	ssyncadd.s32 $0xFFFFF800  }
0x1a1: {  	[spmem:s9] =	stream.linear.scatter [tilespmem:s0], [sflag:$0x3], $0x800, $0x38;
	[tilespmem:$0x1F000] =	vst v63  }
0x1a2: {  	_ =	swait.ge [sflag:s2], $0x800  }
0x1a3: {  	[sflag:s2] =	ssyncset.done $0x0  }
0x1a4: {  	s8 =	rddreg [dreg:$0x1a];
	[sflag:s2] =	ssyncadd.s32 $0xFFFFF800  }
0x1a5: {  	[spmem:s8] =	stream.linear.scatter [tilespmem:s0], [sflag:$0x3], $0x800, $0x38;
	[tilespmem:$0x1F000] =	vst v63  }
0x1a6: {  	_ =	swait.ge [sflag:s2], $0x800  }
0x1a7: {  	[sflag:s2] =	ssyncset.done $0x0  }
0x1a8: {  	s9 =	rddreg [dreg:$0x1b];
	[sflag:s2] =	ssyncadd.s32 $0xFFFFF800  }
0x1a9: {  	[spmem:s9] =	stream.linear.scatter [tilespmem:s0], [sflag:$0x3], $0x800, $0x38;
	[tilespmem:$0x1F000] =	vst v63  }
0x1aa: {  	_ =	swait.ge [sflag:s2], $0x800  }
0x1ab: {  	[sflag:s2] =	ssyncset.done $0x0  }
0x1ac: {  	s8 =	rddreg [dreg:$0x1c];
	[sflag:s2] =	ssyncadd.s32 $0xFFFFF800  }
0x1ad: {  	[spmem:s8] =	stream.linear.scatter [tilespmem:s0], [sflag:$0x3], $0x800, $0x38;
	[tilespmem:$0x1F000] =	vst v63  }
0x1ae: {  	_ =	swait.ge [sflag:s2], $0x800  }
0x1af: {  	[sflag:s2] =	ssyncset.done $0x0  }
0x1b0: {  	s9 =	rddreg [dreg:$0x1d];
	[sflag:s2] =	ssyncadd.s32 $0xFFFFF800  }
0x1b1: {  	[spmem:s9] =	stream.linear.scatter [tilespmem:s0], [sflag:$0x3], $0x800, $0x38;
	[tilespmem:$0x1F000] =	vst v63  }
0x1b2: {  	_ =	swait.ge [sflag:s2], $0x800  }
0x1b3: {  	[sflag:s2] =	ssyncset.done $0x0  }
0x1b4: {  	s8 =	rddreg [dreg:$0x1e];
	[sflag:s2] =	ssyncadd.s32 $0xFFFFF800  }
0x1b5: {  	[spmem:s8] =	stream.linear.scatter [tilespmem:s0], [sflag:$0x3], $0x800, $0x38;
	[tilespmem:$0x1F000] =	vst v63  }
0x1b6: {  	_ =	swait.ge [sflag:s2], $0x800  }
0x1b7: {  	[sflag:s2] =	ssyncset.done $0x0  }
0x1b8: {  	s9 =	rddreg [dreg:$0x1f];
	[sflag:s2] =	ssyncadd.s32 $0xFFFFF800  }
0x1b9: {  	[spmem:s9] =	stream.linear.scatter [tilespmem:s0], [sflag:$0x3], $0x800, $0x38;
	[tilespmem:$0x1F000] =	vst v63  }
0x1ba: {  	_ =	swait.ge [sflag:s2], $0x800  }
0x1bb: {  	s8 =	sld [smem:$0x7F3]  }
0x1bc: {  	[sflag:s2] =	ssyncset.done $0x0  }
0x1bd: {  	[sflag:s2] =	ssyncadd.s32 $0xFFFFF800  }
0x1be: {  	[spmem:s8] =	stream.linear.scatter [tilespmem:s0], [sflag:$0x3], $0x800, $0x38;
	[tilespmem:$0x1F000] =	vst v63  }
0x1bf: {  	_ =	swait.ge [sflag:s2], $0x800  }
0x1c0: {  	s9 =	sld [smem:$0x7F4]  }
0x1c1: {  	[sflag:s2] =	ssyncset.done $0x0  }
0x1c2: {  	[sflag:s2] =	ssyncadd.s32 $0xFFFFF800  }
0x1c3: {  	[spmem:s9] =	stream.linear.scatter [tilespmem:s0], [sflag:$0x3], $0x800, $0x38;
	[tilespmem:$0x1F000] =	vst v63  }
0x1c4: {  	_ =	swait.ge [sflag:s2], $0x800  }
0x1c5: {  	s8 =	sld [smem:$0x7F5]  }
0x1c6: {  	[sflag:s2] =	ssyncset.done $0x0  }
0x1c7: {  	[sflag:s2] =	ssyncadd.s32 $0xFFFFF800  }
0x1c8: {  	[spmem:s8] =	stream.linear.scatter [tilespmem:s0], [sflag:$0x3], $0x800, $0x38;
	[tilespmem:$0x1F000] =	vst v63  }
0x1c9: {  	_ =	swait.ge [sflag:s2], $0x800  }
0x1ca: {  	s9 =	sld [smem:$0x7F6]  }
0x1cb: {  	[sflag:s2] =	ssyncset.done $0x0  }
0x1cc: {  	[sflag:s2] =	ssyncadd.s32 $0xFFFFF800  }
0x1cd: {  	[spmem:s9] =	stream.linear.scatter [tilespmem:s0], [sflag:$0x3], $0x800, $0x38;
	[tilespmem:$0x1F000] =	vst v63  }
0x1ce: {  	_ =	swait.ge [sflag:s2], $0x800  }
0x1cf: {  	s8 =	sld [smem:$0x7F7]  }
0x1d0: {  	[sflag:s2] =	ssyncset.done $0x0  }
0x1d1: {  	[sflag:s2] =	ssyncadd.s32 $0xFFFFF800  }
0x1d2: {  	[spmem:s8] =	stream.linear.scatter [tilespmem:s0], [sflag:$0x3], $0x800, $0x38;
	[tilespmem:$0x1F000] =	vst v63  }
0x1d3: {  	_ =	swait.ge [sflag:s2], $0x800  }
0x1d4: {  	s9 =	sld [smem:$0x7F8]  }
0x1d5: {  	[sflag:s2] =	ssyncset.done $0x0  }
0x1d6: {  	[sflag:s2] =	ssyncadd.s32 $0xFFFFF800  }
0x1d7: {  	[spmem:s9] =	stream.linear.scatter [tilespmem:s0], [sflag:$0x3], $0x800, $0x38;
	[tilespmem:$0x1F000] =	vst v63  }
0x1d8: {  	_ =	swait.ge [sflag:s2], $0x800  }
0x1d9: {  	s8 =	sld [smem:$0x7F9]  }
0x1da: {  	[sflag:s2] =	ssyncset.done $0x0  }
0x1db: {  	[sflag:s2] =	ssyncadd.s32 $0xFFFFF800  }
0x1dc: {  	[spmem:s8] =	stream.linear.scatter [tilespmem:s0], [sflag:$0x3], $0x800, $0x38;
	[tilespmem:$0x1F000] =	vst v63  }
0x1dd: {  	_ =	swait.ge [sflag:s2], $0x800  }
0x1de: {  	s9 =	sld [smem:$0x7FA]  }
0x1df: {  	[sflag:s2] =	ssyncset.done $0x0  }
0x1e0: {  	[sflag:s2] =	ssyncadd.s32 $0xFFFFF800  }
0x1e1: {  	[spmem:s9] =	stream.linear.scatter [tilespmem:s0], [sflag:$0x3], $0x800, $0x38;
	[tilespmem:$0x1F000] =	vst v63  }
0x1e2: {  	_ =	swait.ge [sflag:s2], $0x800  }
0x1e3: {  	s8 =	sld [smem:$0x7FB]  }
0x1e4: {  	[sflag:s2] =	ssyncset.done $0x0  }
0x1e5: {  	[sflag:s2] =	ssyncadd.s32 $0xFFFFF800  }
0x1e6: {  	[spmem:s8] =	stream.linear.scatter [tilespmem:s0], [sflag:$0x3], $0x800, $0x38;
	[tilespmem:$0x1F000] =	vst v63  }
0x1e7: {  	_ =	swait.ge [sflag:s2], $0x800  }
0x1e8: {  	s9 =	sld [smem:$0x7FC]  }
0x1e9: {  	[sflag:s2] =	ssyncset.done $0x0  }
0x1ea: {  	[sflag:s2] =	ssyncadd.s32 $0xFFFFF800  }
0x1eb: {  	[spmem:s9] =	stream.linear.scatter [tilespmem:s0], [sflag:$0x3], $0x800, $0x38;
	[tilespmem:$0x1F000] =	vst v63  }
0x1ec: {  	_ =	swait.ge [sflag:s2], $0x800  }
0x1ed: {  	s8 =	sld [smem:$0x7FD]  }
0x1ee: {  	[sflag:s2] =	ssyncset.done $0x0  }
0x1ef: {  	[sflag:s2] =	ssyncadd.s32 $0xFFFFF800  }
0x1f0: {  	[spmem:s8] =	stream.linear.scatter [tilespmem:s0], [sflag:$0x3], $0x800, $0x38;
	[tilespmem:$0x1F000] =	vst v63  }
0x1f1: {  	_ =	swait.ge [sflag:s2], $0x800  }
0x1f2: {  	[sflag:s2] =	ssyncset.done $0x0  }
0x1f3: {  	[sflag:s2] =	ssyncadd.s32 $0xFFFFF800  }
0x1f4: {  	[spmem:s11] =	stream.linear.scatter [tilespmem:s0], [sflag:$0x3], $0x800, $0x38;
	[tilespmem:$0x1F000] =	vst v63  }
0x1f5: {  	_ =	swait.ge [sflag:s2], $0x800  }
0x1f6: {  	[sflag:s2] =	ssyncset.done $0x0  }
0x1f7: {  	[sflag:s2] =	ssyncadd.s32 $0xFFFFF800  }
0x1f8: {  	[spmem:s12] =	stream.linear.scatter [tilespmem:s0], [sflag:$0x3], $0x800, $0x38;
	[tilespmem:$0x1F000] =	vst v63  }
0x1f9: {  	_ =	swait.ge [sflag:s2], $0x800  }
0x1fa: {  	[sflag:s2] =	ssyncset.done $0x0  }
0x1fb: {  	[sflag:s2] =	ssyncadd.s32 $0xFFFFF800  }
0x1fc: {  	[spmem:s13] =	stream.linear.scatter [tilespmem:s0], [sflag:$0x3], $0x800, $0x38;
	[tilespmem:$0x1F000] =	vst v63  }
0x1fd: {  	_ =	swait.ge [sflag:s2], $0x800  }
0x1fe: {  	[sflag:s2] =	ssyncset.done $0x0  }
0x1ff: {  	[sflag:s2] =	ssyncadd.s32 $0xFFFFF800  }
0x200: {  	[spmem:s14] =	stream.linear.scatter [tilespmem:s0], [sflag:$0x3], $0x800, $0x38;
	[tilespmem:$0x1F000] =	vst v63  }
0x201: {  	_ =	swait.ge [sflag:s2], $0x800  }
0x202: {  	[sflag:s2] =	ssyncset.done $0x0  }
0x203: {  	[sflag:s2] =	ssyncadd.s32 $0xFFFFF800  }
0x204: {  	[spmem:s26] =	stream.linear.scatter [tilespmem:s0], [sflag:$0x3], $0x800, $0x38;
	[tilespmem:$0x1F000] =	vst v63  }
0x205: {  	_ =	swait.ge [sflag:s2], $0x800  }
0x206: {  	[sflag:s2] =	ssyncset.done $0x0  }
0x207: {  	[sflag:s2] =	ssyncadd.s32 $0xFFFFF800  }
0x208: {  	[spmem:s28] =	stream.linear.scatter [tilespmem:s0], [sflag:$0x3], $0x800, $0x38;
	[tilespmem:$0x1F000] =	vst v63  }
0x209: {  	_ =	swait.ge [sflag:s2], $0x800  }
0x20a: {  	[sflag:s2] =	ssyncset.done $0x0  }
0x20b: {  	[sflag:s2] =	ssyncadd.s32 $0xFFFFF800  }
0x20c: {  	[spmem:s29] =	stream.linear.scatter [tilespmem:s0], [sflag:$0x3], $0x800, $0x38;
	[tilespmem:$0x1F000] =	vst v63  }
0x20d: {  	_ =	swait.ge [sflag:s2], $0x800  }
0x20e: {  	[sflag:s2] =	ssyncset.done $0x0  }
0x20f: {  	[sflag:s2] =	ssyncadd.s32 $0xFFFFF800  }
0x210: {  	[spmem:s30] =	stream.linear.scatter [tilespmem:s0], [sflag:$0x3], $0x800, $0x38;
	[tilespmem:$0x1F000] =	vst v63  }
0x211: {  	_ =	swait.ge [sflag:s2], $0x800  }
0x212: {  	[sflag:s2] =	ssyncset.done $0x0  }
0x213: {  	[sflag:s2] =	ssyncadd.s32 $0xFFFFF800  }
0x214: {  	[spmem:s31] =	stream.linear.scatter [tilespmem:s0], [sflag:$0x3], $0x800, $0x38;
	[tilespmem:$0x1F000] =	vst v63  }
0x215: {  	_ =	swait.ge [sflag:s2], $0x800  }
0x216: {  	[sflag:s2] =	ssyncset.done $0x0  }
0x217: {  	[sflag:s2] =	ssyncadd.s32 $0xFFFFF800  }
0x218: {  	[bflag:$0x0] =	sbarrier.arrive $0xFFFF  }
0x219: {  	s7 =	simm.s32 $0x0;
	s8 =	rddreg [dreg:$0xf]  }
0x21a: {  	[tilespmem:s7], [sflag:$0x3] =	stream.linear.gather [hbm4b:s8+s7], $0x1400, $0x38;
	[tilespmem:$0x1F000] =	vst v63  }
0x21b: {  	_ =	swait.ge [sflag:s2], $0x1400  }
0x21c: {  	[sflag:s2] =	ssyncset.done $0x0  }
0x21d: {  	s9 =	rddreg [dreg:$0x10];
	[sflag:s2] =	ssyncadd.s32 $0xFFFFEC00  }
0x21e: {  	[tilespmem:s15], [sflag:$0x3] =	stream.linear.gather [hbm4b:s9+s7], $0x1400, $0x38;
	[tilespmem:$0x1F000] =	vst v63  }
0x21f: {  	_ =	swait.ge [sflag:s2], $0x1400  }
0x220: {  	[sflag:s2] =	ssyncset.done $0x0  }
0x221: {  	[sflag:s2] =	ssyncadd.s32 $0xFFFFEC00  }
0x222: {  	[tilespmem:s17], [sflag:$0x1] =	stream.indirect.gather [hbm4b:s5+s16], $0x80, s7, s16, $0xb8;
	[tilespmem:$0x1F000] =	vst v63  }
0x223: {  	_ = 	snop  }
0x224: {  	[tilespmem:s19], [sflag:$0x2] =	stream.indirect.gather [hbm4b:s5+s16], $0x80, s18, s16, $0xb8;
	[tilespmem:$0x1F000] =	vst v63  }
0x225: {  	_ =	swait.ge [sflag:s20], $0x3E80  }
0x226: {  	[sflag:s20] =	ssyncset.done $0x0  }
0x227: {  	s9 =	simm.s32 $0x1400;
	[sflag:s20] =	ssyncadd.s32 $0xFFFFC180  }
0x228: {  	[spmem:s1] =	stream.indirect.scatter.add.f32 [tilespmem:s17], [sflag:$0x3], $0x80, s9, s16, $0xb8;
	[tilespmem:$0x1F000] =	vst v63  }
0x229: {  	_ =	swait.ge [sflag:s2], $0x3E80  }
0x22a: {  	[sflag:s2] =	ssyncset.done $0x0  }
0x22b: {  	s8 =	simm.s32 $0x100;
	[sflag:s2] =	ssyncadd.s32 $0xFFFFC180  }
0x22c: {  	[tilespmem:s17], [sflag:$0x1] =	stream.indirect.gather [hbm4b:s5+s16], $0x80, s8, s16, $0xb8;
	[tilespmem:$0x1F000] =	vst v63  }
0x22d: {  	_ =	swait.ge [sflag:s21], $0x3E80  }
0x22e: {  	[sflag:s21] =	ssyncset.done $0x0  }
0x22f: {  	s9 =	simm.s32 $0x1480;
	[sflag:s21] =	ssyncadd.s32 $0xFFFFC180  }
0x230: {  	[spmem:s1] =	stream.indirect.scatter.add.f32 [tilespmem:s19], [sflag:$0x3], $0x80, s9, s16, $0xb8;
	[tilespmem:$0x1F000] =	vst v63  }
0x231: {  	_ =	swait.ge [sflag:s2], $0x3E80  }
0x232: {  	[sflag:s2] =	ssyncset.done $0x0  }
0x233: {  	s7 =	simm.s32 $0x400;
	s8 =	simm.s32 $0x180;
	[sflag:s2] =	ssyncadd.s32 $0xFFFFC180  }
.LBB2_8:
0x234: {  	[tilespmem:s19], [sflag:$0x2] =	stream.indirect.gather [hbm4b:s5+s16], $0x80, s8, s16, $0xb8;
	[tilespmem:$0x1F000] =	vst v63  }
0x235: {  	s8 =	smov.u32 s7  }
0x236: {  	p0 =	sne.s32 s7, $0x4800;
	s7 =	sadd.s32 $0x400, s7;
	_ =	swait.ge [sflag:s20], $0x3E80  }
0x237: {  	s8 =	sshra.s32 s8, $0x2;
	[sflag:s20] =	ssyncset.done $0x0  }
0x238: {  	s9 =	sadd.s32 $0x1400, s8;
	[sflag:s20] =	ssyncadd.s32 $0xFFFFC180  }
0x239: {  	[spmem:s1] =	stream.indirect.scatter.add.f32 [tilespmem:s17], [sflag:$0x3], $0x80, s9, s16, $0xb8;
	[tilespmem:$0x1F000] =	vst v63  }
0x23a: {  	_ =	swait.ge [sflag:s2], $0x3E80  }
0x23b: {  	[sflag:s2] =	ssyncset.done $0x0  }
0x23c: {  	s9 =	sadd.s32 $0x100, s8;
	[sflag:s2] =	ssyncadd.s32 $0xFFFFC180  }
0x23d: {  	[tilespmem:s17], [sflag:$0x1] =	stream.indirect.gather [hbm4b:s5+s16], $0x80, s9, s16, $0xb8;
	[tilespmem:$0x1F000] =	vst v63  }
0x23e: {  	_ =	swait.ge [sflag:s21], $0x3E80  }
0x23f: {  	[sflag:s21] =	ssyncset.done $0x0  }
.Ltmp3:
0x240: {  	s9 =	sadd.s32 $0x1480, s8;
	[sflag:s21] =	ssyncadd.s32 $0xFFFFC180;
	(pc) =	sbr.rel @p0 .LBB2_8-.Ltmp3, $4  }
0x241: {  	[spmem:s1] =	stream.indirect.scatter.add.f32 [tilespmem:s19], [sflag:$0x3], $0x80, s9, s16, $0xb8;
	[tilespmem:$0x1F000] =	vst v63  }
0x242: {  	_ =	swait.ge [sflag:s2], $0x3E80  }
0x243: {  	[sflag:s2] =	ssyncset.done $0x0  }
0x244: {  	s8 =	sadd.s32 $0x180, s8;
	[sflag:s2] =	ssyncadd.s32 $0xFFFFC180  }
0x245: {  	[tilespmem:s19], [sflag:$0x2] =	stream.indirect.gather [hbm4b:s5+s16], $0x80, s8, s16, $0xb8;
	[tilespmem:$0x1F000] =	vst v63  }
0x246: {  	_ =	swait.ge [sflag:s20], $0x3E80  }
0x247: {  	[sflag:s20] =	ssyncset.done $0x0  }
0x248: {  	[sflag:s20] =	ssyncadd.s32 $0xFFFFC180  }
0x249: {  	[spmem:s1] =	stream.indirect.scatter.add.f32 [tilespmem:s17], [sflag:$0x3], $0x80, s22, s16, $0xb8;
	[tilespmem:$0x1F000] =	vst v63  }
0x24a: {  	_ =	swait.ge [sflag:s2], $0x3E80  }
0x24b: {  	[sflag:s2] =	ssyncset.done $0x0  }
0x24c: {  	[sflag:s2] =	ssyncadd.s32 $0xFFFFC180  }
0x24d: {  	_ =	swait.ge [sflag:s21], $0x3E80  }
0x24e: {  	[sflag:s21] =	ssyncset.done $0x0  }
0x24f: {  	[sflag:s21] =	ssyncadd.s32 $0xFFFFC180  }
0x250: {  	[spmem:s1] =	stream.indirect.scatter.add.f32 [tilespmem:s19], [sflag:$0x3], $0x80, s23, s16, $0xb8;
	[tilespmem:$0x1F000] =	vst v63  }
0x251: {  	_ =	swait.ge [sflag:s2], $0x3E80  }
0x252: {  	[sflag:s2] =	ssyncset.done $0x0  }
0x253: {  	s7 =	simm.s32 $0x0;
	s9 =	rddreg [dreg:$0x11];
	[sflag:s2] =	ssyncadd.s32 $0xFFFFC180  }
0x254: {  	[tilespmem:s7], [sflag:$0x3] =	stream.linear.gather [hbm4b:s9+s7], $0x1400, $0x38;
	[tilespmem:$0x1F000] =	vst v63  }
0x255: {  	_ =	swait.ge [sflag:s2], $0x1400  }
0x256: {  	[sflag:s2] =	ssyncset.done $0x0  }
0x257: {  	s9 =	rddreg [dreg:$0x12];
	[sflag:s2] =	ssyncadd.s32 $0xFFFFEC00  }
0x258: {  	[tilespmem:s15], [sflag:$0x3] =	stream.linear.gather [hbm4b:s9+s7], $0x1400, $0x38;
	[tilespmem:$0x1F000] =	vst v63  }
0x259: {  	_ =	swait.ge [sflag:s2], $0x1400  }
0x25a: {  	[sflag:s2] =	ssyncset.done $0x0  }
0x25b: {  	[sflag:s2] =	ssyncadd.s32 $0xFFFFEC00  }
0x25c: {  	[tilespmem:s17], [sflag:$0x1] =	stream.indirect.gather [hbm4b:s5+s16], $0x80, s7, s16, $0xb8;
	[tilespmem:$0x1F000] =	vst v63  }
0x25d: {  	_ = 	snop  }
0x25e: {  	[tilespmem:s19], [sflag:$0x2] =	stream.indirect.gather [hbm4b:s5+s16], $0x80, s18, s16, $0xb8;
	[tilespmem:$0x1F000] =	vst v63  }
0x25f: {  	_ =	swait.ge [sflag:s20], $0x3E80  }
0x260: {  	[sflag:s20] =	ssyncset.done $0x0  }
0x261: {  	s9 =	simm.s32 $0x1400;
	[sflag:s20] =	ssyncadd.s32 $0xFFFFC180  }
0x262: {  	[spmem:s1] =	stream.indirect.scatter.add.f32 [tilespmem:s17], [sflag:$0x3], $0x80, s9, s16, $0xb8;
	[tilespmem:$0x1F000] =	vst v63  }
0x263: {  	_ =	swait.ge [sflag:s2], $0x3E80  }
0x264: {  	[sflag:s2] =	ssyncset.done $0x0  }
0x265: {  	s8 =	simm.s32 $0x100;
	[sflag:s2] =	ssyncadd.s32 $0xFFFFC180  }
0x266: {  	[tilespmem:s17], [sflag:$0x1] =	stream.indirect.gather [hbm4b:s5+s16], $0x80, s8, s16, $0xb8;
	[tilespmem:$0x1F000] =	vst v63  }
0x267: {  	_ =	swait.ge [sflag:s21], $0x3E80  }
0x268: {  	[sflag:s21] =	ssyncset.done $0x0  }
0x269: {  	s9 =	simm.s32 $0x1480;
	[sflag:s21] =	ssyncadd.s32 $0xFFFFC180  }
0x26a: {  	[spmem:s1] =	stream.indirect.scatter.add.f32 [tilespmem:s19], [sflag:$0x3], $0x80, s9, s16, $0xb8;
	[tilespmem:$0x1F000] =	vst v63  }
0x26b: {  	_ =	swait.ge [sflag:s2], $0x3E80  }
0x26c: {  	[sflag:s2] =	ssyncset.done $0x0  }
0x26d: {  	s7 =	simm.s32 $0x400;
	s8 =	simm.s32 $0x180;
	[sflag:s2] =	ssyncadd.s32 $0xFFFFC180  }
.LBB2_10:
0x26e: {  	[tilespmem:s19], [sflag:$0x2] =	stream.indirect.gather [hbm4b:s5+s16], $0x80, s8, s16, $0xb8;
	[tilespmem:$0x1F000] =	vst v63  }
0x26f: {  	s8 =	smov.u32 s7  }
0x270: {  	p0 =	sne.s32 s7, $0x4800;
	s7 =	sadd.s32 $0x400, s7;
	_ =	swait.ge [sflag:s20], $0x3E80  }
0x271: {  	s8 =	sshra.s32 s8, $0x2;
	[sflag:s20] =	ssyncset.done $0x0  }
0x272: {  	s9 =	sadd.s32 $0x1400, s8;
	[sflag:s20] =	ssyncadd.s32 $0xFFFFC180  }
0x273: {  	[spmem:s1] =	stream.indirect.scatter.add.f32 [tilespmem:s17], [sflag:$0x3], $0x80, s9, s16, $0xb8;
	[tilespmem:$0x1F000] =	vst v63  }
0x274: {  	_ =	swait.ge [sflag:s2], $0x3E80  }
0x275: {  	[sflag:s2] =	ssyncset.done $0x0  }
0x276: {  	s9 =	sadd.s32 $0x100, s8;
	[sflag:s2] =	ssyncadd.s32 $0xFFFFC180  }
0x277: {  	[tilespmem:s17], [sflag:$0x1] =	stream.indirect.gather [hbm4b:s5+s16], $0x80, s9, s16, $0xb8;
	[tilespmem:$0x1F000] =	vst v63  }
0x278: {  	_ =	swait.ge [sflag:s21], $0x3E80  }
0x279: {  	[sflag:s21] =	ssyncset.done $0x0  }
.Ltmp4:
0x27a: {  	s9 =	sadd.s32 $0x1480, s8;
	[sflag:s21] =	ssyncadd.s32 $0xFFFFC180;
	(pc) =	sbr.rel @p0 .LBB2_10-.Ltmp4, $4  }
0x27b: {  	[spmem:s1] =	stream.indirect.scatter.add.f32 [tilespmem:s19], [sflag:$0x3], $0x80, s9, s16, $0xb8;
	[tilespmem:$0x1F000] =	vst v63  }
0x27c: {  	_ =	swait.ge [sflag:s2], $0x3E80  }
0x27d: {  	[sflag:s2] =	ssyncset.done $0x0  }
0x27e: {  	s8 =	sadd.s32 $0x180, s8;
	[sflag:s2] =	ssyncadd.s32 $0xFFFFC180  }
0x27f: {  	[tilespmem:s19], [sflag:$0x2] =	stream.indirect.gather [hbm4b:s5+s16], $0x80, s8, s16, $0xb8;
	[tilespmem:$0x1F000] =	vst v63  }
0x280: {  	_ =	swait.ge [sflag:s20], $0x3E80  }
0x281: {  	[sflag:s20] =	ssyncset.done $0x0  }
0x282: {  	[sflag:s20] =	ssyncadd.s32 $0xFFFFC180  }
0x283: {  	[spmem:s1] =	stream.indirect.scatter.add.f32 [tilespmem:s17], [sflag:$0x3], $0x80, s22, s16, $0xb8;
	[tilespmem:$0x1F000] =	vst v63  }
0x284: {  	_ =	swait.ge [sflag:s2], $0x3E80  }
0x285: {  	[sflag:s2] =	ssyncset.done $0x0  }
0x286: {  	[sflag:s2] =	ssyncadd.s32 $0xFFFFC180  }
0x287: {  	_ =	swait.ge [sflag:s21], $0x3E80  }
0x288: {  	[sflag:s21] =	ssyncset.done $0x0  }
0x289: {  	[sflag:s21] =	ssyncadd.s32 $0xFFFFC180  }
0x28a: {  	[spmem:s1] =	stream.indirect.scatter.add.f32 [tilespmem:s19], [sflag:$0x3], $0x80, s23, s16, $0xb8;
	[tilespmem:$0x1F000] =	vst v63  }
0x28b: {  	_ =	swait.ge [sflag:s2], $0x3E80  }
0x28c: {  	[sflag:s2] =	ssyncset.done $0x0  }
0x28d: {  	[sflag:s2] =	ssyncadd.s32 $0xFFFFC180  }
0x28e: {  	[bflag:$0x0] =	sbarrier.arrive $0xFFFF  }
0x28f: {  	s7 =	rddreg [dreg:$0x14]  }
0x290: {  	[hbm:s7], [sflag:s24] =	dma.local [spmem:s25], $0x2800  }
0x291: {  	_ =	swait.ge [sflag:s2], $0x2800  }
0x292: {  	s3 =	sadd.s32 $0x1, s3;
	s25 =	rddreg [dreg:$0x15]  }
0x293: {  	p0 =	sne.s32 s3, s25  }
.Ltmp5:
0x294: {  	_ = 	snop;
	(pc) =	sbr.rel @p0 .LBB2_1-.Ltmp5, $4  }
0x295: {  	[sflag:s2] =	ssyncset.done $0x0  }
0x296: {  	[sflag:s2] =	ssyncadd.s32 $0xFFFFD800  }
0x297: {  	[bflag:$0x0] =	sbarrier.arrive $0xFFFF  }
0x298: {  	s9 =	smov.u32 s10  }
0x299: {  	_ =	sfence.sel $0x180000  }
0x29a: {  	[bflag:$0x0] =	sbarrier.arrive $0xFFFF  }
0x29b: {  	_ =	strace $0x9000004A  }
0x29c: {  	s0 =	stileid.u32;
	[bflag:$0x2] =	sbarrier.arrive $0xFFFF  }
0x29d: {  	p0 =	sne.s32 s0, $0x0;
	s0 =	rddreg [dreg:$0x2]  }
0x29e: {  	s0 =	sadd.s32 @!p0 $0x100000, s0  }
0x29f: {  	[sflag:s0] =	ssyncadd.tile.s32 @!p0 $0x1;
	_ =	shalt  }
.Lfunc_end2:
_tile_overlayer_lowered:
.L_overlay_start_2:
0x2a0: {  	(tag) =	ssettag $0x2  }
0x2a1: {  	s0 =	rddreg [dreg:$0x0];
	s2 =	stileid.u32  }
0x2a2: {  	s1 =	rddreg [dreg:$0x1];
	p0 =	sne.s32 s2, $0x0  }
0x2a3: {  	s3 =	rddreg [dreg:$0x2];
	[bflag:$0x3] =	sbarrier.arrive $0xFFFF;
	s2 =	simm.s32 @!p0 $0x1C03  }
0x2a4: {  	[timem:s3], [sflag:s2] =	dma.local @!p0 [hbm:s0], s1  }
0x2a5: {  	s0 =	simm.s32 @!p0 $0x3  }
0x2a6: {  	_ =	swait.ge @!p0 [sflag:s0], s1  }
0x2a7: {  	s1 =	ssub.s32 @!p0 $0x0, s1;
	[sflag:s0] =	ssyncset.done @!p0 $0x0  }
0x2a8: {  	[sflag:s0] =	ssyncadd.s32 @!p0 s1  }
0x2a9: {  	[bflag:$0x3] =	sbarrier.arrive $0xFFFF  }
0x2aa: {  	_ =	shalt  }

</sc_bundles>
